<compile_context>
chip_gen: v7x
topology: tpu7x:2x2x1
jax: 0.10.2.dev20260603
libtpu: 0.0.44.dev20260713+nightly
codegen_flags: <defaults>
</compile_context>

<pallas_src>
import jax
import jax.numpy as jnp
from jax import lax
from jax.experimental import pallas as pl
from jax.experimental.pallas import tpu as pltpu
from jax.experimental.pallas import tpu_sc as plsc

N_NODES = 10000
N_PAD = 10240
N_EDGES = 320000
NUM_TILES = 16
NUM_CORES = 2
EDGE_BLK = 128
NBLK = 160
CHUNK = 8
NCHUNK = NBLK // CHUNK
NBLK_ARR = NBLK + CHUNK
E_PAD = NUM_TILES * NBLK * EDGE_BLK
ROWS_PER_TILE = N_PAD // NUM_TILES
ROW_BLK = 128
R_BLK = 256

_SC_PARAMS = pltpu.CompilerParams(use_tc_tiling_on_sc=False)


def _sc_agg(d2):
    out_type = jax.ShapeDtypeStruct((NUM_CORES * N_PAD, d2), jnp.float32)
    scratch = [
        pltpu.VMEM_SHARED((N_PAD, d2), jnp.float32),
        pltpu.VMEM_SHARED((N_PAD, d2), jnp.float32),
        pltpu.VMEM((CHUNK, EDGE_BLK), jnp.int32),
        pltpu.VMEM((CHUNK, EDGE_BLK), jnp.int32),
        pltpu.VMEM((CHUNK, EDGE_BLK), jnp.int32),
        pltpu.VMEM((CHUNK, EDGE_BLK), jnp.int32),
        pltpu.VMEM((EDGE_BLK, d2), jnp.float32),
        pltpu.VMEM((EDGE_BLK, d2), jnp.float32),
        pltpu.SemaphoreType.DMA,
        pltpu.SemaphoreType.DMA,
        pltpu.SemaphoreType.DMA,
        pltpu.SemaphoreType.DMA,
        pltpu.SemaphoreType.DMA,
    ]

    def body(p_hbm, src_hbm, dst_hbm, acc_out, p_sp, acc_sp,
             src0, src1, dst0, dst1, rows0, rows1,
             ssem0, ssem1, gsem, isem0, isem1):
        c = lax.axis_index("c")
        s = lax.axis_index("s")
        rbase = s * ROWS_PER_TILE
        rows = (rows0, rows1)
        ssem = (ssem0, ssem1)
        srcb = (src0, src1)
        dstb = (dst0, dst1)
        isem = (isem0, isem1)

        def zr(i, _):
            def zc(j, _):
                rows0[i, pl.ds(j * 16, 16)] = jnp.zeros((16,), jnp.float32)
                return 0
            return lax.fori_loop(0, d2 // 16, zc, 0)
        lax.fori_loop(0, EDGE_BLK, zr, 0)
        for k in range(ROWS_PER_TILE // ROW_BLK):
            pltpu.sync_copy(rows0,
                            acc_sp.at[pl.ds(rbase + k * ROW_BLK, ROW_BLK)])

        pltpu.sync_copy(p_hbm.at[pl.ds(c * N_PAD + rbase, ROWS_PER_TILE)],
                        p_sp.at[pl.ds(rbase, ROWS_PER_TILE)])
        plsc.subcore_barrier()

        for p2 in range(2):
            pltpu.async_copy(p_sp.at[pl.ds(rbase, EDGE_BLK)], rows[p2],
                             ssem[p2])
        pltpu.async_copy(src_hbm.at[s, pl.ds(0, CHUNK)], src0, isem0)
        pltpu.async_copy(dst_hbm.at[s, pl.ds(0, CHUNK)], dst0, isem0)

        def idx_wait(b):
            pltpu.make_async_copy(src_hbm.at[s, pl.ds(0, CHUNK)],
                                  srcb[b], isem[b]).wait()
            pltpu.make_async_copy(dst_hbm.at[s, pl.ds(0, CHUNK)],
                                  dstb[b], isem[b]).wait()

        def chunk_pair(k, _):
            for h in range(2):
                b = h
                nb = 1 - h
                ci = 2 * k + h
                idx_wait(b)
                pltpu.async_copy(
                    src_hbm.at[s, pl.ds((ci + 1) * CHUNK, CHUNK)],
                    srcb[nb], isem[nb])
                pltpu.async_copy(
                    dst_hbm.at[s, pl.ds((ci + 1) * CHUNK, CHUNK)],
                    dstb[nb], isem[nb])
                for jj in range(CHUNK):
                    p2 = jj % 2
                    sidx = srcb[b].at[jj]
                    didx = dstb[b].at[jj]
                    pltpu.make_async_copy(rows[p2], acc_sp.at[didx],
                                          ssem[p2]).wait()
                    pltpu.async_copy(p_sp.at[sidx], rows[p2], gsem).wait()
                    pltpu.async_copy(rows[p2], acc_sp.at[didx], ssem[p2],
                                     add=True)
            return 0
        lax.fori_loop(0, NCHUNK // 2, chunk_pair, 0)

        for p2 in range(2):
            pltpu.make_async_copy(rows[p2], acc_sp.at[dst0.at[0]],
                                  ssem[p2]).wait()
        idx_wait(0)

        plsc.subcore_barrier()
        pltpu.sync_copy(acc_sp.at[pl.ds(rbase, ROWS_PER_TILE)],
                        acc_out.at[pl.ds(c * N_PAD + rbase, ROWS_PER_TILE)])

    mesh = plsc.VectorSubcoreMesh(core_axis_name="c", subcore_axis_name="s")
    return pl.kernel(body, out_type=out_type, mesh=mesh,
                     scratch_types=scratch, compiler_params=_SC_PARAMS)


def _dot(a, b):
    return jnp.dot(a, b, preferred_element_type=jnp.float32,
                   precision=lax.Precision.HIGHEST)


def _tc_first():
    def body(x_ref, ws_ref, wnp_ref, b_ref, oneh_ref, s_ref, p_ref):
        x = x_ref[...]
        s_ref[...] = _dot(x, ws_ref[...]) + b_ref[...]
        pp = _dot(x, wnp_ref[...]) + oneh_ref[...]
        p_ref[0] = pp[:, :80]
        p_ref[1] = pp[:, 80:]

    return pl.pallas_call(
        body,
        grid=(N_PAD // R_BLK,),
        in_specs=[
            pl.BlockSpec((R_BLK, 128), lambda i: (i, 0)),
            pl.BlockSpec((128, 128), lambda i: (0, 0)),
            pl.BlockSpec((128, 160), lambda i: (0, 0)),
            pl.BlockSpec((1, 128), lambda i: (0, 0)),
            pl.BlockSpec((1, 160), lambda i: (0, 0)),
        ],
        out_specs=[
            pl.BlockSpec((R_BLK, 128), lambda i: (i, 0)),
            pl.BlockSpec((2, R_BLK, 80), lambda i: (0, i, 0)),
        ],
        out_shape=[
            jax.ShapeDtypeStruct((N_PAD, 128), jnp.float32),
            jax.ShapeDtypeStruct((2, N_PAD, 80), jnp.float32),
        ],
    )


def _tc_mid1():
    def body(s_in_ref, acc_ref, ws_ref, wn_ref, b_ref, s_ref, p_ref):
        acc = acc_ref[...]
        invdeg = 1.0 / jnp.maximum(acc[0, :, 64:65], 1.0)
        neigh = jnp.concatenate([acc[0, :, :64], acc[1, :, :64]], axis=-1)
        h = jnp.maximum(s_in_ref[...] + neigh * invdeg, 0.0)
        s_ref[...] = _dot(h, ws_ref[...]) + b_ref[...]
        p = _dot(h, wn_ref[...])
        p_ref[0] = p[:, :64]
        p_ref[1] = p[:, 64:]

    return pl.pallas_call(
        body,
        grid=(N_PAD // R_BLK,),
        in_specs=[
            pl.BlockSpec((R_BLK, 128), lambda i: (i, 0)),
            pl.BlockSpec((2, R_BLK, 80), lambda i: (0, i, 0)),
            pl.BlockSpec((128, 128), lambda i: (0, 0)),
            pl.BlockSpec((128, 128), lambda i: (0, 0)),
            pl.BlockSpec((1, 128), lambda i: (0, 0)),
        ],
        out_specs=[
            pl.BlockSpec((R_BLK, 128), lambda i: (i, 0)),
            pl.BlockSpec((2, R_BLK, 64), lambda i: (0, i, 0)),
        ],
        out_shape=[
            jax.ShapeDtypeStruct((N_PAD, 128), jnp.float32),
            jax.ShapeDtypeStruct((2, N_PAD, 64), jnp.float32),
        ],
    )


def _tc_mid2():
    def body(s_in_ref, acc_ref, deg_ref, ws_ref, wn_ref, b_ref,
             s_ref, p_ref):
        acc = acc_ref[...]
        invdeg = 1.0 / jnp.maximum(deg_ref[...], 1.0)
        neigh = jnp.concatenate([acc[0], acc[1]], axis=-1)
        h = jnp.maximum(s_in_ref[...] + neigh * invdeg, 0.0)
        s_ref[...] = _dot(h, ws_ref[...]) + b_ref[...]
        p = _dot(h, wn_ref[...])
        p_ref[0] = p[:, :32]
        p_ref[1] = p[:, 32:]

    return pl.pallas_call(
        body,
        grid=(N_PAD // R_BLK,),
        in_specs=[
            pl.BlockSpec((R_BLK, 128), lambda i: (i, 0)),
            pl.BlockSpec((2, R_BLK, 64), lambda i: (0, i, 0)),
            pl.BlockSpec((R_BLK, 1), lambda i: (i, 0)),
            pl.BlockSpec((128, 64), lambda i: (0, 0)),
            pl.BlockSpec((128, 64), lambda i: (0, 0)),
            pl.BlockSpec((1, 64), lambda i: (0, 0)),
        ],
        out_specs=[
            pl.BlockSpec((R_BLK, 64), lambda i: (i, 0)),
            pl.BlockSpec((2, R_BLK, 32), lambda i: (0, i, 0)),
        ],
        out_shape=[
            jax.ShapeDtypeStruct((N_PAD, 64), jnp.float32),
            jax.ShapeDtypeStruct((2, N_PAD, 32), jnp.float32),
        ],
    )


def _tc_final():
    def body(s_in_ref, acc_ref, deg_ref, out_ref):
        acc = acc_ref[...]
        invdeg = 1.0 / jnp.maximum(deg_ref[...], 1.0)
        neigh = jnp.concatenate([acc[0], acc[1]], axis=-1)
        out_ref[...] = s_in_ref[...] + neigh * invdeg

    return pl.pallas_call(
        body,
        grid=(N_PAD // R_BLK,),
        in_specs=[
            pl.BlockSpec((R_BLK, 64), lambda i: (i, 0)),
            pl.BlockSpec((2, R_BLK, 32), lambda i: (0, i, 0)),
            pl.BlockSpec((R_BLK, 1), lambda i: (i, 0)),
        ],
        out_specs=pl.BlockSpec((R_BLK, 64), lambda i: (i, 0)),
        out_shape=jax.ShapeDtypeStruct((N_PAD, 64), jnp.float32),
    )


@jax.jit
def _run(x, edge_index, Ws0, Wn0, b0, Ws1, Wn1, b1, Ws2, Wn2, b2):
    x_pad = jnp.zeros((N_PAD, 128), x.dtype).at[:N_NODES].set(x)
    n_extra = E_PAD - N_EDGES
    fill = (N_NODES + jnp.arange(n_extra, dtype=jnp.int32)
            % (N_PAD - N_NODES)).astype(jnp.int32)

    def shape_idx(a):
        a = jnp.concatenate([a, fill]).reshape(NUM_TILES, NBLK, EDGE_BLK)
        pad = jnp.zeros((NUM_TILES, CHUNK, EDGE_BLK), jnp.int32)
        return jnp.concatenate([a, pad], axis=1)

    src = shape_idx(edge_index[0])
    dst = shape_idx(edge_index[1])

    Wn0p = jnp.zeros((128, 160), jnp.float32)
    Wn0p = Wn0p.at[:, 0:64].set(Wn0[:, 0:64]).at[:, 80:144].set(Wn0[:, 64:])
    oneh = jnp.zeros((1, 160), jnp.float32).at[0, 64].set(1.0)
    oneh = oneh.at[0, 144].set(1.0)

    s0, p0 = _tc_first()(x_pad, Ws0, Wn0p, b0.reshape(1, -1), oneh)
    acc0 = _sc_agg(80)(p0.reshape(2 * N_PAD, 80), src, dst)
    acc0 = acc0.reshape(2, N_PAD, 80)
    deg0 = acc0[0, :, 64:65]
    s1, p1 = _tc_mid1()(s0, acc0, Ws1, Wn1, b1.reshape(1, -1))
    acc1 = _sc_agg(64)(p1.reshape(2 * N_PAD, 64), src, dst)
    s2, p2 = _tc_mid2()(s1, acc1.reshape(2, N_PAD, 64), deg0,
                        Ws2, Wn2, b2.reshape(1, -1))
    acc2 = _sc_agg(32)(p2.reshape(2 * N_PAD, 32), src, dst)
    out = _tc_final()(s2, acc2.reshape(2, N_PAD, 32), deg0)
    return out[:N_NODES]


def kernel(x, edge_index, Ws0, Wn0, b0, Ws1, Wn1, b1, Ws2, Wn2, b2):
    return _run(x, edge_index, Ws0, Wn0, b0, Ws1, Wn1, b1, Ws2, Wn2, b2)

# --- scband reference (transcript-rebuilt; emitter-appended) ---
"""Pipeline reference for scband-sage-26560077759041 (READ-ONLY COPY).

The authoritative reference and input builder live on the scoring server;
editing this copy changes nothing except your own understanding.
"""

import jax, jax.numpy as jnp
import numpy as np

N = 10000
E = 320000
D_IN = 128
D_H = 128
D_OUT = 64


def setup_inputs(seed: int = 0) -> dict:
    key = jax.random.key(seed)
    ks = jax.random.split(key, 12)
    x = jax.random.normal(ks[0], (N, D_IN), dtype=jnp.float32)
    edge_index = jax.random.randint(ks[1], (2, E), 0, N, dtype=jnp.int32)
    s0 = 1.0 / np.sqrt(D_IN)
    s1 = 1.0 / np.sqrt(D_H)
    Ws0 = jax.random.normal(ks[2], (D_IN, D_H), dtype=jnp.float32) * s0
    Wn0 = jax.random.normal(ks[3], (D_IN, D_H), dtype=jnp.float32) * s0
    b0 = jnp.zeros((D_H,), dtype=jnp.float32)
    Ws1 = jax.random.normal(ks[4], (D_H, D_H), dtype=jnp.float32) * s1
    Wn1 = jax.random.normal(ks[5], (D_H, D_H), dtype=jnp.float32) * s1
    b1 = jnp.zeros((D_H,), dtype=jnp.float32)
    Ws2 = jax.random.normal(ks[6], (D_H, D_OUT), dtype=jnp.float32) * s1
    Wn2 = jax.random.normal(ks[7], (D_H, D_OUT), dtype=jnp.float32) * s1
    b2 = jnp.zeros((D_OUT,), dtype=jnp.float32)
    return {"x": x, "edge_index": edge_index,
            "Ws0": Ws0, "Wn0": Wn0, "b0": b0,
            "Ws1": Ws1, "Wn1": Wn1, "b1": b1,
            "Ws2": Ws2, "Wn2": Wn2, "b2": b2}


def _sage_layer(h, src, dst, Ws, Wn, b):
    # DGL SAGEConv with 'mean' aggregator:
    # h_neigh[v] = mean_{u in N(v)} h[u]; out = fc_self(h) + fc_neigh(h_neigh) + bias
    msg = jnp.take(h, src, axis=0)
    agg = jax.ops.segment_sum(msg, dst, num_segments=N)
    deg = jax.ops.segment_sum(jnp.ones((src.shape[0],), jnp.float32), dst, num_segments=N)
    h_neigh = agg / jnp.clip(deg, 1.0, None)[:, None]
    return h @ Ws + h_neigh @ Wn + b


def reference(x, edge_index, Ws0, Wn0, b0, Ws1, Wn1, b1, Ws2, Wn2, b2):
    src = edge_index[0]
    dst = edge_index[1]
    h = _sage_layer(x, src, dst, Ws0, Wn0, b0)
    h = jax.nn.relu(h)
    h = _sage_layer(h, src, dst, Ws1, Wn1, b1)
    h = jax.nn.relu(h)
    h = _sage_layer(h, src, dst, Ws2, Wn2, b2)
    return h

if __name__ == "__main__":
    import jax
    _d = setup_inputs()
    print(jax.jit(kernel)(*tuple(_d.values())))

</pallas_src>

<mosaic_0001>
#map = affine_map<(d0, d1) -> (0, 0)>
#map1 = affine_map<(d0, d1) -> (0, 0, 0)>
module attributes {stable_mosaic.version = 14 : i64} {
  func.func @body(%arg0: i32, %arg1: i32, %arg2: memref<20480x32xf32, #tpu.memory_space<hbm>>, %arg3: memref<16x168x128xi32, #tpu.memory_space<hbm>>, %arg4: memref<16x168x128xi32, #tpu.memory_space<hbm>>, %arg5: memref<20480x32xf32, #tpu.memory_space<hbm>>, %arg6: memref<10240x32xf32, #tpu.memory_space<vmem_shared>>, %arg7: memref<10240x32xf32, #tpu.memory_space<vmem_shared>>, %arg8: memref<8x128xi32, #tpu.memory_space<vmem>>, %arg9: memref<8x128xi32, #tpu.memory_space<vmem>>, %arg10: memref<8x128xi32, #tpu.memory_space<vmem>>, %arg11: memref<8x128xi32, #tpu.memory_space<vmem>>, %arg12: memref<128x32xf32, #tpu.memory_space<vmem>>, %arg13: memref<128x32xf32, #tpu.memory_space<vmem>>, %arg14: memref<!tpu.dma_semaphore, #tpu.memory_space<semaphore_mem>>, %arg15: memref<!tpu.dma_semaphore, #tpu.memory_space<semaphore_mem>>, %arg16: memref<!tpu.dma_semaphore, #tpu.memory_space<semaphore_mem>>, %arg17: memref<!tpu.dma_semaphore, #tpu.memory_space<semaphore_mem>>, %arg18: memref<!tpu.dma_semaphore, #tpu.memory_space<semaphore_mem>>) attributes {dimension_semantics = [#tpu.dimension_semantics<core_parallel>, #tpu.dimension_semantics<subcore_parallel>], iteration_bounds = array<i64: 2, 16>, scalar_prefetch = 0 : i64, scratch_operands = 13 : i64, tpu.core_type = #tpu.core_type<sc_vector_subcore>, window_params = [{transform_indices = #map}, {transform_indices = #map1}, {transform_indices = #map1}, {transform_indices = #map}]} {
    %mul3A = arith.constant 640 : i32
    %mul3A_0 = arith.muli %arg1, %mul3A : i32
    %scan3A = arith.constant 0 : i32
    %scan3A_1 = arith.constant 0 : i32
    %scan3A_2 = arith.constant 128 : i32
    %scan3A_3 = arith.addi %scan3A_1, %scan3A_2 : i32
    %scan3A_4 = arith.constant 1 : i32
    %scan3A_5 = scf.for %scan3A_82 = %scan3A_1 to %scan3A_3 step %scan3A_4 iter_args(%scan3A_83 = %scan3A) -> (i32)  : i32 {
      %scan3A_84 = arith.constant 0 : i32
      %scan3A_85 = arith.constant 0 : i32
      %scan3A_86 = arith.constant 2 : i32
      %scan3A_87 = arith.addi %scan3A_85, %scan3A_86 : i32
      %scan3A_88 = arith.constant 1 : i32
      %scan3A_89 = scf.for %scan3A_91 = %scan3A_85 to %scan3A_87 step %scan3A_88 iter_args(%scan3A_92 = %scan3A_84) -> (i32)  : i32 {
        %broadcast_in_dim3A = arith.constant 0.000000e+00 : f32
        %broadcast_in_dim3A_93 = vector.broadcast %broadcast_in_dim3A : f32 to vector<16xf32>
        %mul3A_94 = arith.constant 16 : i32
        %mul3A_95 = arith.muli %scan3A_91, %mul3A_94 : i32
        %swap3A = arith.index_cast %scan3A_82 : i32 to index
        %swap3A_96 = arith.index_cast %mul3A_95 : i32 to index
        %swap3A_97 = tpu.vector_load %arg12[%swap3A, %swap3A_96] {strides = array<i32>} : memref<128x32xf32, #tpu.memory_space<vmem>>, vector<1x16xf32>,
        %swap3A_98 = vector.shape_cast %swap3A_97 : vector<1x16xf32> to vector<16xf32>
        %swap3A_99 = vector.shape_cast %broadcast_in_dim3A_93 : vector<16xf32> to vector<1x16xf32>
        tpu.vector_store %arg12[%swap3A, %swap3A_96], %swap3A_99 {strides = array<i32>} : memref<128x32xf32, #tpu.memory_space<vmem>>, vector<1x16xf32>,
        %scan3A_100 = arith.constant 0 : i32
        scf.yield %scan3A_100 : i32
      }
      %scan3A_90 = arith.constant 2 : i32
      scf.yield %scan3A_89 : i32
    }
    %scan3A_6 = arith.constant 128 : i32
    %add3A = arith.constant 0 : i32
    %add3A_7 = arith.addi %mul3A_0, %add3A : i32
    "tpu.region"() ({
      %run_scoped3A = tpu.sem_alloc : memref<!tpu.dma_semaphore, #tpu.memory_space<semaphore_mem>>
      %dma_start3A_82 = arith.constant 0 : i32
      %dma_start3A_83 = tpu.memref_slice %arg7[%add3A_7, %dma_start3A_82] : memref<10240x32xf32, #tpu.memory_space<vmem_shared>> -> memref<128x32xf32, #tpu.memory_space<vmem_shared>>
      %dma_start3A_84 = arith.constant 0 : i32
      %dma_start3A_85 = tpu.memref_slice %arg7[%add3A_7, %dma_start3A_84] : memref<10240x32xf32, #tpu.memory_space<vmem_shared>> -> memref<128x32xf32, #tpu.memory_space<vmem_shared>>
      tpu.enqueue_dma source(%arg12 : memref<128x32xf32, #tpu.memory_space<vmem>>) target(%dma_start3A_85 : memref<128x32xf32, #tpu.memory_space<vmem_shared>>) target_semaphore(%run_scoped3A : memref<!tpu.dma_semaphore, #tpu.memory_space<semaphore_mem>>)
      %dma_wait3A_86 = arith.constant 0 : i32
      %dma_wait3A_87 = tpu.memref_slice %arg7[%add3A_7, %dma_wait3A_86] : memref<10240x32xf32, #tpu.memory_space<vmem_shared>> -> memref<128x32xf32, #tpu.memory_space<vmem_shared>>
      %dma_wait3A_88 = arith.constant 0 : i32
      %dma_wait3A_89 = tpu.memref_slice %arg7[%add3A_7, %dma_wait3A_88] : memref<10240x32xf32, #tpu.memory_space<vmem_shared>> -> memref<128x32xf32, #tpu.memory_space<vmem_shared>>
      tpu.wait_dma2 semaphore(%run_scoped3A : memref<!tpu.dma_semaphore, #tpu.memory_space<semaphore_mem>>) src(%arg12 : memref<128x32xf32, #tpu.memory_space<vmem>>) dst(%dma_wait3A_89 : memref<128x32xf32, #tpu.memory_space<vmem_shared>>)
      tpu.yield
    }) : () -> ()
    %add3A_8 = arith.constant 128 : i32
    %add3A_9 = arith.addi %mul3A_0, %add3A_8 : i32
    "tpu.region"() ({
      %run_scoped3A = tpu.sem_alloc : memref<!tpu.dma_semaphore, #tpu.memory_space<semaphore_mem>>
      %dma_start3A_82 = arith.constant 0 : i32
      %dma_start3A_83 = tpu.memref_slice %arg7[%add3A_9, %dma_start3A_82] : memref<10240x32xf32, #tpu.memory_space<vmem_shared>> -> memref<128x32xf32, #tpu.memory_space<vmem_shared>>
      %dma_start3A_84 = arith.constant 0 : i32
      %dma_start3A_85 = tpu.memref_slice %arg7[%add3A_9, %dma_start3A_84] : memref<10240x32xf32, #tpu.memory_space<vmem_shared>> -> memref<128x32xf32, #tpu.memory_space<vmem_shared>>
      tpu.enqueue_dma source(%arg12 : memref<128x32xf32, #tpu.memory_space<vmem>>) target(%dma_start3A_85 : memref<128x32xf32, #tpu.memory_space<vmem_shared>>) target_semaphore(%run_scoped3A : memref<!tpu.dma_semaphore, #tpu.memory_space<semaphore_mem>>)
      %dma_wait3A_86 = arith.constant 0 : i32
      %dma_wait3A_87 = tpu.memref_slice %arg7[%add3A_9, %dma_wait3A_86] : memref<10240x32xf32, #tpu.memory_space<vmem_shared>> -> memref<128x32xf32, #tpu.memory_space<vmem_shared>>
      %dma_wait3A_88 = arith.constant 0 : i32
      %dma_wait3A_89 = tpu.memref_slice %arg7[%add3A_9, %dma_wait3A_88] : memref<10240x32xf32, #tpu.memory_space<vmem_shared>> -> memref<128x32xf32, #tpu.memory_space<vmem_shared>>
      tpu.wait_dma2 semaphore(%run_scoped3A : memref<!tpu.dma_semaphore, #tpu.memory_space<semaphore_mem>>) src(%arg12 : memref<128x32xf32, #tpu.memory_space<vmem>>) dst(%dma_wait3A_89 : memref<128x32xf32, #tpu.memory_space<vmem_shared>>)
      tpu.yield
    }) : () -> ()
    %add3A_10 = arith.constant 256 : i32
    %add3A_11 = arith.addi %mul3A_0, %add3A_10 : i32
    "tpu.region"() ({
      %run_scoped3A = tpu.sem_alloc : memref<!tpu.dma_semaphore, #tpu.memory_space<semaphore_mem>>
      %dma_start3A_82 = arith.constant 0 : i32
      %dma_start3A_83 = tpu.memref_slice %arg7[%add3A_11, %dma_start3A_82] : memref<10240x32xf32, #tpu.memory_space<vmem_shared>> -> memref<128x32xf32, #tpu.memory_space<vmem_shared>>
      %dma_start3A_84 = arith.constant 0 : i32
      %dma_start3A_85 = tpu.memref_slice %arg7[%add3A_11, %dma_start3A_84] : memref<10240x32xf32, #tpu.memory_space<vmem_shared>> -> memref<128x32xf32, #tpu.memory_space<vmem_shared>>
      tpu.enqueue_dma source(%arg12 : memref<128x32xf32, #tpu.memory_space<vmem>>) target(%dma_start3A_85 : memref<128x32xf32, #tpu.memory_space<vmem_shared>>) target_semaphore(%run_scoped3A : memref<!tpu.dma_semaphore, #tpu.memory_space<semaphore_mem>>)
      %dma_wait3A_86 = arith.constant 0 : i32
      %dma_wait3A_87 = tpu.memref_slice %arg7[%add3A_11, %dma_wait3A_86] : memref<10240x32xf32, #tpu.memory_space<vmem_shared>> -> memref<128x32xf32, #tpu.memory_space<vmem_shared>>
      %dma_wait3A_88 = arith.constant 0 : i32
      %dma_wait3A_89 = tpu.memref_slice %arg7[%add3A_11, %dma_wait3A_88] : memref<10240x32xf32, #tpu.memory_space<vmem_shared>> -> memref<128x32xf32, #tpu.memory_space<vmem_shared>>
      tpu.wait_dma2 semaphore(%run_scoped3A : memref<!tpu.dma_semaphore, #tpu.memory_space<semaphore_mem>>) src(%arg12 : memref<128x32xf32, #tpu.memory_space<vmem>>) dst(%dma_wait3A_89 : memref<128x32xf32, #tpu.memory_space<vmem_shared>>)
      tpu.yield
    }) : () -> ()
    %add3A_12 = arith.constant 384 : i32
    %add3A_13 = arith.addi %mul3A_0, %add3A_12 : i32
    "tpu.region"() ({
      %run_scoped3A = tpu.sem_alloc : memref<!tpu.dma_semaphore, #tpu.memory_space<semaphore_mem>>
      %dma_start3A_82 = arith.constant 0 : i32
      %dma_start3A_83 = tpu.memref_slice %arg7[%add3A_13, %dma_start3A_82] : memref<10240x32xf32, #tpu.memory_space<vmem_shared>> -> memref<128x32xf32, #tpu.memory_space<vmem_shared>>
      %dma_start3A_84 = arith.constant 0 : i32
      %dma_start3A_85 = tpu.memref_slice %arg7[%add3A_13, %dma_start3A_84] : memref<10240x32xf32, #tpu.memory_space<vmem_shared>> -> memref<128x32xf32, #tpu.memory_space<vmem_shared>>
      tpu.enqueue_dma source(%arg12 : memref<128x32xf32, #tpu.memory_space<vmem>>) target(%dma_start3A_85 : memref<128x32xf32, #tpu.memory_space<vmem_shared>>) target_semaphore(%run_scoped3A : memref<!tpu.dma_semaphore, #tpu.memory_space<semaphore_mem>>)
      %dma_wait3A_86 = arith.constant 0 : i32
      %dma_wait3A_87 = tpu.memref_slice %arg7[%add3A_13, %dma_wait3A_86] : memref<10240x32xf32, #tpu.memory_space<vmem_shared>> -> memref<128x32xf32, #tpu.memory_space<vmem_shared>>
      %dma_wait3A_88 = arith.constant 0 : i32
      %dma_wait3A_89 = tpu.memref_slice %arg7[%add3A_13, %dma_wait3A_88] : memref<10240x32xf32, #tpu.memory_space<vmem_shared>> -> memref<128x32xf32, #tpu.memory_space<vmem_shared>>
      tpu.wait_dma2 semaphore(%run_scoped3A : memref<!tpu.dma_semaphore, #tpu.memory_space<semaphore_mem>>) src(%arg12 : memref<128x32xf32, #tpu.memory_space<vmem>>) dst(%dma_wait3A_89 : memref<128x32xf32, #tpu.memory_space<vmem_shared>>)
      tpu.yield
    }) : () -> ()
    %add3A_14 = arith.constant 512 : i32
    %add3A_15 = arith.addi %mul3A_0, %add3A_14 : i32
    "tpu.region"() ({
      %run_scoped3A = tpu.sem_alloc : memref<!tpu.dma_semaphore, #tpu.memory_space<semaphore_mem>>
      %dma_start3A_82 = arith.constant 0 : i32
      %dma_start3A_83 = tpu.memref_slice %arg7[%add3A_15, %dma_start3A_82] : memref<10240x32xf32, #tpu.memory_space<vmem_shared>> -> memref<128x32xf32, #tpu.memory_space<vmem_shared>>
      %dma_start3A_84 = arith.constant 0 : i32
      %dma_start3A_85 = tpu.memref_slice %arg7[%add3A_15, %dma_start3A_84] : memref<10240x32xf32, #tpu.memory_space<vmem_shared>> -> memref<128x32xf32, #tpu.memory_space<vmem_shared>>
      tpu.enqueue_dma source(%arg12 : memref<128x32xf32, #tpu.memory_space<vmem>>) target(%dma_start3A_85 : memref<128x32xf32, #tpu.memory_space<vmem_shared>>) target_semaphore(%run_scoped3A : memref<!tpu.dma_semaphore, #tpu.memory_space<semaphore_mem>>)
      %dma_wait3A_86 = arith.constant 0 : i32
      %dma_wait3A_87 = tpu.memref_slice %arg7[%add3A_15, %dma_wait3A_86] : memref<10240x32xf32, #tpu.memory_space<vmem_shared>> -> memref<128x32xf32, #tpu.memory_space<vmem_shared>>
      %dma_wait3A_88 = arith.constant 0 : i32
      %dma_wait3A_89 = tpu.memref_slice %arg7[%add3A_15, %dma_wait3A_88] : memref<10240x32xf32, #tpu.memory_space<vmem_shared>> -> memref<128x32xf32, #tpu.memory_space<vmem_shared>>
      tpu.wait_dma2 semaphore(%run_scoped3A : memref<!tpu.dma_semaphore, #tpu.memory_space<semaphore_mem>>) src(%arg12 : memref<128x32xf32, #tpu.memory_space<vmem>>) dst(%dma_wait3A_89 : memref<128x32xf32, #tpu.memory_space<vmem_shared>>)
      tpu.yield
    }) : () -> ()
    %mul3A_16 = arith.constant 10240 : i32
    %mul3A_17 = arith.muli %arg0, %mul3A_16 : i32
    %add3A_18 = arith.addi %mul3A_17, %mul3A_0 : i32
    "tpu.region"() ({
      %run_scoped3A = tpu.sem_alloc : memref<!tpu.dma_semaphore, #tpu.memory_space<semaphore_mem>>
      %dma_start3A_82 = arith.constant 0 : i32
      %dma_start3A_83 = tpu.memref_slice %arg6[%mul3A_0, %dma_start3A_82] : memref<10240x32xf32, #tpu.memory_space<vmem_shared>> -> memref<640x32xf32, #tpu.memory_space<vmem_shared>>
      %dma_start3A_84 = arith.constant 0 : i32
      %dma_start3A_85 = tpu.memref_slice %arg2[%add3A_18, %dma_start3A_84] : memref<20480x32xf32, #tpu.memory_space<hbm>> -> memref<640x32xf32, #tpu.memory_space<hbm>>
      tpu.enqueue_dma source(%dma_start3A_85 : memref<640x32xf32, #tpu.memory_space<hbm>>) target(%dma_start3A_83 : memref<640x32xf32, #tpu.memory_space<vmem_shared>>) target_semaphore(%run_scoped3A : memref<!tpu.dma_semaphore, #tpu.memory_space<semaphore_mem>>)
      %dma_wait3A_86 = arith.constant 0 : i32
      %dma_wait3A_87 = tpu.memref_slice %arg6[%mul3A_0, %dma_wait3A_86] : memref<10240x32xf32, #tpu.memory_space<vmem_shared>> -> memref<640x32xf32, #tpu.memory_space<vmem_shared>>
      %dma_wait3A_88 = arith.constant 0 : i32
      %dma_wait3A_89 = tpu.memref_slice %arg2[%add3A_18, %dma_wait3A_88] : memref<20480x32xf32, #tpu.memory_space<hbm>> -> memref<640x32xf32, #tpu.memory_space<hbm>>
      tpu.wait_dma2 semaphore(%run_scoped3A : memref<!tpu.dma_semaphore, #tpu.memory_space<semaphore_mem>>) src(%dma_wait3A_89 : memref<640x32xf32, #tpu.memory_space<hbm>>) dst(%dma_wait3A_87 : memref<640x32xf32, #tpu.memory_space<vmem_shared>>)
      tpu.yield
    }) : () -> ()
    %barrier3A = arith.constant 0 : index
    tpu.barrier barrier_id(%barrier3A)
    %dma_start3A = arith.constant 0 : i32
    %dma_start3A_19 = tpu.memref_slice %arg6[%mul3A_0, %dma_start3A] : memref<10240x32xf32, #tpu.memory_space<vmem_shared>> -> memref<128x32xf32, #tpu.memory_space<vmem_shared>>
    %dma_start3A_20 = arith.constant 0 : i32
    %dma_start3A_21 = tpu.memref_slice %arg6[%mul3A_0, %dma_start3A_20] : memref<10240x32xf32, #tpu.memory_space<vmem_shared>> -> memref<128x32xf32, #tpu.memory_space<vmem_shared>>
    tpu.enqueue_dma source(%dma_start3A_21 : memref<128x32xf32, #tpu.memory_space<vmem_shared>>) target(%arg12 : memref<128x32xf32, #tpu.memory_space<vmem>>) target_semaphore(%arg14 : memref<!tpu.dma_semaphore, #tpu.memory_space<semaphore_mem>>)
    %dma_start3A_22 = arith.constant 0 : i32
    %dma_start3A_23 = tpu.memref_slice %arg6[%mul3A_0, %dma_start3A_22] : memref<10240x32xf32, #tpu.memory_space<vmem_shared>> -> memref<128x32xf32, #tpu.memory_space<vmem_shared>>
    %dma_start3A_24 = arith.constant 0 : i32
    %dma_start3A_25 = tpu.memref_slice %arg6[%mul3A_0, %dma_start3A_24] : memref<10240x32xf32, #tpu.memory_space<vmem_shared>> -> memref<128x32xf32, #tpu.memory_space<vmem_shared>>
    tpu.enqueue_dma source(%dma_start3A_25 : memref<128x32xf32, #tpu.memory_space<vmem_shared>>) target(%arg13 : memref<128x32xf32, #tpu.memory_space<vmem>>) target_semaphore(%arg15 : memref<!tpu.dma_semaphore, #tpu.memory_space<semaphore_mem>>)
    %dma_start3A_26 = arith.constant 0 : i32
    %dma_start3A_27 = arith.constant 0 : i32
    %dma_start3A_28 = tpu.memref_slice %arg3[%arg1, %dma_start3A_26, %dma_start3A_27] : memref<16x168x128xi32, #tpu.memory_space<hbm>> -> memref<1x8x128xi32, #tpu.memory_space<hbm>>
    %dma_start3A_29 = tpu.memref_squeeze %dma_start3A_28 : memref<1x8x128xi32, #tpu.memory_space<hbm>> -> memref<8x128xi32, #tpu.memory_space<hbm>>
    %dma_start3A_30 = arith.constant 0 : i32
    %dma_start3A_31 = arith.constant 0 : i32
    %dma_start3A_32 = tpu.memref_slice %arg3[%arg1, %dma_start3A_30, %dma_start3A_31] : memref<16x168x128xi32, #tpu.memory_space<hbm>> -> memref<1x8x128xi32, #tpu.memory_space<hbm>>
    %dma_start3A_33 = tpu.memref_squeeze %dma_start3A_32 : memref<1x8x128xi32, #tpu.memory_space<hbm>> -> memref<8x128xi32, #tpu.memory_space<hbm>>
    tpu.enqueue_dma source(%dma_start3A_33 : memref<8x128xi32, #tpu.memory_space<hbm>>) target(%arg8 : memref<8x128xi32, #tpu.memory_space<vmem>>) target_semaphore(%arg17 : memref<!tpu.dma_semaphore, #tpu.memory_space<semaphore_mem>>)
    %dma_start3A_34 = arith.constant 0 : i32
    %dma_start3A_35 = arith.constant 0 : i32
    %dma_start3A_36 = tpu.memref_slice %arg4[%arg1, %dma_start3A_34, %dma_start3A_35] : memref<16x168x128xi32, #tpu.memory_space<hbm>> -> memref<1x8x128xi32, #tpu.memory_space<hbm>>
    %dma_start3A_37 = tpu.memref_squeeze %dma_start3A_36 : memref<1x8x128xi32, #tpu.memory_space<hbm>> -> memref<8x128xi32, #tpu.memory_space<hbm>>
    %dma_start3A_38 = arith.constant 0 : i32
    %dma_start3A_39 = arith.constant 0 : i32
    %dma_start3A_40 = tpu.memref_slice %arg4[%arg1, %dma_start3A_38, %dma_start3A_39] : memref<16x168x128xi32, #tpu.memory_space<hbm>> -> memref<1x8x128xi32, #tpu.memory_space<hbm>>
    %dma_start3A_41 = tpu.memref_squeeze %dma_start3A_40 : memref<1x8x128xi32, #tpu.memory_space<hbm>> -> memref<8x128xi32, #tpu.memory_space<hbm>>
    tpu.enqueue_dma source(%dma_start3A_41 : memref<8x128xi32, #tpu.memory_space<hbm>>) target(%arg10 : memref<8x128xi32, #tpu.memory_space<vmem>>) target_semaphore(%arg17 : memref<!tpu.dma_semaphore, #tpu.memory_space<semaphore_mem>>)
    %scan3A_42 = arith.constant 0 : i32
    %scan3A_43 = arith.constant 0 : i32
    %scan3A_44 = arith.constant 10 : i32
    %scan3A_45 = arith.addi %scan3A_43, %scan3A_44 : i32
    %scan3A_46 = arith.constant 1 : i32
    %scan3A_47 = scf.for %scan3A_82 = %scan3A_43 to %scan3A_45 step %scan3A_46 iter_args(%scan3A_83 = %scan3A_42) -> (i32)  : i32 {
      %mul3A_84 = arith.constant 2 : i32
      %mul3A_85 = arith.muli %mul3A_84, %scan3A_82 : i32
      %add3A_86 = arith.constant 0 : i32
      %add3A_87 = arith.addi %mul3A_85, %add3A_86 : i32
      %dma_wait3A_88 = arith.constant 0 : i32
      %dma_wait3A_89 = arith.constant 0 : i32
      %dma_wait3A_90 = tpu.memref_slice %arg3[%arg1, %dma_wait3A_88, %dma_wait3A_89] : memref<16x168x128xi32, #tpu.memory_space<hbm>> -> memref<1x8x128xi32, #tpu.memory_space<hbm>>
      %dma_wait3A_91 = tpu.memref_squeeze %dma_wait3A_90 : memref<1x8x128xi32, #tpu.memory_space<hbm>> -> memref<8x128xi32, #tpu.memory_space<hbm>>
      %dma_wait3A_92 = arith.constant 0 : i32
      %dma_wait3A_93 = arith.constant 0 : i32
      %dma_wait3A_94 = tpu.memref_slice %arg3[%arg1, %dma_wait3A_92, %dma_wait3A_93] : memref<16x168x128xi32, #tpu.memory_space<hbm>> -> memref<1x8x128xi32, #tpu.memory_space<hbm>>
      %dma_wait3A_95 = tpu.memref_squeeze %dma_wait3A_94 : memref<1x8x128xi32, #tpu.memory_space<hbm>> -> memref<8x128xi32, #tpu.memory_space<hbm>>
      tpu.wait_dma2 semaphore(%arg17 : memref<!tpu.dma_semaphore, #tpu.memory_space<semaphore_mem>>) src(%dma_wait3A_95 : memref<8x128xi32, #tpu.memory_space<hbm>>) dst(%arg8 : memref<8x128xi32, #tpu.memory_space<vmem>>)
      %dma_wait3A_96 = arith.constant 0 : i32
      %dma_wait3A_97 = arith.constant 0 : i32
      %dma_wait3A_98 = tpu.memref_slice %arg4[%arg1, %dma_wait3A_96, %dma_wait3A_97] : memref<16x168x128xi32, #tpu.memory_space<hbm>> -> memref<1x8x128xi32, #tpu.memory_space<hbm>>
      %dma_wait3A_99 = tpu.memref_squeeze %dma_wait3A_98 : memref<1x8x128xi32, #tpu.memory_space<hbm>> -> memref<8x128xi32, #tpu.memory_space<hbm>>
      %dma_wait3A_100 = arith.constant 0 : i32
      %dma_wait3A_101 = arith.constant 0 : i32
      %dma_wait3A_102 = tpu.memref_slice %arg4[%arg1, %dma_wait3A_100, %dma_wait3A_101] : memref<16x168x128xi32, #tpu.memory_space<hbm>> -> memref<1x8x128xi32, #tpu.memory_space<hbm>>
      %dma_wait3A_103 = tpu.memref_squeeze %dma_wait3A_102 : memref<1x8x128xi32, #tpu.memory_space<hbm>> -> memref<8x128xi32, #tpu.memory_space<hbm>>
      tpu.wait_dma2 semaphore(%arg17 : memref<!tpu.dma_semaphore, #tpu.memory_space<semaphore_mem>>) src(%dma_wait3A_103 : memref<8x128xi32, #tpu.memory_space<hbm>>) dst(%arg10 : memref<8x128xi32, #tpu.memory_space<vmem>>)
      %add3A_104 = arith.constant 1 : i32
      %add3A_105 = arith.addi %add3A_87, %add3A_104 : i32
      %mul3A_106 = arith.constant 8 : i32
      %mul3A_107 = arith.muli %add3A_105, %mul3A_106 : i32
      %dma_start3A_108 = arith.constant 0 : i32
      %dma_start3A_109 = tpu.memref_slice %arg3[%arg1, %mul3A_107, %dma_start3A_108] : memref<16x168x128xi32, #tpu.memory_space<hbm>> -> memref<1x8x128xi32, #tpu.memory_space<hbm>>
      %dma_start3A_110 = tpu.memref_squeeze %dma_start3A_109 : memref<1x8x128xi32, #tpu.memory_space<hbm>> -> memref<8x128xi32, #tpu.memory_space<hbm>>
      %dma_start3A_111 = arith.constant 0 : i32
      %dma_start3A_112 = tpu.memref_slice %arg3[%arg1, %mul3A_107, %dma_start3A_111] : memref<16x168x128xi32, #tpu.memory_space<hbm>> -> memref<1x8x128xi32, #tpu.memory_space<hbm>>
      %dma_start3A_113 = tpu.memref_squeeze %dma_start3A_112 : memref<1x8x128xi32, #tpu.memory_space<hbm>> -> memref<8x128xi32, #tpu.memory_space<hbm>>
      tpu.enqueue_dma source(%dma_start3A_113 : memref<8x128xi32, #tpu.memory_space<hbm>>) target(%arg9 : memref<8x128xi32, #tpu.memory_space<vmem>>) target_semaphore(%arg18 : memref<!tpu.dma_semaphore, #tpu.memory_space<semaphore_mem>>)
      %add3A_114 = arith.constant 1 : i32
      %add3A_115 = arith.addi %add3A_87, %add3A_114 : i32
      %mul3A_116 = arith.constant 8 : i32
      %mul3A_117 = arith.muli %add3A_115, %mul3A_116 : i32
      %dma_start3A_118 = arith.constant 0 : i32
      %dma_start3A_119 = tpu.memref_slice %arg4[%arg1, %mul3A_117, %dma_start3A_118] : memref<16x168x128xi32, #tpu.memory_space<hbm>> -> memref<1x8x128xi32, #tpu.memory_space<hbm>>
      %dma_start3A_120 = tpu.memref_squeeze %dma_start3A_119 : memref<1x8x128xi32, #tpu.memory_space<hbm>> -> memref<8x128xi32, #tpu.memory_space<hbm>>
      %dma_start3A_121 = arith.constant 0 : i32
      %dma_start3A_122 = tpu.memref_slice %arg4[%arg1, %mul3A_117, %dma_start3A_121] : memref<16x168x128xi32, #tpu.memory_space<hbm>> -> memref<1x8x128xi32, #tpu.memory_space<hbm>>
      %dma_start3A_123 = tpu.memref_squeeze %dma_start3A_122 : memref<1x8x128xi32, #tpu.memory_space<hbm>> -> memref<8x128xi32, #tpu.memory_space<hbm>>
      tpu.enqueue_dma source(%dma_start3A_123 : memref<8x128xi32, #tpu.memory_space<hbm>>) target(%arg11 : memref<8x128xi32, #tpu.memory_space<vmem>>) target_semaphore(%arg18 : memref<!tpu.dma_semaphore, #tpu.memory_space<semaphore_mem>>)
      %dma_wait3A_124 = arith.constant 0 : i32
      %dma_wait3A_125 = arith.constant 0 : i32
      %dma_wait3A_126 = tpu.memref_slice %arg10[%dma_wait3A_124, %dma_wait3A_125] : memref<8x128xi32, #tpu.memory_space<vmem>> -> memref<1x128xi32, #tpu.memory_space<vmem>>
      %dma_wait3A_127 = tpu.memref_squeeze %dma_wait3A_126 : memref<1x128xi32, #tpu.memory_space<vmem>> -> memref<128xi32, #tpu.memory_space<vmem>>
      %dma_wait3A_128 = arith.constant 0 : i32
      %dma_wait3A_129 = arith.constant 0 : i32
      %dma_wait3A_130 = tpu.memref_slice %arg7[%dma_wait3A_128, %dma_wait3A_129] : memref<10240x32xf32, #tpu.memory_space<vmem_shared>> -> memref<10240x32xf32, #tpu.memory_space<vmem_shared>>
      tpu.wait_indirect_dma semaphore(%arg14 : memref<!tpu.dma_semaphore, #tpu.memory_space<semaphore_mem>>) src(%arg12 : memref<128x32xf32, #tpu.memory_space<vmem>>) dst(%dma_wait3A_130 : memref<10240x32xf32, #tpu.memory_space<vmem_shared>>)
      %dma_start3A_131 = arith.constant 0 : i32
      %dma_start3A_132 = arith.constant 0 : i32
      %dma_start3A_133 = tpu.memref_slice %arg8[%dma_start3A_131, %dma_start3A_132] : memref<8x128xi32, #tpu.memory_space<vmem>> -> memref<1x128xi32, #tpu.memory_space<vmem>>
      %dma_start3A_134 = tpu.memref_squeeze %dma_start3A_133 : memref<1x128xi32, #tpu.memory_space<vmem>> -> memref<128xi32, #tpu.memory_space<vmem>>
      %dma_start3A_135 = arith.constant 0 : i32
      %dma_start3A_136 = arith.constant 0 : i32
      %dma_start3A_137 = tpu.memref_slice %arg6[%dma_start3A_135, %dma_start3A_136] : memref<10240x32xf32, #tpu.memory_space<vmem_shared>> -> memref<10240x32xf32, #tpu.memory_space<vmem_shared>>
      tpu.enqueue_indirect_dma source(%dma_start3A_137 : memref<10240x32xf32, #tpu.memory_space<vmem_shared>>) target(%arg12 : memref<128x32xf32, #tpu.memory_space<vmem>>) offsets(%dma_start3A_134 : memref<128xi32, #tpu.memory_space<vmem>>) semaphore(%arg16 : memref<!tpu.dma_semaphore, #tpu.memory_space<semaphore_mem>>)
      %dma_wait3A_138 = arith.constant 0 : i32
      %dma_wait3A_139 = arith.constant 0 : i32
      %dma_wait3A_140 = tpu.memref_slice %arg8[%dma_wait3A_138, %dma_wait3A_139] : memref<8x128xi32, #tpu.memory_space<vmem>> -> memref<1x128xi32, #tpu.memory_space<vmem>>
      %dma_wait3A_141 = tpu.memref_squeeze %dma_wait3A_140 : memref<1x128xi32, #tpu.memory_space<vmem>> -> memref<128xi32, #tpu.memory_space<vmem>>
      %dma_wait3A_142 = arith.constant 0 : i32
      %dma_wait3A_143 = arith.constant 0 : i32
      %dma_wait3A_144 = tpu.memref_slice %arg6[%dma_wait3A_142, %dma_wait3A_143] : memref<10240x32xf32, #tpu.memory_space<vmem_shared>> -> memref<10240x32xf32, #tpu.memory_space<vmem_shared>>
      tpu.wait_indirect_dma semaphore(%arg16 : memref<!tpu.dma_semaphore, #tpu.memory_space<semaphore_mem>>) src(%dma_wait3A_144 : memref<10240x32xf32, #tpu.memory_space<vmem_shared>>) dst(%arg12 : memref<128x32xf32, #tpu.memory_space<vmem>>)
      %dma_start3A_145 = arith.constant 0 : i32
      %dma_start3A_146 = arith.constant 0 : i32
      %dma_start3A_147 = tpu.memref_slice %arg10[%dma_start3A_145, %dma_start3A_146] : memref<8x128xi32, #tpu.memory_space<vmem>> -> memref<1x128xi32, #tpu.memory_space<vmem>>
      %dma_start3A_148 = tpu.memref_squeeze %dma_start3A_147 : memref<1x128xi32, #tpu.memory_space<vmem>> -> memref<128xi32, #tpu.memory_space<vmem>>
      %dma_start3A_149 = arith.constant 0 : i32
      %dma_start3A_150 = arith.constant 0 : i32
      %dma_start3A_151 = tpu.memref_slice %arg7[%dma_start3A_149, %dma_start3A_150] : memref<10240x32xf32, #tpu.memory_space<vmem_shared>> -> memref<10240x32xf32, #tpu.memory_space<vmem_shared>>
      tpu.enqueue_indirect_dma source(%arg12 : memref<128x32xf32, #tpu.memory_space<vmem>>) target(%dma_start3A_151 : memref<10240x32xf32, #tpu.memory_space<vmem_shared>>) offsets(%dma_start3A_148 : memref<128xi32, #tpu.memory_space<vmem>>) semaphore(%arg14 : memref<!tpu.dma_semaphore, #tpu.memory_space<semaphore_mem>>) {add = true}
      %dma_wait3A_152 = arith.constant 1 : i32
      %dma_wait3A_153 = arith.constant 0 : i32
      %dma_wait3A_154 = tpu.memref_slice %arg10[%dma_wait3A_152, %dma_wait3A_153] : memref<8x128xi32, #tpu.memory_space<vmem>> -> memref<1x128xi32, #tpu.memory_space<vmem>>
      %dma_wait3A_155 = tpu.memref_squeeze %dma_wait3A_154 : memref<1x128xi32, #tpu.memory_space<vmem>> -> memref<128xi32, #tpu.memory_space<vmem>>
      %dma_wait3A_156 = arith.constant 0 : i32
      %dma_wait3A_157 = arith.constant 0 : i32
      %dma_wait3A_158 = tpu.memref_slice %arg7[%dma_wait3A_156, %dma_wait3A_157] : memref<10240x32xf32, #tpu.memory_space<vmem_shared>> -> memref<10240x32xf32, #tpu.memory_space<vmem_shared>>
      tpu.wait_indirect_dma semaphore(%arg15 : memref<!tpu.dma_semaphore, #tpu.memory_space<semaphore_mem>>) src(%arg13 : memref<128x32xf32, #tpu.memory_space<vmem>>) dst(%dma_wait3A_158 : memref<10240x32xf32, #tpu.memory_space<vmem_shared>>)
      %dma_start3A_159 = arith.constant 1 : i32
      %dma_start3A_160 = arith.constant 0 : i32
      %dma_start3A_161 = tpu.memref_slice %arg8[%dma_start3A_159, %dma_start3A_160] : memref<8x128xi32, #tpu.memory_space<vmem>> -> memref<1x128xi32, #tpu.memory_space<vmem>>
      %dma_start3A_162 = tpu.memref_squeeze %dma_start3A_161 : memref<1x128xi32, #tpu.memory_space<vmem>> -> memref<128xi32, #tpu.memory_space<vmem>>
      %dma_start3A_163 = arith.constant 0 : i32
      %dma_start3A_164 = arith.constant 0 : i32
      %dma_start3A_165 = tpu.memref_slice %arg6[%dma_start3A_163, %dma_start3A_164] : memref<10240x32xf32, #tpu.memory_space<vmem_shared>> -> memref<10240x32xf32, #tpu.memory_space<vmem_shared>>
      tpu.enqueue_indirect_dma source(%dma_start3A_165 : memref<10240x32xf32, #tpu.memory_space<vmem_shared>>) target(%arg13 : memref<128x32xf32, #tpu.memory_space<vmem>>) offsets(%dma_start3A_162 : memref<128xi32, #tpu.memory_space<vmem>>) semaphore(%arg16 : memref<!tpu.dma_semaphore, #tpu.memory_space<semaphore_mem>>)
      %dma_wait3A_166 = arith.constant 1 : i32
      %dma_wait3A_167 = arith.constant 0 : i32
      %dma_wait3A_168 = tpu.memref_slice %arg8[%dma_wait3A_166, %dma_wait3A_167] : memref<8x128xi32, #tpu.memory_space<vmem>> -> memref<1x128xi32, #tpu.memory_space<vmem>>
      %dma_wait3A_169 = tpu.memref_squeeze %dma_wait3A_168 : memref<1x128xi32, #tpu.memory_space<vmem>> -> memref<128xi32, #tpu.memory_space<vmem>>
      %dma_wait3A_170 = arith.constant 0 : i32
      %dma_wait3A_171 = arith.constant 0 : i32
      %dma_wait3A_172 = tpu.memref_slice %arg6[%dma_wait3A_170, %dma_wait3A_171] : memref<10240x32xf32, #tpu.memory_space<vmem_shared>> -> memref<10240x32xf32, #tpu.memory_space<vmem_shared>>
      tpu.wait_indirect_dma semaphore(%arg16 : memref<!tpu.dma_semaphore, #tpu.memory_space<semaphore_mem>>) src(%dma_wait3A_172 : memref<10240x32xf32, #tpu.memory_space<vmem_shared>>) dst(%arg13 : memref<128x32xf32, #tpu.memory_space<vmem>>)
      %dma_start3A_173 = arith.constant 1 : i32
      %dma_start3A_174 = arith.constant 0 : i32
      %dma_start3A_175 = tpu.memref_slice %arg10[%dma_start3A_173, %dma_start3A_174] : memref<8x128xi32, #tpu.memory_space<vmem>> -> memref<1x128xi32, #tpu.memory_space<vmem>>
      %dma_start3A_176 = tpu.memref_squeeze %dma_start3A_175 : memref<1x128xi32, #tpu.memory_space<vmem>> -> memref<128xi32, #tpu.memory_space<vmem>>
      %dma_start3A_177 = arith.constant 0 : i32
      %dma_start3A_178 = arith.constant 0 : i32
      %dma_start3A_179 = tpu.memref_slice %arg7[%dma_start3A_177, %dma_start3A_178] : memref<10240x32xf32, #tpu.memory_space<vmem_shared>> -> memref<10240x32xf32, #tpu.memory_space<vmem_shared>>
      tpu.enqueue_indirect_dma source(%arg13 : memref<128x32xf32, #tpu.memory_space<vmem>>) target(%dma_start3A_179 : memref<10240x32xf32, #tpu.memory_space<vmem_shared>>) offsets(%dma_start3A_176 : memref<128xi32, #tpu.memory_space<vmem>>) semaphore(%arg15 : memref<!tpu.dma_semaphore, #tpu.memory_space<semaphore_mem>>) {add = true}
      %dma_wait3A_180 = arith.constant 2 : i32
      %dma_wait3A_181 = arith.constant 0 : i32
      %dma_wait3A_182 = tpu.memref_slice %arg10[%dma_wait3A_180, %dma_wait3A_181] : memref<8x128xi32, #tpu.memory_space<vmem>> -> memref<1x128xi32, #tpu.memory_space<vmem>>
      %dma_wait3A_183 = tpu.memref_squeeze %dma_wait3A_182 : memref<1x128xi32, #tpu.memory_space<vmem>> -> memref<128xi32, #tpu.memory_space<vmem>>
      %dma_wait3A_184 = arith.constant 0 : i32
      %dma_wait3A_185 = arith.constant 0 : i32
      %dma_wait3A_186 = tpu.memref_slice %arg7[%dma_wait3A_184, %dma_wait3A_185] : memref<10240x32xf32, #tpu.memory_space<vmem_shared>> -> memref<10240x32xf32, #tpu.memory_space<vmem_shared>>
      tpu.wait_indirect_dma semaphore(%arg14 : memref<!tpu.dma_semaphore, #tpu.memory_space<semaphore_mem>>) src(%arg12 : memref<128x32xf32, #tpu.memory_space<vmem>>) dst(%dma_wait3A_186 : memref<10240x32xf32, #tpu.memory_space<vmem_shared>>)
      %dma_start3A_187 = arith.constant 2 : i32
      %dma_start3A_188 = arith.constant 0 : i32
      %dma_start3A_189 = tpu.memref_slice %arg8[%dma_start3A_187, %dma_start3A_188] : memref<8x128xi32, #tpu.memory_space<vmem>> -> memref<1x128xi32, #tpu.memory_space<vmem>>
      %dma_start3A_190 = tpu.memref_squeeze %dma_start3A_189 : memref<1x128xi32, #tpu.memory_space<vmem>> -> memref<128xi32, #tpu.memory_space<vmem>>
      %dma_start3A_191 = arith.constant 0 : i32
      %dma_start3A_192 = arith.constant 0 : i32
      %dma_start3A_193 = tpu.memref_slice %arg6[%dma_start3A_191, %dma_start3A_192] : memref<10240x32xf32, #tpu.memory_space<vmem_shared>> -> memref<10240x32xf32, #tpu.memory_space<vmem_shared>>
      tpu.enqueue_indirect_dma source(%dma_start3A_193 : memref<10240x32xf32, #tpu.memory_space<vmem_shared>>) target(%arg12 : memref<128x32xf32, #tpu.memory_space<vmem>>) offsets(%dma_start3A_190 : memref<128xi32, #tpu.memory_space<vmem>>) semaphore(%arg16 : memref<!tpu.dma_semaphore, #tpu.memory_space<semaphore_mem>>)
      %dma_wait3A_194 = arith.constant 2 : i32
      %dma_wait3A_195 = arith.constant 0 : i32
      %dma_wait3A_196 = tpu.memref_slice %arg8[%dma_wait3A_194, %dma_wait3A_195] : memref<8x128xi32, #tpu.memory_space<vmem>> -> memref<1x128xi32, #tpu.memory_space<vmem>>
      %dma_wait3A_197 = tpu.memref_squeeze %dma_wait3A_196 : memref<1x128xi32, #tpu.memory_space<vmem>> -> memref<128xi32, #tpu.memory_space<vmem>>
      %dma_wait3A_198 = arith.constant 0 : i32
      %dma_wait3A_199 = arith.constant 0 : i32
      %dma_wait3A_200 = tpu.memref_slice %arg6[%dma_wait3A_198, %dma_wait3A_199] : memref<10240x32xf32, #tpu.memory_space<vmem_shared>> -> memref<10240x32xf32, #tpu.memory_space<vmem_shared>>
      tpu.wait_indirect_dma semaphore(%arg16 : memref<!tpu.dma_semaphore, #tpu.memory_space<semaphore_mem>>) src(%dma_wait3A_200 : memref<10240x32xf32, #tpu.memory_space<vmem_shared>>) dst(%arg12 : memref<128x32xf32, #tpu.memory_space<vmem>>)
      %dma_start3A_201 = arith.constant 2 : i32
      %dma_start3A_202 = arith.constant 0 : i32
      %dma_start3A_203 = tpu.memref_slice %arg10[%dma_start3A_201, %dma_start3A_202] : memref<8x128xi32, #tpu.memory_space<vmem>> -> memref<1x128xi32, #tpu.memory_space<vmem>>
      %dma_start3A_204 = tpu.memref_squeeze %dma_start3A_203 : memref<1x128xi32, #tpu.memory_space<vmem>> -> memref<128xi32, #tpu.memory_space<vmem>>
      %dma_start3A_205 = arith.constant 0 : i32
      %dma_start3A_206 = arith.constant 0 : i32
      %dma_start3A_207 = tpu.memref_slice %arg7[%dma_start3A_205, %dma_start3A_206] : memref<10240x32xf32, #tpu.memory_space<vmem_shared>> -> memref<10240x32xf32, #tpu.memory_space<vmem_shared>>
      tpu.enqueue_indirect_dma source(%arg12 : memref<128x32xf32, #tpu.memory_space<vmem>>) target(%dma_start3A_207 : memref<10240x32xf32, #tpu.memory_space<vmem_shared>>) offsets(%dma_start3A_204 : memref<128xi32, #tpu.memory_space<vmem>>) semaphore(%arg14 : memref<!tpu.dma_semaphore, #tpu.memory_space<semaphore_mem>>) {add = true}
      %dma_wait3A_208 = arith.constant 3 : i32
      %dma_wait3A_209 = arith.constant 0 : i32
      %dma_wait3A_210 = tpu.memref_slice %arg10[%dma_wait3A_208, %dma_wait3A_209] : memref<8x128xi32, #tpu.memory_space<vmem>> -> memref<1x128xi32, #tpu.memory_space<vmem>>
      %dma_wait3A_211 = tpu.memref_squeeze %dma_wait3A_210 : memref<1x128xi32, #tpu.memory_space<vmem>> -> memref<128xi32, #tpu.memory_space<vmem>>
      %dma_wait3A_212 = arith.constant 0 : i32
      %dma_wait3A_213 = arith.constant 0 : i32
      %dma_wait3A_214 = tpu.memref_slice %arg7[%dma_wait3A_212, %dma_wait3A_213] : memref<10240x32xf32, #tpu.memory_space<vmem_shared>> -> memref<10240x32xf32, #tpu.memory_space<vmem_shared>>
      tpu.wait_indirect_dma semaphore(%arg15 : memref<!tpu.dma_semaphore, #tpu.memory_space<semaphore_mem>>) src(%arg13 : memref<128x32xf32, #tpu.memory_space<vmem>>) dst(%dma_wait3A_214 : memref<10240x32xf32, #tpu.memory_space<vmem_shared>>)
      %dma_start3A_215 = arith.constant 3 : i32
      %dma_start3A_216 = arith.constant 0 : i32
      %dma_start3A_217 = tpu.memref_slice %arg8[%dma_start3A_215, %dma_start3A_216] : memref<8x128xi32, #tpu.memory_space<vmem>> -> memref<1x128xi32, #tpu.memory_space<vmem>>
      %dma_start3A_218 = tpu.memref_squeeze %dma_start3A_217 : memref<1x128xi32, #tpu.memory_space<vmem>> -> memref<128xi32, #tpu.memory_space<vmem>>
      %dma_start3A_219 = arith.constant 0 : i32
      %dma_start3A_220 = arith.constant 0 : i32
      %dma_start3A_221 = tpu.memref_slice %arg6[%dma_start3A_219, %dma_start3A_220] : memref<10240x32xf32, #tpu.memory_space<vmem_shared>> -> memref<10240x32xf32, #tpu.memory_space<vmem_shared>>
      tpu.enqueue_indirect_dma source(%dma_start3A_221 : memref<10240x32xf32, #tpu.memory_space<vmem_shared>>) target(%arg13 : memref<128x32xf32, #tpu.memory_space<vmem>>) offsets(%dma_start3A_218 : memref<128xi32, #tpu.memory_space<vmem>>) semaphore(%arg16 : memref<!tpu.dma_semaphore, #tpu.memory_space<semaphore_mem>>)
      %dma_wait3A_222 = arith.constant 3 : i32
      %dma_wait3A_223 = arith.constant 0 : i32
      %dma_wait3A_224 = tpu.memref_slice %arg8[%dma_wait3A_222, %dma_wait3A_223] : memref<8x128xi32, #tpu.memory_space<vmem>> -> memref<1x128xi32, #tpu.memory_space<vmem>>
      %dma_wait3A_225 = tpu.memref_squeeze %dma_wait3A_224 : memref<1x128xi32, #tpu.memory_space<vmem>> -> memref<128xi32, #tpu.memory_space<vmem>>
      %dma_wait3A_226 = arith.constant 0 : i32
      %dma_wait3A_227 = arith.constant 0 : i32
      %dma_wait3A_228 = tpu.memref_slice %arg6[%dma_wait3A_226, %dma_wait3A_227] : memref<10240x32xf32, #tpu.memory_space<vmem_shared>> -> memref<10240x32xf32, #tpu.memory_space<vmem_shared>>
      tpu.wait_indirect_dma semaphore(%arg16 : memref<!tpu.dma_semaphore, #tpu.memory_space<semaphore_mem>>) src(%dma_wait3A_228 : memref<10240x32xf32, #tpu.memory_space<vmem_shared>>) dst(%arg13 : memref<128x32xf32, #tpu.memory_space<vmem>>)
      %dma_start3A_229 = arith.constant 3 : i32
      %dma_start3A_230 = arith.constant 0 : i32
      %dma_start3A_231 = tpu.memref_slice %arg10[%dma_start3A_229, %dma_start3A_230] : memref<8x128xi32, #tpu.memory_space<vmem>> -> memref<1x128xi32, #tpu.memory_space<vmem>>
      %dma_start3A_232 = tpu.memref_squeeze %dma_start3A_231 : memref<1x128xi32, #tpu.memory_space<vmem>> -> memref<128xi32, #tpu.memory_space<vmem>>
      %dma_start3A_233 = arith.constant 0 : i32
      %dma_start3A_234 = arith.constant 0 : i32
      %dma_start3A_235 = tpu.memref_slice %arg7[%dma_start3A_233, %dma_start3A_234] : memref<10240x32xf32, #tpu.memory_space<vmem_shared>> -> memref<10240x32xf32, #tpu.memory_space<vmem_shared>>
      tpu.enqueue_indirect_dma source(%arg13 : memref<128x32xf32, #tpu.memory_space<vmem>>) target(%dma_start3A_235 : memref<10240x32xf32, #tpu.memory_space<vmem_shared>>) offsets(%dma_start3A_232 : memref<128xi32, #tpu.memory_space<vmem>>) semaphore(%arg15 : memref<!tpu.dma_semaphore, #tpu.memory_space<semaphore_mem>>) {add = true}
      %dma_wait3A_236 = arith.constant 4 : i32
      %dma_wait3A_237 = arith.constant 0 : i32
      %dma_wait3A_238 = tpu.memref_slice %arg10[%dma_wait3A_236, %dma_wait3A_237] : memref<8x128xi32, #tpu.memory_space<vmem>> -> memref<1x128xi32, #tpu.memory_space<vmem>>
      %dma_wait3A_239 = tpu.memref_squeeze %dma_wait3A_238 : memref<1x128xi32, #tpu.memory_space<vmem>> -> memref<128xi32, #tpu.memory_space<vmem>>
      %dma_wait3A_240 = arith.constant 0 : i32
      %dma_wait3A_241 = arith.constant 0 : i32
      %dma_wait3A_242 = tpu.memref_slice %arg7[%dma_wait3A_240, %dma_wait3A_241] : memref<10240x32xf32, #tpu.memory_space<vmem_shared>> -> memref<10240x32xf32, #tpu.memory_space<vmem_shared>>
      tpu.wait_indirect_dma semaphore(%arg14 : memref<!tpu.dma_semaphore, #tpu.memory_space<semaphore_mem>>) src(%arg12 : memref<128x32xf32, #tpu.memory_space<vmem>>) dst(%dma_wait3A_242 : memref<10240x32xf32, #tpu.memory_space<vmem_shared>>)
      %dma_start3A_243 = arith.constant 4 : i32
      %dma_start3A_244 = arith.constant 0 : i32
      %dma_start3A_245 = tpu.memref_slice %arg8[%dma_start3A_243, %dma_start3A_244] : memref<8x128xi32, #tpu.memory_space<vmem>> -> memref<1x128xi32, #tpu.memory_space<vmem>>
      %dma_start3A_246 = tpu.memref_squeeze %dma_start3A_245 : memref<1x128xi32, #tpu.memory_space<vmem>> -> memref<128xi32, #tpu.memory_space<vmem>>
      %dma_start3A_247 = arith.constant 0 : i32
      %dma_start3A_248 = arith.constant 0 : i32
      %dma_start3A_249 = tpu.memref_slice %arg6[%dma_start3A_247, %dma_start3A_248] : memref<10240x32xf32, #tpu.memory_space<vmem_shared>> -> memref<10240x32xf32, #tpu.memory_space<vmem_shared>>
      tpu.enqueue_indirect_dma source(%dma_start3A_249 : memref<10240x32xf32, #tpu.memory_space<vmem_shared>>) target(%arg12 : memref<128x32xf32, #tpu.memory_space<vmem>>) offsets(%dma_start3A_246 : memref<128xi32, #tpu.memory_space<vmem>>) semaphore(%arg16 : memref<!tpu.dma_semaphore, #tpu.memory_space<semaphore_mem>>)
      %dma_wait3A_250 = arith.constant 4 : i32
      %dma_wait3A_251 = arith.constant 0 : i32
      %dma_wait3A_252 = tpu.memref_slice %arg8[%dma_wait3A_250, %dma_wait3A_251] : memref<8x128xi32, #tpu.memory_space<vmem>> -> memref<1x128xi32, #tpu.memory_space<vmem>>
      %dma_wait3A_253 = tpu.memref_squeeze %dma_wait3A_252 : memref<1x128xi32, #tpu.memory_space<vmem>> -> memref<128xi32, #tpu.memory_space<vmem>>
      %dma_wait3A_254 = arith.constant 0 : i32
      %dma_wait3A_255 = arith.constant 0 : i32
      %dma_wait3A_256 = tpu.memref_slice %arg6[%dma_wait3A_254, %dma_wait3A_255] : memref<10240x32xf32, #tpu.memory_space<vmem_shared>> -> memref<10240x32xf32, #tpu.memory_space<vmem_shared>>
      tpu.wait_indirect_dma semaphore(%arg16 : memref<!tpu.dma_semaphore, #tpu.memory_space<semaphore_mem>>) src(%dma_wait3A_256 : memref<10240x32xf32, #tpu.memory_space<vmem_shared>>) dst(%arg12 : memref<128x32xf32, #tpu.memory_space<vmem>>)
      %dma_start3A_257 = arith.constant 4 : i32
      %dma_start3A_258 = arith.constant 0 : i32
      %dma_start3A_259 = tpu.memref_slice %arg10[%dma_start3A_257, %dma_start3A_258] : memref<8x128xi32, #tpu.memory_space<vmem>> -> memref<1x128xi32, #tpu.memory_space<vmem>>
      %dma_start3A_260 = tpu.memref_squeeze %dma_start3A_259 : memref<1x128xi32, #tpu.memory_space<vmem>> -> memref<128xi32, #tpu.memory_space<vmem>>
      %dma_start3A_261 = arith.constant 0 : i32
      %dma_start3A_262 = arith.constant 0 : i32
      %dma_start3A_263 = tpu.memref_slice %arg7[%dma_start3A_261, %dma_start3A_262] : memref<10240x32xf32, #tpu.memory_space<vmem_shared>> -> memref<10240x32xf32, #tpu.memory_space<vmem_shared>>
      tpu.enqueue_indirect_dma source(%arg12 : memref<128x32xf32, #tpu.memory_space<vmem>>) target(%dma_start3A_263 : memref<10240x32xf32, #tpu.memory_space<vmem_shared>>) offsets(%dma_start3A_260 : memref<128xi32, #tpu.memory_space<vmem>>) semaphore(%arg14 : memref<!tpu.dma_semaphore, #tpu.memory_space<semaphore_mem>>) {add = true}
      %dma_wait3A_264 = arith.constant 5 : i32
      %dma_wait3A_265 = arith.constant 0 : i32
      %dma_wait3A_266 = tpu.memref_slice %arg10[%dma_wait3A_264, %dma_wait3A_265] : memref<8x128xi32, #tpu.memory_space<vmem>> -> memref<1x128xi32, #tpu.memory_space<vmem>>
      %dma_wait3A_267 = tpu.memref_squeeze %dma_wait3A_266 : memref<1x128xi32, #tpu.memory_space<vmem>> -> memref<128xi32, #tpu.memory_space<vmem>>
      %dma_wait3A_268 = arith.constant 0 : i32
      %dma_wait3A_269 = arith.constant 0 : i32
      %dma_wait3A_270 = tpu.memref_slice %arg7[%dma_wait3A_268, %dma_wait3A_269] : memref<10240x32xf32, #tpu.memory_space<vmem_shared>> -> memref<10240x32xf32, #tpu.memory_space<vmem_shared>>
      tpu.wait_indirect_dma semaphore(%arg15 : memref<!tpu.dma_semaphore, #tpu.memory_space<semaphore_mem>>) src(%arg13 : memref<128x32xf32, #tpu.memory_space<vmem>>) dst(%dma_wait3A_270 : memref<10240x32xf32, #tpu.memory_space<vmem_shared>>)
      %dma_start3A_271 = arith.constant 5 : i32
      %dma_start3A_272 = arith.constant 0 : i32
      %dma_start3A_273 = tpu.memref_slice %arg8[%dma_start3A_271, %dma_start3A_272] : memref<8x128xi32, #tpu.memory_space<vmem>> -> memref<1x128xi32, #tpu.memory_space<vmem>>
      %dma_start3A_274 = tpu.memref_squeeze %dma_start3A_273 : memref<1x128xi32, #tpu.memory_space<vmem>> -> memref<128xi32, #tpu.memory_space<vmem>>
      %dma_start3A_275 = arith.constant 0 : i32
      %dma_start3A_276 = arith.constant 0 : i32
      %dma_start3A_277 = tpu.memref_slice %arg6[%dma_start3A_275, %dma_start3A_276] : memref<10240x32xf32, #tpu.memory_space<vmem_shared>> -> memref<10240x32xf32, #tpu.memory_space<vmem_shared>>
      tpu.enqueue_indirect_dma source(%dma_start3A_277 : memref<10240x32xf32, #tpu.memory_space<vmem_shared>>) target(%arg13 : memref<128x32xf32, #tpu.memory_space<vmem>>) offsets(%dma_start3A_274 : memref<128xi32, #tpu.memory_space<vmem>>) semaphore(%arg16 : memref<!tpu.dma_semaphore, #tpu.memory_space<semaphore_mem>>)
      %dma_wait3A_278 = arith.constant 5 : i32
      %dma_wait3A_279 = arith.constant 0 : i32
      %dma_wait3A_280 = tpu.memref_slice %arg8[%dma_wait3A_278, %dma_wait3A_279] : memref<8x128xi32, #tpu.memory_space<vmem>> -> memref<1x128xi32, #tpu.memory_space<vmem>>
      %dma_wait3A_281 = tpu.memref_squeeze %dma_wait3A_280 : memref<1x128xi32, #tpu.memory_space<vmem>> -> memref<128xi32, #tpu.memory_space<vmem>>
      %dma_wait3A_282 = arith.constant 0 : i32
      %dma_wait3A_283 = arith.constant 0 : i32
      %dma_wait3A_284 = tpu.memref_slice %arg6[%dma_wait3A_282, %dma_wait3A_283] : memref<10240x32xf32, #tpu.memory_space<vmem_shared>> -> memref<10240x32xf32, #tpu.memory_space<vmem_shared>>
      tpu.wait_indirect_dma semaphore(%arg16 : memref<!tpu.dma_semaphore, #tpu.memory_space<semaphore_mem>>) src(%dma_wait3A_284 : memref<10240x32xf32, #tpu.memory_space<vmem_shared>>) dst(%arg13 : memref<128x32xf32, #tpu.memory_space<vmem>>)
      %dma_start3A_285 = arith.constant 5 : i32
      %dma_start3A_286 = arith.constant 0 : i32
      %dma_start3A_287 = tpu.memref_slice %arg10[%dma_start3A_285, %dma_start3A_286] : memref<8x128xi32, #tpu.memory_space<vmem>> -> memref<1x128xi32, #tpu.memory_space<vmem>>
      %dma_start3A_288 = tpu.memref_squeeze %dma_start3A_287 : memref<1x128xi32, #tpu.memory_space<vmem>> -> memref<128xi32, #tpu.memory_space<vmem>>
      %dma_start3A_289 = arith.constant 0 : i32
      %dma_start3A_290 = arith.constant 0 : i32
      %dma_start3A_291 = tpu.memref_slice %arg7[%dma_start3A_289, %dma_start3A_290] : memref<10240x32xf32, #tpu.memory_space<vmem_shared>> -> memref<10240x32xf32, #tpu.memory_space<vmem_shared>>
      tpu.enqueue_indirect_dma source(%arg13 : memref<128x32xf32, #tpu.memory_space<vmem>>) target(%dma_start3A_291 : memref<10240x32xf32, #tpu.memory_space<vmem_shared>>) offsets(%dma_start3A_288 : memref<128xi32, #tpu.memory_space<vmem>>) semaphore(%arg15 : memref<!tpu.dma_semaphore, #tpu.memory_space<semaphore_mem>>) {add = true}
      %dma_wait3A_292 = arith.constant 6 : i32
      %dma_wait3A_293 = arith.constant 0 : i32
      %dma_wait3A_294 = tpu.memref_slice %arg10[%dma_wait3A_292, %dma_wait3A_293] : memref<8x128xi32, #tpu.memory_space<vmem>> -> memref<1x128xi32, #tpu.memory_space<vmem>>
      %dma_wait3A_295 = tpu.memref_squeeze %dma_wait3A_294 : memref<1x128xi32, #tpu.memory_space<vmem>> -> memref<128xi32, #tpu.memory_space<vmem>>
      %dma_wait3A_296 = arith.constant 0 : i32
      %dma_wait3A_297 = arith.constant 0 : i32
      %dma_wait3A_298 = tpu.memref_slice %arg7[%dma_wait3A_296, %dma_wait3A_297] : memref<10240x32xf32, #tpu.memory_space<vmem_shared>> -> memref<10240x32xf32, #tpu.memory_space<vmem_shared>>
      tpu.wait_indirect_dma semaphore(%arg14 : memref<!tpu.dma_semaphore, #tpu.memory_space<semaphore_mem>>) src(%arg12 : memref<128x32xf32, #tpu.memory_space<vmem>>) dst(%dma_wait3A_298 : memref<10240x32xf32, #tpu.memory_space<vmem_shared>>)
      %dma_start3A_299 = arith.constant 6 : i32
      %dma_start3A_300 = arith.constant 0 : i32
      %dma_start3A_301 = tpu.memref_slice %arg8[%dma_start3A_299, %dma_start3A_300] : memref<8x128xi32, #tpu.memory_space<vmem>> -> memref<1x128xi32, #tpu.memory_space<vmem>>
      %dma_start3A_302 = tpu.memref_squeeze %dma_start3A_301 : memref<1x128xi32, #tpu.memory_space<vmem>> -> memref<128xi32, #tpu.memory_space<vmem>>
      %dma_start3A_303 = arith.constant 0 : i32
      %dma_start3A_304 = arith.constant 0 : i32
      %dma_start3A_305 = tpu.memref_slice %arg6[%dma_start3A_303, %dma_start3A_304] : memref<10240x32xf32, #tpu.memory_space<vmem_shared>> -> memref<10240x32xf32, #tpu.memory_space<vmem_shared>>
      tpu.enqueue_indirect_dma source(%dma_start3A_305 : memref<10240x32xf32, #tpu.memory_space<vmem_shared>>) target(%arg12 : memref<128x32xf32, #tpu.memory_space<vmem>>) offsets(%dma_start3A_302 : memref<128xi32, #tpu.memory_space<vmem>>) semaphore(%arg16 : memref<!tpu.dma_semaphore, #tpu.memory_space<semaphore_mem>>)
      %dma_wait3A_306 = arith.constant 6 : i32
      %dma_wait3A_307 = arith.constant 0 : i32
      %dma_wait3A_308 = tpu.memref_slice %arg8[%dma_wait3A_306, %dma_wait3A_307] : memref<8x128xi32, #tpu.memory_space<vmem>> -> memref<1x128xi32, #tpu.memory_space<vmem>>
      %dma_wait3A_309 = tpu.memref_squeeze %dma_wait3A_308 : memref<1x128xi32, #tpu.memory_space<vmem>> -> memref<128xi32, #tpu.memory_space<vmem>>
      %dma_wait3A_310 = arith.constant 0 : i32
      %dma_wait3A_311 = arith.constant 0 : i32
      %dma_wait3A_312 = tpu.memref_slice %arg6[%dma_wait3A_310, %dma_wait3A_311] : memref<10240x32xf32, #tpu.memory_space<vmem_shared>> -> memref<10240x32xf32, #tpu.memory_space<vmem_shared>>
      tpu.wait_indirect_dma semaphore(%arg16 : memref<!tpu.dma_semaphore, #tpu.memory_space<semaphore_mem>>) src(%dma_wait3A_312 : memref<10240x32xf32, #tpu.memory_space<vmem_shared>>) dst(%arg12 : memref<128x32xf32, #tpu.memory_space<vmem>>)
      %dma_start3A_313 = arith.constant 6 : i32
      %dma_start3A_314 = arith.constant 0 : i32
      %dma_start3A_315 = tpu.memref_slice %arg10[%dma_start3A_313, %dma_start3A_314] : memref<8x128xi32, #tpu.memory_space<vmem>> -> memref<1x128xi32, #tpu.memory_space<vmem>>
      %dma_start3A_316 = tpu.memref_squeeze %dma_start3A_315 : memref<1x128xi32, #tpu.memory_space<vmem>> -> memref<128xi32, #tpu.memory_space<vmem>>
      %dma_start3A_317 = arith.constant 0 : i32
      %dma_start3A_318 = arith.constant 0 : i32
      %dma_start3A_319 = tpu.memref_slice %arg7[%dma_start3A_317, %dma_start3A_318] : memref<10240x32xf32, #tpu.memory_space<vmem_shared>> -> memref<10240x32xf32, #tpu.memory_space<vmem_shared>>
      tpu.enqueue_indirect_dma source(%arg12 : memref<128x32xf32, #tpu.memory_space<vmem>>) target(%dma_start3A_319 : memref<10240x32xf32, #tpu.memory_space<vmem_shared>>) offsets(%dma_start3A_316 : memref<128xi32, #tpu.memory_space<vmem>>) semaphore(%arg14 : memref<!tpu.dma_semaphore, #tpu.memory_space<semaphore_mem>>) {add = true}
      %dma_wait3A_320 = arith.constant 7 : i32
      %dma_wait3A_321 = arith.constant 0 : i32
      %dma_wait3A_322 = tpu.memref_slice %arg10[%dma_wait3A_320, %dma_wait3A_321] : memref<8x128xi32, #tpu.memory_space<vmem>> -> memref<1x128xi32, #tpu.memory_space<vmem>>
      %dma_wait3A_323 = tpu.memref_squeeze %dma_wait3A_322 : memref<1x128xi32, #tpu.memory_space<vmem>> -> memref<128xi32, #tpu.memory_space<vmem>>
      %dma_wait3A_324 = arith.constant 0 : i32
      %dma_wait3A_325 = arith.constant 0 : i32
      %dma_wait3A_326 = tpu.memref_slice %arg7[%dma_wait3A_324, %dma_wait3A_325] : memref<10240x32xf32, #tpu.memory_space<vmem_shared>> -> memref<10240x32xf32, #tpu.memory_space<vmem_shared>>
      tpu.wait_indirect_dma semaphore(%arg15 : memref<!tpu.dma_semaphore, #tpu.memory_space<semaphore_mem>>) src(%arg13 : memref<128x32xf32, #tpu.memory_space<vmem>>) dst(%dma_wait3A_326 : memref<10240x32xf32, #tpu.memory_space<vmem_shared>>)
      %dma_start3A_327 = arith.constant 7 : i32
      %dma_start3A_328 = arith.constant 0 : i32
      %dma_start3A_329 = tpu.memref_slice %arg8[%dma_start3A_327, %dma_start3A_328] : memref<8x128xi32, #tpu.memory_space<vmem>> -> memref<1x128xi32, #tpu.memory_space<vmem>>
      %dma_start3A_330 = tpu.memref_squeeze %dma_start3A_329 : memref<1x128xi32, #tpu.memory_space<vmem>> -> memref<128xi32, #tpu.memory_space<vmem>>
      %dma_start3A_331 = arith.constant 0 : i32
      %dma_start3A_332 = arith.constant 0 : i32
      %dma_start3A_333 = tpu.memref_slice %arg6[%dma_start3A_331, %dma_start3A_332] : memref<10240x32xf32, #tpu.memory_space<vmem_shared>> -> memref<10240x32xf32, #tpu.memory_space<vmem_shared>>
      tpu.enqueue_indirect_dma source(%dma_start3A_333 : memref<10240x32xf32, #tpu.memory_space<vmem_shared>>) target(%arg13 : memref<128x32xf32, #tpu.memory_space<vmem>>) offsets(%dma_start3A_330 : memref<128xi32, #tpu.memory_space<vmem>>) semaphore(%arg16 : memref<!tpu.dma_semaphore, #tpu.memory_space<semaphore_mem>>)
      %dma_wait3A_334 = arith.constant 7 : i32
      %dma_wait3A_335 = arith.constant 0 : i32
      %dma_wait3A_336 = tpu.memref_slice %arg8[%dma_wait3A_334, %dma_wait3A_335] : memref<8x128xi32, #tpu.memory_space<vmem>> -> memref<1x128xi32, #tpu.memory_space<vmem>>
      %dma_wait3A_337 = tpu.memref_squeeze %dma_wait3A_336 : memref<1x128xi32, #tpu.memory_space<vmem>> -> memref<128xi32, #tpu.memory_space<vmem>>
      %dma_wait3A_338 = arith.constant 0 : i32
      %dma_wait3A_339 = arith.constant 0 : i32
      %dma_wait3A_340 = tpu.memref_slice %arg6[%dma_wait3A_338, %dma_wait3A_339] : memref<10240x32xf32, #tpu.memory_space<vmem_shared>> -> memref<10240x32xf32, #tpu.memory_space<vmem_shared>>
      tpu.wait_indirect_dma semaphore(%arg16 : memref<!tpu.dma_semaphore, #tpu.memory_space<semaphore_mem>>) src(%dma_wait3A_340 : memref<10240x32xf32, #tpu.memory_space<vmem_shared>>) dst(%arg13 : memref<128x32xf32, #tpu.memory_space<vmem>>)
      %dma_start3A_341 = arith.constant 7 : i32
      %dma_start3A_342 = arith.constant 0 : i32
      %dma_start3A_343 = tpu.memref_slice %arg10[%dma_start3A_341, %dma_start3A_342] : memref<8x128xi32, #tpu.memory_space<vmem>> -> memref<1x128xi32, #tpu.memory_space<vmem>>
      %dma_start3A_344 = tpu.memref_squeeze %dma_start3A_343 : memref<1x128xi32, #tpu.memory_space<vmem>> -> memref<128xi32, #tpu.memory_space<vmem>>
      %dma_start3A_345 = arith.constant 0 : i32
      %dma_start3A_346 = arith.constant 0 : i32
      %dma_start3A_347 = tpu.memref_slice %arg7[%dma_start3A_345, %dma_start3A_346] : memref<10240x32xf32, #tpu.memory_space<vmem_shared>> -> memref<10240x32xf32, #tpu.memory_space<vmem_shared>>
      tpu.enqueue_indirect_dma source(%arg13 : memref<128x32xf32, #tpu.memory_space<vmem>>) target(%dma_start3A_347 : memref<10240x32xf32, #tpu.memory_space<vmem_shared>>) offsets(%dma_start3A_344 : memref<128xi32, #tpu.memory_space<vmem>>) semaphore(%arg15 : memref<!tpu.dma_semaphore, #tpu.memory_space<semaphore_mem>>) {add = true}
      %mul3A_348 = arith.constant 2 : i32
      %mul3A_349 = arith.muli %mul3A_348, %scan3A_82 : i32
      %add3A_350 = arith.constant 1 : i32
      %add3A_351 = arith.addi %mul3A_349, %add3A_350 : i32
      %dma_wait3A_352 = arith.constant 0 : i32
      %dma_wait3A_353 = arith.constant 0 : i32
      %dma_wait3A_354 = tpu.memref_slice %arg3[%arg1, %dma_wait3A_352, %dma_wait3A_353] : memref<16x168x128xi32, #tpu.memory_space<hbm>> -> memref<1x8x128xi32, #tpu.memory_space<hbm>>
      %dma_wait3A_355 = tpu.memref_squeeze %dma_wait3A_354 : memref<1x8x128xi32, #tpu.memory_space<hbm>> -> memref<8x128xi32, #tpu.memory_space<hbm>>
      %dma_wait3A_356 = arith.constant 0 : i32
      %dma_wait3A_357 = arith.constant 0 : i32
      %dma_wait3A_358 = tpu.memref_slice %arg3[%arg1, %dma_wait3A_356, %dma_wait3A_357] : memref<16x168x128xi32, #tpu.memory_space<hbm>> -> memref<1x8x128xi32, #tpu.memory_space<hbm>>
      %dma_wait3A_359 = tpu.memref_squeeze %dma_wait3A_358 : memref<1x8x128xi32, #tpu.memory_space<hbm>> -> memref<8x128xi32, #tpu.memory_space<hbm>>
      tpu.wait_dma2 semaphore(%arg18 : memref<!tpu.dma_semaphore, #tpu.memory_space<semaphore_mem>>) src(%dma_wait3A_359 : memref<8x128xi32, #tpu.memory_space<hbm>>) dst(%arg9 : memref<8x128xi32, #tpu.memory_space<vmem>>)
      %dma_wait3A_360 = arith.constant 0 : i32
      %dma_wait3A_361 = arith.constant 0 : i32
      %dma_wait3A_362 = tpu.memref_slice %arg4[%arg1, %dma_wait3A_360, %dma_wait3A_361] : memref<16x168x128xi32, #tpu.memory_space<hbm>> -> memref<1x8x128xi32, #tpu.memory_space<hbm>>
      %dma_wait3A_363 = tpu.memref_squeeze %dma_wait3A_362 : memref<1x8x128xi32, #tpu.memory_space<hbm>> -> memref<8x128xi32, #tpu.memory_space<hbm>>
      %dma_wait3A_364 = arith.constant 0 : i32
      %dma_wait3A_365 = arith.constant 0 : i32
      %dma_wait3A_366 = tpu.memref_slice %arg4[%arg1, %dma_wait3A_364, %dma_wait3A_365] : memref<16x168x128xi32, #tpu.memory_space<hbm>> -> memref<1x8x128xi32, #tpu.memory_space<hbm>>
      %dma_wait3A_367 = tpu.memref_squeeze %dma_wait3A_366 : memref<1x8x128xi32, #tpu.memory_space<hbm>> -> memref<8x128xi32, #tpu.memory_space<hbm>>
      tpu.wait_dma2 semaphore(%arg18 : memref<!tpu.dma_semaphore, #tpu.memory_space<semaphore_mem>>) src(%dma_wait3A_367 : memref<8x128xi32, #tpu.memory_space<hbm>>) dst(%arg11 : memref<8x128xi32, #tpu.memory_space<vmem>>)
      %add3A_368 = arith.constant 1 : i32
      %add3A_369 = arith.addi %add3A_351, %add3A_368 : i32
      %mul3A_370 = arith.constant 8 : i32
      %mul3A_371 = arith.muli %add3A_369, %mul3A_370 : i32
      %dma_start3A_372 = arith.constant 0 : i32
      %dma_start3A_373 = tpu.memref_slice %arg3[%arg1, %mul3A_371, %dma_start3A_372] : memref<16x168x128xi32, #tpu.memory_space<hbm>> -> memref<1x8x128xi32, #tpu.memory_space<hbm>>
      %dma_start3A_374 = tpu.memref_squeeze %dma_start3A_373 : memref<1x8x128xi32, #tpu.memory_space<hbm>> -> memref<8x128xi32, #tpu.memory_space<hbm>>
      %dma_start3A_375 = arith.constant 0 : i32
      %dma_start3A_376 = tpu.memref_slice %arg3[%arg1, %mul3A_371, %dma_start3A_375] : memref<16x168x128xi32, #tpu.memory_space<hbm>> -> memref<1x8x128xi32, #tpu.memory_space<hbm>>
      %dma_start3A_377 = tpu.memref_squeeze %dma_start3A_376 : memref<1x8x128xi32, #tpu.memory_space<hbm>> -> memref<8x128xi32, #tpu.memory_space<hbm>>
      tpu.enqueue_dma source(%dma_start3A_377 : memref<8x128xi32, #tpu.memory_space<hbm>>) target(%arg8 : memref<8x128xi32, #tpu.memory_space<vmem>>) target_semaphore(%arg17 : memref<!tpu.dma_semaphore, #tpu.memory_space<semaphore_mem>>)
      %add3A_378 = arith.constant 1 : i32
      %add3A_379 = arith.addi %add3A_351, %add3A_378 : i32
      %mul3A_380 = arith.constant 8 : i32
      %mul3A_381 = arith.muli %add3A_379, %mul3A_380 : i32
      %dma_start3A_382 = arith.constant 0 : i32
      %dma_start3A_383 = tpu.memref_slice %arg4[%arg1, %mul3A_381, %dma_start3A_382] : memref<16x168x128xi32, #tpu.memory_space<hbm>> -> memref<1x8x128xi32, #tpu.memory_space<hbm>>
      %dma_start3A_384 = tpu.memref_squeeze %dma_start3A_383 : memref<1x8x128xi32, #tpu.memory_space<hbm>> -> memref<8x128xi32, #tpu.memory_space<hbm>>
      %dma_start3A_385 = arith.constant 0 : i32
      %dma_start3A_386 = tpu.memref_slice %arg4[%arg1, %mul3A_381, %dma_start3A_385] : memref<16x168x128xi32, #tpu.memory_space<hbm>> -> memref<1x8x128xi32, #tpu.memory_space<hbm>>
      %dma_start3A_387 = tpu.memref_squeeze %dma_start3A_386 : memref<1x8x128xi32, #tpu.memory_space<hbm>> -> memref<8x128xi32, #tpu.memory_space<hbm>>
      tpu.enqueue_dma source(%dma_start3A_387 : memref<8x128xi32, #tpu.memory_space<hbm>>) target(%arg10 : memref<8x128xi32, #tpu.memory_space<vmem>>) target_semaphore(%arg17 : memref<!tpu.dma_semaphore, #tpu.memory_space<semaphore_mem>>)
      %dma_wait3A_388 = arith.constant 0 : i32
      %dma_wait3A_389 = arith.constant 0 : i32
      %dma_wait3A_390 = tpu.memref_slice %arg11[%dma_wait3A_388, %dma_wait3A_389] : memref<8x128xi32, #tpu.memory_space<vmem>> -> memref<1x128xi32, #tpu.memory_space<vmem>>
      %dma_wait3A_391 = tpu.memref_squeeze %dma_wait3A_390 : memref<1x128xi32, #tpu.memory_space<vmem>> -> memref<128xi32, #tpu.memory_space<vmem>>
      %dma_wait3A_392 = arith.constant 0 : i32
      %dma_wait3A_393 = arith.constant 0 : i32
      %dma_wait3A_394 = tpu.memref_slice %arg7[%dma_wait3A_392, %dma_wait3A_393] : memref<10240x32xf32, #tpu.memory_space<vmem_shared>> -> memref<10240x32xf32, #tpu.memory_space<vmem_shared>>
      tpu.wait_indirect_dma semaphore(%arg14 : memref<!tpu.dma_semaphore, #tpu.memory_space<semaphore_mem>>) src(%arg12 : memref<128x32xf32, #tpu.memory_space<vmem>>) dst(%dma_wait3A_394 : memref<10240x32xf32, #tpu.memory_space<vmem_shared>>)
      %dma_start3A_395 = arith.constant 0 : i32
      %dma_start3A_396 = arith.constant 0 : i32
      %dma_start3A_397 = tpu.memref_slice %arg9[%dma_start3A_395, %dma_start3A_396] : memref<8x128xi32, #tpu.memory_space<vmem>> -> memref<1x128xi32, #tpu.memory_space<vmem>>
      %dma_start3A_398 = tpu.memref_squeeze %dma_start3A_397 : memref<1x128xi32, #tpu.memory_space<vmem>> -> memref<128xi32, #tpu.memory_space<vmem>>
      %dma_start3A_399 = arith.constant 0 : i32
      %dma_start3A_400 = arith.constant 0 : i32
      %dma_start3A_401 = tpu.memref_slice %arg6[%dma_start3A_399, %dma_start3A_400] : memref<10240x32xf32, #tpu.memory_space<vmem_shared>> -> memref<10240x32xf32, #tpu.memory_space<vmem_shared>>
      tpu.enqueue_indirect_dma source(%dma_start3A_401 : memref<10240x32xf32, #tpu.memory_space<vmem_shared>>) target(%arg12 : memref<128x32xf32, #tpu.memory_space<vmem>>) offsets(%dma_start3A_398 : memref<128xi32, #tpu.memory_space<vmem>>) semaphore(%arg16 : memref<!tpu.dma_semaphore, #tpu.memory_space<semaphore_mem>>)
      %dma_wait3A_402 = arith.constant 0 : i32
      %dma_wait3A_403 = arith.constant 0 : i32
      %dma_wait3A_404 = tpu.memref_slice %arg9[%dma_wait3A_402, %dma_wait3A_403] : memref<8x128xi32, #tpu.memory_space<vmem>> -> memref<1x128xi32, #tpu.memory_space<vmem>>
      %dma_wait3A_405 = tpu.memref_squeeze %dma_wait3A_404 : memref<1x128xi32, #tpu.memory_space<vmem>> -> memref<128xi32, #tpu.memory_space<vmem>>
      %dma_wait3A_406 = arith.constant 0 : i32
      %dma_wait3A_407 = arith.constant 0 : i32
      %dma_wait3A_408 = tpu.memref_slice %arg6[%dma_wait3A_406, %dma_wait3A_407] : memref<10240x32xf32, #tpu.memory_space<vmem_shared>> -> memref<10240x32xf32, #tpu.memory_space<vmem_shared>>
      tpu.wait_indirect_dma semaphore(%arg16 : memref<!tpu.dma_semaphore, #tpu.memory_space<semaphore_mem>>) src(%dma_wait3A_408 : memref<10240x32xf32, #tpu.memory_space<vmem_shared>>) dst(%arg12 : memref<128x32xf32, #tpu.memory_space<vmem>>)
      %dma_start3A_409 = arith.constant 0 : i32
      %dma_start3A_410 = arith.constant 0 : i32
      %dma_start3A_411 = tpu.memref_slice %arg11[%dma_start3A_409, %dma_start3A_410] : memref<8x128xi32, #tpu.memory_space<vmem>> -> memref<1x128xi32, #tpu.memory_space<vmem>>
      %dma_start3A_412 = tpu.memref_squeeze %dma_start3A_411 : memref<1x128xi32, #tpu.memory_space<vmem>> -> memref<128xi32, #tpu.memory_space<vmem>>
      %dma_start3A_413 = arith.constant 0 : i32
      %dma_start3A_414 = arith.constant 0 : i32
      %dma_start3A_415 = tpu.memref_slice %arg7[%dma_start3A_413, %dma_start3A_414] : memref<10240x32xf32, #tpu.memory_space<vmem_shared>> -> memref<10240x32xf32, #tpu.memory_space<vmem_shared>>
      tpu.enqueue_indirect_dma source(%arg12 : memref<128x32xf32, #tpu.memory_space<vmem>>) target(%dma_start3A_415 : memref<10240x32xf32, #tpu.memory_space<vmem_shared>>) offsets(%dma_start3A_412 : memref<128xi32, #tpu.memory_space<vmem>>) semaphore(%arg14 : memref<!tpu.dma_semaphore, #tpu.memory_space<semaphore_mem>>) {add = true}
      %dma_wait3A_416 = arith.constant 1 : i32
      %dma_wait3A_417 = arith.constant 0 : i32
      %dma_wait3A_418 = tpu.memref_slice %arg11[%dma_wait3A_416, %dma_wait3A_417] : memref<8x128xi32, #tpu.memory_space<vmem>> -> memref<1x128xi32, #tpu.memory_space<vmem>>
      %dma_wait3A_419 = tpu.memref_squeeze %dma_wait3A_418 : memref<1x128xi32, #tpu.memory_space<vmem>> -> memref<128xi32, #tpu.memory_space<vmem>>
      %dma_wait3A_420 = arith.constant 0 : i32
      %dma_wait3A_421 = arith.constant 0 : i32
      %dma_wait3A_422 = tpu.memref_slice %arg7[%dma_wait3A_420, %dma_wait3A_421] : memref<10240x32xf32, #tpu.memory_space<vmem_shared>> -> memref<10240x32xf32, #tpu.memory_space<vmem_shared>>
      tpu.wait_indirect_dma semaphore(%arg15 : memref<!tpu.dma_semaphore, #tpu.memory_space<semaphore_mem>>) src(%arg13 : memref<128x32xf32, #tpu.memory_space<vmem>>) dst(%dma_wait3A_422 : memref<10240x32xf32, #tpu.memory_space<vmem_shared>>)
      %dma_start3A_423 = arith.constant 1 : i32
      %dma_start3A_424 = arith.constant 0 : i32
      %dma_start3A_425 = tpu.memref_slice %arg9[%dma_start3A_423, %dma_start3A_424] : memref<8x128xi32, #tpu.memory_space<vmem>> -> memref<1x128xi32, #tpu.memory_space<vmem>>
      %dma_start3A_426 = tpu.memref_squeeze %dma_start3A_425 : memref<1x128xi32, #tpu.memory_space<vmem>> -> memref<128xi32, #tpu.memory_space<vmem>>
      %dma_start3A_427 = arith.constant 0 : i32
      %dma_start3A_428 = arith.constant 0 : i32
      %dma_start3A_429 = tpu.memref_slice %arg6[%dma_start3A_427, %dma_start3A_428] : memref<10240x32xf32, #tpu.memory_space<vmem_shared>> -> memref<10240x32xf32, #tpu.memory_space<vmem_shared>>
      tpu.enqueue_indirect_dma source(%dma_start3A_429 : memref<10240x32xf32, #tpu.memory_space<vmem_shared>>) target(%arg13 : memref<128x32xf32, #tpu.memory_space<vmem>>) offsets(%dma_start3A_426 : memref<128xi32, #tpu.memory_space<vmem>>) semaphore(%arg16 : memref<!tpu.dma_semaphore, #tpu.memory_space<semaphore_mem>>)
      %dma_wait3A_430 = arith.constant 1 : i32
      %dma_wait3A_431 = arith.constant 0 : i32
      %dma_wait3A_432 = tpu.memref_slice %arg9[%dma_wait3A_430, %dma_wait3A_431] : memref<8x128xi32, #tpu.memory_space<vmem>> -> memref<1x128xi32, #tpu.memory_space<vmem>>
      %dma_wait3A_433 = tpu.memref_squeeze %dma_wait3A_432 : memref<1x128xi32, #tpu.memory_space<vmem>> -> memref<128xi32, #tpu.memory_space<vmem>>
      %dma_wait3A_434 = arith.constant 0 : i32
      %dma_wait3A_435 = arith.constant 0 : i32
      %dma_wait3A_436 = tpu.memref_slice %arg6[%dma_wait3A_434, %dma_wait3A_435] : memref<10240x32xf32, #tpu.memory_space<vmem_shared>> -> memref<10240x32xf32, #tpu.memory_space<vmem_shared>>
      tpu.wait_indirect_dma semaphore(%arg16 : memref<!tpu.dma_semaphore, #tpu.memory_space<semaphore_mem>>) src(%dma_wait3A_436 : memref<10240x32xf32, #tpu.memory_space<vmem_shared>>) dst(%arg13 : memref<128x32xf32, #tpu.memory_space<vmem>>)
      %dma_start3A_437 = arith.constant 1 : i32
      %dma_start3A_438 = arith.constant 0 : i32
      %dma_start3A_439 = tpu.memref_slice %arg11[%dma_start3A_437, %dma_start3A_438] : memref<8x128xi32, #tpu.memory_space<vmem>> -> memref<1x128xi32, #tpu.memory_space<vmem>>
      %dma_start3A_440 = tpu.memref_squeeze %dma_start3A_439 : memref<1x128xi32, #tpu.memory_space<vmem>> -> memref<128xi32, #tpu.memory_space<vmem>>
      %dma_start3A_441 = arith.constant 0 : i32
      %dma_start3A_442 = arith.constant 0 : i32
      %dma_start3A_443 = tpu.memref_slice %arg7[%dma_start3A_441, %dma_start3A_442] : memref<10240x32xf32, #tpu.memory_space<vmem_shared>> -> memref<10240x32xf32, #tpu.memory_space<vmem_shared>>
      tpu.enqueue_indirect_dma source(%arg13 : memref<128x32xf32, #tpu.memory_space<vmem>>) target(%dma_start3A_443 : memref<10240x32xf32, #tpu.memory_space<vmem_shared>>) offsets(%dma_start3A_440 : memref<128xi32, #tpu.memory_space<vmem>>) semaphore(%arg15 : memref<!tpu.dma_semaphore, #tpu.memory_space<semaphore_mem>>) {add = true}
      %dma_wait3A_444 = arith.constant 2 : i32
      %dma_wait3A_445 = arith.constant 0 : i32
      %dma_wait3A_446 = tpu.memref_slice %arg11[%dma_wait3A_444, %dma_wait3A_445] : memref<8x128xi32, #tpu.memory_space<vmem>> -> memref<1x128xi32, #tpu.memory_space<vmem>>
      %dma_wait3A_447 = tpu.memref_squeeze %dma_wait3A_446 : memref<1x128xi32, #tpu.memory_space<vmem>> -> memref<128xi32, #tpu.memory_space<vmem>>
      %dma_wait3A_448 = arith.constant 0 : i32
      %dma_wait3A_449 = arith.constant 0 : i32
      %dma_wait3A_450 = tpu.memref_slice %arg7[%dma_wait3A_448, %dma_wait3A_449] : memref<10240x32xf32, #tpu.memory_space<vmem_shared>> -> memref<10240x32xf32, #tpu.memory_space<vmem_shared>>
      tpu.wait_indirect_dma semaphore(%arg14 : memref<!tpu.dma_semaphore, #tpu.memory_space<semaphore_mem>>) src(%arg12 : memref<128x32xf32, #tpu.memory_space<vmem>>) dst(%dma_wait3A_450 : memref<10240x32xf32, #tpu.memory_space<vmem_shared>>)
      %dma_start3A_451 = arith.constant 2 : i32
      %dma_start3A_452 = arith.constant 0 : i32
      %dma_start3A_453 = tpu.memref_slice %arg9[%dma_start3A_451, %dma_start3A_452] : memref<8x128xi32, #tpu.memory_space<vmem>> -> memref<1x128xi32, #tpu.memory_space<vmem>>
      %dma_start3A_454 = tpu.memref_squeeze %dma_start3A_453 : memref<1x128xi32, #tpu.memory_space<vmem>> -> memref<128xi32, #tpu.memory_space<vmem>>
      %dma_start3A_455 = arith.constant 0 : i32
      %dma_start3A_456 = arith.constant 0 : i32
      %dma_start3A_457 = tpu.memref_slice %arg6[%dma_start3A_455, %dma_start3A_456] : memref<10240x32xf32, #tpu.memory_space<vmem_shared>> -> memref<10240x32xf32, #tpu.memory_space<vmem_shared>>
      tpu.enqueue_indirect_dma source(%dma_start3A_457 : memref<10240x32xf32, #tpu.memory_space<vmem_shared>>) target(%arg12 : memref<128x32xf32, #tpu.memory_space<vmem>>) offsets(%dma_start3A_454 : memref<128xi32, #tpu.memory_space<vmem>>) semaphore(%arg16 : memref<!tpu.dma_semaphore, #tpu.memory_space<semaphore_mem>>)
      %dma_wait3A_458 = arith.constant 2 : i32
      %dma_wait3A_459 = arith.constant 0 : i32
      %dma_wait3A_460 = tpu.memref_slice %arg9[%dma_wait3A_458, %dma_wait3A_459] : memref<8x128xi32, #tpu.memory_space<vmem>> -> memref<1x128xi32, #tpu.memory_space<vmem>>
      %dma_wait3A_461 = tpu.memref_squeeze %dma_wait3A_460 : memref<1x128xi32, #tpu.memory_space<vmem>> -> memref<128xi32, #tpu.memory_space<vmem>>
      %dma_wait3A_462 = arith.constant 0 : i32
      %dma_wait3A_463 = arith.constant 0 : i32
      %dma_wait3A_464 = tpu.memref_slice %arg6[%dma_wait3A_462, %dma_wait3A_463] : memref<10240x32xf32, #tpu.memory_space<vmem_shared>> -> memref<10240x32xf32, #tpu.memory_space<vmem_shared>>
      tpu.wait_indirect_dma semaphore(%arg16 : memref<!tpu.dma_semaphore, #tpu.memory_space<semaphore_mem>>) src(%dma_wait3A_464 : memref<10240x32xf32, #tpu.memory_space<vmem_shared>>) dst(%arg12 : memref<128x32xf32, #tpu.memory_space<vmem>>)
      %dma_start3A_465 = arith.constant 2 : i32
      %dma_start3A_466 = arith.constant 0 : i32
      %dma_start3A_467 = tpu.memref_slice %arg11[%dma_start3A_465, %dma_start3A_466] : memref<8x128xi32, #tpu.memory_space<vmem>> -> memref<1x128xi32, #tpu.memory_space<vmem>>
      %dma_start3A_468 = tpu.memref_squeeze %dma_start3A_467 : memref<1x128xi32, #tpu.memory_space<vmem>> -> memref<128xi32, #tpu.memory_space<vmem>>
      %dma_start3A_469 = arith.constant 0 : i32
      %dma_start3A_470 = arith.constant 0 : i32
      %dma_start3A_471 = tpu.memref_slice %arg7[%dma_start3A_469, %dma_start3A_470] : memref<10240x32xf32, #tpu.memory_space<vmem_shared>> -> memref<10240x32xf32, #tpu.memory_space<vmem_shared>>
      tpu.enqueue_indirect_dma source(%arg12 : memref<128x32xf32, #tpu.memory_space<vmem>>) target(%dma_start3A_471 : memref<10240x32xf32, #tpu.memory_space<vmem_shared>>) offsets(%dma_start3A_468 : memref<128xi32, #tpu.memory_space<vmem>>) semaphore(%arg14 : memref<!tpu.dma_semaphore, #tpu.memory_space<semaphore_mem>>) {add = true}
      %dma_wait3A_472 = arith.constant 3 : i32
      %dma_wait3A_473 = arith.constant 0 : i32
      %dma_wait3A_474 = tpu.memref_slice %arg11[%dma_wait3A_472, %dma_wait3A_473] : memref<8x128xi32, #tpu.memory_space<vmem>> -> memref<1x128xi32, #tpu.memory_space<vmem>>
      %dma_wait3A_475 = tpu.memref_squeeze %dma_wait3A_474 : memref<1x128xi32, #tpu.memory_space<vmem>> -> memref<128xi32, #tpu.memory_space<vmem>>
      %dma_wait3A_476 = arith.constant 0 : i32
      %dma_wait3A_477 = arith.constant 0 : i32
      %dma_wait3A_478 = tpu.memref_slice %arg7[%dma_wait3A_476, %dma_wait3A_477] : memref<10240x32xf32, #tpu.memory_space<vmem_shared>> -> memref<10240x32xf32, #tpu.memory_space<vmem_shared>>
      tpu.wait_indirect_dma semaphore(%arg15 : memref<!tpu.dma_semaphore, #tpu.memory_space<semaphore_mem>>) src(%arg13 : memref<128x32xf32, #tpu.memory_space<vmem>>) dst(%dma_wait3A_478 : memref<10240x32xf32, #tpu.memory_space<vmem_shared>>)
      %dma_start3A_479 = arith.constant 3 : i32
      %dma_start3A_480 = arith.constant 0 : i32
      %dma_start3A_481 = tpu.memref_slice %arg9[%dma_start3A_479, %dma_start3A_480] : memref<8x128xi32, #tpu.memory_space<vmem>> -> memref<1x128xi32, #tpu.memory_space<vmem>>
      %dma_start3A_482 = tpu.memref_squeeze %dma_start3A_481 : memref<1x128xi32, #tpu.memory_space<vmem>> -> memref<128xi32, #tpu.memory_space<vmem>>
      %dma_start3A_483 = arith.constant 0 : i32
      %dma_start3A_484 = arith.constant 0 : i32
      %dma_start3A_485 = tpu.memref_slice %arg6[%dma_start3A_483, %dma_start3A_484] : memref<10240x32xf32, #tpu.memory_space<vmem_shared>> -> memref<10240x32xf32, #tpu.memory_space<vmem_shared>>
      tpu.enqueue_indirect_dma source(%dma_start3A_485 : memref<10240x32xf32, #tpu.memory_space<vmem_shared>>) target(%arg13 : memref<128x32xf32, #tpu.memory_space<vmem>>) offsets(%dma_start3A_482 : memref<128xi32, #tpu.memory_space<vmem>>) semaphore(%arg16 : memref<!tpu.dma_semaphore, #tpu.memory_space<semaphore_mem>>)
      %dma_wait3A_486 = arith.constant 3 : i32
      %dma_wait3A_487 = arith.constant 0 : i32
      %dma_wait3A_488 = tpu.memref_slice %arg9[%dma_wait3A_486, %dma_wait3A_487] : memref<8x128xi32, #tpu.memory_space<vmem>> -> memref<1x128xi32, #tpu.memory_space<vmem>>
      %dma_wait3A_489 = tpu.memref_squeeze %dma_wait3A_488 : memref<1x128xi32, #tpu.memory_space<vmem>> -> memref<128xi32, #tpu.memory_space<vmem>>
      %dma_wait3A_490 = arith.constant 0 : i32
      %dma_wait3A_491 = arith.constant 0 : i32
      %dma_wait3A_492 = tpu.memref_slice %arg6[%dma_wait3A_490, %dma_wait3A_491] : memref<10240x32xf32, #tpu.memory_space<vmem_shared>> -> memref<10240x32xf32, #tpu.memory_space<vmem_shared>>
      tpu.wait_indirect_dma semaphore(%arg16 : memref<!tpu.dma_semaphore, #tpu.memory_space<semaphore_mem>>) src(%dma_wait3A_492 : memref<10240x32xf32, #tpu.memory_space<vmem_shared>>) dst(%arg13 : memref<128x32xf32, #tpu.memory_space<vmem>>)
      %dma_start3A_493 = arith.constant 3 : i32
      %dma_start3A_494 = arith.constant 0 : i32
      %dma_start3A_495 = tpu.memref_slice %arg11[%dma_start3A_493, %dma_start3A_494] : memref<8x128xi32, #tpu.memory_space<vmem>> -> memref<1x128xi32, #tpu.memory_space<vmem>>
      %dma_start3A_496 = tpu.memref_squeeze %dma_start3A_495 : memref<1x128xi32, #tpu.memory_space<vmem>> -> memref<128xi32, #tpu.memory_space<vmem>>
      %dma_start3A_497 = arith.constant 0 : i32
      %dma_start3A_498 = arith.constant 0 : i32
      %dma_start3A_499 = tpu.memref_slice %arg7[%dma_start3A_497, %dma_start3A_498] : memref<10240x32xf32, #tpu.memory_space<vmem_shared>> -> memref<10240x32xf32, #tpu.memory_space<vmem_shared>>
      tpu.enqueue_indirect_dma source(%arg13 : memref<128x32xf32, #tpu.memory_space<vmem>>) target(%dma_start3A_499 : memref<10240x32xf32, #tpu.memory_space<vmem_shared>>) offsets(%dma_start3A_496 : memref<128xi32, #tpu.memory_space<vmem>>) semaphore(%arg15 : memref<!tpu.dma_semaphore, #tpu.memory_space<semaphore_mem>>) {add = true}
      %dma_wait3A_500 = arith.constant 4 : i32
      %dma_wait3A_501 = arith.constant 0 : i32
      %dma_wait3A_502 = tpu.memref_slice %arg11[%dma_wait3A_500, %dma_wait3A_501] : memref<8x128xi32, #tpu.memory_space<vmem>> -> memref<1x128xi32, #tpu.memory_space<vmem>>
      %dma_wait3A_503 = tpu.memref_squeeze %dma_wait3A_502 : memref<1x128xi32, #tpu.memory_space<vmem>> -> memref<128xi32, #tpu.memory_space<vmem>>
      %dma_wait3A_504 = arith.constant 0 : i32
      %dma_wait3A_505 = arith.constant 0 : i32
      %dma_wait3A_506 = tpu.memref_slice %arg7[%dma_wait3A_504, %dma_wait3A_505] : memref<10240x32xf32, #tpu.memory_space<vmem_shared>> -> memref<10240x32xf32, #tpu.memory_space<vmem_shared>>
      tpu.wait_indirect_dma semaphore(%arg14 : memref<!tpu.dma_semaphore, #tpu.memory_space<semaphore_mem>>) src(%arg12 : memref<128x32xf32, #tpu.memory_space<vmem>>) dst(%dma_wait3A_506 : memref<10240x32xf32, #tpu.memory_space<vmem_shared>>)
      %dma_start3A_507 = arith.constant 4 : i32
      %dma_start3A_508 = arith.constant 0 : i32
      %dma_start3A_509 = tpu.memref_slice %arg9[%dma_start3A_507, %dma_start3A_508] : memref<8x128xi32, #tpu.memory_space<vmem>> -> memref<1x128xi32, #tpu.memory_space<vmem>>
      %dma_start3A_510 = tpu.memref_squeeze %dma_start3A_509 : memref<1x128xi32, #tpu.memory_space<vmem>> -> memref<128xi32, #tpu.memory_space<vmem>>
      %dma_start3A_511 = arith.constant 0 : i32
      %dma_start3A_512 = arith.constant 0 : i32
      %dma_start3A_513 = tpu.memref_slice %arg6[%dma_start3A_511, %dma_start3A_512] : memref<10240x32xf32, #tpu.memory_space<vmem_shared>> -> memref<10240x32xf32, #tpu.memory_space<vmem_shared>>
      tpu.enqueue_indirect_dma source(%dma_start3A_513 : memref<10240x32xf32, #tpu.memory_space<vmem_shared>>) target(%arg12 : memref<128x32xf32, #tpu.memory_space<vmem>>) offsets(%dma_start3A_510 : memref<128xi32, #tpu.memory_space<vmem>>) semaphore(%arg16 : memref<!tpu.dma_semaphore, #tpu.memory_space<semaphore_mem>>)
      %dma_wait3A_514 = arith.constant 4 : i32
      %dma_wait3A_515 = arith.constant 0 : i32
      %dma_wait3A_516 = tpu.memref_slice %arg9[%dma_wait3A_514, %dma_wait3A_515] : memref<8x128xi32, #tpu.memory_space<vmem>> -> memref<1x128xi32, #tpu.memory_space<vmem>>
      %dma_wait3A_517 = tpu.memref_squeeze %dma_wait3A_516 : memref<1x128xi32, #tpu.memory_space<vmem>> -> memref<128xi32, #tpu.memory_space<vmem>>
      %dma_wait3A_518 = arith.constant 0 : i32
      %dma_wait3A_519 = arith.constant 0 : i32
      %dma_wait3A_520 = tpu.memref_slice %arg6[%dma_wait3A_518, %dma_wait3A_519] : memref<10240x32xf32, #tpu.memory_space<vmem_shared>> -> memref<10240x32xf32, #tpu.memory_space<vmem_shared>>
      tpu.wait_indirect_dma semaphore(%arg16 : memref<!tpu.dma_semaphore, #tpu.memory_space<semaphore_mem>>) src(%dma_wait3A_520 : memref<10240x32xf32, #tpu.memory_space<vmem_shared>>) dst(%arg12 : memref<128x32xf32, #tpu.memory_space<vmem>>)
      %dma_start3A_521 = arith.constant 4 : i32
      %dma_start3A_522 = arith.constant 0 : i32
      %dma_start3A_523 = tpu.memref_slice %arg11[%dma_start3A_521, %dma_start3A_522] : memref<8x128xi32, #tpu.memory_space<vmem>> -> memref<1x128xi32, #tpu.memory_space<vmem>>
      %dma_start3A_524 = tpu.memref_squeeze %dma_start3A_523 : memref<1x128xi32, #tpu.memory_space<vmem>> -> memref<128xi32, #tpu.memory_space<vmem>>
      %dma_start3A_525 = arith.constant 0 : i32
      %dma_start3A_526 = arith.constant 0 : i32
      %dma_start3A_527 = tpu.memref_slice %arg7[%dma_start3A_525, %dma_start3A_526] : memref<10240x32xf32, #tpu.memory_space<vmem_shared>> -> memref<10240x32xf32, #tpu.memory_space<vmem_shared>>
      tpu.enqueue_indirect_dma source(%arg12 : memref<128x32xf32, #tpu.memory_space<vmem>>) target(%dma_start3A_527 : memref<10240x32xf32, #tpu.memory_space<vmem_shared>>) offsets(%dma_start3A_524 : memref<128xi32, #tpu.memory_space<vmem>>) semaphore(%arg14 : memref<!tpu.dma_semaphore, #tpu.memory_space<semaphore_mem>>) {add = true}
      %dma_wait3A_528 = arith.constant 5 : i32
      %dma_wait3A_529 = arith.constant 0 : i32
      %dma_wait3A_530 = tpu.memref_slice %arg11[%dma_wait3A_528, %dma_wait3A_529] : memref<8x128xi32, #tpu.memory_space<vmem>> -> memref<1x128xi32, #tpu.memory_space<vmem>>
      %dma_wait3A_531 = tpu.memref_squeeze %dma_wait3A_530 : memref<1x128xi32, #tpu.memory_space<vmem>> -> memref<128xi32, #tpu.memory_space<vmem>>
      %dma_wait3A_532 = arith.constant 0 : i32
      %dma_wait3A_533 = arith.constant 0 : i32
      %dma_wait3A_534 = tpu.memref_slice %arg7[%dma_wait3A_532, %dma_wait3A_533] : memref<10240x32xf32, #tpu.memory_space<vmem_shared>> -> memref<10240x32xf32, #tpu.memory_space<vmem_shared>>
      tpu.wait_indirect_dma semaphore(%arg15 : memref<!tpu.dma_semaphore, #tpu.memory_space<semaphore_mem>>) src(%arg13 : memref<128x32xf32, #tpu.memory_space<vmem>>) dst(%dma_wait3A_534 : memref<10240x32xf32, #tpu.memory_space<vmem_shared>>)
      %dma_start3A_535 = arith.constant 5 : i32
      %dma_start3A_536 = arith.constant 0 : i32
      %dma_start3A_537 = tpu.memref_slice %arg9[%dma_start3A_535, %dma_start3A_536] : memref<8x128xi32, #tpu.memory_space<vmem>> -> memref<1x128xi32, #tpu.memory_space<vmem>>
      %dma_start3A_538 = tpu.memref_squeeze %dma_start3A_537 : memref<1x128xi32, #tpu.memory_space<vmem>> -> memref<128xi32, #tpu.memory_space<vmem>>
      %dma_start3A_539 = arith.constant 0 : i32
      %dma_start3A_540 = arith.constant 0 : i32
      %dma_start3A_541 = tpu.memref_slice %arg6[%dma_start3A_539, %dma_start3A_540] : memref<10240x32xf32, #tpu.memory_space<vmem_shared>> -> memref<10240x32xf32, #tpu.memory_space<vmem_shared>>
      tpu.enqueue_indirect_dma source(%dma_start3A_541 : memref<10240x32xf32, #tpu.memory_space<vmem_shared>>) target(%arg13 : memref<128x32xf32, #tpu.memory_space<vmem>>) offsets(%dma_start3A_538 : memref<128xi32, #tpu.memory_space<vmem>>) semaphore(%arg16 : memref<!tpu.dma_semaphore, #tpu.memory_space<semaphore_mem>>)
      %dma_wait3A_542 = arith.constant 5 : i32
      %dma_wait3A_543 = arith.constant 0 : i32
      %dma_wait3A_544 = tpu.memref_slice %arg9[%dma_wait3A_542, %dma_wait3A_543] : memref<8x128xi32, #tpu.memory_space<vmem>> -> memref<1x128xi32, #tpu.memory_space<vmem>>
      %dma_wait3A_545 = tpu.memref_squeeze %dma_wait3A_544 : memref<1x128xi32, #tpu.memory_space<vmem>> -> memref<128xi32, #tpu.memory_space<vmem>>
      %dma_wait3A_546 = arith.constant 0 : i32
      %dma_wait3A_547 = arith.constant 0 : i32
      %dma_wait3A_548 = tpu.memref_slice %arg6[%dma_wait3A_546, %dma_wait3A_547] : memref<10240x32xf32, #tpu.memory_space<vmem_shared>> -> memref<10240x32xf32, #tpu.memory_space<vmem_shared>>
      tpu.wait_indirect_dma semaphore(%arg16 : memref<!tpu.dma_semaphore, #tpu.memory_space<semaphore_mem>>) src(%dma_wait3A_548 : memref<10240x32xf32, #tpu.memory_space<vmem_shared>>) dst(%arg13 : memref<128x32xf32, #tpu.memory_space<vmem>>)
      %dma_start3A_549 = arith.constant 5 : i32
      %dma_start3A_550 = arith.constant 0 : i32
      %dma_start3A_551 = tpu.memref_slice %arg11[%dma_start3A_549, %dma_start3A_550] : memref<8x128xi32, #tpu.memory_space<vmem>> -> memref<1x128xi32, #tpu.memory_space<vmem>>
      %dma_start3A_552 = tpu.memref_squeeze %dma_start3A_551 : memref<1x128xi32, #tpu.memory_space<vmem>> -> memref<128xi32, #tpu.memory_space<vmem>>
      %dma_start3A_553 = arith.constant 0 : i32
      %dma_start3A_554 = arith.constant 0 : i32
      %dma_start3A_555 = tpu.memref_slice %arg7[%dma_start3A_553, %dma_start3A_554] : memref<10240x32xf32, #tpu.memory_space<vmem_shared>> -> memref<10240x32xf32, #tpu.memory_space<vmem_shared>>
      tpu.enqueue_indirect_dma source(%arg13 : memref<128x32xf32, #tpu.memory_space<vmem>>) target(%dma_start3A_555 : memref<10240x32xf32, #tpu.memory_space<vmem_shared>>) offsets(%dma_start3A_552 : memref<128xi32, #tpu.memory_space<vmem>>) semaphore(%arg15 : memref<!tpu.dma_semaphore, #tpu.memory_space<semaphore_mem>>) {add = true}
      %dma_wait3A_556 = arith.constant 6 : i32
      %dma_wait3A_557 = arith.constant 0 : i32
      %dma_wait3A_558 = tpu.memref_slice %arg11[%dma_wait3A_556, %dma_wait3A_557] : memref<8x128xi32, #tpu.memory_space<vmem>> -> memref<1x128xi32, #tpu.memory_space<vmem>>
      %dma_wait3A_559 = tpu.memref_squeeze %dma_wait3A_558 : memref<1x128xi32, #tpu.memory_space<vmem>> -> memref<128xi32, #tpu.memory_space<vmem>>
      %dma_wait3A_560 = arith.constant 0 : i32
      %dma_wait3A_561 = arith.constant 0 : i32
      %dma_wait3A_562 = tpu.memref_slice %arg7[%dma_wait3A_560, %dma_wait3A_561] : memref<10240x32xf32, #tpu.memory_space<vmem_shared>> -> memref<10240x32xf32, #tpu.memory_space<vmem_shared>>
      tpu.wait_indirect_dma semaphore(%arg14 : memref<!tpu.dma_semaphore, #tpu.memory_space<semaphore_mem>>) src(%arg12 : memref<128x32xf32, #tpu.memory_space<vmem>>) dst(%dma_wait3A_562 : memref<10240x32xf32, #tpu.memory_space<vmem_shared>>)
      %dma_start3A_563 = arith.constant 6 : i32
      %dma_start3A_564 = arith.constant 0 : i32
      %dma_start3A_565 = tpu.memref_slice %arg9[%dma_start3A_563, %dma_start3A_564] : memref<8x128xi32, #tpu.memory_space<vmem>> -> memref<1x128xi32, #tpu.memory_space<vmem>>
      %dma_start3A_566 = tpu.memref_squeeze %dma_start3A_565 : memref<1x128xi32, #tpu.memory_space<vmem>> -> memref<128xi32, #tpu.memory_space<vmem>>
      %dma_start3A_567 = arith.constant 0 : i32
      %dma_start3A_568 = arith.constant 0 : i32
      %dma_start3A_569 = tpu.memref_slice %arg6[%dma_start3A_567, %dma_start3A_568] : memref<10240x32xf32, #tpu.memory_space<vmem_shared>> -> memref<10240x32xf32, #tpu.memory_space<vmem_shared>>
      tpu.enqueue_indirect_dma source(%dma_start3A_569 : memref<10240x32xf32, #tpu.memory_space<vmem_shared>>) target(%arg12 : memref<128x32xf32, #tpu.memory_space<vmem>>) offsets(%dma_start3A_566 : memref<128xi32, #tpu.memory_space<vmem>>) semaphore(%arg16 : memref<!tpu.dma_semaphore, #tpu.memory_space<semaphore_mem>>)
      %dma_wait3A_570 = arith.constant 6 : i32
      %dma_wait3A_571 = arith.constant 0 : i32
      %dma_wait3A_572 = tpu.memref_slice %arg9[%dma_wait3A_570, %dma_wait3A_571] : memref<8x128xi32, #tpu.memory_space<vmem>> -> memref<1x128xi32, #tpu.memory_space<vmem>>
      %dma_wait3A_573 = tpu.memref_squeeze %dma_wait3A_572 : memref<1x128xi32, #tpu.memory_space<vmem>> -> memref<128xi32, #tpu.memory_space<vmem>>
      %dma_wait3A_574 = arith.constant 0 : i32
      %dma_wait3A_575 = arith.constant 0 : i32
      %dma_wait3A_576 = tpu.memref_slice %arg6[%dma_wait3A_574, %dma_wait3A_575] : memref<10240x32xf32, #tpu.memory_space<vmem_shared>> -> memref<10240x32xf32, #tpu.memory_space<vmem_shared>>
      tpu.wait_indirect_dma semaphore(%arg16 : memref<!tpu.dma_semaphore, #tpu.memory_space<semaphore_mem>>) src(%dma_wait3A_576 : memref<10240x32xf32, #tpu.memory_space<vmem_shared>>) dst(%arg12 : memref<128x32xf32, #tpu.memory_space<vmem>>)
      %dma_start3A_577 = arith.constant 6 : i32
      %dma_start3A_578 = arith.constant 0 : i32
      %dma_start3A_579 = tpu.memref_slice %arg11[%dma_start3A_577, %dma_start3A_578] : memref<8x128xi32, #tpu.memory_space<vmem>> -> memref<1x128xi32, #tpu.memory_space<vmem>>
      %dma_start3A_580 = tpu.memref_squeeze %dma_start3A_579 : memref<1x128xi32, #tpu.memory_space<vmem>> -> memref<128xi32, #tpu.memory_space<vmem>>
      %dma_start3A_581 = arith.constant 0 : i32
      %dma_start3A_582 = arith.constant 0 : i32
      %dma_start3A_583 = tpu.memref_slice %arg7[%dma_start3A_581, %dma_start3A_582] : memref<10240x32xf32, #tpu.memory_space<vmem_shared>> -> memref<10240x32xf32, #tpu.memory_space<vmem_shared>>
      tpu.enqueue_indirect_dma source(%arg12 : memref<128x32xf32, #tpu.memory_space<vmem>>) target(%dma_start3A_583 : memref<10240x32xf32, #tpu.memory_space<vmem_shared>>) offsets(%dma_start3A_580 : memref<128xi32, #tpu.memory_space<vmem>>) semaphore(%arg14 : memref<!tpu.dma_semaphore, #tpu.memory_space<semaphore_mem>>) {add = true}
      %dma_wait3A_584 = arith.constant 7 : i32
      %dma_wait3A_585 = arith.constant 0 : i32
      %dma_wait3A_586 = tpu.memref_slice %arg11[%dma_wait3A_584, %dma_wait3A_585] : memref<8x128xi32, #tpu.memory_space<vmem>> -> memref<1x128xi32, #tpu.memory_space<vmem>>
      %dma_wait3A_587 = tpu.memref_squeeze %dma_wait3A_586 : memref<1x128xi32, #tpu.memory_space<vmem>> -> memref<128xi32, #tpu.memory_space<vmem>>
      %dma_wait3A_588 = arith.constant 0 : i32
      %dma_wait3A_589 = arith.constant 0 : i32
      %dma_wait3A_590 = tpu.memref_slice %arg7[%dma_wait3A_588, %dma_wait3A_589] : memref<10240x32xf32, #tpu.memory_space<vmem_shared>> -> memref<10240x32xf32, #tpu.memory_space<vmem_shared>>
      tpu.wait_indirect_dma semaphore(%arg15 : memref<!tpu.dma_semaphore, #tpu.memory_space<semaphore_mem>>) src(%arg13 : memref<128x32xf32, #tpu.memory_space<vmem>>) dst(%dma_wait3A_590 : memref<10240x32xf32, #tpu.memory_space<vmem_shared>>)
      %dma_start3A_591 = arith.constant 7 : i32
      %dma_start3A_592 = arith.constant 0 : i32
      %dma_start3A_593 = tpu.memref_slice %arg9[%dma_start3A_591, %dma_start3A_592] : memref<8x128xi32, #tpu.memory_space<vmem>> -> memref<1x128xi32, #tpu.memory_space<vmem>>
      %dma_start3A_594 = tpu.memref_squeeze %dma_start3A_593 : memref<1x128xi32, #tpu.memory_space<vmem>> -> memref<128xi32, #tpu.memory_space<vmem>>
      %dma_start3A_595 = arith.constant 0 : i32
      %dma_start3A_596 = arith.constant 0 : i32
      %dma_start3A_597 = tpu.memref_slice %arg6[%dma_start3A_595, %dma_start3A_596] : memref<10240x32xf32, #tpu.memory_space<vmem_shared>> -> memref<10240x32xf32, #tpu.memory_space<vmem_shared>>
      tpu.enqueue_indirect_dma source(%dma_start3A_597 : memref<10240x32xf32, #tpu.memory_space<vmem_shared>>) target(%arg13 : memref<128x32xf32, #tpu.memory_space<vmem>>) offsets(%dma_start3A_594 : memref<128xi32, #tpu.memory_space<vmem>>) semaphore(%arg16 : memref<!tpu.dma_semaphore, #tpu.memory_space<semaphore_mem>>)
      %dma_wait3A_598 = arith.constant 7 : i32
      %dma_wait3A_599 = arith.constant 0 : i32
      %dma_wait3A_600 = tpu.memref_slice %arg9[%dma_wait3A_598, %dma_wait3A_599] : memref<8x128xi32, #tpu.memory_space<vmem>> -> memref<1x128xi32, #tpu.memory_space<vmem>>
      %dma_wait3A_601 = tpu.memref_squeeze %dma_wait3A_600 : memref<1x128xi32, #tpu.memory_space<vmem>> -> memref<128xi32, #tpu.memory_space<vmem>>
      %dma_wait3A_602 = arith.constant 0 : i32
      %dma_wait3A_603 = arith.constant 0 : i32
      %dma_wait3A_604 = tpu.memref_slice %arg6[%dma_wait3A_602, %dma_wait3A_603] : memref<10240x32xf32, #tpu.memory_space<vmem_shared>> -> memref<10240x32xf32, #tpu.memory_space<vmem_shared>>
      tpu.wait_indirect_dma semaphore(%arg16 : memref<!tpu.dma_semaphore, #tpu.memory_space<semaphore_mem>>) src(%dma_wait3A_604 : memref<10240x32xf32, #tpu.memory_space<vmem_shared>>) dst(%arg13 : memref<128x32xf32, #tpu.memory_space<vmem>>)
      %dma_start3A_605 = arith.constant 7 : i32
      %dma_start3A_606 = arith.constant 0 : i32
      %dma_start3A_607 = tpu.memref_slice %arg11[%dma_start3A_605, %dma_start3A_606] : memref<8x128xi32, #tpu.memory_space<vmem>> -> memref<1x128xi32, #tpu.memory_space<vmem>>
      %dma_start3A_608 = tpu.memref_squeeze %dma_start3A_607 : memref<1x128xi32, #tpu.memory_space<vmem>> -> memref<128xi32, #tpu.memory_space<vmem>>
      %dma_start3A_609 = arith.constant 0 : i32
      %dma_start3A_610 = arith.constant 0 : i32
      %dma_start3A_611 = tpu.memref_slice %arg7[%dma_start3A_609, %dma_start3A_610] : memref<10240x32xf32, #tpu.memory_space<vmem_shared>> -> memref<10240x32xf32, #tpu.memory_space<vmem_shared>>
      tpu.enqueue_indirect_dma source(%arg13 : memref<128x32xf32, #tpu.memory_space<vmem>>) target(%dma_start3A_611 : memref<10240x32xf32, #tpu.memory_space<vmem_shared>>) offsets(%dma_start3A_608 : memref<128xi32, #tpu.memory_space<vmem>>) semaphore(%arg15 : memref<!tpu.dma_semaphore, #tpu.memory_space<semaphore_mem>>) {add = true}
      %scan3A_612 = arith.constant 0 : i32
      scf.yield %scan3A_612 : i32
    }
    %scan3A_48 = arith.constant 10 : i32
    %dma_wait3A = arith.constant 0 : i32
    %dma_wait3A_49 = arith.constant 0 : i32
    %dma_wait3A_50 = tpu.memref_slice %arg10[%dma_wait3A, %dma_wait3A_49] : memref<8x128xi32, #tpu.memory_space<vmem>> -> memref<1x128xi32, #tpu.memory_space<vmem>>
    %dma_wait3A_51 = tpu.memref_squeeze %dma_wait3A_50 : memref<1x128xi32, #tpu.memory_space<vmem>> -> memref<128xi32, #tpu.memory_space<vmem>>
    %dma_wait3A_52 = arith.constant 0 : i32
    %dma_wait3A_53 = arith.constant 0 : i32
    %dma_wait3A_54 = tpu.memref_slice %arg7[%dma_wait3A_52, %dma_wait3A_53] : memref<10240x32xf32, #tpu.memory_space<vmem_shared>> -> memref<10240x32xf32, #tpu.memory_space<vmem_shared>>
    tpu.wait_indirect_dma semaphore(%arg14 : memref<!tpu.dma_semaphore, #tpu.memory_space<semaphore_mem>>) src(%arg12 : memref<128x32xf32, #tpu.memory_space<vmem>>) dst(%dma_wait3A_54 : memref<10240x32xf32, #tpu.memory_space<vmem_shared>>)
    %dma_wait3A_55 = arith.constant 0 : i32
    %dma_wait3A_56 = arith.constant 0 : i32
    %dma_wait3A_57 = tpu.memref_slice %arg10[%dma_wait3A_55, %dma_wait3A_56] : memref<8x128xi32, #tpu.memory_space<vmem>> -> memref<1x128xi32, #tpu.memory_space<vmem>>
    %dma_wait3A_58 = tpu.memref_squeeze %dma_wait3A_57 : memref<1x128xi32, #tpu.memory_space<vmem>> -> memref<128xi32, #tpu.memory_space<vmem>>
    %dma_wait3A_59 = arith.constant 0 : i32
    %dma_wait3A_60 = arith.constant 0 : i32
    %dma_wait3A_61 = tpu.memref_slice %arg7[%dma_wait3A_59, %dma_wait3A_60] : memref<10240x32xf32, #tpu.memory_space<vmem_shared>> -> memref<10240x32xf32, #tpu.memory_space<vmem_shared>>
    tpu.wait_indirect_dma semaphore(%arg15 : memref<!tpu.dma_semaphore, #tpu.memory_space<semaphore_mem>>) src(%arg13 : memref<128x32xf32, #tpu.memory_space<vmem>>) dst(%dma_wait3A_61 : memref<10240x32xf32, #tpu.memory_space<vmem_shared>>)
    %dma_wait3A_62 = arith.constant 0 : i32
    %dma_wait3A_63 = arith.constant 0 : i32
    %dma_wait3A_64 = tpu.memref_slice %arg3[%arg1, %dma_wait3A_62, %dma_wait3A_63] : memref<16x168x128xi32, #tpu.memory_space<hbm>> -> memref<1x8x128xi32, #tpu.memory_space<hbm>>
    %dma_wait3A_65 = tpu.memref_squeeze %dma_wait3A_64 : memref<1x8x128xi32, #tpu.memory_space<hbm>> -> memref<8x128xi32, #tpu.memory_space<hbm>>
    %dma_wait3A_66 = arith.constant 0 : i32
    %dma_wait3A_67 = arith.constant 0 : i32
    %dma_wait3A_68 = tpu.memref_slice %arg3[%arg1, %dma_wait3A_66, %dma_wait3A_67] : memref<16x168x128xi32, #tpu.memory_space<hbm>> -> memref<1x8x128xi32, #tpu.memory_space<hbm>>
    %dma_wait3A_69 = tpu.memref_squeeze %dma_wait3A_68 : memref<1x8x128xi32, #tpu.memory_space<hbm>> -> memref<8x128xi32, #tpu.memory_space<hbm>>
    tpu.wait_dma2 semaphore(%arg17 : memref<!tpu.dma_semaphore, #tpu.memory_space<semaphore_mem>>) src(%dma_wait3A_69 : memref<8x128xi32, #tpu.memory_space<hbm>>) dst(%arg8 : memref<8x128xi32, #tpu.memory_space<vmem>>)
    %dma_wait3A_70 = arith.constant 0 : i32
    %dma_wait3A_71 = arith.constant 0 : i32
    %dma_wait3A_72 = tpu.memref_slice %arg4[%arg1, %dma_wait3A_70, %dma_wait3A_71] : memref<16x168x128xi32, #tpu.memory_space<hbm>> -> memref<1x8x128xi32, #tpu.memory_space<hbm>>
    %dma_wait3A_73 = tpu.memref_squeeze %dma_wait3A_72 : memref<1x8x128xi32, #tpu.memory_space<hbm>> -> memref<8x128xi32, #tpu.memory_space<hbm>>
    %dma_wait3A_74 = arith.constant 0 : i32
    %dma_wait3A_75 = arith.constant 0 : i32
    %dma_wait3A_76 = tpu.memref_slice %arg4[%arg1, %dma_wait3A_74, %dma_wait3A_75] : memref<16x168x128xi32, #tpu.memory_space<hbm>> -> memref<1x8x128xi32, #tpu.memory_space<hbm>>
    %dma_wait3A_77 = tpu.memref_squeeze %dma_wait3A_76 : memref<1x8x128xi32, #tpu.memory_space<hbm>> -> memref<8x128xi32, #tpu.memory_space<hbm>>
    tpu.wait_dma2 semaphore(%arg17 : memref<!tpu.dma_semaphore, #tpu.memory_space<semaphore_mem>>) src(%dma_wait3A_77 : memref<8x128xi32, #tpu.memory_space<hbm>>) dst(%arg10 : memref<8x128xi32, #tpu.memory_space<vmem>>)
    %barrier3A_78 = arith.constant 0 : index
    tpu.barrier barrier_id(%barrier3A_78)
    %mul3A_79 = arith.constant 10240 : i32
    %mul3A_80 = arith.muli %arg0, %mul3A_79 : i32
    %add3A_81 = arith.addi %mul3A_80, %mul3A_0 : i32
    "tpu.region"() ({
      %run_scoped3A = tpu.sem_alloc : memref<!tpu.dma_semaphore, #tpu.memory_space<semaphore_mem>>
      %dma_start3A_82 = arith.constant 0 : i32
      %dma_start3A_83 = tpu.memref_slice %arg5[%add3A_81, %dma_start3A_82] : memref<20480x32xf32, #tpu.memory_space<hbm>> -> memref<640x32xf32, #tpu.memory_space<hbm>>
      %dma_start3A_84 = arith.constant 0 : i32
      %dma_start3A_85 = tpu.memref_slice %arg7[%mul3A_0, %dma_start3A_84] : memref<10240x32xf32, #tpu.memory_space<vmem_shared>> -> memref<640x32xf32, #tpu.memory_space<vmem_shared>>
      tpu.enqueue_dma source(%dma_start3A_85 : memref<640x32xf32, #tpu.memory_space<vmem_shared>>) target(%dma_start3A_83 : memref<640x32xf32, #tpu.memory_space<hbm>>) target_semaphore(%run_scoped3A : memref<!tpu.dma_semaphore, #tpu.memory_space<semaphore_mem>>)
      %dma_wait3A_86 = arith.constant 0 : i32
      %dma_wait3A_87 = tpu.memref_slice %arg5[%add3A_81, %dma_wait3A_86] : memref<20480x32xf32, #tpu.memory_space<hbm>> -> memref<640x32xf32, #tpu.memory_space<hbm>>
      %dma_wait3A_88 = arith.constant 0 : i32
      %dma_wait3A_89 = tpu.memref_slice %arg7[%mul3A_0, %dma_wait3A_88] : memref<10240x32xf32, #tpu.memory_space<vmem_shared>> -> memref<640x32xf32, #tpu.memory_space<vmem_shared>>
      tpu.wait_dma2 semaphore(%run_scoped3A : memref<!tpu.dma_semaphore, #tpu.memory_space<semaphore_mem>>) src(%dma_wait3A_89 : memref<640x32xf32, #tpu.memory_space<vmem_shared>>) dst(%dma_wait3A_87 : memref<640x32xf32, #tpu.memory_space<hbm>>)
      tpu.yield
    }) : () -> ()
    return
  }
}

#map = affine_map<(d0, d1) -> (0, 0)>
#map1 = affine_map<(d0, d1) -> (0, 0, 0)>
module attributes {stable_mosaic.version = 14 : i64} {
  func.func @body(%arg0: i32, %arg1: i32, %arg2: memref<20480x80xf32, #tpu.memory_space<hbm>>, %arg3: memref<16x168x128xi32, #tpu.memory_space<hbm>>, %arg4: memref<16x168x128xi32, #tpu.memory_space<hbm>>, %arg5: memref<20480x80xf32, #tpu.memory_space<hbm>>, %arg6: memref<10240x80xf32, #tpu.memory_space<vmem_shared>>, %arg7: memref<10240x80xf32, #tpu.memory_space<vmem_shared>>, %arg8: memref<8x128xi32, #tpu.memory_space<vmem>>, %arg9: memref<8x128xi32, #tpu.memory_space<vmem>>, %arg10: memref<8x128xi32, #tpu.memory_space<vmem>>, %arg11: memref<8x128xi32, #tpu.memory_space<vmem>>, %arg12: memref<128x80xf32, #tpu.memory_space<vmem>>, %arg13: memref<128x80xf32, #tpu.memory_space<vmem>>, %arg14: memref<!tpu.dma_semaphore, #tpu.memory_space<semaphore_mem>>, %arg15: memref<!tpu.dma_semaphore, #tpu.memory_space<semaphore_mem>>, %arg16: memref<!tpu.dma_semaphore, #tpu.memory_space<semaphore_mem>>, %arg17: memref<!tpu.dma_semaphore, #tpu.memory_space<semaphore_mem>>, %arg18: memref<!tpu.dma_semaphore, #tpu.memory_space<semaphore_mem>>) attributes {dimension_semantics = [#tpu.dimension_semantics<core_parallel>, #tpu.dimension_semantics<subcore_parallel>], iteration_bounds = array<i64: 2, 16>, scalar_prefetch = 0 : i64, scratch_operands = 13 : i64, tpu.core_type = #tpu.core_type<sc_vector_subcore>, window_params = [{transform_indices = #map}, {transform_indices = #map1}, {transform_indices = #map1}, {transform_indices = #map}]} {
    %mul3A = arith.constant 640 : i32
    %mul3A_0 = arith.muli %arg1, %mul3A : i32
    %scan3A = arith.constant 0 : i32
    %scan3A_1 = arith.constant 0 : i32
    %scan3A_2 = arith.constant 128 : i32
    %scan3A_3 = arith.addi %scan3A_1, %scan3A_2 : i32
    %scan3A_4 = arith.constant 1 : i32
    %scan3A_5 = scf.for %scan3A_82 = %scan3A_1 to %scan3A_3 step %scan3A_4 iter_args(%scan3A_83 = %scan3A) -> (i32)  : i32 {
      %scan3A_84 = arith.constant 0 : i32
      %scan3A_85 = arith.constant 0 : i32
      %scan3A_86 = arith.constant 5 : i32
      %scan3A_87 = arith.addi %scan3A_85, %scan3A_86 : i32
      %scan3A_88 = arith.constant 1 : i32
      %scan3A_89 = scf.for %scan3A_91 = %scan3A_85 to %scan3A_87 step %scan3A_88 iter_args(%scan3A_92 = %scan3A_84) -> (i32)  : i32 {
        %broadcast_in_dim3A = arith.constant 0.000000e+00 : f32
        %broadcast_in_dim3A_93 = vector.broadcast %broadcast_in_dim3A : f32 to vector<16xf32>
        %mul3A_94 = arith.constant 16 : i32
        %mul3A_95 = arith.muli %scan3A_91, %mul3A_94 : i32
        %swap3A = arith.index_cast %scan3A_82 : i32 to index
        %swap3A_96 = arith.index_cast %mul3A_95 : i32 to index
        %swap3A_97 = tpu.vector_load %arg12[%swap3A, %swap3A_96] {strides = array<i32>} : memref<128x80xf32, #tpu.memory_space<vmem>>, vector<1x16xf32>,
        %swap3A_98 = vector.shape_cast %swap3A_97 : vector<1x16xf32> to vector<16xf32>
        %swap3A_99 = vector.shape_cast %broadcast_in_dim3A_93 : vector<16xf32> to vector<1x16xf32>
        tpu.vector_store %arg12[%swap3A, %swap3A_96], %swap3A_99 {strides = array<i32>} : memref<128x80xf32, #tpu.memory_space<vmem>>, vector<1x16xf32>,
        %scan3A_100 = arith.constant 0 : i32
        scf.yield %scan3A_100 : i32
      }
      %scan3A_90 = arith.constant 5 : i32
      scf.yield %scan3A_89 : i32
    }
    %scan3A_6 = arith.constant 128 : i32
    %add3A = arith.constant 0 : i32
    %add3A_7 = arith.addi %mul3A_0, %add3A : i32
    "tpu.region"() ({
      %run_scoped3A = tpu.sem_alloc : memref<!tpu.dma_semaphore, #tpu.memory_space<semaphore_mem>>
      %dma_start3A_82 = arith.constant 0 : i32
      %dma_start3A_83 = tpu.memref_slice %arg7[%add3A_7, %dma_start3A_82] : memref<10240x80xf32, #tpu.memory_space<vmem_shared>> -> memref<128x80xf32, #tpu.memory_space<vmem_shared>>
      %dma_start3A_84 = arith.constant 0 : i32
      %dma_start3A_85 = tpu.memref_slice %arg7[%add3A_7, %dma_start3A_84] : memref<10240x80xf32, #tpu.memory_space<vmem_shared>> -> memref<128x80xf32, #tpu.memory_space<vmem_shared>>
      tpu.enqueue_dma source(%arg12 : memref<128x80xf32, #tpu.memory_space<vmem>>) target(%dma_start3A_85 : memref<128x80xf32, #tpu.memory_space<vmem_shared>>) target_semaphore(%run_scoped3A : memref<!tpu.dma_semaphore, #tpu.memory_space<semaphore_mem>>)
      %dma_wait3A_86 = arith.constant 0 : i32
      %dma_wait3A_87 = tpu.memref_slice %arg7[%add3A_7, %dma_wait3A_86] : memref<10240x80xf32, #tpu.memory_space<vmem_shared>> -> memref<128x80xf32, #tpu.memory_space<vmem_shared>>
      %dma_wait3A_88 = arith.constant 0 : i32
      %dma_wait3A_89 = tpu.memref_slice %arg7[%add3A_7, %dma_wait3A_88] : memref<10240x80xf32, #tpu.memory_space<vmem_shared>> -> memref<128x80xf32, #tpu.memory_space<vmem_shared>>
      tpu.wait_dma2 semaphore(%run_scoped3A : memref<!tpu.dma_semaphore, #tpu.memory_space<semaphore_mem>>) src(%arg12 : memref<128x80xf32, #tpu.memory_space<vmem>>) dst(%dma_wait3A_89 : memref<128x80xf32, #tpu.memory_space<vmem_shared>>)
      tpu.yield
    }) : () -> ()
    %add3A_8 = arith.constant 128 : i32
    %add3A_9 = arith.addi %mul3A_0, %add3A_8 : i32
    "tpu.region"() ({
      %run_scoped3A = tpu.sem_alloc : memref<!tpu.dma_semaphore, #tpu.memory_space<semaphore_mem>>
      %dma_start3A_82 = arith.constant 0 : i32
      %dma_start3A_83 = tpu.memref_slice %arg7[%add3A_9, %dma_start3A_82] : memref<10240x80xf32, #tpu.memory_space<vmem_shared>> -> memref<128x80xf32, #tpu.memory_space<vmem_shared>>
      %dma_start3A_84 = arith.constant 0 : i32
      %dma_start3A_85 = tpu.memref_slice %arg7[%add3A_9, %dma_start3A_84] : memref<10240x80xf32, #tpu.memory_space<vmem_shared>> -> memref<128x80xf32, #tpu.memory_space<vmem_shared>>
      tpu.enqueue_dma source(%arg12 : memref<128x80xf32, #tpu.memory_space<vmem>>) target(%dma_start3A_85 : memref<128x80xf32, #tpu.memory_space<vmem_shared>>) target_semaphore(%run_scoped3A : memref<!tpu.dma_semaphore, #tpu.memory_space<semaphore_mem>>)
      %dma_wait3A_86 = arith.constant 0 : i32
      %dma_wait3A_87 = tpu.memref_slice %arg7[%add3A_9, %dma_wait3A_86] : memref<10240x80xf32, #tpu.memory_space<vmem_shared>> -> memref<128x80xf32, #tpu.memory_space<vmem_shared>>
      %dma_wait3A_88 = arith.constant 0 : i32
      %dma_wait3A_89 = tpu.memref_slice %arg7[%add3A_9, %dma_wait3A_88] : memref<10240x80xf32, #tpu.memory_space<vmem_shared>> -> memref<128x80xf32, #tpu.memory_space<vmem_shared>>
      tpu.wait_dma2 semaphore(%run_scoped3A : memref<!tpu.dma_semaphore, #tpu.memory_space<semaphore_mem>>) src(%arg12 : memref<128x80xf32, #tpu.memory_space<vmem>>) dst(%dma_wait3A_89 : memref<128x80xf32, #tpu.memory_space<vmem_shared>>)
      tpu.yield
    }) : () -> ()
    %add3A_10 = arith.constant 256 : i32
    %add3A_11 = arith.addi %mul3A_0, %add3A_10 : i32
    "tpu.region"() ({
      %run_scoped3A = tpu.sem_alloc : memref<!tpu.dma_semaphore, #tpu.memory_space<semaphore_mem>>
      %dma_start3A_82 = arith.constant 0 : i32
      %dma_start3A_83 = tpu.memref_slice %arg7[%add3A_11, %dma_start3A_82] : memref<10240x80xf32, #tpu.memory_space<vmem_shared>> -> memref<128x80xf32, #tpu.memory_space<vmem_shared>>
      %dma_start3A_84 = arith.constant 0 : i32
      %dma_start3A_85 = tpu.memref_slice %arg7[%add3A_11, %dma_start3A_84] : memref<10240x80xf32, #tpu.memory_space<vmem_shared>> -> memref<128x80xf32, #tpu.memory_space<vmem_shared>>
      tpu.enqueue_dma source(%arg12 : memref<128x80xf32, #tpu.memory_space<vmem>>) target(%dma_start3A_85 : memref<128x80xf32, #tpu.memory_space<vmem_shared>>) target_semaphore(%run_scoped3A : memref<!tpu.dma_semaphore, #tpu.memory_space<semaphore_mem>>)
      %dma_wait3A_86 = arith.constant 0 : i32
      %dma_wait3A_87 = tpu.memref_slice %arg7[%add3A_11, %dma_wait3A_86] : memref<10240x80xf32, #tpu.memory_space<vmem_shared>> -> memref<128x80xf32, #tpu.memory_space<vmem_shared>>
      %dma_wait3A_88 = arith.constant 0 : i32
      %dma_wait3A_89 = tpu.memref_slice %arg7[%add3A_11, %dma_wait3A_88] : memref<10240x80xf32, #tpu.memory_space<vmem_shared>> -> memref<128x80xf32, #tpu.memory_space<vmem_shared>>
      tpu.wait_dma2 semaphore(%run_scoped3A : memref<!tpu.dma_semaphore, #tpu.memory_space<semaphore_mem>>) src(%arg12 : memref<128x80xf32, #tpu.memory_space<vmem>>) dst(%dma_wait3A_89 : memref<128x80xf32, #tpu.memory_space<vmem_shared>>)
      tpu.yield
    }) : () -> ()
    %add3A_12 = arith.constant 384 : i32
    %add3A_13 = arith.addi %mul3A_0, %add3A_12 : i32
    "tpu.region"() ({
      %run_scoped3A = tpu.sem_alloc : memref<!tpu.dma_semaphore, #tpu.memory_space<semaphore_mem>>
      %dma_start3A_82 = arith.constant 0 : i32
      %dma_start3A_83 = tpu.memref_slice %arg7[%add3A_13, %dma_start3A_82] : memref<10240x80xf32, #tpu.memory_space<vmem_shared>> -> memref<128x80xf32, #tpu.memory_space<vmem_shared>>
      %dma_start3A_84 = arith.constant 0 : i32
      %dma_start3A_85 = tpu.memref_slice %arg7[%add3A_13, %dma_start3A_84] : memref<10240x80xf32, #tpu.memory_space<vmem_shared>> -> memref<128x80xf32, #tpu.memory_space<vmem_shared>>
      tpu.enqueue_dma source(%arg12 : memref<128x80xf32, #tpu.memory_space<vmem>>) target(%dma_start3A_85 : memref<128x80xf32, #tpu.memory_space<vmem_shared>>) target_semaphore(%run_scoped3A : memref<!tpu.dma_semaphore, #tpu.memory_space<semaphore_mem>>)
      %dma_wait3A_86 = arith.constant 0 : i32
      %dma_wait3A_87 = tpu.memref_slice %arg7[%add3A_13, %dma_wait3A_86] : memref<10240x80xf32, #tpu.memory_space<vmem_shared>> -> memref<128x80xf32, #tpu.memory_space<vmem_shared>>
      %dma_wait3A_88 = arith.constant 0 : i32
      %dma_wait3A_89 = tpu.memref_slice %arg7[%add3A_13, %dma_wait3A_88] : memref<10240x80xf32, #tpu.memory_space<vmem_shared>> -> memref<128x80xf32, #tpu.memory_space<vmem_shared>>
      tpu.wait_dma2 semaphore(%run_scoped3A : memref<!tpu.dma_semaphore, #tpu.memory_space<semaphore_mem>>) src(%arg12 : memref<128x80xf32, #tpu.memory_space<vmem>>) dst(%dma_wait3A_89 : memref<128x80xf32, #tpu.memory_space<vmem_shared>>)
      tpu.yield
    }) : () -> ()
    %add3A_14 = arith.constant 512 : i32
    %add3A_15 = arith.addi %mul3A_0, %add3A_14 : i32
    "tpu.region"() ({
      %run_scoped3A = tpu.sem_alloc : memref<!tpu.dma_semaphore, #tpu.memory_space<semaphore_mem>>
      %dma_start3A_82 = arith.constant 0 : i32
      %dma_start3A_83 = tpu.memref_slice %arg7[%add3A_15, %dma_start3A_82] : memref<10240x80xf32, #tpu.memory_space<vmem_shared>> -> memref<128x80xf32, #tpu.memory_space<vmem_shared>>
      %dma_start3A_84 = arith.constant 0 : i32
      %dma_start3A_85 = tpu.memref_slice %arg7[%add3A_15, %dma_start3A_84] : memref<10240x80xf32, #tpu.memory_space<vmem_shared>> -> memref<128x80xf32, #tpu.memory_space<vmem_shared>>
      tpu.enqueue_dma source(%arg12 : memref<128x80xf32, #tpu.memory_space<vmem>>) target(%dma_start3A_85 : memref<128x80xf32, #tpu.memory_space<vmem_shared>>) target_semaphore(%run_scoped3A : memref<!tpu.dma_semaphore, #tpu.memory_space<semaphore_mem>>)
      %dma_wait3A_86 = arith.constant 0 : i32
      %dma_wait3A_87 = tpu.memref_slice %arg7[%add3A_15, %dma_wait3A_86] : memref<10240x80xf32, #tpu.memory_space<vmem_shared>> -> memref<128x80xf32, #tpu.memory_space<vmem_shared>>
      %dma_wait3A_88 = arith.constant 0 : i32
      %dma_wait3A_89 = tpu.memref_slice %arg7[%add3A_15, %dma_wait3A_88] : memref<10240x80xf32, #tpu.memory_space<vmem_shared>> -> memref<128x80xf32, #tpu.memory_space<vmem_shared>>
      tpu.wait_dma2 semaphore(%run_scoped3A : memref<!tpu.dma_semaphore, #tpu.memory_space<semaphore_mem>>) src(%arg12 : memref<128x80xf32, #tpu.memory_space<vmem>>) dst(%dma_wait3A_89 : memref<128x80xf32, #tpu.memory_space<vmem_shared>>)
      tpu.yield
    }) : () -> ()
    %mul3A_16 = arith.constant 10240 : i32
    %mul3A_17 = arith.muli %arg0, %mul3A_16 : i32
    %add3A_18 = arith.addi %mul3A_17, %mul3A_0 : i32
    "tpu.region"() ({
      %run_scoped3A = tpu.sem_alloc : memref<!tpu.dma_semaphore, #tpu.memory_space<semaphore_mem>>
      %dma_start3A_82 = arith.constant 0 : i32
      %dma_start3A_83 = tpu.memref_slice %arg6[%mul3A_0, %dma_start3A_82] : memref<10240x80xf32, #tpu.memory_space<vmem_shared>> -> memref<640x80xf32, #tpu.memory_space<vmem_shared>>
      %dma_start3A_84 = arith.constant 0 : i32
      %dma_start3A_85 = tpu.memref_slice %arg2[%add3A_18, %dma_start3A_84] : memref<20480x80xf32, #tpu.memory_space<hbm>> -> memref<640x80xf32, #tpu.memory_space<hbm>>
      tpu.enqueue_dma source(%dma_start3A_85 : memref<640x80xf32, #tpu.memory_space<hbm>>) target(%dma_start3A_83 : memref<640x80xf32, #tpu.memory_space<vmem_shared>>) target_semaphore(%run_scoped3A : memref<!tpu.dma_semaphore, #tpu.memory_space<semaphore_mem>>)
      %dma_wait3A_86 = arith.constant 0 : i32
      %dma_wait3A_87 = tpu.memref_slice %arg6[%mul3A_0, %dma_wait3A_86] : memref<10240x80xf32, #tpu.memory_space<vmem_shared>> -> memref<640x80xf32, #tpu.memory_space<vmem_shared>>
      %dma_wait3A_88 = arith.constant 0 : i32
      %dma_wait3A_89 = tpu.memref_slice %arg2[%add3A_18, %dma_wait3A_88] : memref<20480x80xf32, #tpu.memory_space<hbm>> -> memref<640x80xf32, #tpu.memory_space<hbm>>
      tpu.wait_dma2 semaphore(%run_scoped3A : memref<!tpu.dma_semaphore, #tpu.memory_space<semaphore_mem>>) src(%dma_wait3A_89 : memref<640x80xf32, #tpu.memory_space<hbm>>) dst(%dma_wait3A_87 : memref<640x80xf32, #tpu.memory_space<vmem_shared>>)
      tpu.yield
    }) : () -> ()
    %barrier3A = arith.constant 0 : index
    tpu.barrier barrier_id(%barrier3A)
    %dma_start3A = arith.constant 0 : i32
    %dma_start3A_19 = tpu.memref_slice %arg6[%mul3A_0, %dma_start3A] : memref<10240x80xf32, #tpu.memory_space<vmem_shared>> -> memref<128x80xf32, #tpu.memory_space<vmem_shared>>
    %dma_start3A_20 = arith.constant 0 : i32
    %dma_start3A_21 = tpu.memref_slice %arg6[%mul3A_0, %dma_start3A_20] : memref<10240x80xf32, #tpu.memory_space<vmem_shared>> -> memref<128x80xf32, #tpu.memory_space<vmem_shared>>
    tpu.enqueue_dma source(%dma_start3A_21 : memref<128x80xf32, #tpu.memory_space<vmem_shared>>) target(%arg12 : memref<128x80xf32, #tpu.memory_space<vmem>>) target_semaphore(%arg14 : memref<!tpu.dma_semaphore, #tpu.memory_space<semaphore_mem>>)
    %dma_start3A_22 = arith.constant 0 : i32
    %dma_start3A_23 = tpu.memref_slice %arg6[%mul3A_0, %dma_start3A_22] : memref<10240x80xf32, #tpu.memory_space<vmem_shared>> -> memref<128x80xf32, #tpu.memory_space<vmem_shared>>
    %dma_start3A_24 = arith.constant 0 : i32
    %dma_start3A_25 = tpu.memref_slice %arg6[%mul3A_0, %dma_start3A_24] : memref<10240x80xf32, #tpu.memory_space<vmem_shared>> -> memref<128x80xf32, #tpu.memory_space<vmem_shared>>
    tpu.enqueue_dma source(%dma_start3A_25 : memref<128x80xf32, #tpu.memory_space<vmem_shared>>) target(%arg13 : memref<128x80xf32, #tpu.memory_space<vmem>>) target_semaphore(%arg15 : memref<!tpu.dma_semaphore, #tpu.memory_space<semaphore_mem>>)
    %dma_start3A_26 = arith.constant 0 : i32
    %dma_start3A_27 = arith.constant 0 : i32
    %dma_start3A_28 = tpu.memref_slice %arg3[%arg1, %dma_start3A_26, %dma_start3A_27] : memref<16x168x128xi32, #tpu.memory_space<hbm>> -> memref<1x8x128xi32, #tpu.memory_space<hbm>>
    %dma_start3A_29 = tpu.memref_squeeze %dma_start3A_28 : memref<1x8x128xi32, #tpu.memory_space<hbm>> -> memref<8x128xi32, #tpu.memory_space<hbm>>
    %dma_start3A_30 = arith.constant 0 : i32
    %dma_start3A_31 = arith.constant 0 : i32
    %dma_start3A_32 = tpu.memref_slice %arg3[%arg1, %dma_start3A_30, %dma_start3A_31] : memref<16x168x128xi32, #tpu.memory_space<hbm>> -> memref<1x8x128xi32, #tpu.memory_space<hbm>>
    %dma_start3A_33 = tpu.memref_squeeze %dma_start3A_32 : memref<1x8x128xi32, #tpu.memory_space<hbm>> -> memref<8x128xi32, #tpu.memory_space<hbm>>
    tpu.enqueue_dma source(%dma_start3A_33 : memref<8x128xi32, #tpu.memory_space<hbm>>) target(%arg8 : memref<8x128xi32, #tpu.memory_space<vmem>>) target_semaphore(%arg17 : memref<!tpu.dma_semaphore, #tpu.memory_space<semaphore_mem>>)
    %dma_start3A_34 = arith.constant 0 : i32
    %dma_start3A_35 = arith.constant 0 : i32
    %dma_start3A_36 = tpu.memref_slice %arg4[%arg1, %dma_start3A_34, %dma_start3A_35] : memref<16x168x128xi32, #tpu.memory_space<hbm>> -> memref<1x8x128xi32, #tpu.memory_space<hbm>>
    %dma_start3A_37 = tpu.memref_squeeze %dma_start3A_36 : memref<1x8x128xi32, #tpu.memory_space<hbm>> -> memref<8x128xi32, #tpu.memory_space<hbm>>
    %dma_start3A_38 = arith.constant 0 : i32
    %dma_start3A_39 = arith.constant 0 : i32
    %dma_start3A_40 = tpu.memref_slice %arg4[%arg1, %dma_start3A_38, %dma_start3A_39] : memref<16x168x128xi32, #tpu.memory_space<hbm>> -> memref<1x8x128xi32, #tpu.memory_space<hbm>>
    %dma_start3A_41 = tpu.memref_squeeze %dma_start3A_40 : memref<1x8x128xi32, #tpu.memory_space<hbm>> -> memref<8x128xi32, #tpu.memory_space<hbm>>
    tpu.enqueue_dma source(%dma_start3A_41 : memref<8x128xi32, #tpu.memory_space<hbm>>) target(%arg10 : memref<8x128xi32, #tpu.memory_space<vmem>>) target_semaphore(%arg17 : memref<!tpu.dma_semaphore, #tpu.memory_space<semaphore_mem>>)
    %scan3A_42 = arith.constant 0 : i32
    %scan3A_43 = arith.constant 0 : i32
    %scan3A_44 = arith.constant 10 : i32
    %scan3A_45 = arith.addi %scan3A_43, %scan3A_44 : i32
    %scan3A_46 = arith.constant 1 : i32
    %scan3A_47 = scf.for %scan3A_82 = %scan3A_43 to %scan3A_45 step %scan3A_46 iter_args(%scan3A_83 = %scan3A_42) -> (i32)  : i32 {
      %mul3A_84 = arith.constant 2 : i32
      %mul3A_85 = arith.muli %mul3A_84, %scan3A_82 : i32
      %add3A_86 = arith.constant 0 : i32
      %add3A_87 = arith.addi %mul3A_85, %add3A_86 : i32
      %dma_wait3A_88 = arith.constant 0 : i32
      %dma_wait3A_89 = arith.constant 0 : i32
      %dma_wait3A_90 = tpu.memref_slice %arg3[%arg1, %dma_wait3A_88, %dma_wait3A_89] : memref<16x168x128xi32, #tpu.memory_space<hbm>> -> memref<1x8x128xi32, #tpu.memory_space<hbm>>
      %dma_wait3A_91 = tpu.memref_squeeze %dma_wait3A_90 : memref<1x8x128xi32, #tpu.memory_space<hbm>> -> memref<8x128xi32, #tpu.memory_space<hbm>>
      %dma_wait3A_92 = arith.constant 0 : i32
      %dma_wait3A_93 = arith.constant 0 : i32
      %dma_wait3A_94 = tpu.memref_slice %arg3[%arg1, %dma_wait3A_92, %dma_wait3A_93] : memref<16x168x128xi32, #tpu.memory_space<hbm>> -> memref<1x8x128xi32, #tpu.memory_space<hbm>>
      %dma_wait3A_95 = tpu.memref_squeeze %dma_wait3A_94 : memref<1x8x128xi32, #tpu.memory_space<hbm>> -> memref<8x128xi32, #tpu.memory_space<hbm>>
      tpu.wait_dma2 semaphore(%arg17 : memref<!tpu.dma_semaphore, #tpu.memory_space<semaphore_mem>>) src(%dma_wait3A_95 : memref<8x128xi32, #tpu.memory_space<hbm>>) dst(%arg8 : memref<8x128xi32, #tpu.memory_space<vmem>>)
      %dma_wait3A_96 = arith.constant 0 : i32
      %dma_wait3A_97 = arith.constant 0 : i32
      %dma_wait3A_98 = tpu.memref_slice %arg4[%arg1, %dma_wait3A_96, %dma_wait3A_97] : memref<16x168x128xi32, #tpu.memory_space<hbm>> -> memref<1x8x128xi32, #tpu.memory_space<hbm>>
      %dma_wait3A_99 = tpu.memref_squeeze %dma_wait3A_98 : memref<1x8x128xi32, #tpu.memory_space<hbm>> -> memref<8x128xi32, #tpu.memory_space<hbm>>
      %dma_wait3A_100 = arith.constant 0 : i32
      %dma_wait3A_101 = arith.constant 0 : i32
      %dma_wait3A_102 = tpu.memref_slice %arg4[%arg1, %dma_wait3A_100, %dma_wait3A_101] : memref<16x168x128xi32, #tpu.memory_space<hbm>> -> memref<1x8x128xi32, #tpu.memory_space<hbm>>
      %dma_wait3A_103 = tpu.memref_squeeze %dma_wait3A_102 : memref<1x8x128xi32, #tpu.memory_space<hbm>> -> memref<8x128xi32, #tpu.memory_space<hbm>>
      tpu.wait_dma2 semaphore(%arg17 : memref<!tpu.dma_semaphore, #tpu.memory_space<semaphore_mem>>) src(%dma_wait3A_103 : memref<8x128xi32, #tpu.memory_space<hbm>>) dst(%arg10 : memref<8x128xi32, #tpu.memory_space<vmem>>)
      %add3A_104 = arith.constant 1 : i32
      %add3A_105 = arith.addi %add3A_87, %add3A_104 : i32
      %mul3A_106 = arith.constant 8 : i32
      %mul3A_107 = arith.muli %add3A_105, %mul3A_106 : i32
      %dma_start3A_108 = arith.constant 0 : i32
      %dma_start3A_109 = tpu.memref_slice %arg3[%arg1, %mul3A_107, %dma_start3A_108] : memref<16x168x128xi32, #tpu.memory_space<hbm>> -> memref<1x8x128xi32, #tpu.memory_space<hbm>>
      %dma_start3A_110 = tpu.memref_squeeze %dma_start3A_109 : memref<1x8x128xi32, #tpu.memory_space<hbm>> -> memref<8x128xi32, #tpu.memory_space<hbm>>
      %dma_start3A_111 = arith.constant 0 : i32
      %dma_start3A_112 = tpu.memref_slice %arg3[%arg1, %mul3A_107, %dma_start3A_111] : memref<16x168x128xi32, #tpu.memory_space<hbm>> -> memref<1x8x128xi32, #tpu.memory_space<hbm>>
      %dma_start3A_113 = tpu.memref_squeeze %dma_start3A_112 : memref<1x8x128xi32, #tpu.memory_space<hbm>> -> memref<8x128xi32, #tpu.memory_space<hbm>>
      tpu.enqueue_dma source(%dma_start3A_113 : memref<8x128xi32, #tpu.memory_space<hbm>>) target(%arg9 : memref<8x128xi32, #tpu.memory_space<vmem>>) target_semaphore(%arg18 : memref<!tpu.dma_semaphore, #tpu.memory_space<semaphore_mem>>)
      %add3A_114 = arith.constant 1 : i32
      %add3A_115 = arith.addi %add3A_87, %add3A_114 : i32
      %mul3A_116 = arith.constant 8 : i32
      %mul3A_117 = arith.muli %add3A_115, %mul3A_116 : i32
      %dma_start3A_118 = arith.constant 0 : i32
      %dma_start3A_119 = tpu.memref_slice %arg4[%arg1, %mul3A_117, %dma_start3A_118] : memref<16x168x128xi32, #tpu.memory_space<hbm>> -> memref<1x8x128xi32, #tpu.memory_space<hbm>>
      %dma_start3A_120 = tpu.memref_squeeze %dma_start3A_119 : memref<1x8x128xi32, #tpu.memory_space<hbm>> -> memref<8x128xi32, #tpu.memory_space<hbm>>
      %dma_start3A_121 = arith.constant 0 : i32
      %dma_start3A_122 = tpu.memref_slice %arg4[%arg1, %mul3A_117, %dma_start3A_121] : memref<16x168x128xi32, #tpu.memory_space<hbm>> -> memref<1x8x128xi32, #tpu.memory_space<hbm>>
      %dma_start3A_123 = tpu.memref_squeeze %dma_start3A_122 : memref<1x8x128xi32, #tpu.memory_space<hbm>> -> memref<8x128xi32, #tpu.memory_space<hbm>>
      tpu.enqueue_dma source(%dma_start3A_123 : memref<8x128xi32, #tpu.memory_space<hbm>>) target(%arg11 : memref<8x128xi32, #tpu.memory_space<vmem>>) target_semaphore(%arg18 : memref<!tpu.dma_semaphore, #tpu.memory_space<semaphore_mem>>)
      %dma_wait3A_124 = arith.constant 0 : i32
      %dma_wait3A_125 = arith.constant 0 : i32
      %dma_wait3A_126 = tpu.memref_slice %arg10[%dma_wait3A_124, %dma_wait3A_125] : memref<8x128xi32, #tpu.memory_space<vmem>> -> memref<1x128xi32, #tpu.memory_space<vmem>>
      %dma_wait3A_127 = tpu.memref_squeeze %dma_wait3A_126 : memref<1x128xi32, #tpu.memory_space<vmem>> -> memref<128xi32, #tpu.memory_space<vmem>>
      %dma_wait3A_128 = arith.constant 0 : i32
      %dma_wait3A_129 = arith.constant 0 : i32
      %dma_wait3A_130 = tpu.memref_slice %arg7[%dma_wait3A_128, %dma_wait3A_129] : memref<10240x80xf32, #tpu.memory_space<vmem_shared>> -> memref<10240x80xf32, #tpu.memory_space<vmem_shared>>
      tpu.wait_indirect_dma semaphore(%arg14 : memref<!tpu.dma_semaphore, #tpu.memory_space<semaphore_mem>>) src(%arg12 : memref<128x80xf32, #tpu.memory_space<vmem>>) dst(%dma_wait3A_130 : memref<10240x80xf32, #tpu.memory_space<vmem_shared>>)
      %dma_start3A_131 = arith.constant 0 : i32
      %dma_start3A_132 = arith.constant 0 : i32
      %dma_start3A_133 = tpu.memref_slice %arg8[%dma_start3A_131, %dma_start3A_132] : memref<8x128xi32, #tpu.memory_space<vmem>> -> memref<1x128xi32, #tpu.memory_space<vmem>>
      %dma_start3A_134 = tpu.memref_squeeze %dma_start3A_133 : memref<1x128xi32, #tpu.memory_space<vmem>> -> memref<128xi32, #tpu.memory_space<vmem>>
      %dma_start3A_135 = arith.constant 0 : i32
      %dma_start3A_136 = arith.constant 0 : i32
      %dma_start3A_137 = tpu.memref_slice %arg6[%dma_start3A_135, %dma_start3A_136] : memref<10240x80xf32, #tpu.memory_space<vmem_shared>> -> memref<10240x80xf32, #tpu.memory_space<vmem_shared>>
      tpu.enqueue_indirect_dma source(%dma_start3A_137 : memref<10240x80xf32, #tpu.memory_space<vmem_shared>>) target(%arg12 : memref<128x80xf32, #tpu.memory_space<vmem>>) offsets(%dma_start3A_134 : memref<128xi32, #tpu.memory_space<vmem>>) semaphore(%arg16 : memref<!tpu.dma_semaphore, #tpu.memory_space<semaphore_mem>>)
      %dma_wait3A_138 = arith.constant 0 : i32
      %dma_wait3A_139 = arith.constant 0 : i32
      %dma_wait3A_140 = tpu.memref_slice %arg8[%dma_wait3A_138, %dma_wait3A_139] : memref<8x128xi32, #tpu.memory_space<vmem>> -> memref<1x128xi32, #tpu.memory_space<vmem>>
      %dma_wait3A_141 = tpu.memref_squeeze %dma_wait3A_140 : memref<1x128xi32, #tpu.memory_space<vmem>> -> memref<128xi32, #tpu.memory_space<vmem>>
      %dma_wait3A_142 = arith.constant 0 : i32
      %dma_wait3A_143 = arith.constant 0 : i32
      %dma_wait3A_144 = tpu.memref_slice %arg6[%dma_wait3A_142, %dma_wait3A_143] : memref<10240x80xf32, #tpu.memory_space<vmem_shared>> -> memref<10240x80xf32, #tpu.memory_space<vmem_shared>>
      tpu.wait_indirect_dma semaphore(%arg16 : memref<!tpu.dma_semaphore, #tpu.memory_space<semaphore_mem>>) src(%dma_wait3A_144 : memref<10240x80xf32, #tpu.memory_space<vmem_shared>>) dst(%arg12 : memref<128x80xf32, #tpu.memory_space<vmem>>)
      %dma_start3A_145 = arith.constant 0 : i32
      %dma_start3A_146 = arith.constant 0 : i32
      %dma_start3A_147 = tpu.memref_slice %arg10[%dma_start3A_145, %dma_start3A_146] : memref<8x128xi32, #tpu.memory_space<vmem>> -> memref<1x128xi32, #tpu.memory_space<vmem>>
      %dma_start3A_148 = tpu.memref_squeeze %dma_start3A_147 : memref<1x128xi32, #tpu.memory_space<vmem>> -> memref<128xi32, #tpu.memory_space<vmem>>
      %dma_start3A_149 = arith.constant 0 : i32
      %dma_start3A_150 = arith.constant 0 : i32
      %dma_start3A_151 = tpu.memref_slice %arg7[%dma_start3A_149, %dma_start3A_150] : memref<10240x80xf32, #tpu.memory_space<vmem_shared>> -> memref<10240x80xf32, #tpu.memory_space<vmem_shared>>
      tpu.enqueue_indirect_dma source(%arg12 : memref<128x80xf32, #tpu.memory_space<vmem>>) target(%dma_start3A_151 : memref<10240x80xf32, #tpu.memory_space<vmem_shared>>) offsets(%dma_start3A_148 : memref<128xi32, #tpu.memory_space<vmem>>) semaphore(%arg14 : memref<!tpu.dma_semaphore, #tpu.memory_space<semaphore_mem>>) {add = true}
      %dma_wait3A_152 = arith.constant 1 : i32
      %dma_wait3A_153 = arith.constant 0 : i32
      %dma_wait3A_154 = tpu.memref_slice %arg10[%dma_wait3A_152, %dma_wait3A_153] : memref<8x128xi32, #tpu.memory_space<vmem>> -> memref<1x128xi32, #tpu.memory_space<vmem>>
      %dma_wait3A_155 = tpu.memref_squeeze %dma_wait3A_154 : memref<1x128xi32, #tpu.memory_space<vmem>> -> memref<128xi32, #tpu.memory_space<vmem>>
      %dma_wait3A_156 = arith.constant 0 : i32
      %dma_wait3A_157 = arith.constant 0 : i32
      %dma_wait3A_158 = tpu.memref_slice %arg7[%dma_wait3A_156, %dma_wait3A_157] : memref<10240x80xf32, #tpu.memory_space<vmem_shared>> -> memref<10240x80xf32, #tpu.memory_space<vmem_shared>>
      tpu.wait_indirect_dma semaphore(%arg15 : memref<!tpu.dma_semaphore, #tpu.memory_space<semaphore_mem>>) src(%arg13 : memref<128x80xf32, #tpu.memory_space<vmem>>) dst(%dma_wait3A_158 : memref<10240x80xf32, #tpu.memory_space<vmem_shared>>)
      %dma_start3A_159 = arith.constant 1 : i32
      %dma_start3A_160 = arith.constant 0 : i32
      %dma_start3A_161 = tpu.memref_slice %arg8[%dma_start3A_159, %dma_start3A_160] : memref<8x128xi32, #tpu.memory_space<vmem>> -> memref<1x128xi32, #tpu.memory_space<vmem>>
      %dma_start3A_162 = tpu.memref_squeeze %dma_start3A_161 : memref<1x128xi32, #tpu.memory_space<vmem>> -> memref<128xi32, #tpu.memory_space<vmem>>
      %dma_start3A_163 = arith.constant 0 : i32
      %dma_start3A_164 = arith.constant 0 : i32
      %dma_start3A_165 = tpu.memref_slice %arg6[%dma_start3A_163, %dma_start3A_164] : memref<10240x80xf32, #tpu.memory_space<vmem_shared>> -> memref<10240x80xf32, #tpu.memory_space<vmem_shared>>
      tpu.enqueue_indirect_dma source(%dma_start3A_165 : memref<10240x80xf32, #tpu.memory_space<vmem_shared>>) target(%arg13 : memref<128x80xf32, #tpu.memory_space<vmem>>) offsets(%dma_start3A_162 : memref<128xi32, #tpu.memory_space<vmem>>) semaphore(%arg16 : memref<!tpu.dma_semaphore, #tpu.memory_space<semaphore_mem>>)
      %dma_wait3A_166 = arith.constant 1 : i32
      %dma_wait3A_167 = arith.constant 0 : i32
      %dma_wait3A_168 = tpu.memref_slice %arg8[%dma_wait3A_166, %dma_wait3A_167] : memref<8x128xi32, #tpu.memory_space<vmem>> -> memref<1x128xi32, #tpu.memory_space<vmem>>
      %dma_wait3A_169 = tpu.memref_squeeze %dma_wait3A_168 : memref<1x128xi32, #tpu.memory_space<vmem>> -> memref<128xi32, #tpu.memory_space<vmem>>
      %dma_wait3A_170 = arith.constant 0 : i32
      %dma_wait3A_171 = arith.constant 0 : i32
      %dma_wait3A_172 = tpu.memref_slice %arg6[%dma_wait3A_170, %dma_wait3A_171] : memref<10240x80xf32, #tpu.memory_space<vmem_shared>> -> memref<10240x80xf32, #tpu.memory_space<vmem_shared>>
      tpu.wait_indirect_dma semaphore(%arg16 : memref<!tpu.dma_semaphore, #tpu.memory_space<semaphore_mem>>) src(%dma_wait3A_172 : memref<10240x80xf32, #tpu.memory_space<vmem_shared>>) dst(%arg13 : memref<128x80xf32, #tpu.memory_space<vmem>>)
      %dma_start3A_173 = arith.constant 1 : i32
      %dma_start3A_174 = arith.constant 0 : i32
      %dma_start3A_175 = tpu.memref_slice %arg10[%dma_start3A_173, %dma_start3A_174] : memref<8x128xi32, #tpu.memory_space<vmem>> -> memref<1x128xi32, #tpu.memory_space<vmem>>
      %dma_start3A_176 = tpu.memref_squeeze %dma_start3A_175 : memref<1x128xi32, #tpu.memory_space<vmem>> -> memref<128xi32, #tpu.memory_space<vmem>>
      %dma_start3A_177 = arith.constant 0 : i32
      %dma_start3A_178 = arith.constant 0 : i32
      %dma_start3A_179 = tpu.memref_slice %arg7[%dma_start3A_177, %dma_start3A_178] : memref<10240x80xf32, #tpu.memory_space<vmem_shared>> -> memref<10240x80xf32, #tpu.memory_space<vmem_shared>>
      tpu.enqueue_indirect_dma source(%arg13 : memref<128x80xf32, #tpu.memory_space<vmem>>) target(%dma_start3A_179 : memref<10240x80xf32, #tpu.memory_space<vmem_shared>>) offsets(%dma_start3A_176 : memref<128xi32, #tpu.memory_space<vmem>>) semaphore(%arg15 : memref<!tpu.dma_semaphore, #tpu.memory_space<semaphore_mem>>) {add = true}
      %dma_wait3A_180 = arith.constant 2 : i32
      %dma_wait3A_181 = arith.constant 0 : i32
      %dma_wait3A_182 = tpu.memref_slice %arg10[%dma_wait3A_180, %dma_wait3A_181] : memref<8x128xi32, #tpu.memory_space<vmem>> -> memref<1x128xi32, #tpu.memory_space<vmem>>
      %dma_wait3A_183 = tpu.memref_squeeze %dma_wait3A_182 : memref<1x128xi32, #tpu.memory_space<vmem>> -> memref<128xi32, #tpu.memory_space<vmem>>
      %dma_wait3A_184 = arith.constant 0 : i32
      %dma_wait3A_185 = arith.constant 0 : i32
      %dma_wait3A_186 = tpu.memref_slice %arg7[%dma_wait3A_184, %dma_wait3A_185] : memref<10240x80xf32, #tpu.memory_space<vmem_shared>> -> memref<10240x80xf32, #tpu.memory_space<vmem_shared>>
      tpu.wait_indirect_dma semaphore(%arg14 : memref<!tpu.dma_semaphore, #tpu.memory_space<semaphore_mem>>) src(%arg12 : memref<128x80xf32, #tpu.memory_space<vmem>>) dst(%dma_wait3A_186 : memref<10240x80xf32, #tpu.memory_space<vmem_shared>>)
      %dma_start3A_187 = arith.constant 2 : i32
      %dma_start3A_188 = arith.constant 0 : i32
      %dma_start3A_189 = tpu.memref_slice %arg8[%dma_start3A_187, %dma_start3A_188] : memref<8x128xi32, #tpu.memory_space<vmem>> -> memref<1x128xi32, #tpu.memory_space<vmem>>
      %dma_start3A_190 = tpu.memref_squeeze %dma_start3A_189 : memref<1x128xi32, #tpu.memory_space<vmem>> -> memref<128xi32, #tpu.memory_space<vmem>>
      %dma_start3A_191 = arith.constant 0 : i32
      %dma_start3A_192 = arith.constant 0 : i32
      %dma_start3A_193 = tpu.memref_slice %arg6[%dma_start3A_191, %dma_start3A_192] : memref<10240x80xf32, #tpu.memory_space<vmem_shared>> -> memref<10240x80xf32, #tpu.memory_space<vmem_shared>>
      tpu.enqueue_indirect_dma source(%dma_start3A_193 : memref<10240x80xf32, #tpu.memory_space<vmem_shared>>) target(%arg12 : memref<128x80xf32, #tpu.memory_space<vmem>>) offsets(%dma_start3A_190 : memref<128xi32, #tpu.memory_space<vmem>>) semaphore(%arg16 : memref<!tpu.dma_semaphore, #tpu.memory_space<semaphore_mem>>)
      %dma_wait3A_194 = arith.constant 2 : i32
      %dma_wait3A_195 = arith.constant 0 : i32
      %dma_wait3A_196 = tpu.memref_slice %arg8[%dma_wait3A_194, %dma_wait3A_195] : memref<8x128xi32, #tpu.memory_space<vmem>> -> memref<1x128xi32, #tpu.memory_space<vmem>>
      %dma_wait3A_197 = tpu.memref_squeeze %dma_wait3A_196 : memref<1x128xi32, #tpu.memory_space<vmem>> -> memref<128xi32, #tpu.memory_space<vmem>>
      %dma_wait3A_198 = arith.constant 0 : i32
      %dma_wait3A_199 = arith.constant 0 : i32
      %dma_wait3A_200 = tpu.memref_slice %arg6[%dma_wait3A_198, %dma_wait3A_199] : memref<10240x80xf32, #tpu.memory_space<vmem_shared>> -> memref<10240x80xf32, #tpu.memory_space<vmem_shared>>
      tpu.wait_indirect_dma semaphore(%arg16 : memref<!tpu.dma_semaphore, #tpu.memory_space<semaphore_mem>>) src(%dma_wait3A_200 : memref<10240x80xf32, #tpu.memory_space<vmem_shared>>) dst(%arg12 : memref<128x80xf32, #tpu.memory_space<vmem>>)
      %dma_start3A_201 = arith.constant 2 : i32
      %dma_start3A_202 = arith.constant 0 : i32
      %dma_start3A_203 = tpu.memref_slice %arg10[%dma_start3A_201, %dma_start3A_202] : memref<8x128xi32, #tpu.memory_space<vmem>> -> memref<1x128xi32, #tpu.memory_space<vmem>>
      %dma_start3A_204 = tpu.memref_squeeze %dma_start3A_203 : memref<1x128xi32, #tpu.memory_space<vmem>> -> memref<128xi32, #tpu.memory_space<vmem>>
      %dma_start3A_205 = arith.constant 0 : i32
      %dma_start3A_206 = arith.constant 0 : i32
      %dma_start3A_207 = tpu.memref_slice %arg7[%dma_start3A_205, %dma_start3A_206] : memref<10240x80xf32, #tpu.memory_space<vmem_shared>> -> memref<10240x80xf32, #tpu.memory_space<vmem_shared>>
      tpu.enqueue_indirect_dma source(%arg12 : memref<128x80xf32, #tpu.memory_space<vmem>>) target(%dma_start3A_207 : memref<10240x80xf32, #tpu.memory_space<vmem_shared>>) offsets(%dma_start3A_204 : memref<128xi32, #tpu.memory_space<vmem>>) semaphore(%arg14 : memref<!tpu.dma_semaphore, #tpu.memory_space<semaphore_mem>>) {add = true}
      %dma_wait3A_208 = arith.constant 3 : i32
      %dma_wait3A_209 = arith.constant 0 : i32
      %dma_wait3A_210 = tpu.memref_slice %arg10[%dma_wait3A_208, %dma_wait3A_209] : memref<8x128xi32, #tpu.memory_space<vmem>> -> memref<1x128xi32, #tpu.memory_space<vmem>>
      %dma_wait3A_211 = tpu.memref_squeeze %dma_wait3A_210 : memref<1x128xi32, #tpu.memory_space<vmem>> -> memref<128xi32, #tpu.memory_space<vmem>>
      %dma_wait3A_212 = arith.constant 0 : i32
      %dma_wait3A_213 = arith.constant 0 : i32
      %dma_wait3A_214 = tpu.memref_slice %arg7[%dma_wait3A_212, %dma_wait3A_213] : memref<10240x80xf32, #tpu.memory_space<vmem_shared>> -> memref<10240x80xf32, #tpu.memory_space<vmem_shared>>
      tpu.wait_indirect_dma semaphore(%arg15 : memref<!tpu.dma_semaphore, #tpu.memory_space<semaphore_mem>>) src(%arg13 : memref<128x80xf32, #tpu.memory_space<vmem>>) dst(%dma_wait3A_214 : memref<10240x80xf32, #tpu.memory_space<vmem_shared>>)
      %dma_start3A_215 = arith.constant 3 : i32
      %dma_start3A_216 = arith.constant 0 : i32
      %dma_start3A_217 = tpu.memref_slice %arg8[%dma_start3A_215, %dma_start3A_216] : memref<8x128xi32, #tpu.memory_space<vmem>> -> memref<1x128xi32, #tpu.memory_space<vmem>>
      %dma_start3A_218 = tpu.memref_squeeze %dma_start3A_217 : memref<1x128xi32, #tpu.memory_space<vmem>> -> memref<128xi32, #tpu.memory_space<vmem>>
      %dma_start3A_219 = arith.constant 0 : i32
      %dma_start3A_220 = arith.constant 0 : i32
      %dma_start3A_221 = tpu.memref_slice %arg6[%dma_start3A_219, %dma_start3A_220] : memref<10240x80xf32, #tpu.memory_space<vmem_shared>> -> memref<10240x80xf32, #tpu.memory_space<vmem_shared>>
      tpu.enqueue_indirect_dma source(%dma_start3A_221 : memref<10240x80xf32, #tpu.memory_space<vmem_shared>>) target(%arg13 : memref<128x80xf32, #tpu.memory_space<vmem>>) offsets(%dma_start3A_218 : memref<128xi32, #tpu.memory_space<vmem>>) semaphore(%arg16 : memref<!tpu.dma_semaphore, #tpu.memory_space<semaphore_mem>>)
      %dma_wait3A_222 = arith.constant 3 : i32
      %dma_wait3A_223 = arith.constant 0 : i32
      %dma_wait3A_224 = tpu.memref_slice %arg8[%dma_wait3A_222, %dma_wait3A_223] : memref<8x128xi32, #tpu.memory_space<vmem>> -> memref<1x128xi32, #tpu.memory_space<vmem>>
      %dma_wait3A_225 = tpu.memref_squeeze %dma_wait3A_224 : memref<1x128xi32, #tpu.memory_space<vmem>> -> memref<128xi32, #tpu.memory_space<vmem>>
      %dma_wait3A_226 = arith.constant 0 : i32
      %dma_wait3A_227 = arith.constant 0 : i32
      %dma_wait3A_228 = tpu.memref_slice %arg6[%dma_wait3A_226, %dma_wait3A_227] : memref<10240x80xf32, #tpu.memory_space<vmem_shared>> -> memref<10240x80xf32, #tpu.memory_space<vmem_shared>>
      tpu.wait_indirect_dma semaphore(%arg16 : memref<!tpu.dma_semaphore, #tpu.memory_space<semaphore_mem>>) src(%dma_wait3A_228 : memref<10240x80xf32, #tpu.memory_space<vmem_shared>>) dst(%arg13 : memref<128x80xf32, #tpu.memory_space<vmem>>)
      %dma_start3A_229 = arith.constant 3 : i32
      %dma_start3A_230 = arith.constant 0 : i32
      %dma_start3A_231 = tpu.memref_slice %arg10[%dma_start3A_229, %dma_start3A_230] : memref<8x128xi32, #tpu.memory_space<vmem>> -> memref<1x128xi32, #tpu.memory_space<vmem>>
      %dma_start3A_232 = tpu.memref_squeeze %dma_start3A_231 : memref<1x128xi32, #tpu.memory_space<vmem>> -> memref<128xi32, #tpu.memory_space<vmem>>
      %dma_start3A_233 = arith.constant 0 : i32
      %dma_start3A_234 = arith.constant 0 : i32
      %dma_start3A_235 = tpu.memref_slice %arg7[%dma_start3A_233, %dma_start3A_234] : memref<10240x80xf32, #tpu.memory_space<vmem_shared>> -> memref<10240x80xf32, #tpu.memory_space<vmem_shared>>
      tpu.enqueue_indirect_dma source(%arg13 : memref<128x80xf32, #tpu.memory_space<vmem>>) target(%dma_start3A_235 : memref<10240x80xf32, #tpu.memory_space<vmem_shared>>) offsets(%dma_start3A_232 : memref<128xi32, #tpu.memory_space<vmem>>) semaphore(%arg15 : memref<!tpu.dma_semaphore, #tpu.memory_space<semaphore_mem>>) {add = true}
      %dma_wait3A_236 = arith.constant 4 : i32
      %dma_wait3A_237 = arith.constant 0 : i32
      %dma_wait3A_238 = tpu.memref_slice %arg10[%dma_wait3A_236, %dma_wait3A_237] : memref<8x128xi32, #tpu.memory_space<vmem>> -> memref<1x128xi32, #tpu.memory_space<vmem>>
      %dma_wait3A_239 = tpu.memref_squeeze %dma_wait3A_238 : memref<1x128xi32, #tpu.memory_space<vmem>> -> memref<128xi32, #tpu.memory_space<vmem>>
      %dma_wait3A_240 = arith.constant 0 : i32
      %dma_wait3A_241 = arith.constant 0 : i32
      %dma_wait3A_242 = tpu.memref_slice %arg7[%dma_wait3A_240, %dma_wait3A_241] : memref<10240x80xf32, #tpu.memory_space<vmem_shared>> -> memref<10240x80xf32, #tpu.memory_space<vmem_shared>>
      tpu.wait_indirect_dma semaphore(%arg14 : memref<!tpu.dma_semaphore, #tpu.memory_space<semaphore_mem>>) src(%arg12 : memref<128x80xf32, #tpu.memory_space<vmem>>) dst(%dma_wait3A_242 : memref<10240x80xf32, #tpu.memory_space<vmem_shared>>)
      %dma_start3A_243 = arith.constant 4 : i32
      %dma_start3A_244 = arith.constant 0 : i32
      %dma_start3A_245 = tpu.memref_slice %arg8[%dma_start3A_243, %dma_start3A_244] : memref<8x128xi32, #tpu.memory_space<vmem>> -> memref<1x128xi32, #tpu.memory_space<vmem>>
      %dma_start3A_246 = tpu.memref_squeeze %dma_start3A_245 : memref<1x128xi32, #tpu.memory_space<vmem>> -> memref<128xi32, #tpu.memory_space<vmem>>
      %dma_start3A_247 = arith.constant 0 : i32
      %dma_start3A_248 = arith.constant 0 : i32
      %dma_start3A_249 = tpu.memref_slice %arg6[%dma_start3A_247, %dma_start3A_248] : memref<10240x80xf32, #tpu.memory_space<vmem_shared>> -> memref<10240x80xf32, #tpu.memory_space<vmem_shared>>
      tpu.enqueue_indirect_dma source(%dma_start3A_249 : memref<10240x80xf32, #tpu.memory_space<vmem_shared>>) target(%arg12 : memref<128x80xf32, #tpu.memory_space<vmem>>) offsets(%dma_start3A_246 : memref<128xi32, #tpu.memory_space<vmem>>) semaphore(%arg16 : memref<!tpu.dma_semaphore, #tpu.memory_space<semaphore_mem>>)
      %dma_wait3A_250 = arith.constant 4 : i32
      %dma_wait3A_251 = arith.constant 0 : i32
      %dma_wait3A_252 = tpu.memref_slice %arg8[%dma_wait3A_250, %dma_wait3A_251] : memref<8x128xi32, #tpu.memory_space<vmem>> -> memref<1x128xi32, #tpu.memory_space<vmem>>
      %dma_wait3A_253 = tpu.memref_squeeze %dma_wait3A_252 : memref<1x128xi32, #tpu.memory_space<vmem>> -> memref<128xi32, #tpu.memory_space<vmem>>
      %dma_wait3A_254 = arith.constant 0 : i32
      %dma_wait3A_255 = arith.constant 0 : i32
      %dma_wait3A_256 = tpu.memref_slice %arg6[%dma_wait3A_254, %dma_wait3A_255] : memref<10240x80xf32, #tpu.memory_space<vmem_shared>> -> memref<10240x80xf32, #tpu.memory_space<vmem_shared>>
      tpu.wait_indirect_dma semaphore(%arg16 : memref<!tpu.dma_semaphore, #tpu.memory_space<semaphore_mem>>) src(%dma_wait3A_256 : memref<10240x80xf32, #tpu.memory_space<vmem_shared>>) dst(%arg12 : memref<128x80xf32, #tpu.memory_space<vmem>>)
      %dma_start3A_257 = arith.constant 4 : i32
      %dma_start3A_258 = arith.constant 0 : i32
      %dma_start3A_259 = tpu.memref_slice %arg10[%dma_start3A_257, %dma_start3A_258] : memref<8x128xi32, #tpu.memory_space<vmem>> -> memref<1x128xi32, #tpu.memory_space<vmem>>
      %dma_start3A_260 = tpu.memref_squeeze %dma_start3A_259 : memref<1x128xi32, #tpu.memory_space<vmem>> -> memref<128xi32, #tpu.memory_space<vmem>>
      %dma_start3A_261 = arith.constant 0 : i32
      %dma_start3A_262 = arith.constant 0 : i32
      %dma_start3A_263 = tpu.memref_slice %arg7[%dma_start3A_261, %dma_start3A_262] : memref<10240x80xf32, #tpu.memory_space<vmem_shared>> -> memref<10240x80xf32, #tpu.memory_space<vmem_shared>>
      tpu.enqueue_indirect_dma source(%arg12 : memref<128x80xf32, #tpu.memory_space<vmem>>) target(%dma_start3A_263 : memref<10240x80xf32, #tpu.memory_space<vmem_shared>>) offsets(%dma_start3A_260 : memref<128xi32, #tpu.memory_space<vmem>>) semaphore(%arg14 : memref<!tpu.dma_semaphore, #tpu.memory_space<semaphore_mem>>) {add = true}
      %dma_wait3A_264 = arith.constant 5 : i32
      %dma_wait3A_265 = arith.constant 0 : i32
      %dma_wait3A_266 = tpu.memref_slice %arg10[%dma_wait3A_264, %dma_wait3A_265] : memref<8x128xi32, #tpu.memory_space<vmem>> -> memref<1x128xi32, #tpu.memory_space<vmem>>
      %dma_wait3A_267 = tpu.memref_squeeze %dma_wait3A_266 : memref<1x128xi32, #tpu.memory_space<vmem>> -> memref<128xi32, #tpu.memory_space<vmem>>
      %dma_wait3A_268 = arith.constant 0 : i32
      %dma_wait3A_269 = arith.constant 0 : i32
      %dma_wait3A_270 = tpu.memref_slice %arg7[%dma_wait3A_268, %dma_wait3A_269] : memref<10240x80xf32, #tpu.memory_space<vmem_shared>> -> memref<10240x80xf32, #tpu.memory_space<vmem_shared>>
      tpu.wait_indirect_dma semaphore(%arg15 : memref<!tpu.dma_semaphore, #tpu.memory_space<semaphore_mem>>) src(%arg13 : memref<128x80xf32, #tpu.memory_space<vmem>>) dst(%dma_wait3A_270 : memref<10240x80xf32, #tpu.memory_space<vmem_shared>>)
      %dma_start3A_271 = arith.constant 5 : i32
      %dma_start3A_272 = arith.constant 0 : i32
      %dma_start3A_273 = tpu.memref_slice %arg8[%dma_start3A_271, %dma_start3A_272] : memref<8x128xi32, #tpu.memory_space<vmem>> -> memref<1x128xi32, #tpu.memory_space<vmem>>
      %dma_start3A_274 = tpu.memref_squeeze %dma_start3A_273 : memref<1x128xi32, #tpu.memory_space<vmem>> -> memref<128xi32, #tpu.memory_space<vmem>>
      %dma_start3A_275 = arith.constant 0 : i32
      %dma_start3A_276 = arith.constant 0 : i32
      %dma_start3A_277 = tpu.memref_slice %arg6[%dma_start3A_275, %dma_start3A_276] : memref<10240x80xf32, #tpu.memory_space<vmem_shared>> -> memref<10240x80xf32, #tpu.memory_space<vmem_shared>>
      tpu.enqueue_indirect_dma source(%dma_start3A_277 : memref<10240x80xf32, #tpu.memory_space<vmem_shared>>) target(%arg13 : memref<128x80xf32, #tpu.memory_space<vmem>>) offsets(%dma_start3A_274 : memref<128xi32, #tpu.memory_space<vmem>>) semaphore(%arg16 : memref<!tpu.dma_semaphore, #tpu.memory_space<semaphore_mem>>)
      %dma_wait3A_278 = arith.constant 5 : i32
      %dma_wait3A_279 = arith.constant 0 : i32
      %dma_wait3A_280 = tpu.memref_slice %arg8[%dma_wait3A_278, %dma_wait3A_279] : memref<8x128xi32, #tpu.memory_space<vmem>> -> memref<1x128xi32, #tpu.memory_space<vmem>>
      %dma_wait3A_281 = tpu.memref_squeeze %dma_wait3A_280 : memref<1x128xi32, #tpu.memory_space<vmem>> -> memref<128xi32, #tpu.memory_space<vmem>>
      %dma_wait3A_282 = arith.constant 0 : i32
      %dma_wait3A_283 = arith.constant 0 : i32
      %dma_wait3A_284 = tpu.memref_slice %arg6[%dma_wait3A_282, %dma_wait3A_283] : memref<10240x80xf32, #tpu.memory_space<vmem_shared>> -> memref<10240x80xf32, #tpu.memory_space<vmem_shared>>
      tpu.wait_indirect_dma semaphore(%arg16 : memref<!tpu.dma_semaphore, #tpu.memory_space<semaphore_mem>>) src(%dma_wait3A_284 : memref<10240x80xf32, #tpu.memory_space<vmem_shared>>) dst(%arg13 : memref<128x80xf32, #tpu.memory_space<vmem>>)
      %dma_start3A_285 = arith.constant 5 : i32
      %dma_start3A_286 = arith.constant 0 : i32
      %dma_start3A_287 = tpu.memref_slice %arg10[%dma_start3A_285, %dma_start3A_286] : memref<8x128xi32, #tpu.memory_space<vmem>> -> memref<1x128xi32, #tpu.memory_space<vmem>>
      %dma_start3A_288 = tpu.memref_squeeze %dma_start3A_287 : memref<1x128xi32, #tpu.memory_space<vmem>> -> memref<128xi32, #tpu.memory_space<vmem>>
      %dma_start3A_289 = arith.constant 0 : i32
      %dma_start3A_290 = arith.constant 0 : i32
      %dma_start3A_291 = tpu.memref_slice %arg7[%dma_start3A_289, %dma_start3A_290] : memref<10240x80xf32, #tpu.memory_space<vmem_shared>> -> memref<10240x80xf32, #tpu.memory_space<vmem_shared>>
      tpu.enqueue_indirect_dma source(%arg13 : memref<128x80xf32, #tpu.memory_space<vmem>>) target(%dma_start3A_291 : memref<10240x80xf32, #tpu.memory_space<vmem_shared>>) offsets(%dma_start3A_288 : memref<128xi32, #tpu.memory_space<vmem>>) semaphore(%arg15 : memref<!tpu.dma_semaphore, #tpu.memory_space<semaphore_mem>>) {add = true}
      %dma_wait3A_292 = arith.constant 6 : i32
      %dma_wait3A_293 = arith.constant 0 : i32
      %dma_wait3A_294 = tpu.memref_slice %arg10[%dma_wait3A_292, %dma_wait3A_293] : memref<8x128xi32, #tpu.memory_space<vmem>> -> memref<1x128xi32, #tpu.memory_space<vmem>>
      %dma_wait3A_295 = tpu.memref_squeeze %dma_wait3A_294 : memref<1x128xi32, #tpu.memory_space<vmem>> -> memref<128xi32, #tpu.memory_space<vmem>>
      %dma_wait3A_296 = arith.constant 0 : i32
      %dma_wait3A_297 = arith.constant 0 : i32
      %dma_wait3A_298 = tpu.memref_slice %arg7[%dma_wait3A_296, %dma_wait3A_297] : memref<10240x80xf32, #tpu.memory_space<vmem_shared>> -> memref<10240x80xf32, #tpu.memory_space<vmem_shared>>
      tpu.wait_indirect_dma semaphore(%arg14 : memref<!tpu.dma_semaphore, #tpu.memory_space<semaphore_mem>>) src(%arg12 : memref<128x80xf32, #tpu.memory_space<vmem>>) dst(%dma_wait3A_298 : memref<10240x80xf32, #tpu.memory_space<vmem_shared>>)
      %dma_start3A_299 = arith.constant 6 : i32
      %dma_start3A_300 = arith.constant 0 : i32
      %dma_start3A_301 = tpu.memref_slice %arg8[%dma_start3A_299, %dma_start3A_300] : memref<8x128xi32, #tpu.memory_space<vmem>> -> memref<1x128xi32, #tpu.memory_space<vmem>>
      %dma_start3A_302 = tpu.memref_squeeze %dma_start3A_301 : memref<1x128xi32, #tpu.memory_space<vmem>> -> memref<128xi32, #tpu.memory_space<vmem>>
      %dma_start3A_303 = arith.constant 0 : i32
      %dma_start3A_304 = arith.constant 0 : i32
      %dma_start3A_305 = tpu.memref_slice %arg6[%dma_start3A_303, %dma_start3A_304] : memref<10240x80xf32, #tpu.memory_space<vmem_shared>> -> memref<10240x80xf32, #tpu.memory_space<vmem_shared>>
      tpu.enqueue_indirect_dma source(%dma_start3A_305 : memref<10240x80xf32, #tpu.memory_space<vmem_shared>>) target(%arg12 : memref<128x80xf32, #tpu.memory_space<vmem>>) offsets(%dma_start3A_302 : memref<128xi32, #tpu.memory_space<vmem>>) semaphore(%arg16 : memref<!tpu.dma_semaphore, #tpu.memory_space<semaphore_mem>>)
      %dma_wait3A_306 = arith.constant 6 : i32
      %dma_wait3A_307 = arith.constant 0 : i32
      %dma_wait3A_308 = tpu.memref_slice %arg8[%dma_wait3A_306, %dma_wait3A_307] : memref<8x128xi32, #tpu.memory_space<vmem>> -> memref<1x128xi32, #tpu.memory_space<vmem>>
      %dma_wait3A_309 = tpu.memref_squeeze %dma_wait3A_308 : memref<1x128xi32, #tpu.memory_space<vmem>> -> memref<128xi32, #tpu.memory_space<vmem>>
      %dma_wait3A_310 = arith.constant 0 : i32
      %dma_wait3A_311 = arith.constant 0 : i32
      %dma_wait3A_312 = tpu.memref_slice %arg6[%dma_wait3A_310, %dma_wait3A_311] : memref<10240x80xf32, #tpu.memory_space<vmem_shared>> -> memref<10240x80xf32, #tpu.memory_space<vmem_shared>>
      tpu.wait_indirect_dma semaphore(%arg16 : memref<!tpu.dma_semaphore, #tpu.memory_space<semaphore_mem>>) src(%dma_wait3A_312 : memref<10240x80xf32, #tpu.memory_space<vmem_shared>>) dst(%arg12 : memref<128x80xf32, #tpu.memory_space<vmem>>)
      %dma_start3A_313 = arith.constant 6 : i32
      %dma_start3A_314 = arith.constant 0 : i32
      %dma_start3A_315 = tpu.memref_slice %arg10[%dma_start3A_313, %dma_start3A_314] : memref<8x128xi32, #tpu.memory_space<vmem>> -> memref<1x128xi32, #tpu.memory_space<vmem>>
      %dma_start3A_316 = tpu.memref_squeeze %dma_start3A_315 : memref<1x128xi32, #tpu.memory_space<vmem>> -> memref<128xi32, #tpu.memory_space<vmem>>
      %dma_start3A_317 = arith.constant 0 : i32
      %dma_start3A_318 = arith.constant 0 : i32
      %dma_start3A_319 = tpu.memref_slice %arg7[%dma_start3A_317, %dma_start3A_318] : memref<10240x80xf32, #tpu.memory_space<vmem_shared>> -> memref<10240x80xf32, #tpu.memory_space<vmem_shared>>
      tpu.enqueue_indirect_dma source(%arg12 : memref<128x80xf32, #tpu.memory_space<vmem>>) target(%dma_start3A_319 : memref<10240x80xf32, #tpu.memory_space<vmem_shared>>) offsets(%dma_start3A_316 : memref<128xi32, #tpu.memory_space<vmem>>) semaphore(%arg14 : memref<!tpu.dma_semaphore, #tpu.memory_space<semaphore_mem>>) {add = true}
      %dma_wait3A_320 = arith.constant 7 : i32
      %dma_wait3A_321 = arith.constant 0 : i32
      %dma_wait3A_322 = tpu.memref_slice %arg10[%dma_wait3A_320, %dma_wait3A_321] : memref<8x128xi32, #tpu.memory_space<vmem>> -> memref<1x128xi32, #tpu.memory_space<vmem>>
      %dma_wait3A_323 = tpu.memref_squeeze %dma_wait3A_322 : memref<1x128xi32, #tpu.memory_space<vmem>> -> memref<128xi32, #tpu.memory_space<vmem>>
      %dma_wait3A_324 = arith.constant 0 : i32
      %dma_wait3A_325 = arith.constant 0 : i32
      %dma_wait3A_326 = tpu.memref_slice %arg7[%dma_wait3A_324, %dma_wait3A_325] : memref<10240x80xf32, #tpu.memory_space<vmem_shared>> -> memref<10240x80xf32, #tpu.memory_space<vmem_shared>>
      tpu.wait_indirect_dma semaphore(%arg15 : memref<!tpu.dma_semaphore, #tpu.memory_space<semaphore_mem>>) src(%arg13 : memref<128x80xf32, #tpu.memory_space<vmem>>) dst(%dma_wait3A_326 : memref<10240x80xf32, #tpu.memory_space<vmem_shared>>)
      %dma_start3A_327 = arith.constant 7 : i32
      %dma_start3A_328 = arith.constant 0 : i32
      %dma_start3A_329 = tpu.memref_slice %arg8[%dma_start3A_327, %dma_start3A_328] : memref<8x128xi32, #tpu.memory_space<vmem>> -> memref<1x128xi32, #tpu.memory_space<vmem>>
      %dma_start3A_330 = tpu.memref_squeeze %dma_start3A_329 : memref<1x128xi32, #tpu.memory_space<vmem>> -> memref<128xi32, #tpu.memory_space<vmem>>
      %dma_start3A_331 = arith.constant 0 : i32
      %dma_start3A_332 = arith.constant 0 : i32
      %dma_start3A_333 = tpu.memref_slice %arg6[%dma_start3A_331, %dma_start3A_332] : memref<10240x80xf32, #tpu.memory_space<vmem_shared>> -> memref<10240x80xf32, #tpu.memory_space<vmem_shared>>
      tpu.enqueue_indirect_dma source(%dma_start3A_333 : memref<10240x80xf32, #tpu.memory_space<vmem_shared>>) target(%arg13 : memref<128x80xf32, #tpu.memory_space<vmem>>) offsets(%dma_start3A_330 : memref<128xi32, #tpu.memory_space<vmem>>) semaphore(%arg16 : memref<!tpu.dma_semaphore, #tpu.memory_space<semaphore_mem>>)
      %dma_wait3A_334 = arith.constant 7 : i32
      %dma_wait3A_335 = arith.constant 0 : i32
      %dma_wait3A_336 = tpu.memref_slice %arg8[%dma_wait3A_334, %dma_wait3A_335] : memref<8x128xi32, #tpu.memory_space<vmem>> -> memref<1x128xi32, #tpu.memory_space<vmem>>
      %dma_wait3A_337 = tpu.memref_squeeze %dma_wait3A_336 : memref<1x128xi32, #tpu.memory_space<vmem>> -> memref<128xi32, #tpu.memory_space<vmem>>
      %dma_wait3A_338 = arith.constant 0 : i32
      %dma_wait3A_339 = arith.constant 0 : i32
      %dma_wait3A_340 = tpu.memref_slice %arg6[%dma_wait3A_338, %dma_wait3A_339] : memref<10240x80xf32, #tpu.memory_space<vmem_shared>> -> memref<10240x80xf32, #tpu.memory_space<vmem_shared>>
      tpu.wait_indirect_dma semaphore(%arg16 : memref<!tpu.dma_semaphore, #tpu.memory_space<semaphore_mem>>) src(%dma_wait3A_340 : memref<10240x80xf32, #tpu.memory_space<vmem_shared>>) dst(%arg13 : memref<128x80xf32, #tpu.memory_space<vmem>>)
      %dma_start3A_341 = arith.constant 7 : i32
      %dma_start3A_342 = arith.constant 0 : i32
      %dma_start3A_343 = tpu.memref_slice %arg10[%dma_start3A_341, %dma_start3A_342] : memref<8x128xi32, #tpu.memory_space<vmem>> -> memref<1x128xi32, #tpu.memory_space<vmem>>
      %dma_start3A_344 = tpu.memref_squeeze %dma_start3A_343 : memref<1x128xi32, #tpu.memory_space<vmem>> -> memref<128xi32, #tpu.memory_space<vmem>>
      %dma_start3A_345 = arith.constant 0 : i32
      %dma_start3A_346 = arith.constant 0 : i32
      %dma_start3A_347 = tpu.memref_slice %arg7[%dma_start3A_345, %dma_start3A_346] : memref<10240x80xf32, #tpu.memory_space<vmem_shared>> -> memref<10240x80xf32, #tpu.memory_space<vmem_shared>>
      tpu.enqueue_indirect_dma source(%arg13 : memref<128x80xf32, #tpu.memory_space<vmem>>) target(%dma_start3A_347 : memref<10240x80xf32, #tpu.memory_space<vmem_shared>>) offsets(%dma_start3A_344 : memref<128xi32, #tpu.memory_space<vmem>>) semaphore(%arg15 : memref<!tpu.dma_semaphore, #tpu.memory_space<semaphore_mem>>) {add = true}
      %mul3A_348 = arith.constant 2 : i32
      %mul3A_349 = arith.muli %mul3A_348, %scan3A_82 : i32
      %add3A_350 = arith.constant 1 : i32
      %add3A_351 = arith.addi %mul3A_349, %add3A_350 : i32
      %dma_wait3A_352 = arith.constant 0 : i32
      %dma_wait3A_353 = arith.constant 0 : i32
      %dma_wait3A_354 = tpu.memref_slice %arg3[%arg1, %dma_wait3A_352, %dma_wait3A_353] : memref<16x168x128xi32, #tpu.memory_space<hbm>> -> memref<1x8x128xi32, #tpu.memory_space<hbm>>
      %dma_wait3A_355 = tpu.memref_squeeze %dma_wait3A_354 : memref<1x8x128xi32, #tpu.memory_space<hbm>> -> memref<8x128xi32, #tpu.memory_space<hbm>>
      %dma_wait3A_356 = arith.constant 0 : i32
      %dma_wait3A_357 = arith.constant 0 : i32
      %dma_wait3A_358 = tpu.memref_slice %arg3[%arg1, %dma_wait3A_356, %dma_wait3A_357] : memref<16x168x128xi32, #tpu.memory_space<hbm>> -> memref<1x8x128xi32, #tpu.memory_space<hbm>>
      %dma_wait3A_359 = tpu.memref_squeeze %dma_wait3A_358 : memref<1x8x128xi32, #tpu.memory_space<hbm>> -> memref<8x128xi32, #tpu.memory_space<hbm>>
      tpu.wait_dma2 semaphore(%arg18 : memref<!tpu.dma_semaphore, #tpu.memory_space<semaphore_mem>>) src(%dma_wait3A_359 : memref<8x128xi32, #tpu.memory_space<hbm>>) dst(%arg9 : memref<8x128xi32, #tpu.memory_space<vmem>>)
      %dma_wait3A_360 = arith.constant 0 : i32
      %dma_wait3A_361 = arith.constant 0 : i32
      %dma_wait3A_362 = tpu.memref_slice %arg4[%arg1, %dma_wait3A_360, %dma_wait3A_361] : memref<16x168x128xi32, #tpu.memory_space<hbm>> -> memref<1x8x128xi32, #tpu.memory_space<hbm>>
      %dma_wait3A_363 = tpu.memref_squeeze %dma_wait3A_362 : memref<1x8x128xi32, #tpu.memory_space<hbm>> -> memref<8x128xi32, #tpu.memory_space<hbm>>
      %dma_wait3A_364 = arith.constant 0 : i32
      %dma_wait3A_365 = arith.constant 0 : i32
      %dma_wait3A_366 = tpu.memref_slice %arg4[%arg1, %dma_wait3A_364, %dma_wait3A_365] : memref<16x168x128xi32, #tpu.memory_space<hbm>> -> memref<1x8x128xi32, #tpu.memory_space<hbm>>
      %dma_wait3A_367 = tpu.memref_squeeze %dma_wait3A_366 : memref<1x8x128xi32, #tpu.memory_space<hbm>> -> memref<8x128xi32, #tpu.memory_space<hbm>>
      tpu.wait_dma2 semaphore(%arg18 : memref<!tpu.dma_semaphore, #tpu.memory_space<semaphore_mem>>) src(%dma_wait3A_367 : memref<8x128xi32, #tpu.memory_space<hbm>>) dst(%arg11 : memref<8x128xi32, #tpu.memory_space<vmem>>)
      %add3A_368 = arith.constant 1 : i32
      %add3A_369 = arith.addi %add3A_351, %add3A_368 : i32
      %mul3A_370 = arith.constant 8 : i32
      %mul3A_371 = arith.muli %add3A_369, %mul3A_370 : i32
      %dma_start3A_372 = arith.constant 0 : i32
      %dma_start3A_373 = tpu.memref_slice %arg3[%arg1, %mul3A_371, %dma_start3A_372] : memref<16x168x128xi32, #tpu.memory_space<hbm>> -> memref<1x8x128xi32, #tpu.memory_space<hbm>>
      %dma_start3A_374 = tpu.memref_squeeze %dma_start3A_373 : memref<1x8x128xi32, #tpu.memory_space<hbm>> -> memref<8x128xi32, #tpu.memory_space<hbm>>
      %dma_start3A_375 = arith.constant 0 : i32
      %dma_start3A_376 = tpu.memref_slice %arg3[%arg1, %mul3A_371, %dma_start3A_375] : memref<16x168x128xi32, #tpu.memory_space<hbm>> -> memref<1x8x128xi32, #tpu.memory_space<hbm>>
      %dma_start3A_377 = tpu.memref_squeeze %dma_start3A_376 : memref<1x8x128xi32, #tpu.memory_space<hbm>> -> memref<8x128xi32, #tpu.memory_space<hbm>>
      tpu.enqueue_dma source(%dma_start3A_377 : memref<8x128xi32, #tpu.memory_space<hbm>>) target(%arg8 : memref<8x128xi32, #tpu.memory_space<vmem>>) target_semaphore(%arg17 : memref<!tpu.dma_semaphore, #tpu.memory_space<semaphore_mem>>)
      %add3A_378 = arith.constant 1 : i32
      %add3A_379 = arith.addi %add3A_351, %add3A_378 : i32
      %mul3A_380 = arith.constant 8 : i32
      %mul3A_381 = arith.muli %add3A_379, %mul3A_380 : i32
      %dma_start3A_382 = arith.constant 0 : i32
      %dma_start3A_383 = tpu.memref_slice %arg4[%arg1, %mul3A_381, %dma_start3A_382] : memref<16x168x128xi32, #tpu.memory_space<hbm>> -> memref<1x8x128xi32, #tpu.memory_space<hbm>>
      %dma_start3A_384 = tpu.memref_squeeze %dma_start3A_383 : memref<1x8x128xi32, #tpu.memory_space<hbm>> -> memref<8x128xi32, #tpu.memory_space<hbm>>
      %dma_start3A_385 = arith.constant 0 : i32
      %dma_start3A_386 = tpu.memref_slice %arg4[%arg1, %mul3A_381, %dma_start3A_385] : memref<16x168x128xi32, #tpu.memory_space<hbm>> -> memref<1x8x128xi32, #tpu.memory_space<hbm>>
      %dma_start3A_387 = tpu.memref_squeeze %dma_start3A_386 : memref<1x8x128xi32, #tpu.memory_space<hbm>> -> memref<8x128xi32, #tpu.memory_space<hbm>>
      tpu.enqueue_dma source(%dma_start3A_387 : memref<8x128xi32, #tpu.memory_space<hbm>>) target(%arg10 : memref<8x128xi32, #tpu.memory_space<vmem>>) target_semaphore(%arg17 : memref<!tpu.dma_semaphore, #tpu.memory_space<semaphore_mem>>)
      %dma_wait3A_388 = arith.constant 0 : i32
      %dma_wait3A_389 = arith.constant 0 : i32
      %dma_wait3A_390 = tpu.memref_slice %arg11[%dma_wait3A_388, %dma_wait3A_389] : memref<8x128xi32, #tpu.memory_space<vmem>> -> memref<1x128xi32, #tpu.memory_space<vmem>>
      %dma_wait3A_391 = tpu.memref_squeeze %dma_wait3A_390 : memref<1x128xi32, #tpu.memory_space<vmem>> -> memref<128xi32, #tpu.memory_space<vmem>>
      %dma_wait3A_392 = arith.constant 0 : i32
      %dma_wait3A_393 = arith.constant 0 : i32
      %dma_wait3A_394 = tpu.memref_slice %arg7[%dma_wait3A_392, %dma_wait3A_393] : memref<10240x80xf32, #tpu.memory_space<vmem_shared>> -> memref<10240x80xf32, #tpu.memory_space<vmem_shared>>
      tpu.wait_indirect_dma semaphore(%arg14 : memref<!tpu.dma_semaphore, #tpu.memory_space<semaphore_mem>>) src(%arg12 : memref<128x80xf32, #tpu.memory_space<vmem>>) dst(%dma_wait3A_394 : memref<10240x80xf32, #tpu.memory_space<vmem_shared>>)
      %dma_start3A_395 = arith.constant 0 : i32
      %dma_start3A_396 = arith.constant 0 : i32
      %dma_start3A_397 = tpu.memref_slice %arg9[%dma_start3A_395, %dma_start3A_396] : memref<8x128xi32, #tpu.memory_space<vmem>> -> memref<1x128xi32, #tpu.memory_space<vmem>>
      %dma_start3A_398 = tpu.memref_squeeze %dma_start3A_397 : memref<1x128xi32, #tpu.memory_space<vmem>> -> memref<128xi32, #tpu.memory_space<vmem>>
      %dma_start3A_399 = arith.constant 0 : i32
      %dma_start3A_400 = arith.constant 0 : i32
      %dma_start3A_401 = tpu.memref_slice %arg6[%dma_start3A_399, %dma_start3A_400] : memref<10240x80xf32, #tpu.memory_space<vmem_shared>> -> memref<10240x80xf32, #tpu.memory_space<vmem_shared>>
      tpu.enqueue_indirect_dma source(%dma_start3A_401 : memref<10240x80xf32, #tpu.memory_space<vmem_shared>>) target(%arg12 : memref<128x80xf32, #tpu.memory_space<vmem>>) offsets(%dma_start3A_398 : memref<128xi32, #tpu.memory_space<vmem>>) semaphore(%arg16 : memref<!tpu.dma_semaphore, #tpu.memory_space<semaphore_mem>>)
      %dma_wait3A_402 = arith.constant 0 : i32
      %dma_wait3A_403 = arith.constant 0 : i32
      %dma_wait3A_404 = tpu.memref_slice %arg9[%dma_wait3A_402, %dma_wait3A_403] : memref<8x128xi32, #tpu.memory_space<vmem>> -> memref<1x128xi32, #tpu.memory_space<vmem>>
      %dma_wait3A_405 = tpu.memref_squeeze %dma_wait3A_404 : memref<1x128xi32, #tpu.memory_space<vmem>> -> memref<128xi32, #tpu.memory_space<vmem>>
      %dma_wait3A_406 = arith.constant 0 : i32
      %dma_wait3A_407 = arith.constant 0 : i32
      %dma_wait3A_408 = tpu.memref_slice %arg6[%dma_wait3A_406, %dma_wait3A_407] : memref<10240x80xf32, #tpu.memory_space<vmem_shared>> -> memref<10240x80xf32, #tpu.memory_space<vmem_shared>>
      tpu.wait_indirect_dma semaphore(%arg16 : memref<!tpu.dma_semaphore, #tpu.memory_space<semaphore_mem>>) src(%dma_wait3A_408 : memref<10240x80xf32, #tpu.memory_space<vmem_shared>>) dst(%arg12 : memref<128x80xf32, #tpu.memory_space<vmem>>)
      %dma_start3A_409 = arith.constant 0 : i32
      %dma_start3A_410 = arith.constant 0 : i32
      %dma_start3A_411 = tpu.memref_slice %arg11[%dma_start3A_409, %dma_start3A_410] : memref<8x128xi32, #tpu.memory_space<vmem>> -> memref<1x128xi32, #tpu.memory_space<vmem>>
      %dma_start3A_412 = tpu.memref_squeeze %dma_start3A_411 : memref<1x128xi32, #tpu.memory_space<vmem>> -> memref<128xi32, #tpu.memory_space<vmem>>
      %dma_start3A_413 = arith.constant 0 : i32
      %dma_start3A_414 = arith.constant 0 : i32
      %dma_start3A_415 = tpu.memref_slice %arg7[%dma_start3A_413, %dma_start3A_414] : memref<10240x80xf32, #tpu.memory_space<vmem_shared>> -> memref<10240x80xf32, #tpu.memory_space<vmem_shared>>
      tpu.enqueue_indirect_dma source(%arg12 : memref<128x80xf32, #tpu.memory_space<vmem>>) target(%dma_start3A_415 : memref<10240x80xf32, #tpu.memory_space<vmem_shared>>) offsets(%dma_start3A_412 : memref<128xi32, #tpu.memory_space<vmem>>) semaphore(%arg14 : memref<!tpu.dma_semaphore, #tpu.memory_space<semaphore_mem>>) {add = true}
      %dma_wait3A_416 = arith.constant 1 : i32
      %dma_wait3A_417 = arith.constant 0 : i32
      %dma_wait3A_418 = tpu.memref_slice %arg11[%dma_wait3A_416, %dma_wait3A_417] : memref<8x128xi32, #tpu.memory_space<vmem>> -> memref<1x128xi32, #tpu.memory_space<vmem>>
      %dma_wait3A_419 = tpu.memref_squeeze %dma_wait3A_418 : memref<1x128xi32, #tpu.memory_space<vmem>> -> memref<128xi32, #tpu.memory_space<vmem>>
      %dma_wait3A_420 = arith.constant 0 : i32
      %dma_wait3A_421 = arith.constant 0 : i32
      %dma_wait3A_422 = tpu.memref_slice %arg7[%dma_wait3A_420, %dma_wait3A_421] : memref<10240x80xf32, #tpu.memory_space<vmem_shared>> -> memref<10240x80xf32, #tpu.memory_space<vmem_shared>>
      tpu.wait_indirect_dma semaphore(%arg15 : memref<!tpu.dma_semaphore, #tpu.memory_space<semaphore_mem>>) src(%arg13 : memref<128x80xf32, #tpu.memory_space<vmem>>) dst(%dma_wait3A_422 : memref<10240x80xf32, #tpu.memory_space<vmem_shared>>)
      %dma_start3A_423 = arith.constant 1 : i32
      %dma_start3A_424 = arith.constant 0 : i32
      %dma_start3A_425 = tpu.memref_slice %arg9[%dma_start3A_423, %dma_start3A_424] : memref<8x128xi32, #tpu.memory_space<vmem>> -> memref<1x128xi32, #tpu.memory_space<vmem>>
      %dma_start3A_426 = tpu.memref_squeeze %dma_start3A_425 : memref<1x128xi32, #tpu.memory_space<vmem>> -> memref<128xi32, #tpu.memory_space<vmem>>
      %dma_start3A_427 = arith.constant 0 : i32
      %dma_start3A_428 = arith.constant 0 : i32
      %dma_start3A_429 = tpu.memref_slice %arg6[%dma_start3A_427, %dma_start3A_428] : memref<10240x80xf32, #tpu.memory_space<vmem_shared>> -> memref<10240x80xf32, #tpu.memory_space<vmem_shared>>
      tpu.enqueue_indirect_dma source(%dma_start3A_429 : memref<10240x80xf32, #tpu.memory_space<vmem_shared>>) target(%arg13 : memref<128x80xf32, #tpu.memory_space<vmem>>) offsets(%dma_start3A_426 : memref<128xi32, #tpu.memory_space<vmem>>) semaphore(%arg16 : memref<!tpu.dma_semaphore, #tpu.memory_space<semaphore_mem>>)
      %dma_wait3A_430 = arith.constant 1 : i32
      %dma_wait3A_431 = arith.constant 0 : i32
      %dma_wait3A_432 = tpu.memref_slice %arg9[%dma_wait3A_430, %dma_wait3A_431] : memref<8x128xi32, #tpu.memory_space<vmem>> -> memref<1x128xi32, #tpu.memory_space<vmem>>
      %dma_wait3A_433 = tpu.memref_squeeze %dma_wait3A_432 : memref<1x128xi32, #tpu.memory_space<vmem>> -> memref<128xi32, #tpu.memory_space<vmem>>
      %dma_wait3A_434 = arith.constant 0 : i32
      %dma_wait3A_435 = arith.constant 0 : i32
      %dma_wait3A_436 = tpu.memref_slice %arg6[%dma_wait3A_434, %dma_wait3A_435] : memref<10240x80xf32, #tpu.memory_space<vmem_shared>> -> memref<10240x80xf32, #tpu.memory_space<vmem_shared>>
      tpu.wait_indirect_dma semaphore(%arg16 : memref<!tpu.dma_semaphore, #tpu.memory_space<semaphore_mem>>) src(%dma_wait3A_436 : memref<10240x80xf32, #tpu.memory_space<vmem_shared>>) dst(%arg13 : memref<128x80xf32, #tpu.memory_space<vmem>>)
      %dma_start3A_437 = arith.constant 1 : i32
      %dma_start3A_438 = arith.constant 0 : i32
      %dma_start3A_439 = tpu.memref_slice %arg11[%dma_start3A_437, %dma_start3A_438] : memref<8x128xi32, #tpu.memory_space<vmem>> -> memref<1x128xi32, #tpu.memory_space<vmem>>
      %dma_start3A_440 = tpu.memref_squeeze %dma_start3A_439 : memref<1x128xi32, #tpu.memory_space<vmem>> -> memref<128xi32, #tpu.memory_space<vmem>>
      %dma_start3A_441 = arith.constant 0 : i32
      %dma_start3A_442 = arith.constant 0 : i32
      %dma_start3A_443 = tpu.memref_slice %arg7[%dma_start3A_441, %dma_start3A_442] : memref<10240x80xf32, #tpu.memory_space<vmem_shared>> -> memref<10240x80xf32, #tpu.memory_space<vmem_shared>>
      tpu.enqueue_indirect_dma source(%arg13 : memref<128x80xf32, #tpu.memory_space<vmem>>) target(%dma_start3A_443 : memref<10240x80xf32, #tpu.memory_space<vmem_shared>>) offsets(%dma_start3A_440 : memref<128xi32, #tpu.memory_space<vmem>>) semaphore(%arg15 : memref<!tpu.dma_semaphore, #tpu.memory_space<semaphore_mem>>) {add = true}
      %dma_wait3A_444 = arith.constant 2 : i32
      %dma_wait3A_445 = arith.constant 0 : i32
      %dma_wait3A_446 = tpu.memref_slice %arg11[%dma_wait3A_444, %dma_wait3A_445] : memref<8x128xi32, #tpu.memory_space<vmem>> -> memref<1x128xi32, #tpu.memory_space<vmem>>
      %dma_wait3A_447 = tpu.memref_squeeze %dma_wait3A_446 : memref<1x128xi32, #tpu.memory_space<vmem>> -> memref<128xi32, #tpu.memory_space<vmem>>
      %dma_wait3A_448 = arith.constant 0 : i32
      %dma_wait3A_449 = arith.constant 0 : i32
      %dma_wait3A_450 = tpu.memref_slice %arg7[%dma_wait3A_448, %dma_wait3A_449] : memref<10240x80xf32, #tpu.memory_space<vmem_shared>> -> memref<10240x80xf32, #tpu.memory_space<vmem_shared>>
      tpu.wait_indirect_dma semaphore(%arg14 : memref<!tpu.dma_semaphore, #tpu.memory_space<semaphore_mem>>) src(%arg12 : memref<128x80xf32, #tpu.memory_space<vmem>>) dst(%dma_wait3A_450 : memref<10240x80xf32, #tpu.memory_space<vmem_shared>>)
      %dma_start3A_451 = arith.constant 2 : i32
      %dma_start3A_452 = arith.constant 0 : i32
      %dma_start3A_453 = tpu.memref_slice %arg9[%dma_start3A_451, %dma_start3A_452] : memref<8x128xi32, #tpu.memory_space<vmem>> -> memref<1x128xi32, #tpu.memory_space<vmem>>
      %dma_start3A_454 = tpu.memref_squeeze %dma_start3A_453 : memref<1x128xi32, #tpu.memory_space<vmem>> -> memref<128xi32, #tpu.memory_space<vmem>>
      %dma_start3A_455 = arith.constant 0 : i32
      %dma_start3A_456 = arith.constant 0 : i32
      %dma_start3A_457 = tpu.memref_slice %arg6[%dma_start3A_455, %dma_start3A_456] : memref<10240x80xf32, #tpu.memory_space<vmem_shared>> -> memref<10240x80xf32, #tpu.memory_space<vmem_shared>>
      tpu.enqueue_indirect_dma source(%dma_start3A_457 : memref<10240x80xf32, #tpu.memory_space<vmem_shared>>) target(%arg12 : memref<128x80xf32, #tpu.memory_space<vmem>>) offsets(%dma_start3A_454 : memref<128xi32, #tpu.memory_space<vmem>>) semaphore(%arg16 : memref<!tpu.dma_semaphore, #tpu.memory_space<semaphore_mem>>)
      %dma_wait3A_458 = arith.constant 2 : i32
      %dma_wait3A_459 = arith.constant 0 : i32
      %dma_wait3A_460 = tpu.memref_slice %arg9[%dma_wait3A_458, %dma_wait3A_459] : memref<8x128xi32, #tpu.memory_space<vmem>> -> memref<1x128xi32, #tpu.memory_space<vmem>>
      %dma_wait3A_461 = tpu.memref_squeeze %dma_wait3A_460 : memref<1x128xi32, #tpu.memory_space<vmem>> -> memref<128xi32, #tpu.memory_space<vmem>>
      %dma_wait3A_462 = arith.constant 0 : i32
      %dma_wait3A_463 = arith.constant 0 : i32
      %dma_wait3A_464 = tpu.memref_slice %arg6[%dma_wait3A_462, %dma_wait3A_463] : memref<10240x80xf32, #tpu.memory_space<vmem_shared>> -> memref<10240x80xf32, #tpu.memory_space<vmem_shared>>
      tpu.wait_indirect_dma semaphore(%arg16 : memref<!tpu.dma_semaphore, #tpu.memory_space<semaphore_mem>>) src(%dma_wait3A_464 : memref<10240x80xf32, #tpu.memory_space<vmem_shared>>) dst(%arg12 : memref<128x80xf32, #tpu.memory_space<vmem>>)
      %dma_start3A_465 = arith.constant 2 : i32
      %dma_start3A_466 = arith.constant 0 : i32
      %dma_start3A_467 = tpu.memref_slice %arg11[%dma_start3A_465, %dma_start3A_466] : memref<8x128xi32, #tpu.memory_space<vmem>> -> memref<1x128xi32, #tpu.memory_space<vmem>>
      %dma_start3A_468 = tpu.memref_squeeze %dma_start3A_467 : memref<1x128xi32, #tpu.memory_space<vmem>> -> memref<128xi32, #tpu.memory_space<vmem>>
      %dma_start3A_469 = arith.constant 0 : i32
      %dma_start3A_470 = arith.constant 0 : i32
      %dma_start3A_471 = tpu.memref_slice %arg7[%dma_start3A_469, %dma_start3A_470] : memref<10240x80xf32, #tpu.memory_space<vmem_shared>> -> memref<10240x80xf32, #tpu.memory_space<vmem_shared>>
      tpu.enqueue_indirect_dma source(%arg12 : memref<128x80xf32, #tpu.memory_space<vmem>>) target(%dma_start3A_471 : memref<10240x80xf32, #tpu.memory_space<vmem_shared>>) offsets(%dma_start3A_468 : memref<128xi32, #tpu.memory_space<vmem>>) semaphore(%arg14 : memref<!tpu.dma_semaphore, #tpu.memory_space<semaphore_mem>>) {add = true}
      %dma_wait3A_472 = arith.constant 3 : i32
      %dma_wait3A_473 = arith.constant 0 : i32
      %dma_wait3A_474 = tpu.memref_slice %arg11[%dma_wait3A_472, %dma_wait3A_473] : memref<8x128xi32, #tpu.memory_space<vmem>> -> memref<1x128xi32, #tpu.memory_space<vmem>>
      %dma_wait3A_475 = tpu.memref_squeeze %dma_wait3A_474 : memref<1x128xi32, #tpu.memory_space<vmem>> -> memref<128xi32, #tpu.memory_space<vmem>>
      %dma_wait3A_476 = arith.constant 0 : i32
      %dma_wait3A_477 = arith.constant 0 : i32
      %dma_wait3A_478 = tpu.memref_slice %arg7[%dma_wait3A_476, %dma_wait3A_477] : memref<10240x80xf32, #tpu.memory_space<vmem_shared>> -> memref<10240x80xf32, #tpu.memory_space<vmem_shared>>
      tpu.wait_indirect_dma semaphore(%arg15 : memref<!tpu.dma_semaphore, #tpu.memory_space<semaphore_mem>>) src(%arg13 : memref<128x80xf32, #tpu.memory_space<vmem>>) dst(%dma_wait3A_478 : memref<10240x80xf32, #tpu.memory_space<vmem_shared>>)
      %dma_start3A_479 = arith.constant 3 : i32
      %dma_start3A_480 = arith.constant 0 : i32
      %dma_start3A_481 = tpu.memref_slice %arg9[%dma_start3A_479, %dma_start3A_480] : memref<8x128xi32, #tpu.memory_space<vmem>> -> memref<1x128xi32, #tpu.memory_space<vmem>>
      %dma_start3A_482 = tpu.memref_squeeze %dma_start3A_481 : memref<1x128xi32, #tpu.memory_space<vmem>> -> memref<128xi32, #tpu.memory_space<vmem>>
      %dma_start3A_483 = arith.constant 0 : i32
      %dma_start3A_484 = arith.constant 0 : i32
      %dma_start3A_485 = tpu.memref_slice %arg6[%dma_start3A_483, %dma_start3A_484] : memref<10240x80xf32, #tpu.memory_space<vmem_shared>> -> memref<10240x80xf32, #tpu.memory_space<vmem_shared>>
      tpu.enqueue_indirect_dma source(%dma_start3A_485 : memref<10240x80xf32, #tpu.memory_space<vmem_shared>>) target(%arg13 : memref<128x80xf32, #tpu.memory_space<vmem>>) offsets(%dma_start3A_482 : memref<128xi32, #tpu.memory_space<vmem>>) semaphore(%arg16 : memref<!tpu.dma_semaphore, #tpu.memory_space<semaphore_mem>>)
      %dma_wait3A_486 = arith.constant 3 : i32
      %dma_wait3A_487 = arith.constant 0 : i32
      %dma_wait3A_488 = tpu.memref_slice %arg9[%dma_wait3A_486, %dma_wait3A_487] : memref<8x128xi32, #tpu.memory_space<vmem>> -> memref<1x128xi32, #tpu.memory_space<vmem>>
      %dma_wait3A_489 = tpu.memref_squeeze %dma_wait3A_488 : memref<1x128xi32, #tpu.memory_space<vmem>> -> memref<128xi32, #tpu.memory_space<vmem>>
      %dma_wait3A_490 = arith.constant 0 : i32
      %dma_wait3A_491 = arith.constant 0 : i32
      %dma_wait3A_492 = tpu.memref_slice %arg6[%dma_wait3A_490, %dma_wait3A_491] : memref<10240x80xf32, #tpu.memory_space<vmem_shared>> -> memref<10240x80xf32, #tpu.memory_space<vmem_shared>>
      tpu.wait_indirect_dma semaphore(%arg16 : memref<!tpu.dma_semaphore, #tpu.memory_space<semaphore_mem>>) src(%dma_wait3A_492 : memref<10240x80xf32, #tpu.memory_space<vmem_shared>>) dst(%arg13 : memref<128x80xf32, #tpu.memory_space<vmem>>)
      %dma_start3A_493 = arith.constant 3 : i32
      %dma_start3A_494 = arith.constant 0 : i32
      %dma_start3A_495 = tpu.memref_slice %arg11[%dma_start3A_493, %dma_start3A_494] : memref<8x128xi32, #tpu.memory_space<vmem>> -> memref<1x128xi32, #tpu.memory_space<vmem>>
      %dma_start3A_496 = tpu.memref_squeeze %dma_start3A_495 : memref<1x128xi32, #tpu.memory_space<vmem>> -> memref<128xi32, #tpu.memory_space<vmem>>
      %dma_start3A_497 = arith.constant 0 : i32
      %dma_start3A_498 = arith.constant 0 : i32
      %dma_start3A_499 = tpu.memref_slice %arg7[%dma_start3A_497, %dma_start3A_498] : memref<10240x80xf32, #tpu.memory_space<vmem_shared>> -> memref<10240x80xf32, #tpu.memory_space<vmem_shared>>
      tpu.enqueue_indirect_dma source(%arg13 : memref<128x80xf32, #tpu.memory_space<vmem>>) target(%dma_start3A_499 : memref<10240x80xf32, #tpu.memory_space<vmem_shared>>) offsets(%dma_start3A_496 : memref<128xi32, #tpu.memory_space<vmem>>) semaphore(%arg15 : memref<!tpu.dma_semaphore, #tpu.memory_space<semaphore_mem>>) {add = true}
      %dma_wait3A_500 = arith.constant 4 : i32
      %dma_wait3A_501 = arith.constant 0 : i32
      %dma_wait3A_502 = tpu.memref_slice %arg11[%dma_wait3A_500, %dma_wait3A_501] : memref<8x128xi32, #tpu.memory_space<vmem>> -> memref<1x128xi32, #tpu.memory_space<vmem>>
      %dma_wait3A_503 = tpu.memref_squeeze %dma_wait3A_502 : memref<1x128xi32, #tpu.memory_space<vmem>> -> memref<128xi32, #tpu.memory_space<vmem>>
      %dma_wait3A_504 = arith.constant 0 : i32
      %dma_wait3A_505 = arith.constant 0 : i32
      %dma_wait3A_506 = tpu.memref_slice %arg7[%dma_wait3A_504, %dma_wait3A_505] : memref<10240x80xf32, #tpu.memory_space<vmem_shared>> -> memref<10240x80xf32, #tpu.memory_space<vmem_shared>>
      tpu.wait_indirect_dma semaphore(%arg14 : memref<!tpu.dma_semaphore, #tpu.memory_space<semaphore_mem>>) src(%arg12 : memref<128x80xf32, #tpu.memory_space<vmem>>) dst(%dma_wait3A_506 : memref<10240x80xf32, #tpu.memory_space<vmem_shared>>)
      %dma_start3A_507 = arith.constant 4 : i32
      %dma_start3A_508 = arith.constant 0 : i32
      %dma_start3A_509 = tpu.memref_slice %arg9[%dma_start3A_507, %dma_start3A_508] : memref<8x128xi32, #tpu.memory_space<vmem>> -> memref<1x128xi32, #tpu.memory_space<vmem>>
      %dma_start3A_510 = tpu.memref_squeeze %dma_start3A_509 : memref<1x128xi32, #tpu.memory_space<vmem>> -> memref<128xi32, #tpu.memory_space<vmem>>
      %dma_start3A_511 = arith.constant 0 : i32
      %dma_start3A_512 = arith.constant 0 : i32
      %dma_start3A_513 = tpu.memref_slice %arg6[%dma_start3A_511, %dma_start3A_512] : memref<10240x80xf32, #tpu.memory_space<vmem_shared>> -> memref<10240x80xf32, #tpu.memory_space<vmem_shared>>
      tpu.enqueue_indirect_dma source(%dma_start3A_513 : memref<10240x80xf32, #tpu.memory_space<vmem_shared>>) target(%arg12 : memref<128x80xf32, #tpu.memory_space<vmem>>) offsets(%dma_start3A_510 : memref<128xi32, #tpu.memory_space<vmem>>) semaphore(%arg16 : memref<!tpu.dma_semaphore, #tpu.memory_space<semaphore_mem>>)
      %dma_wait3A_514 = arith.constant 4 : i32
      %dma_wait3A_515 = arith.constant 0 : i32
      %dma_wait3A_516 = tpu.memref_slice %arg9[%dma_wait3A_514, %dma_wait3A_515] : memref<8x128xi32, #tpu.memory_space<vmem>> -> memref<1x128xi32, #tpu.memory_space<vmem>>
      %dma_wait3A_517 = tpu.memref_squeeze %dma_wait3A_516 : memref<1x128xi32, #tpu.memory_space<vmem>> -> memref<128xi32, #tpu.memory_space<vmem>>
      %dma_wait3A_518 = arith.constant 0 : i32
      %dma_wait3A_519 = arith.constant 0 : i32
      %dma_wait3A_520 = tpu.memref_slice %arg6[%dma_wait3A_518, %dma_wait3A_519] : memref<10240x80xf32, #tpu.memory_space<vmem_shared>> -> memref<10240x80xf32, #tpu.memory_space<vmem_shared>>
      tpu.wait_indirect_dma semaphore(%arg16 : memref<!tpu.dma_semaphore, #tpu.memory_space<semaphore_mem>>) src(%dma_wait3A_520 : memref<10240x80xf32, #tpu.memory_space<vmem_shared>>) dst(%arg12 : memref<128x80xf32, #tpu.memory_space<vmem>>)
      %dma_start3A_521 = arith.constant 4 : i32
      %dma_start3A_522 = arith.constant 0 : i32
      %dma_start3A_523 = tpu.memref_slice %arg11[%dma_start3A_521, %dma_start3A_522] : memref<8x128xi32, #tpu.memory_space<vmem>> -> memref<1x128xi32, #tpu.memory_space<vmem>>
      %dma_start3A_524 = tpu.memref_squeeze %dma_start3A_523 : memref<1x128xi32, #tpu.memory_space<vmem>> -> memref<128xi32, #tpu.memory_space<vmem>>
      %dma_start3A_525 = arith.constant 0 : i32
      %dma_start3A_526 = arith.constant 0 : i32
      %dma_start3A_527 = tpu.memref_slice %arg7[%dma_start3A_525, %dma_start3A_526] : memref<10240x80xf32, #tpu.memory_space<vmem_shared>> -> memref<10240x80xf32, #tpu.memory_space<vmem_shared>>
      tpu.enqueue_indirect_dma source(%arg12 : memref<128x80xf32, #tpu.memory_space<vmem>>) target(%dma_start3A_527 : memref<10240x80xf32, #tpu.memory_space<vmem_shared>>) offsets(%dma_start3A_524 : memref<128xi32, #tpu.memory_space<vmem>>) semaphore(%arg14 : memref<!tpu.dma_semaphore, #tpu.memory_space<semaphore_mem>>) {add = true}
      %dma_wait3A_528 = arith.constant 5 : i32
      %dma_wait3A_529 = arith.constant 0 : i32
      %dma_wait3A_530 = tpu.memref_slice %arg11[%dma_wait3A_528, %dma_wait3A_529] : memref<8x128xi32, #tpu.memory_space<vmem>> -> memref<1x128xi32, #tpu.memory_space<vmem>>
      %dma_wait3A_531 = tpu.memref_squeeze %dma_wait3A_530 : memref<1x128xi32, #tpu.memory_space<vmem>> -> memref<128xi32, #tpu.memory_space<vmem>>
      %dma_wait3A_532 = arith.constant 0 : i32
      %dma_wait3A_533 = arith.constant 0 : i32
      %dma_wait3A_534 = tpu.memref_slice %arg7[%dma_wait3A_532, %dma_wait3A_533] : memref<10240x80xf32, #tpu.memory_space<vmem_shared>> -> memref<10240x80xf32, #tpu.memory_space<vmem_shared>>
      tpu.wait_indirect_dma semaphore(%arg15 : memref<!tpu.dma_semaphore, #tpu.memory_space<semaphore_mem>>) src(%arg13 : memref<128x80xf32, #tpu.memory_space<vmem>>) dst(%dma_wait3A_534 : memref<10240x80xf32, #tpu.memory_space<vmem_shared>>)
      %dma_start3A_535 = arith.constant 5 : i32
      %dma_start3A_536 = arith.constant 0 : i32
      %dma_start3A_537 = tpu.memref_slice %arg9[%dma_start3A_535, %dma_start3A_536] : memref<8x128xi32, #tpu.memory_space<vmem>> -> memref<1x128xi32, #tpu.memory_space<vmem>>
      %dma_start3A_538 = tpu.memref_squeeze %dma_start3A_537 : memref<1x128xi32, #tpu.memory_space<vmem>> -> memref<128xi32, #tpu.memory_space<vmem>>
      %dma_start3A_539 = arith.constant 0 : i32
      %dma_start3A_540 = arith.constant 0 : i32
      %dma_start3A_541 = tpu.memref_slice %arg6[%dma_start3A_539, %dma_start3A_540] : memref<10240x80xf32, #tpu.memory_space<vmem_shared>> -> memref<10240x80xf32, #tpu.memory_space<vmem_shared>>
      tpu.enqueue_indirect_dma source(%dma_start3A_541 : memref<10240x80xf32, #tpu.memory_space<vmem_shared>>) target(%arg13 : memref<128x80xf32, #tpu.memory_space<vmem>>) offsets(%dma_start3A_538 : memref<128xi32, #tpu.memory_space<vmem>>) semaphore(%arg16 : memref<!tpu.dma_semaphore, #tpu.memory_space<semaphore_mem>>)
      %dma_wait3A_542 = arith.constant 5 : i32
      %dma_wait3A_543 = arith.constant 0 : i32
      %dma_wait3A_544 = tpu.memref_slice %arg9[%dma_wait3A_542, %dma_wait3A_543] : memref<8x128xi32, #tpu.memory_space<vmem>> -> memref<1x128xi32, #tpu.memory_space<vmem>>
      %dma_wait3A_545 = tpu.memref_squeeze %dma_wait3A_544 : memref<1x128xi32, #tpu.memory_space<vmem>> -> memref<128xi32, #tpu.memory_space<vmem>>
      %dma_wait3A_546 = arith.constant 0 : i32
      %dma_wait3A_547 = arith.constant 0 : i32
      %dma_wait3A_548 = tpu.memref_slice %arg6[%dma_wait3A_546, %dma_wait3A_547] : memref<10240x80xf32, #tpu.memory_space<vmem_shared>> -> memref<10240x80xf32, #tpu.memory_space<vmem_shared>>
      tpu.wait_indirect_dma semaphore(%arg16 : memref<!tpu.dma_semaphore, #tpu.memory_space<semaphore_mem>>) src(%dma_wait3A_548 : memref<10240x80xf32, #tpu.memory_space<vmem_shared>>) dst(%arg13 : memref<128x80xf32, #tpu.memory_space<vmem>>)
      %dma_start3A_549 = arith.constant 5 : i32
      %dma_start3A_550 = arith.constant 0 : i32
      %dma_start3A_551 = tpu.memref_slice %arg11[%dma_start3A_549, %dma_start3A_550] : memref<8x128xi32, #tpu.memory_space<vmem>> -> memref<1x128xi32, #tpu.memory_space<vmem>>
      %dma_start3A_552 = tpu.memref_squeeze %dma_start3A_551 : memref<1x128xi32, #tpu.memory_space<vmem>> -> memref<128xi32, #tpu.memory_space<vmem>>
      %dma_start3A_553 = arith.constant 0 : i32
      %dma_start3A_554 = arith.constant 0 : i32
      %dma_start3A_555 = tpu.memref_slice %arg7[%dma_start3A_553, %dma_start3A_554] : memref<10240x80xf32, #tpu.memory_space<vmem_shared>> -> memref<10240x80xf32, #tpu.memory_space<vmem_shared>>
      tpu.enqueue_indirect_dma source(%arg13 : memref<128x80xf32, #tpu.memory_space<vmem>>) target(%dma_start3A_555 : memref<10240x80xf32, #tpu.memory_space<vmem_shared>>) offsets(%dma_start3A_552 : memref<128xi32, #tpu.memory_space<vmem>>) semaphore(%arg15 : memref<!tpu.dma_semaphore, #tpu.memory_space<semaphore_mem>>) {add = true}
      %dma_wait3A_556 = arith.constant 6 : i32
      %dma_wait3A_557 = arith.constant 0 : i32
      %dma_wait3A_558 = tpu.memref_slice %arg11[%dma_wait3A_556, %dma_wait3A_557] : memref<8x128xi32, #tpu.memory_space<vmem>> -> memref<1x128xi32, #tpu.memory_space<vmem>>
      %dma_wait3A_559 = tpu.memref_squeeze %dma_wait3A_558 : memref<1x128xi32, #tpu.memory_space<vmem>> -> memref<128xi32, #tpu.memory_space<vmem>>
      %dma_wait3A_560 = arith.constant 0 : i32
      %dma_wait3A_561 = arith.constant 0 : i32
      %dma_wait3A_562 = tpu.memref_slice %arg7[%dma_wait3A_560, %dma_wait3A_561] : memref<10240x80xf32, #tpu.memory_space<vmem_shared>> -> memref<10240x80xf32, #tpu.memory_space<vmem_shared>>
      tpu.wait_indirect_dma semaphore(%arg14 : memref<!tpu.dma_semaphore, #tpu.memory_space<semaphore_mem>>) src(%arg12 : memref<128x80xf32, #tpu.memory_space<vmem>>) dst(%dma_wait3A_562 : memref<10240x80xf32, #tpu.memory_space<vmem_shared>>)
      %dma_start3A_563 = arith.constant 6 : i32
      %dma_start3A_564 = arith.constant 0 : i32
      %dma_start3A_565 = tpu.memref_slice %arg9[%dma_start3A_563, %dma_start3A_564] : memref<8x128xi32, #tpu.memory_space<vmem>> -> memref<1x128xi32, #tpu.memory_space<vmem>>
      %dma_start3A_566 = tpu.memref_squeeze %dma_start3A_565 : memref<1x128xi32, #tpu.memory_space<vmem>> -> memref<128xi32, #tpu.memory_space<vmem>>
      %dma_start3A_567 = arith.constant 0 : i32
      %dma_start3A_568 = arith.constant 0 : i32
      %dma_start3A_569 = tpu.memref_slice %arg6[%dma_start3A_567, %dma_start3A_568] : memref<10240x80xf32, #tpu.memory_space<vmem_shared>> -> memref<10240x80xf32, #tpu.memory_space<vmem_shared>>
      tpu.enqueue_indirect_dma source(%dma_start3A_569 : memref<10240x80xf32, #tpu.memory_space<vmem_shared>>) target(%arg12 : memref<128x80xf32, #tpu.memory_space<vmem>>) offsets(%dma_start3A_566 : memref<128xi32, #tpu.memory_space<vmem>>) semaphore(%arg16 : memref<!tpu.dma_semaphore, #tpu.memory_space<semaphore_mem>>)
      %dma_wait3A_570 = arith.constant 6 : i32
      %dma_wait3A_571 = arith.constant 0 : i32
      %dma_wait3A_572 = tpu.memref_slice %arg9[%dma_wait3A_570, %dma_wait3A_571] : memref<8x128xi32, #tpu.memory_space<vmem>> -> memref<1x128xi32, #tpu.memory_space<vmem>>
      %dma_wait3A_573 = tpu.memref_squeeze %dma_wait3A_572 : memref<1x128xi32, #tpu.memory_space<vmem>> -> memref<128xi32, #tpu.memory_space<vmem>>
      %dma_wait3A_574 = arith.constant 0 : i32
      %dma_wait3A_575 = arith.constant 0 : i32
      %dma_wait3A_576 = tpu.memref_slice %arg6[%dma_wait3A_574, %dma_wait3A_575] : memref<10240x80xf32, #tpu.memory_space<vmem_shared>> -> memref<10240x80xf32, #tpu.memory_space<vmem_shared>>
      tpu.wait_indirect_dma semaphore(%arg16 : memref<!tpu.dma_semaphore, #tpu.memory_space<semaphore_mem>>) src(%dma_wait3A_576 : memref<10240x80xf32, #tpu.memory_space<vmem_shared>>) dst(%arg12 : memref<128x80xf32, #tpu.memory_space<vmem>>)
      %dma_start3A_577 = arith.constant 6 : i32
      %dma_start3A_578 = arith.constant 0 : i32
      %dma_start3A_579 = tpu.memref_slice %arg11[%dma_start3A_577, %dma_start3A_578] : memref<8x128xi32, #tpu.memory_space<vmem>> -> memref<1x128xi32, #tpu.memory_space<vmem>>
      %dma_start3A_580 = tpu.memref_squeeze %dma_start3A_579 : memref<1x128xi32, #tpu.memory_space<vmem>> -> memref<128xi32, #tpu.memory_space<vmem>>
      %dma_start3A_581 = arith.constant 0 : i32
      %dma_start3A_582 = arith.constant 0 : i32
      %dma_start3A_583 = tpu.memref_slice %arg7[%dma_start3A_581, %dma_start3A_582] : memref<10240x80xf32, #tpu.memory_space<vmem_shared>> -> memref<10240x80xf32, #tpu.memory_space<vmem_shared>>
      tpu.enqueue_indirect_dma source(%arg12 : memref<128x80xf32, #tpu.memory_space<vmem>>) target(%dma_start3A_583 : memref<10240x80xf32, #tpu.memory_space<vmem_shared>>) offsets(%dma_start3A_580 : memref<128xi32, #tpu.memory_space<vmem>>) semaphore(%arg14 : memref<!tpu.dma_semaphore, #tpu.memory_space<semaphore_mem>>) {add = true}
      %dma_wait3A_584 = arith.constant 7 : i32
      %dma_wait3A_585 = arith.constant 0 : i32
      %dma_wait3A_586 = tpu.memref_slice %arg11[%dma_wait3A_584, %dma_wait3A_585] : memref<8x128xi32, #tpu.memory_space<vmem>> -> memref<1x128xi32, #tpu.memory_space<vmem>>
      %dma_wait3A_587 = tpu.memref_squeeze %dma_wait3A_586 : memref<1x128xi32, #tpu.memory_space<vmem>> -> memref<128xi32, #tpu.memory_space<vmem>>
      %dma_wait3A_588 = arith.constant 0 : i32
      %dma_wait3A_589 = arith.constant 0 : i32
      %dma_wait3A_590 = tpu.memref_slice %arg7[%dma_wait3A_588, %dma_wait3A_589] : memref<10240x80xf32, #tpu.memory_space<vmem_shared>> -> memref<10240x80xf32, #tpu.memory_space<vmem_shared>>
      tpu.wait_indirect_dma semaphore(%arg15 : memref<!tpu.dma_semaphore, #tpu.memory_space<semaphore_mem>>) src(%arg13 : memref<128x80xf32, #tpu.memory_space<vmem>>) dst(%dma_wait3A_590 : memref<10240x80xf32, #tpu.memory_space<vmem_shared>>)
      %dma_start3A_591 = arith.constant 7 : i32
      %dma_start3A_592 = arith.constant 0 : i32
      %dma_start3A_593 = tpu.memref_slice %arg9[%dma_start3A_591, %dma_start3A_592] : memref<8x128xi32, #tpu.memory_space<vmem>> -> memref<1x128xi32, #tpu.memory_space<vmem>>
      %dma_start3A_594 = tpu.memref_squeeze %dma_start3A_593 : memref<1x128xi32, #tpu.memory_space<vmem>> -> memref<128xi32, #tpu.memory_space<vmem>>
      %dma_start3A_595 = arith.constant 0 : i32
      %dma_start3A_596 = arith.constant 0 : i32
      %dma_start3A_597 = tpu.memref_slice %arg6[%dma_start3A_595, %dma_start3A_596] : memref<10240x80xf32, #tpu.memory_space<vmem_shared>> -> memref<10240x80xf32, #tpu.memory_space<vmem_shared>>
      tpu.enqueue_indirect_dma source(%dma_start3A_597 : memref<10240x80xf32, #tpu.memory_space<vmem_shared>>) target(%arg13 : memref<128x80xf32, #tpu.memory_space<vmem>>) offsets(%dma_start3A_594 : memref<128xi32, #tpu.memory_space<vmem>>) semaphore(%arg16 : memref<!tpu.dma_semaphore, #tpu.memory_space<semaphore_mem>>)
      %dma_wait3A_598 = arith.constant 7 : i32
      %dma_wait3A_599 = arith.constant 0 : i32
      %dma_wait3A_600 = tpu.memref_slice %arg9[%dma_wait3A_598, %dma_wait3A_599] : memref<8x128xi32, #tpu.memory_space<vmem>> -> memref<1x128xi32, #tpu.memory_space<vmem>>
      %dma_wait3A_601 = tpu.memref_squeeze %dma_wait3A_600 : memref<1x128xi32, #tpu.memory_space<vmem>> -> memref<128xi32, #tpu.memory_space<vmem>>
      %dma_wait3A_602 = arith.constant 0 : i32
      %dma_wait3A_603 = arith.constant 0 : i32
      %dma_wait3A_604 = tpu.memref_slice %arg6[%dma_wait3A_602, %dma_wait3A_603] : memref<10240x80xf32, #tpu.memory_space<vmem_shared>> -> memref<10240x80xf32, #tpu.memory_space<vmem_shared>>
      tpu.wait_indirect_dma semaphore(%arg16 : memref<!tpu.dma_semaphore, #tpu.memory_space<semaphore_mem>>) src(%dma_wait3A_604 : memref<10240x80xf32, #tpu.memory_space<vmem_shared>>) dst(%arg13 : memref<128x80xf32, #tpu.memory_space<vmem>>)
      %dma_start3A_605 = arith.constant 7 : i32
      %dma_start3A_606 = arith.constant 0 : i32
      %dma_start3A_607 = tpu.memref_slice %arg11[%dma_start3A_605, %dma_start3A_606] : memref<8x128xi32, #tpu.memory_space<vmem>> -> memref<1x128xi32, #tpu.memory_space<vmem>>
      %dma_start3A_608 = tpu.memref_squeeze %dma_start3A_607 : memref<1x128xi32, #tpu.memory_space<vmem>> -> memref<128xi32, #tpu.memory_space<vmem>>
      %dma_start3A_609 = arith.constant 0 : i32
      %dma_start3A_610 = arith.constant 0 : i32
      %dma_start3A_611 = tpu.memref_slice %arg7[%dma_start3A_609, %dma_start3A_610] : memref<10240x80xf32, #tpu.memory_space<vmem_shared>> -> memref<10240x80xf32, #tpu.memory_space<vmem_shared>>
      tpu.enqueue_indirect_dma source(%arg13 : memref<128x80xf32, #tpu.memory_space<vmem>>) target(%dma_start3A_611 : memref<10240x80xf32, #tpu.memory_space<vmem_shared>>) offsets(%dma_start3A_608 : memref<128xi32, #tpu.memory_space<vmem>>) semaphore(%arg15 : memref<!tpu.dma_semaphore, #tpu.memory_space<semaphore_mem>>) {add = true}
      %scan3A_612 = arith.constant 0 : i32
      scf.yield %scan3A_612 : i32
    }
    %scan3A_48 = arith.constant 10 : i32
    %dma_wait3A = arith.constant 0 : i32
    %dma_wait3A_49 = arith.constant 0 : i32
    %dma_wait3A_50 = tpu.memref_slice %arg10[%dma_wait3A, %dma_wait3A_49] : memref<8x128xi32, #tpu.memory_space<vmem>> -> memref<1x128xi32, #tpu.memory_space<vmem>>
    %dma_wait3A_51 = tpu.memref_squeeze %dma_wait3A_50 : memref<1x128xi32, #tpu.memory_space<vmem>> -> memref<128xi32, #tpu.memory_space<vmem>>
    %dma_wait3A_52 = arith.constant 0 : i32
    %dma_wait3A_53 = arith.constant 0 : i32
    %dma_wait3A_54 = tpu.memref_slice %arg7[%dma_wait3A_52, %dma_wait3A_53] : memref<10240x80xf32, #tpu.memory_space<vmem_shared>> -> memref<10240x80xf32, #tpu.memory_space<vmem_shared>>
    tpu.wait_indirect_dma semaphore(%arg14 : memref<!tpu.dma_semaphore, #tpu.memory_space<semaphore_mem>>) src(%arg12 : memref<128x80xf32, #tpu.memory_space<vmem>>) dst(%dma_wait3A_54 : memref<10240x80xf32, #tpu.memory_space<vmem_shared>>)
    %dma_wait3A_55 = arith.constant 0 : i32
    %dma_wait3A_56 = arith.constant 0 : i32
    %dma_wait3A_57 = tpu.memref_slice %arg10[%dma_wait3A_55, %dma_wait3A_56] : memref<8x128xi32, #tpu.memory_space<vmem>> -> memref<1x128xi32, #tpu.memory_space<vmem>>
    %dma_wait3A_58 = tpu.memref_squeeze %dma_wait3A_57 : memref<1x128xi32, #tpu.memory_space<vmem>> -> memref<128xi32, #tpu.memory_space<vmem>>
    %dma_wait3A_59 = arith.constant 0 : i32
    %dma_wait3A_60 = arith.constant 0 : i32
    %dma_wait3A_61 = tpu.memref_slice %arg7[%dma_wait3A_59, %dma_wait3A_60] : memref<10240x80xf32, #tpu.memory_space<vmem_shared>> -> memref<10240x80xf32, #tpu.memory_space<vmem_shared>>
    tpu.wait_indirect_dma semaphore(%arg15 : memref<!tpu.dma_semaphore, #tpu.memory_space<semaphore_mem>>) src(%arg13 : memref<128x80xf32, #tpu.memory_space<vmem>>) dst(%dma_wait3A_61 : memref<10240x80xf32, #tpu.memory_space<vmem_shared>>)
    %dma_wait3A_62 = arith.constant 0 : i32
    %dma_wait3A_63 = arith.constant 0 : i32
    %dma_wait3A_64 = tpu.memref_slice %arg3[%arg1, %dma_wait3A_62, %dma_wait3A_63] : memref<16x168x128xi32, #tpu.memory_space<hbm>> -> memref<1x8x128xi32, #tpu.memory_space<hbm>>
    %dma_wait3A_65 = tpu.memref_squeeze %dma_wait3A_64 : memref<1x8x128xi32, #tpu.memory_space<hbm>> -> memref<8x128xi32, #tpu.memory_space<hbm>>
    %dma_wait3A_66 = arith.constant 0 : i32
    %dma_wait3A_67 = arith.constant 0 : i32
    %dma_wait3A_68 = tpu.memref_slice %arg3[%arg1, %dma_wait3A_66, %dma_wait3A_67] : memref<16x168x128xi32, #tpu.memory_space<hbm>> -> memref<1x8x128xi32, #tpu.memory_space<hbm>>
    %dma_wait3A_69 = tpu.memref_squeeze %dma_wait3A_68 : memref<1x8x128xi32, #tpu.memory_space<hbm>> -> memref<8x128xi32, #tpu.memory_space<hbm>>
    tpu.wait_dma2 semaphore(%arg17 : memref<!tpu.dma_semaphore, #tpu.memory_space<semaphore_mem>>) src(%dma_wait3A_69 : memref<8x128xi32, #tpu.memory_space<hbm>>) dst(%arg8 : memref<8x128xi32, #tpu.memory_space<vmem>>)
    %dma_wait3A_70 = arith.constant 0 : i32
    %dma_wait3A_71 = arith.constant 0 : i32
    %dma_wait3A_72 = tpu.memref_slice %arg4[%arg1, %dma_wait3A_70, %dma_wait3A_71] : memref<16x168x128xi32, #tpu.memory_space<hbm>> -> memref<1x8x128xi32, #tpu.memory_space<hbm>>
    %dma_wait3A_73 = tpu.memref_squeeze %dma_wait3A_72 : memref<1x8x128xi32, #tpu.memory_space<hbm>> -> memref<8x128xi32, #tpu.memory_space<hbm>>
    %dma_wait3A_74 = arith.constant 0 : i32
    %dma_wait3A_75 = arith.constant 0 : i32
    %dma_wait3A_76 = tpu.memref_slice %arg4[%arg1, %dma_wait3A_74, %dma_wait3A_75] : memref<16x168x128xi32, #tpu.memory_space<hbm>> -> memref<1x8x128xi32, #tpu.memory_space<hbm>>
    %dma_wait3A_77 = tpu.memref_squeeze %dma_wait3A_76 : memref<1x8x128xi32, #tpu.memory_space<hbm>> -> memref<8x128xi32, #tpu.memory_space<hbm>>
    tpu.wait_dma2 semaphore(%arg17 : memref<!tpu.dma_semaphore, #tpu.memory_space<semaphore_mem>>) src(%dma_wait3A_77 : memref<8x128xi32, #tpu.memory_space<hbm>>) dst(%arg10 : memref<8x128xi32, #tpu.memory_space<vmem>>)
    %barrier3A_78 = arith.constant 0 : index
    tpu.barrier barrier_id(%barrier3A_78)
    %mul3A_79 = arith.constant 10240 : i32
    %mul3A_80 = arith.muli %arg0, %mul3A_79 : i32
    %add3A_81 = arith.addi %mul3A_80, %mul3A_0 : i32
    "tpu.region"() ({
      %run_scoped3A = tpu.sem_alloc : memref<!tpu.dma_semaphore, #tpu.memory_space<semaphore_mem>>
      %dma_start3A_82 = arith.constant 0 : i32
      %dma_start3A_83 = tpu.memref_slice %arg5[%add3A_81, %dma_start3A_82] : memref<20480x80xf32, #tpu.memory_space<hbm>> -> memref<640x80xf32, #tpu.memory_space<hbm>>
      %dma_start3A_84 = arith.constant 0 : i32
      %dma_start3A_85 = tpu.memref_slice %arg7[%mul3A_0, %dma_start3A_84] : memref<10240x80xf32, #tpu.memory_space<vmem_shared>> -> memref<640x80xf32, #tpu.memory_space<vmem_shared>>
      tpu.enqueue_dma source(%dma_start3A_85 : memref<640x80xf32, #tpu.memory_space<vmem_shared>>) target(%dma_start3A_83 : memref<640x80xf32, #tpu.memory_space<hbm>>) target_semaphore(%run_scoped3A : memref<!tpu.dma_semaphore, #tpu.memory_space<semaphore_mem>>)
      %dma_wait3A_86 = arith.constant 0 : i32
      %dma_wait3A_87 = tpu.memref_slice %arg5[%add3A_81, %dma_wait3A_86] : memref<20480x80xf32, #tpu.memory_space<hbm>> -> memref<640x80xf32, #tpu.memory_space<hbm>>
      %dma_wait3A_88 = arith.constant 0 : i32
      %dma_wait3A_89 = tpu.memref_slice %arg7[%mul3A_0, %dma_wait3A_88] : memref<10240x80xf32, #tpu.memory_space<vmem_shared>> -> memref<640x80xf32, #tpu.memory_space<vmem_shared>>
      tpu.wait_dma2 semaphore(%run_scoped3A : memref<!tpu.dma_semaphore, #tpu.memory_space<semaphore_mem>>) src(%dma_wait3A_89 : memref<640x80xf32, #tpu.memory_space<vmem_shared>>) dst(%dma_wait3A_87 : memref<640x80xf32, #tpu.memory_space<hbm>>)
      tpu.yield
    }) : () -> ()
    return
  }
}

#map = affine_map<(d0, d1) -> (0, 0)>
#map1 = affine_map<(d0, d1) -> (0, 0, 0)>
module attributes {stable_mosaic.version = 14 : i64} {
  func.func @body(%arg0: i32, %arg1: i32, %arg2: memref<20480x64xf32, #tpu.memory_space<hbm>>, %arg3: memref<16x168x128xi32, #tpu.memory_space<hbm>>, %arg4: memref<16x168x128xi32, #tpu.memory_space<hbm>>, %arg5: memref<20480x64xf32, #tpu.memory_space<hbm>>, %arg6: memref<10240x64xf32, #tpu.memory_space<vmem_shared>>, %arg7: memref<10240x64xf32, #tpu.memory_space<vmem_shared>>, %arg8: memref<8x128xi32, #tpu.memory_space<vmem>>, %arg9: memref<8x128xi32, #tpu.memory_space<vmem>>, %arg10: memref<8x128xi32, #tpu.memory_space<vmem>>, %arg11: memref<8x128xi32, #tpu.memory_space<vmem>>, %arg12: memref<128x64xf32, #tpu.memory_space<vmem>>, %arg13: memref<128x64xf32, #tpu.memory_space<vmem>>, %arg14: memref<!tpu.dma_semaphore, #tpu.memory_space<semaphore_mem>>, %arg15: memref<!tpu.dma_semaphore, #tpu.memory_space<semaphore_mem>>, %arg16: memref<!tpu.dma_semaphore, #tpu.memory_space<semaphore_mem>>, %arg17: memref<!tpu.dma_semaphore, #tpu.memory_space<semaphore_mem>>, %arg18: memref<!tpu.dma_semaphore, #tpu.memory_space<semaphore_mem>>) attributes {dimension_semantics = [#tpu.dimension_semantics<core_parallel>, #tpu.dimension_semantics<subcore_parallel>], iteration_bounds = array<i64: 2, 16>, scalar_prefetch = 0 : i64, scratch_operands = 13 : i64, tpu.core_type = #tpu.core_type<sc_vector_subcore>, window_params = [{transform_indices = #map}, {transform_indices = #map1}, {transform_indices = #map1}, {transform_indices = #map}]} {
    %mul3A = arith.constant 640 : i32
    %mul3A_0 = arith.muli %arg1, %mul3A : i32
    %scan3A = arith.constant 0 : i32
    %scan3A_1 = arith.constant 0 : i32
    %scan3A_2 = arith.constant 128 : i32
    %scan3A_3 = arith.addi %scan3A_1, %scan3A_2 : i32
    %scan3A_4 = arith.constant 1 : i32
    %scan3A_5 = scf.for %scan3A_82 = %scan3A_1 to %scan3A_3 step %scan3A_4 iter_args(%scan3A_83 = %scan3A) -> (i32)  : i32 {
      %scan3A_84 = arith.constant 0 : i32
      %scan3A_85 = arith.constant 0 : i32
      %scan3A_86 = arith.constant 4 : i32
      %scan3A_87 = arith.addi %scan3A_85, %scan3A_86 : i32
      %scan3A_88 = arith.constant 1 : i32
      %scan3A_89 = scf.for %scan3A_91 = %scan3A_85 to %scan3A_87 step %scan3A_88 iter_args(%scan3A_92 = %scan3A_84) -> (i32)  : i32 {
        %broadcast_in_dim3A = arith.constant 0.000000e+00 : f32
        %broadcast_in_dim3A_93 = vector.broadcast %broadcast_in_dim3A : f32 to vector<16xf32>
        %mul3A_94 = arith.constant 16 : i32
        %mul3A_95 = arith.muli %scan3A_91, %mul3A_94 : i32
        %swap3A = arith.index_cast %scan3A_82 : i32 to index
        %swap3A_96 = arith.index_cast %mul3A_95 : i32 to index
        %swap3A_97 = tpu.vector_load %arg12[%swap3A, %swap3A_96] {strides = array<i32>} : memref<128x64xf32, #tpu.memory_space<vmem>>, vector<1x16xf32>,
        %swap3A_98 = vector.shape_cast %swap3A_97 : vector<1x16xf32> to vector<16xf32>
        %swap3A_99 = vector.shape_cast %broadcast_in_dim3A_93 : vector<16xf32> to vector<1x16xf32>
        tpu.vector_store %arg12[%swap3A, %swap3A_96], %swap3A_99 {strides = array<i32>} : memref<128x64xf32, #tpu.memory_space<vmem>>, vector<1x16xf32>,
        %scan3A_100 = arith.constant 0 : i32
        scf.yield %scan3A_100 : i32
      }
      %scan3A_90 = arith.constant 4 : i32
      scf.yield %scan3A_89 : i32
    }
    %scan3A_6 = arith.constant 128 : i32
    %add3A = arith.constant 0 : i32
    %add3A_7 = arith.addi %mul3A_0, %add3A : i32
    "tpu.region"() ({
      %run_scoped3A = tpu.sem_alloc : memref<!tpu.dma_semaphore, #tpu.memory_space<semaphore_mem>>
      %dma_start3A_82 = arith.constant 0 : i32
      %dma_start3A_83 = tpu.memref_slice %arg7[%add3A_7, %dma_start3A_82] : memref<10240x64xf32, #tpu.memory_space<vmem_shared>> -> memref<128x64xf32, #tpu.memory_space<vmem_shared>>
      %dma_start3A_84 = arith.constant 0 : i32
      %dma_start3A_85 = tpu.memref_slice %arg7[%add3A_7, %dma_start3A_84] : memref<10240x64xf32, #tpu.memory_space<vmem_shared>> -> memref<128x64xf32, #tpu.memory_space<vmem_shared>>
      tpu.enqueue_dma source(%arg12 : memref<128x64xf32, #tpu.memory_space<vmem>>) target(%dma_start3A_85 : memref<128x64xf32, #tpu.memory_space<vmem_shared>>) target_semaphore(%run_scoped3A : memref<!tpu.dma_semaphore, #tpu.memory_space<semaphore_mem>>)
      %dma_wait3A_86 = arith.constant 0 : i32
      %dma_wait3A_87 = tpu.memref_slice %arg7[%add3A_7, %dma_wait3A_86] : memref<10240x64xf32, #tpu.memory_space<vmem_shared>> -> memref<128x64xf32, #tpu.memory_space<vmem_shared>>
      %dma_wait3A_88 = arith.constant 0 : i32
      %dma_wait3A_89 = tpu.memref_slice %arg7[%add3A_7, %dma_wait3A_88] : memref<10240x64xf32, #tpu.memory_space<vmem_shared>> -> memref<128x64xf32, #tpu.memory_space<vmem_shared>>
      tpu.wait_dma2 semaphore(%run_scoped3A : memref<!tpu.dma_semaphore, #tpu.memory_space<semaphore_mem>>) src(%arg12 : memref<128x64xf32, #tpu.memory_space<vmem>>) dst(%dma_wait3A_89 : memref<128x64xf32, #tpu.memory_space<vmem_shared>>)
      tpu.yield
    }) : () -> ()
    %add3A_8 = arith.constant 128 : i32
    %add3A_9 = arith.addi %mul3A_0, %add3A_8 : i32
    "tpu.region"() ({
      %run_scoped3A = tpu.sem_alloc : memref<!tpu.dma_semaphore, #tpu.memory_space<semaphore_mem>>
      %dma_start3A_82 = arith.constant 0 : i32
      %dma_start3A_83 = tpu.memref_slice %arg7[%add3A_9, %dma_start3A_82] : memref<10240x64xf32, #tpu.memory_space<vmem_shared>> -> memref<128x64xf32, #tpu.memory_space<vmem_shared>>
      %dma_start3A_84 = arith.constant 0 : i32
      %dma_start3A_85 = tpu.memref_slice %arg7[%add3A_9, %dma_start3A_84] : memref<10240x64xf32, #tpu.memory_space<vmem_shared>> -> memref<128x64xf32, #tpu.memory_space<vmem_shared>>
      tpu.enqueue_dma source(%arg12 : memref<128x64xf32, #tpu.memory_space<vmem>>) target(%dma_start3A_85 : memref<128x64xf32, #tpu.memory_space<vmem_shared>>) target_semaphore(%run_scoped3A : memref<!tpu.dma_semaphore, #tpu.memory_space<semaphore_mem>>)
      %dma_wait3A_86 = arith.constant 0 : i32
      %dma_wait3A_87 = tpu.memref_slice %arg7[%add3A_9, %dma_wait3A_86] : memref<10240x64xf32, #tpu.memory_space<vmem_shared>> -> memref<128x64xf32, #tpu.memory_space<vmem_shared>>
      %dma_wait3A_88 = arith.constant 0 : i32
      %dma_wait3A_89 = tpu.memref_slice %arg7[%add3A_9, %dma_wait3A_88] : memref<10240x64xf32, #tpu.memory_space<vmem_shared>> -> memref<128x64xf32, #tpu.memory_space<vmem_shared>>
      tpu.wait_dma2 semaphore(%run_scoped3A : memref<!tpu.dma_semaphore, #tpu.memory_space<semaphore_mem>>) src(%arg12 : memref<128x64xf32, #tpu.memory_space<vmem>>) dst(%dma_wait3A_89 : memref<128x64xf32, #tpu.memory_space<vmem_shared>>)
      tpu.yield
    }) : () -> ()
    %add3A_10 = arith.constant 256 : i32
    %add3A_11 = arith.addi %mul3A_0, %add3A_10 : i32
    "tpu.region"() ({
      %run_scoped3A = tpu.sem_alloc : memref<!tpu.dma_semaphore, #tpu.memory_space<semaphore_mem>>
      %dma_start3A_82 = arith.constant 0 : i32
      %dma_start3A_83 = tpu.memref_slice %arg7[%add3A_11, %dma_start3A_82] : memref<10240x64xf32, #tpu.memory_space<vmem_shared>> -> memref<128x64xf32, #tpu.memory_space<vmem_shared>>
      %dma_start3A_84 = arith.constant 0 : i32
      %dma_start3A_85 = tpu.memref_slice %arg7[%add3A_11, %dma_start3A_84] : memref<10240x64xf32, #tpu.memory_space<vmem_shared>> -> memref<128x64xf32, #tpu.memory_space<vmem_shared>>
      tpu.enqueue_dma source(%arg12 : memref<128x64xf32, #tpu.memory_space<vmem>>) target(%dma_start3A_85 : memref<128x64xf32, #tpu.memory_space<vmem_shared>>) target_semaphore(%run_scoped3A : memref<!tpu.dma_semaphore, #tpu.memory_space<semaphore_mem>>)
      %dma_wait3A_86 = arith.constant 0 : i32
      %dma_wait3A_87 = tpu.memref_slice %arg7[%add3A_11, %dma_wait3A_86] : memref<10240x64xf32, #tpu.memory_space<vmem_shared>> -> memref<128x64xf32, #tpu.memory_space<vmem_shared>>
      %dma_wait3A_88 = arith.constant 0 : i32
      %dma_wait3A_89 = tpu.memref_slice %arg7[%add3A_11, %dma_wait3A_88] : memref<10240x64xf32, #tpu.memory_space<vmem_shared>> -> memref<128x64xf32, #tpu.memory_space<vmem_shared>>
      tpu.wait_dma2 semaphore(%run_scoped3A : memref<!tpu.dma_semaphore, #tpu.memory_space<semaphore_mem>>) src(%arg12 : memref<128x64xf32, #tpu.memory_space<vmem>>) dst(%dma_wait3A_89 : memref<128x64xf32, #tpu.memory_space<vmem_shared>>)
      tpu.yield
    }) : () -> ()
    %add3A_12 = arith.constant 384 : i32
    %add3A_13 = arith.addi %mul3A_0, %add3A_12 : i32
    "tpu.region"() ({
      %run_scoped3A = tpu.sem_alloc : memref<!tpu.dma_semaphore, #tpu.memory_space<semaphore_mem>>
      %dma_start3A_82 = arith.constant 0 : i32
      %dma_start3A_83 = tpu.memref_slice %arg7[%add3A_13, %dma_start3A_82] : memref<10240x64xf32, #tpu.memory_space<vmem_shared>> -> memref<128x64xf32, #tpu.memory_space<vmem_shared>>
      %dma_start3A_84 = arith.constant 0 : i32
      %dma_start3A_85 = tpu.memref_slice %arg7[%add3A_13, %dma_start3A_84] : memref<10240x64xf32, #tpu.memory_space<vmem_shared>> -> memref<128x64xf32, #tpu.memory_space<vmem_shared>>
      tpu.enqueue_dma source(%arg12 : memref<128x64xf32, #tpu.memory_space<vmem>>) target(%dma_start3A_85 : memref<128x64xf32, #tpu.memory_space<vmem_shared>>) target_semaphore(%run_scoped3A : memref<!tpu.dma_semaphore, #tpu.memory_space<semaphore_mem>>)
      %dma_wait3A_86 = arith.constant 0 : i32
      %dma_wait3A_87 = tpu.memref_slice %arg7[%add3A_13, %dma_wait3A_86] : memref<10240x64xf32, #tpu.memory_space<vmem_shared>> -> memref<128x64xf32, #tpu.memory_space<vmem_shared>>
      %dma_wait3A_88 = arith.constant 0 : i32
      %dma_wait3A_89 = tpu.memref_slice %arg7[%add3A_13, %dma_wait3A_88] : memref<10240x64xf32, #tpu.memory_space<vmem_shared>> -> memref<128x64xf32, #tpu.memory_space<vmem_shared>>
      tpu.wait_dma2 semaphore(%run_scoped3A : memref<!tpu.dma_semaphore, #tpu.memory_space<semaphore_mem>>) src(%arg12 : memref<128x64xf32, #tpu.memory_space<vmem>>) dst(%dma_wait3A_89 : memref<128x64xf32, #tpu.memory_space<vmem_shared>>)
      tpu.yield
    }) : () -> ()
    %add3A_14 = arith.constant 512 : i32
    %add3A_15 = arith.addi %mul3A_0, %add3A_14 : i32
    "tpu.region"() ({
      %run_scoped3A = tpu.sem_alloc : memref<!tpu.dma_semaphore, #tpu.memory_space<semaphore_mem>>
      %dma_start3A_82 = arith.constant 0 : i32
      %dma_start3A_83 = tpu.memref_slice %arg7[%add3A_15, %dma_start3A_82] : memref<10240x64xf32, #tpu.memory_space<vmem_shared>> -> memref<128x64xf32, #tpu.memory_space<vmem_shared>>
      %dma_start3A_84 = arith.constant 0 : i32
      %dma_start3A_85 = tpu.memref_slice %arg7[%add3A_15, %dma_start3A_84] : memref<10240x64xf32, #tpu.memory_space<vmem_shared>> -> memref<128x64xf32, #tpu.memory_space<vmem_shared>>
      tpu.enqueue_dma source(%arg12 : memref<128x64xf32, #tpu.memory_space<vmem>>) target(%dma_start3A_85 : memref<128x64xf32, #tpu.memory_space<vmem_shared>>) target_semaphore(%run_scoped3A : memref<!tpu.dma_semaphore, #tpu.memory_space<semaphore_mem>>)
      %dma_wait3A_86 = arith.constant 0 : i32
      %dma_wait3A_87 = tpu.memref_slice %arg7[%add3A_15, %dma_wait3A_86] : memref<10240x64xf32, #tpu.memory_space<vmem_shared>> -> memref<128x64xf32, #tpu.memory_space<vmem_shared>>
      %dma_wait3A_88 = arith.constant 0 : i32
      %dma_wait3A_89 = tpu.memref_slice %arg7[%add3A_15, %dma_wait3A_88] : memref<10240x64xf32, #tpu.memory_space<vmem_shared>> -> memref<128x64xf32, #tpu.memory_space<vmem_shared>>
      tpu.wait_dma2 semaphore(%run_scoped3A : memref<!tpu.dma_semaphore, #tpu.memory_space<semaphore_mem>>) src(%arg12 : memref<128x64xf32, #tpu.memory_space<vmem>>) dst(%dma_wait3A_89 : memref<128x64xf32, #tpu.memory_space<vmem_shared>>)
      tpu.yield
    }) : () -> ()
    %mul3A_16 = arith.constant 10240 : i32
    %mul3A_17 = arith.muli %arg0, %mul3A_16 : i32
    %add3A_18 = arith.addi %mul3A_17, %mul3A_0 : i32
    "tpu.region"() ({
      %run_scoped3A = tpu.sem_alloc : memref<!tpu.dma_semaphore, #tpu.memory_space<semaphore_mem>>
      %dma_start3A_82 = arith.constant 0 : i32
      %dma_start3A_83 = tpu.memref_slice %arg6[%mul3A_0, %dma_start3A_82] : memref<10240x64xf32, #tpu.memory_space<vmem_shared>> -> memref<640x64xf32, #tpu.memory_space<vmem_shared>>
      %dma_start3A_84 = arith.constant 0 : i32
      %dma_start3A_85 = tpu.memref_slice %arg2[%add3A_18, %dma_start3A_84] : memref<20480x64xf32, #tpu.memory_space<hbm>> -> memref<640x64xf32, #tpu.memory_space<hbm>>
      tpu.enqueue_dma source(%dma_start3A_85 : memref<640x64xf32, #tpu.memory_space<hbm>>) target(%dma_start3A_83 : memref<640x64xf32, #tpu.memory_space<vmem_shared>>) target_semaphore(%run_scoped3A : memref<!tpu.dma_semaphore, #tpu.memory_space<semaphore_mem>>)
      %dma_wait3A_86 = arith.constant 0 : i32
      %dma_wait3A_87 = tpu.memref_slice %arg6[%mul3A_0, %dma_wait3A_86] : memref<10240x64xf32, #tpu.memory_space<vmem_shared>> -> memref<640x64xf32, #tpu.memory_space<vmem_shared>>
      %dma_wait3A_88 = arith.constant 0 : i32
      %dma_wait3A_89 = tpu.memref_slice %arg2[%add3A_18, %dma_wait3A_88] : memref<20480x64xf32, #tpu.memory_space<hbm>> -> memref<640x64xf32, #tpu.memory_space<hbm>>
      tpu.wait_dma2 semaphore(%run_scoped3A : memref<!tpu.dma_semaphore, #tpu.memory_space<semaphore_mem>>) src(%dma_wait3A_89 : memref<640x64xf32, #tpu.memory_space<hbm>>) dst(%dma_wait3A_87 : memref<640x64xf32, #tpu.memory_space<vmem_shared>>)
      tpu.yield
    }) : () -> ()
    %barrier3A = arith.constant 0 : index
    tpu.barrier barrier_id(%barrier3A)
    %dma_start3A = arith.constant 0 : i32
    %dma_start3A_19 = tpu.memref_slice %arg6[%mul3A_0, %dma_start3A] : memref<10240x64xf32, #tpu.memory_space<vmem_shared>> -> memref<128x64xf32, #tpu.memory_space<vmem_shared>>
    %dma_start3A_20 = arith.constant 0 : i32
    %dma_start3A_21 = tpu.memref_slice %arg6[%mul3A_0, %dma_start3A_20] : memref<10240x64xf32, #tpu.memory_space<vmem_shared>> -> memref<128x64xf32, #tpu.memory_space<vmem_shared>>
    tpu.enqueue_dma source(%dma_start3A_21 : memref<128x64xf32, #tpu.memory_space<vmem_shared>>) target(%arg12 : memref<128x64xf32, #tpu.memory_space<vmem>>) target_semaphore(%arg14 : memref<!tpu.dma_semaphore, #tpu.memory_space<semaphore_mem>>)
    %dma_start3A_22 = arith.constant 0 : i32
    %dma_start3A_23 = tpu.memref_slice %arg6[%mul3A_0, %dma_start3A_22] : memref<10240x64xf32, #tpu.memory_space<vmem_shared>> -> memref<128x64xf32, #tpu.memory_space<vmem_shared>>
    %dma_start3A_24 = arith.constant 0 : i32
    %dma_start3A_25 = tpu.memref_slice %arg6[%mul3A_0, %dma_start3A_24] : memref<10240x64xf32, #tpu.memory_space<vmem_shared>> -> memref<128x64xf32, #tpu.memory_space<vmem_shared>>
    tpu.enqueue_dma source(%dma_start3A_25 : memref<128x64xf32, #tpu.memory_space<vmem_shared>>) target(%arg13 : memref<128x64xf32, #tpu.memory_space<vmem>>) target_semaphore(%arg15 : memref<!tpu.dma_semaphore, #tpu.memory_space<semaphore_mem>>)
    %dma_start3A_26 = arith.constant 0 : i32
    %dma_start3A_27 = arith.constant 0 : i32
    %dma_start3A_28 = tpu.memref_slice %arg3[%arg1, %dma_start3A_26, %dma_start3A_27] : memref<16x168x128xi32, #tpu.memory_space<hbm>> -> memref<1x8x128xi32, #tpu.memory_space<hbm>>
    %dma_start3A_29 = tpu.memref_squeeze %dma_start3A_28 : memref<1x8x128xi32, #tpu.memory_space<hbm>> -> memref<8x128xi32, #tpu.memory_space<hbm>>
    %dma_start3A_30 = arith.constant 0 : i32
    %dma_start3A_31 = arith.constant 0 : i32
    %dma_start3A_32 = tpu.memref_slice %arg3[%arg1, %dma_start3A_30, %dma_start3A_31] : memref<16x168x128xi32, #tpu.memory_space<hbm>> -> memref<1x8x128xi32, #tpu.memory_space<hbm>>
    %dma_start3A_33 = tpu.memref_squeeze %dma_start3A_32 : memref<1x8x128xi32, #tpu.memory_space<hbm>> -> memref<8x128xi32, #tpu.memory_space<hbm>>
    tpu.enqueue_dma source(%dma_start3A_33 : memref<8x128xi32, #tpu.memory_space<hbm>>) target(%arg8 : memref<8x128xi32, #tpu.memory_space<vmem>>) target_semaphore(%arg17 : memref<!tpu.dma_semaphore, #tpu.memory_space<semaphore_mem>>)
    %dma_start3A_34 = arith.constant 0 : i32
    %dma_start3A_35 = arith.constant 0 : i32
    %dma_start3A_36 = tpu.memref_slice %arg4[%arg1, %dma_start3A_34, %dma_start3A_35] : memref<16x168x128xi32, #tpu.memory_space<hbm>> -> memref<1x8x128xi32, #tpu.memory_space<hbm>>
    %dma_start3A_37 = tpu.memref_squeeze %dma_start3A_36 : memref<1x8x128xi32, #tpu.memory_space<hbm>> -> memref<8x128xi32, #tpu.memory_space<hbm>>
    %dma_start3A_38 = arith.constant 0 : i32
    %dma_start3A_39 = arith.constant 0 : i32
    %dma_start3A_40 = tpu.memref_slice %arg4[%arg1, %dma_start3A_38, %dma_start3A_39] : memref<16x168x128xi32, #tpu.memory_space<hbm>> -> memref<1x8x128xi32, #tpu.memory_space<hbm>>
    %dma_start3A_41 = tpu.memref_squeeze %dma_start3A_40 : memref<1x8x128xi32, #tpu.memory_space<hbm>> -> memref<8x128xi32, #tpu.memory_space<hbm>>
    tpu.enqueue_dma source(%dma_start3A_41 : memref<8x128xi32, #tpu.memory_space<hbm>>) target(%arg10 : memref<8x128xi32, #tpu.memory_space<vmem>>) target_semaphore(%arg17 : memref<!tpu.dma_semaphore, #tpu.memory_space<semaphore_mem>>)
    %scan3A_42 = arith.constant 0 : i32
    %scan3A_43 = arith.constant 0 : i32
    %scan3A_44 = arith.constant 10 : i32
    %scan3A_45 = arith.addi %scan3A_43, %scan3A_44 : i32
    %scan3A_46 = arith.constant 1 : i32
    %scan3A_47 = scf.for %scan3A_82 = %scan3A_43 to %scan3A_45 step %scan3A_46 iter_args(%scan3A_83 = %scan3A_42) -> (i32)  : i32 {
      %mul3A_84 = arith.constant 2 : i32
      %mul3A_85 = arith.muli %mul3A_84, %scan3A_82 : i32
      %add3A_86 = arith.constant 0 : i32
      %add3A_87 = arith.addi %mul3A_85, %add3A_86 : i32
      %dma_wait3A_88 = arith.constant 0 : i32
      %dma_wait3A_89 = arith.constant 0 : i32
      %dma_wait3A_90 = tpu.memref_slice %arg3[%arg1, %dma_wait3A_88, %dma_wait3A_89] : memref<16x168x128xi32, #tpu.memory_space<hbm>> -> memref<1x8x128xi32, #tpu.memory_space<hbm>>
      %dma_wait3A_91 = tpu.memref_squeeze %dma_wait3A_90 : memref<1x8x128xi32, #tpu.memory_space<hbm>> -> memref<8x128xi32, #tpu.memory_space<hbm>>
      %dma_wait3A_92 = arith.constant 0 : i32
      %dma_wait3A_93 = arith.constant 0 : i32
      %dma_wait3A_94 = tpu.memref_slice %arg3[%arg1, %dma_wait3A_92, %dma_wait3A_93] : memref<16x168x128xi32, #tpu.memory_space<hbm>> -> memref<1x8x128xi32, #tpu.memory_space<hbm>>
      %dma_wait3A_95 = tpu.memref_squeeze %dma_wait3A_94 : memref<1x8x128xi32, #tpu.memory_space<hbm>> -> memref<8x128xi32, #tpu.memory_space<hbm>>
      tpu.wait_dma2 semaphore(%arg17 : memref<!tpu.dma_semaphore, #tpu.memory_space<semaphore_mem>>) src(%dma_wait3A_95 : memref<8x128xi32, #tpu.memory_space<hbm>>) dst(%arg8 : memref<8x128xi32, #tpu.memory_space<vmem>>)
      %dma_wait3A_96 = arith.constant 0 : i32
      %dma_wait3A_97 = arith.constant 0 : i32
      %dma_wait3A_98 = tpu.memref_slice %arg4[%arg1, %dma_wait3A_96, %dma_wait3A_97] : memref<16x168x128xi32, #tpu.memory_space<hbm>> -> memref<1x8x128xi32, #tpu.memory_space<hbm>>
      %dma_wait3A_99 = tpu.memref_squeeze %dma_wait3A_98 : memref<1x8x128xi32, #tpu.memory_space<hbm>> -> memref<8x128xi32, #tpu.memory_space<hbm>>
      %dma_wait3A_100 = arith.constant 0 : i32
      %dma_wait3A_101 = arith.constant 0 : i32
      %dma_wait3A_102 = tpu.memref_slice %arg4[%arg1, %dma_wait3A_100, %dma_wait3A_101] : memref<16x168x128xi32, #tpu.memory_space<hbm>> -> memref<1x8x128xi32, #tpu.memory_space<hbm>>
      %dma_wait3A_103 = tpu.memref_squeeze %dma_wait3A_102 : memref<1x8x128xi32, #tpu.memory_space<hbm>> -> memref<8x128xi32, #tpu.memory_space<hbm>>
      tpu.wait_dma2 semaphore(%arg17 : memref<!tpu.dma_semaphore, #tpu.memory_space<semaphore_mem>>) src(%dma_wait3A_103 : memref<8x128xi32, #tpu.memory_space<hbm>>) dst(%arg10 : memref<8x128xi32, #tpu.memory_space<vmem>>)
      %add3A_104 = arith.constant 1 : i32
      %add3A_105 = arith.addi %add3A_87, %add3A_104 : i32
      %mul3A_106 = arith.constant 8 : i32
      %mul3A_107 = arith.muli %add3A_105, %mul3A_106 : i32
      %dma_start3A_108 = arith.constant 0 : i32
      %dma_start3A_109 = tpu.memref_slice %arg3[%arg1, %mul3A_107, %dma_start3A_108] : memref<16x168x128xi32, #tpu.memory_space<hbm>> -> memref<1x8x128xi32, #tpu.memory_space<hbm>>
      %dma_start3A_110 = tpu.memref_squeeze %dma_start3A_109 : memref<1x8x128xi32, #tpu.memory_space<hbm>> -> memref<8x128xi32, #tpu.memory_space<hbm>>
      %dma_start3A_111 = arith.constant 0 : i32
      %dma_start3A_112 = tpu.memref_slice %arg3[%arg1, %mul3A_107, %dma_start3A_111] : memref<16x168x128xi32, #tpu.memory_space<hbm>> -> memref<1x8x128xi32, #tpu.memory_space<hbm>>
      %dma_start3A_113 = tpu.memref_squeeze %dma_start3A_112 : memref<1x8x128xi32, #tpu.memory_space<hbm>> -> memref<8x128xi32, #tpu.memory_space<hbm>>
      tpu.enqueue_dma source(%dma_start3A_113 : memref<8x128xi32, #tpu.memory_space<hbm>>) target(%arg9 : memref<8x128xi32, #tpu.memory_space<vmem>>) target_semaphore(%arg18 : memref<!tpu.dma_semaphore, #tpu.memory_space<semaphore_mem>>)
      %add3A_114 = arith.constant 1 : i32
      %add3A_115 = arith.addi %add3A_87, %add3A_114 : i32
      %mul3A_116 = arith.constant 8 : i32
      %mul3A_117 = arith.muli %add3A_115, %mul3A_116 : i32
      %dma_start3A_118 = arith.constant 0 : i32
      %dma_start3A_119 = tpu.memref_slice %arg4[%arg1, %mul3A_117, %dma_start3A_118] : memref<16x168x128xi32, #tpu.memory_space<hbm>> -> memref<1x8x128xi32, #tpu.memory_space<hbm>>
      %dma_start3A_120 = tpu.memref_squeeze %dma_start3A_119 : memref<1x8x128xi32, #tpu.memory_space<hbm>> -> memref<8x128xi32, #tpu.memory_space<hbm>>
      %dma_start3A_121 = arith.constant 0 : i32
      %dma_start3A_122 = tpu.memref_slice %arg4[%arg1, %mul3A_117, %dma_start3A_121] : memref<16x168x128xi32, #tpu.memory_space<hbm>> -> memref<1x8x128xi32, #tpu.memory_space<hbm>>
      %dma_start3A_123 = tpu.memref_squeeze %dma_start3A_122 : memref<1x8x128xi32, #tpu.memory_space<hbm>> -> memref<8x128xi32, #tpu.memory_space<hbm>>
      tpu.enqueue_dma source(%dma_start3A_123 : memref<8x128xi32, #tpu.memory_space<hbm>>) target(%arg11 : memref<8x128xi32, #tpu.memory_space<vmem>>) target_semaphore(%arg18 : memref<!tpu.dma_semaphore, #tpu.memory_space<semaphore_mem>>)
      %dma_wait3A_124 = arith.constant 0 : i32
      %dma_wait3A_125 = arith.constant 0 : i32
      %dma_wait3A_126 = tpu.memref_slice %arg10[%dma_wait3A_124, %dma_wait3A_125] : memref<8x128xi32, #tpu.memory_space<vmem>> -> memref<1x128xi32, #tpu.memory_space<vmem>>
      %dma_wait3A_127 = tpu.memref_squeeze %dma_wait3A_126 : memref<1x128xi32, #tpu.memory_space<vmem>> -> memref<128xi32, #tpu.memory_space<vmem>>
      %dma_wait3A_128 = arith.constant 0 : i32
      %dma_wait3A_129 = arith.constant 0 : i32
      %dma_wait3A_130 = tpu.memref_slice %arg7[%dma_wait3A_128, %dma_wait3A_129] : memref<10240x64xf32, #tpu.memory_space<vmem_shared>> -> memref<10240x64xf32, #tpu.memory_space<vmem_shared>>
      tpu.wait_indirect_dma semaphore(%arg14 : memref<!tpu.dma_semaphore, #tpu.memory_space<semaphore_mem>>) src(%arg12 : memref<128x64xf32, #tpu.memory_space<vmem>>) dst(%dma_wait3A_130 : memref<10240x64xf32, #tpu.memory_space<vmem_shared>>)
      %dma_start3A_131 = arith.constant 0 : i32
      %dma_start3A_132 = arith.constant 0 : i32
      %dma_start3A_133 = tpu.memref_slice %arg8[%dma_start3A_131, %dma_start3A_132] : memref<8x128xi32, #tpu.memory_space<vmem>> -> memref<1x128xi32, #tpu.memory_space<vmem>>
      %dma_start3A_134 = tpu.memref_squeeze %dma_start3A_133 : memref<1x128xi32, #tpu.memory_space<vmem>> -> memref<128xi32, #tpu.memory_space<vmem>>
      %dma_start3A_135 = arith.constant 0 : i32
      %dma_start3A_136 = arith.constant 0 : i32
      %dma_start3A_137 = tpu.memref_slice %arg6[%dma_start3A_135, %dma_start3A_136] : memref<10240x64xf32, #tpu.memory_space<vmem_shared>> -> memref<10240x64xf32, #tpu.memory_space<vmem_shared>>
      tpu.enqueue_indirect_dma source(%dma_start3A_137 : memref<10240x64xf32, #tpu.memory_space<vmem_shared>>) target(%arg12 : memref<128x64xf32, #tpu.memory_space<vmem>>) offsets(%dma_start3A_134 : memref<128xi32, #tpu.memory_space<vmem>>) semaphore(%arg16 : memref<!tpu.dma_semaphore, #tpu.memory_space<semaphore_mem>>)
      %dma_wait3A_138 = arith.constant 0 : i32
      %dma_wait3A_139 = arith.constant 0 : i32
      %dma_wait3A_140 = tpu.memref_slice %arg8[%dma_wait3A_138, %dma_wait3A_139] : memref<8x128xi32, #tpu.memory_space<vmem>> -> memref<1x128xi32, #tpu.memory_space<vmem>>
      %dma_wait3A_141 = tpu.memref_squeeze %dma_wait3A_140 : memref<1x128xi32, #tpu.memory_space<vmem>> -> memref<128xi32, #tpu.memory_space<vmem>>
      %dma_wait3A_142 = arith.constant 0 : i32
      %dma_wait3A_143 = arith.constant 0 : i32
      %dma_wait3A_144 = tpu.memref_slice %arg6[%dma_wait3A_142, %dma_wait3A_143] : memref<10240x64xf32, #tpu.memory_space<vmem_shared>> -> memref<10240x64xf32, #tpu.memory_space<vmem_shared>>
      tpu.wait_indirect_dma semaphore(%arg16 : memref<!tpu.dma_semaphore, #tpu.memory_space<semaphore_mem>>) src(%dma_wait3A_144 : memref<10240x64xf32, #tpu.memory_space<vmem_shared>>) dst(%arg12 : memref<128x64xf32, #tpu.memory_space<vmem>>)
      %dma_start3A_145 = arith.constant 0 : i32
      %dma_start3A_146 = arith.constant 0 : i32
      %dma_start3A_147 = tpu.memref_slice %arg10[%dma_start3A_145, %dma_start3A_146] : memref<8x128xi32, #tpu.memory_space<vmem>> -> memref<1x128xi32, #tpu.memory_space<vmem>>
      %dma_start3A_148 = tpu.memref_squeeze %dma_start3A_147 : memref<1x128xi32, #tpu.memory_space<vmem>> -> memref<128xi32, #tpu.memory_space<vmem>>
      %dma_start3A_149 = arith.constant 0 : i32
      %dma_start3A_150 = arith.constant 0 : i32
      %dma_start3A_151 = tpu.memref_slice %arg7[%dma_start3A_149, %dma_start3A_150] : memref<10240x64xf32, #tpu.memory_space<vmem_shared>> -> memref<10240x64xf32, #tpu.memory_space<vmem_shared>>
      tpu.enqueue_indirect_dma source(%arg12 : memref<128x64xf32, #tpu.memory_space<vmem>>) target(%dma_start3A_151 : memref<10240x64xf32, #tpu.memory_space<vmem_shared>>) offsets(%dma_start3A_148 : memref<128xi32, #tpu.memory_space<vmem>>) semaphore(%arg14 : memref<!tpu.dma_semaphore, #tpu.memory_space<semaphore_mem>>) {add = true}
      %dma_wait3A_152 = arith.constant 1 : i32
      %dma_wait3A_153 = arith.constant 0 : i32
      %dma_wait3A_154 = tpu.memref_slice %arg10[%dma_wait3A_152, %dma_wait3A_153] : memref<8x128xi32, #tpu.memory_space<vmem>> -> memref<1x128xi32, #tpu.memory_space<vmem>>
      %dma_wait3A_155 = tpu.memref_squeeze %dma_wait3A_154 : memref<1x128xi32, #tpu.memory_space<vmem>> -> memref<128xi32, #tpu.memory_space<vmem>>
      %dma_wait3A_156 = arith.constant 0 : i32
      %dma_wait3A_157 = arith.constant 0 : i32
      %dma_wait3A_158 = tpu.memref_slice %arg7[%dma_wait3A_156, %dma_wait3A_157] : memref<10240x64xf32, #tpu.memory_space<vmem_shared>> -> memref<10240x64xf32, #tpu.memory_space<vmem_shared>>
      tpu.wait_indirect_dma semaphore(%arg15 : memref<!tpu.dma_semaphore, #tpu.memory_space<semaphore_mem>>) src(%arg13 : memref<128x64xf32, #tpu.memory_space<vmem>>) dst(%dma_wait3A_158 : memref<10240x64xf32, #tpu.memory_space<vmem_shared>>)
      %dma_start3A_159 = arith.constant 1 : i32
      %dma_start3A_160 = arith.constant 0 : i32
      %dma_start3A_161 = tpu.memref_slice %arg8[%dma_start3A_159, %dma_start3A_160] : memref<8x128xi32, #tpu.memory_space<vmem>> -> memref<1x128xi32, #tpu.memory_space<vmem>>
      %dma_start3A_162 = tpu.memref_squeeze %dma_start3A_161 : memref<1x128xi32, #tpu.memory_space<vmem>> -> memref<128xi32, #tpu.memory_space<vmem>>
      %dma_start3A_163 = arith.constant 0 : i32
      %dma_start3A_164 = arith.constant 0 : i32
      %dma_start3A_165 = tpu.memref_slice %arg6[%dma_start3A_163, %dma_start3A_164] : memref<10240x64xf32, #tpu.memory_space<vmem_shared>> -> memref<10240x64xf32, #tpu.memory_space<vmem_shared>>
      tpu.enqueue_indirect_dma source(%dma_start3A_165 : memref<10240x64xf32, #tpu.memory_space<vmem_shared>>) target(%arg13 : memref<128x64xf32, #tpu.memory_space<vmem>>) offsets(%dma_start3A_162 : memref<128xi32, #tpu.memory_space<vmem>>) semaphore(%arg16 : memref<!tpu.dma_semaphore, #tpu.memory_space<semaphore_mem>>)
      %dma_wait3A_166 = arith.constant 1 : i32
      %dma_wait3A_167 = arith.constant 0 : i32
      %dma_wait3A_168 = tpu.memref_slice %arg8[%dma_wait3A_166, %dma_wait3A_167] : memref<8x128xi32, #tpu.memory_space<vmem>> -> memref<1x128xi32, #tpu.memory_space<vmem>>
      %dma_wait3A_169 = tpu.memref_squeeze %dma_wait3A_168 : memref<1x128xi32, #tpu.memory_space<vmem>> -> memref<128xi32, #tpu.memory_space<vmem>>
      %dma_wait3A_170 = arith.constant 0 : i32
      %dma_wait3A_171 = arith.constant 0 : i32
      %dma_wait3A_172 = tpu.memref_slice %arg6[%dma_wait3A_170, %dma_wait3A_171] : memref<10240x64xf32, #tpu.memory_space<vmem_shared>> -> memref<10240x64xf32, #tpu.memory_space<vmem_shared>>
      tpu.wait_indirect_dma semaphore(%arg16 : memref<!tpu.dma_semaphore, #tpu.memory_space<semaphore_mem>>) src(%dma_wait3A_172 : memref<10240x64xf32, #tpu.memory_space<vmem_shared>>) dst(%arg13 : memref<128x64xf32, #tpu.memory_space<vmem>>)
      %dma_start3A_173 = arith.constant 1 : i32
      %dma_start3A_174 = arith.constant 0 : i32
      %dma_start3A_175 = tpu.memref_slice %arg10[%dma_start3A_173, %dma_start3A_174] : memref<8x128xi32, #tpu.memory_space<vmem>> -> memref<1x128xi32, #tpu.memory_space<vmem>>
      %dma_start3A_176 = tpu.memref_squeeze %dma_start3A_175 : memref<1x128xi32, #tpu.memory_space<vmem>> -> memref<128xi32, #tpu.memory_space<vmem>>
      %dma_start3A_177 = arith.constant 0 : i32
      %dma_start3A_178 = arith.constant 0 : i32
      %dma_start3A_179 = tpu.memref_slice %arg7[%dma_start3A_177, %dma_start3A_178] : memref<10240x64xf32, #tpu.memory_space<vmem_shared>> -> memref<10240x64xf32, #tpu.memory_space<vmem_shared>>
      tpu.enqueue_indirect_dma source(%arg13 : memref<128x64xf32, #tpu.memory_space<vmem>>) target(%dma_start3A_179 : memref<10240x64xf32, #tpu.memory_space<vmem_shared>>) offsets(%dma_start3A_176 : memref<128xi32, #tpu.memory_space<vmem>>) semaphore(%arg15 : memref<!tpu.dma_semaphore, #tpu.memory_space<semaphore_mem>>) {add = true}
      %dma_wait3A_180 = arith.constant 2 : i32
      %dma_wait3A_181 = arith.constant 0 : i32
      %dma_wait3A_182 = tpu.memref_slice %arg10[%dma_wait3A_180, %dma_wait3A_181] : memref<8x128xi32, #tpu.memory_space<vmem>> -> memref<1x128xi32, #tpu.memory_space<vmem>>
      %dma_wait3A_183 = tpu.memref_squeeze %dma_wait3A_182 : memref<1x128xi32, #tpu.memory_space<vmem>> -> memref<128xi32, #tpu.memory_space<vmem>>
      %dma_wait3A_184 = arith.constant 0 : i32
      %dma_wait3A_185 = arith.constant 0 : i32
      %dma_wait3A_186 = tpu.memref_slice %arg7[%dma_wait3A_184, %dma_wait3A_185] : memref<10240x64xf32, #tpu.memory_space<vmem_shared>> -> memref<10240x64xf32, #tpu.memory_space<vmem_shared>>
      tpu.wait_indirect_dma semaphore(%arg14 : memref<!tpu.dma_semaphore, #tpu.memory_space<semaphore_mem>>) src(%arg12 : memref<128x64xf32, #tpu.memory_space<vmem>>) dst(%dma_wait3A_186 : memref<10240x64xf32, #tpu.memory_space<vmem_shared>>)
      %dma_start3A_187 = arith.constant 2 : i32
      %dma_start3A_188 = arith.constant 0 : i32
      %dma_start3A_189 = tpu.memref_slice %arg8[%dma_start3A_187, %dma_start3A_188] : memref<8x128xi32, #tpu.memory_space<vmem>> -> memref<1x128xi32, #tpu.memory_space<vmem>>
      %dma_start3A_190 = tpu.memref_squeeze %dma_start3A_189 : memref<1x128xi32, #tpu.memory_space<vmem>> -> memref<128xi32, #tpu.memory_space<vmem>>
      %dma_start3A_191 = arith.constant 0 : i32
      %dma_start3A_192 = arith.constant 0 : i32
      %dma_start3A_193 = tpu.memref_slice %arg6[%dma_start3A_191, %dma_start3A_192] : memref<10240x64xf32, #tpu.memory_space<vmem_shared>> -> memref<10240x64xf32, #tpu.memory_space<vmem_shared>>
      tpu.enqueue_indirect_dma source(%dma_start3A_193 : memref<10240x64xf32, #tpu.memory_space<vmem_shared>>) target(%arg12 : memref<128x64xf32, #tpu.memory_space<vmem>>) offsets(%dma_start3A_190 : memref<128xi32, #tpu.memory_space<vmem>>) semaphore(%arg16 : memref<!tpu.dma_semaphore, #tpu.memory_space<semaphore_mem>>)
      %dma_wait3A_194 = arith.constant 2 : i32
      %dma_wait3A_195 = arith.constant 0 : i32
      %dma_wait3A_196 = tpu.memref_slice %arg8[%dma_wait3A_194, %dma_wait3A_195] : memref<8x128xi32, #tpu.memory_space<vmem>> -> memref<1x128xi32, #tpu.memory_space<vmem>>
      %dma_wait3A_197 = tpu.memref_squeeze %dma_wait3A_196 : memref<1x128xi32, #tpu.memory_space<vmem>> -> memref<128xi32, #tpu.memory_space<vmem>>
      %dma_wait3A_198 = arith.constant 0 : i32
      %dma_wait3A_199 = arith.constant 0 : i32
      %dma_wait3A_200 = tpu.memref_slice %arg6[%dma_wait3A_198, %dma_wait3A_199] : memref<10240x64xf32, #tpu.memory_space<vmem_shared>> -> memref<10240x64xf32, #tpu.memory_space<vmem_shared>>
      tpu.wait_indirect_dma semaphore(%arg16 : memref<!tpu.dma_semaphore, #tpu.memory_space<semaphore_mem>>) src(%dma_wait3A_200 : memref<10240x64xf32, #tpu.memory_space<vmem_shared>>) dst(%arg12 : memref<128x64xf32, #tpu.memory_space<vmem>>)
      %dma_start3A_201 = arith.constant 2 : i32
      %dma_start3A_202 = arith.constant 0 : i32
      %dma_start3A_203 = tpu.memref_slice %arg10[%dma_start3A_201, %dma_start3A_202] : memref<8x128xi32, #tpu.memory_space<vmem>> -> memref<1x128xi32, #tpu.memory_space<vmem>>
      %dma_start3A_204 = tpu.memref_squeeze %dma_start3A_203 : memref<1x128xi32, #tpu.memory_space<vmem>> -> memref<128xi32, #tpu.memory_space<vmem>>
      %dma_start3A_205 = arith.constant 0 : i32
      %dma_start3A_206 = arith.constant 0 : i32
      %dma_start3A_207 = tpu.memref_slice %arg7[%dma_start3A_205, %dma_start3A_206] : memref<10240x64xf32, #tpu.memory_space<vmem_shared>> -> memref<10240x64xf32, #tpu.memory_space<vmem_shared>>
      tpu.enqueue_indirect_dma source(%arg12 : memref<128x64xf32, #tpu.memory_space<vmem>>) target(%dma_start3A_207 : memref<10240x64xf32, #tpu.memory_space<vmem_shared>>) offsets(%dma_start3A_204 : memref<128xi32, #tpu.memory_space<vmem>>) semaphore(%arg14 : memref<!tpu.dma_semaphore, #tpu.memory_space<semaphore_mem>>) {add = true}
      %dma_wait3A_208 = arith.constant 3 : i32
      %dma_wait3A_209 = arith.constant 0 : i32
      %dma_wait3A_210 = tpu.memref_slice %arg10[%dma_wait3A_208, %dma_wait3A_209] : memref<8x128xi32, #tpu.memory_space<vmem>> -> memref<1x128xi32, #tpu.memory_space<vmem>>
      %dma_wait3A_211 = tpu.memref_squeeze %dma_wait3A_210 : memref<1x128xi32, #tpu.memory_space<vmem>> -> memref<128xi32, #tpu.memory_space<vmem>>
      %dma_wait3A_212 = arith.constant 0 : i32
      %dma_wait3A_213 = arith.constant 0 : i32
      %dma_wait3A_214 = tpu.memref_slice %arg7[%dma_wait3A_212, %dma_wait3A_213] : memref<10240x64xf32, #tpu.memory_space<vmem_shared>> -> memref<10240x64xf32, #tpu.memory_space<vmem_shared>>
      tpu.wait_indirect_dma semaphore(%arg15 : memref<!tpu.dma_semaphore, #tpu.memory_space<semaphore_mem>>) src(%arg13 : memref<128x64xf32, #tpu.memory_space<vmem>>) dst(%dma_wait3A_214 : memref<10240x64xf32, #tpu.memory_space<vmem_shared>>)
      %dma_start3A_215 = arith.constant 3 : i32
      %dma_start3A_216 = arith.constant 0 : i32
      %dma_start3A_217 = tpu.memref_slice %arg8[%dma_start3A_215, %dma_start3A_216] : memref<8x128xi32, #tpu.memory_space<vmem>> -> memref<1x128xi32, #tpu.memory_space<vmem>>
      %dma_start3A_218 = tpu.memref_squeeze %dma_start3A_217 : memref<1x128xi32, #tpu.memory_space<vmem>> -> memref<128xi32, #tpu.memory_space<vmem>>
      %dma_start3A_219 = arith.constant 0 : i32
      %dma_start3A_220 = arith.constant 0 : i32
      %dma_start3A_221 = tpu.memref_slice %arg6[%dma_start3A_219, %dma_start3A_220] : memref<10240x64xf32, #tpu.memory_space<vmem_shared>> -> memref<10240x64xf32, #tpu.memory_space<vmem_shared>>
      tpu.enqueue_indirect_dma source(%dma_start3A_221 : memref<10240x64xf32, #tpu.memory_space<vmem_shared>>) target(%arg13 : memref<128x64xf32, #tpu.memory_space<vmem>>) offsets(%dma_start3A_218 : memref<128xi32, #tpu.memory_space<vmem>>) semaphore(%arg16 : memref<!tpu.dma_semaphore, #tpu.memory_space<semaphore_mem>>)
      %dma_wait3A_222 = arith.constant 3 : i32
      %dma_wait3A_223 = arith.constant 0 : i32
      %dma_wait3A_224 = tpu.memref_slice %arg8[%dma_wait3A_222, %dma_wait3A_223] : memref<8x128xi32, #tpu.memory_space<vmem>> -> memref<1x128xi32, #tpu.memory_space<vmem>>
      %dma_wait3A_225 = tpu.memref_squeeze %dma_wait3A_224 : memref<1x128xi32, #tpu.memory_space<vmem>> -> memref<128xi32, #tpu.memory_space<vmem>>
      %dma_wait3A_226 = arith.constant 0 : i32
      %dma_wait3A_227 = arith.constant 0 : i32
      %dma_wait3A_228 = tpu.memref_slice %arg6[%dma_wait3A_226, %dma_wait3A_227] : memref<10240x64xf32, #tpu.memory_space<vmem_shared>> -> memref<10240x64xf32, #tpu.memory_space<vmem_shared>>
      tpu.wait_indirect_dma semaphore(%arg16 : memref<!tpu.dma_semaphore, #tpu.memory_space<semaphore_mem>>) src(%dma_wait3A_228 : memref<10240x64xf32, #tpu.memory_space<vmem_shared>>) dst(%arg13 : memref<128x64xf32, #tpu.memory_space<vmem>>)
      %dma_start3A_229 = arith.constant 3 : i32
      %dma_start3A_230 = arith.constant 0 : i32
      %dma_start3A_231 = tpu.memref_slice %arg10[%dma_start3A_229, %dma_start3A_230] : memref<8x128xi32, #tpu.memory_space<vmem>> -> memref<1x128xi32, #tpu.memory_space<vmem>>
      %dma_start3A_232 = tpu.memref_squeeze %dma_start3A_231 : memref<1x128xi32, #tpu.memory_space<vmem>> -> memref<128xi32, #tpu.memory_space<vmem>>
      %dma_start3A_233 = arith.constant 0 : i32
      %dma_start3A_234 = arith.constant 0 : i32
      %dma_start3A_235 = tpu.memref_slice %arg7[%dma_start3A_233, %dma_start3A_234] : memref<10240x64xf32, #tpu.memory_space<vmem_shared>> -> memref<10240x64xf32, #tpu.memory_space<vmem_shared>>
      tpu.enqueue_indirect_dma source(%arg13 : memref<128x64xf32, #tpu.memory_space<vmem>>) target(%dma_start3A_235 : memref<10240x64xf32, #tpu.memory_space<vmem_shared>>) offsets(%dma_start3A_232 : memref<128xi32, #tpu.memory_space<vmem>>) semaphore(%arg15 : memref<!tpu.dma_semaphore, #tpu.memory_space<semaphore_mem>>) {add = true}
      %dma_wait3A_236 = arith.constant 4 : i32
      %dma_wait3A_237 = arith.constant 0 : i32
      %dma_wait3A_238 = tpu.memref_slice %arg10[%dma_wait3A_236, %dma_wait3A_237] : memref<8x128xi32, #tpu.memory_space<vmem>> -> memref<1x128xi32, #tpu.memory_space<vmem>>
      %dma_wait3A_239 = tpu.memref_squeeze %dma_wait3A_238 : memref<1x128xi32, #tpu.memory_space<vmem>> -> memref<128xi32, #tpu.memory_space<vmem>>
      %dma_wait3A_240 = arith.constant 0 : i32
      %dma_wait3A_241 = arith.constant 0 : i32
      %dma_wait3A_242 = tpu.memref_slice %arg7[%dma_wait3A_240, %dma_wait3A_241] : memref<10240x64xf32, #tpu.memory_space<vmem_shared>> -> memref<10240x64xf32, #tpu.memory_space<vmem_shared>>
      tpu.wait_indirect_dma semaphore(%arg14 : memref<!tpu.dma_semaphore, #tpu.memory_space<semaphore_mem>>) src(%arg12 : memref<128x64xf32, #tpu.memory_space<vmem>>) dst(%dma_wait3A_242 : memref<10240x64xf32, #tpu.memory_space<vmem_shared>>)
      %dma_start3A_243 = arith.constant 4 : i32
      %dma_start3A_244 = arith.constant 0 : i32
      %dma_start3A_245 = tpu.memref_slice %arg8[%dma_start3A_243, %dma_start3A_244] : memref<8x128xi32, #tpu.memory_space<vmem>> -> memref<1x128xi32, #tpu.memory_space<vmem>>
      %dma_start3A_246 = tpu.memref_squeeze %dma_start3A_245 : memref<1x128xi32, #tpu.memory_space<vmem>> -> memref<128xi32, #tpu.memory_space<vmem>>
      %dma_start3A_247 = arith.constant 0 : i32
      %dma_start3A_248 = arith.constant 0 : i32
      %dma_start3A_249 = tpu.memref_slice %arg6[%dma_start3A_247, %dma_start3A_248] : memref<10240x64xf32, #tpu.memory_space<vmem_shared>> -> memref<10240x64xf32, #tpu.memory_space<vmem_shared>>
      tpu.enqueue_indirect_dma source(%dma_start3A_249 : memref<10240x64xf32, #tpu.memory_space<vmem_shared>>) target(%arg12 : memref<128x64xf32, #tpu.memory_space<vmem>>) offsets(%dma_start3A_246 : memref<128xi32, #tpu.memory_space<vmem>>) semaphore(%arg16 : memref<!tpu.dma_semaphore, #tpu.memory_space<semaphore_mem>>)
      %dma_wait3A_250 = arith.constant 4 : i32
      %dma_wait3A_251 = arith.constant 0 : i32
      %dma_wait3A_252 = tpu.memref_slice %arg8[%dma_wait3A_250, %dma_wait3A_251] : memref<8x128xi32, #tpu.memory_space<vmem>> -> memref<1x128xi32, #tpu.memory_space<vmem>>
      %dma_wait3A_253 = tpu.memref_squeeze %dma_wait3A_252 : memref<1x128xi32, #tpu.memory_space<vmem>> -> memref<128xi32, #tpu.memory_space<vmem>>
      %dma_wait3A_254 = arith.constant 0 : i32
      %dma_wait3A_255 = arith.constant 0 : i32
      %dma_wait3A_256 = tpu.memref_slice %arg6[%dma_wait3A_254, %dma_wait3A_255] : memref<10240x64xf32, #tpu.memory_space<vmem_shared>> -> memref<10240x64xf32, #tpu.memory_space<vmem_shared>>
      tpu.wait_indirect_dma semaphore(%arg16 : memref<!tpu.dma_semaphore, #tpu.memory_space<semaphore_mem>>) src(%dma_wait3A_256 : memref<10240x64xf32, #tpu.memory_space<vmem_shared>>) dst(%arg12 : memref<128x64xf32, #tpu.memory_space<vmem>>)
      %dma_start3A_257 = arith.constant 4 : i32
      %dma_start3A_258 = arith.constant 0 : i32
      %dma_start3A_259 = tpu.memref_slice %arg10[%dma_start3A_257, %dma_start3A_258] : memref<8x128xi32, #tpu.memory_space<vmem>> -> memref<1x128xi32, #tpu.memory_space<vmem>>
      %dma_start3A_260 = tpu.memref_squeeze %dma_start3A_259 : memref<1x128xi32, #tpu.memory_space<vmem>> -> memref<128xi32, #tpu.memory_space<vmem>>
      %dma_start3A_261 = arith.constant 0 : i32
      %dma_start3A_262 = arith.constant 0 : i32
      %dma_start3A_263 = tpu.memref_slice %arg7[%dma_start3A_261, %dma_start3A_262] : memref<10240x64xf32, #tpu.memory_space<vmem_shared>> -> memref<10240x64xf32, #tpu.memory_space<vmem_shared>>
      tpu.enqueue_indirect_dma source(%arg12 : memref<128x64xf32, #tpu.memory_space<vmem>>) target(%dma_start3A_263 : memref<10240x64xf32, #tpu.memory_space<vmem_shared>>) offsets(%dma_start3A_260 : memref<128xi32, #tpu.memory_space<vmem>>) semaphore(%arg14 : memref<!tpu.dma_semaphore, #tpu.memory_space<semaphore_mem>>) {add = true}
      %dma_wait3A_264 = arith.constant 5 : i32
      %dma_wait3A_265 = arith.constant 0 : i32
      %dma_wait3A_266 = tpu.memref_slice %arg10[%dma_wait3A_264, %dma_wait3A_265] : memref<8x128xi32, #tpu.memory_space<vmem>> -> memref<1x128xi32, #tpu.memory_space<vmem>>
      %dma_wait3A_267 = tpu.memref_squeeze %dma_wait3A_266 : memref<1x128xi32, #tpu.memory_space<vmem>> -> memref<128xi32, #tpu.memory_space<vmem>>
      %dma_wait3A_268 = arith.constant 0 : i32
      %dma_wait3A_269 = arith.constant 0 : i32
      %dma_wait3A_270 = tpu.memref_slice %arg7[%dma_wait3A_268, %dma_wait3A_269] : memref<10240x64xf32, #tpu.memory_space<vmem_shared>> -> memref<10240x64xf32, #tpu.memory_space<vmem_shared>>
      tpu.wait_indirect_dma semaphore(%arg15 : memref<!tpu.dma_semaphore, #tpu.memory_space<semaphore_mem>>) src(%arg13 : memref<128x64xf32, #tpu.memory_space<vmem>>) dst(%dma_wait3A_270 : memref<10240x64xf32, #tpu.memory_space<vmem_shared>>)
      %dma_start3A_271 = arith.constant 5 : i32
      %dma_start3A_272 = arith.constant 0 : i32
      %dma_start3A_273 = tpu.memref_slice %arg8[%dma_start3A_271, %dma_start3A_272] : memref<8x128xi32, #tpu.memory_space<vmem>> -> memref<1x128xi32, #tpu.memory_space<vmem>>
      %dma_start3A_274 = tpu.memref_squeeze %dma_start3A_273 : memref<1x128xi32, #tpu.memory_space<vmem>> -> memref<128xi32, #tpu.memory_space<vmem>>
      %dma_start3A_275 = arith.constant 0 : i32
      %dma_start3A_276 = arith.constant 0 : i32
      %dma_start3A_277 = tpu.memref_slice %arg6[%dma_start3A_275, %dma_start3A_276] : memref<10240x64xf32, #tpu.memory_space<vmem_shared>> -> memref<10240x64xf32, #tpu.memory_space<vmem_shared>>
      tpu.enqueue_indirect_dma source(%dma_start3A_277 : memref<10240x64xf32, #tpu.memory_space<vmem_shared>>) target(%arg13 : memref<128x64xf32, #tpu.memory_space<vmem>>) offsets(%dma_start3A_274 : memref<128xi32, #tpu.memory_space<vmem>>) semaphore(%arg16 : memref<!tpu.dma_semaphore, #tpu.memory_space<semaphore_mem>>)
      %dma_wait3A_278 = arith.constant 5 : i32
      %dma_wait3A_279 = arith.constant 0 : i32
      %dma_wait3A_280 = tpu.memref_slice %arg8[%dma_wait3A_278, %dma_wait3A_279] : memref<8x128xi32, #tpu.memory_space<vmem>> -> memref<1x128xi32, #tpu.memory_space<vmem>>
      %dma_wait3A_281 = tpu.memref_squeeze %dma_wait3A_280 : memref<1x128xi32, #tpu.memory_space<vmem>> -> memref<128xi32, #tpu.memory_space<vmem>>
      %dma_wait3A_282 = arith.constant 0 : i32
      %dma_wait3A_283 = arith.constant 0 : i32
      %dma_wait3A_284 = tpu.memref_slice %arg6[%dma_wait3A_282, %dma_wait3A_283] : memref<10240x64xf32, #tpu.memory_space<vmem_shared>> -> memref<10240x64xf32, #tpu.memory_space<vmem_shared>>
      tpu.wait_indirect_dma semaphore(%arg16 : memref<!tpu.dma_semaphore, #tpu.memory_space<semaphore_mem>>) src(%dma_wait3A_284 : memref<10240x64xf32, #tpu.memory_space<vmem_shared>>) dst(%arg13 : memref<128x64xf32, #tpu.memory_space<vmem>>)
      %dma_start3A_285 = arith.constant 5 : i32
      %dma_start3A_286 = arith.constant 0 : i32
      %dma_start3A_287 = tpu.memref_slice %arg10[%dma_start3A_285, %dma_start3A_286] : memref<8x128xi32, #tpu.memory_space<vmem>> -> memref<1x128xi32, #tpu.memory_space<vmem>>
      %dma_start3A_288 = tpu.memref_squeeze %dma_start3A_287 : memref<1x128xi32, #tpu.memory_space<vmem>> -> memref<128xi32, #tpu.memory_space<vmem>>
      %dma_start3A_289 = arith.constant 0 : i32
      %dma_start3A_290 = arith.constant 0 : i32
      %dma_start3A_291 = tpu.memref_slice %arg7[%dma_start3A_289, %dma_start3A_290] : memref<10240x64xf32, #tpu.memory_space<vmem_shared>> -> memref<10240x64xf32, #tpu.memory_space<vmem_shared>>
      tpu.enqueue_indirect_dma source(%arg13 : memref<128x64xf32, #tpu.memory_space<vmem>>) target(%dma_start3A_291 : memref<10240x64xf32, #tpu.memory_space<vmem_shared>>) offsets(%dma_start3A_288 : memref<128xi32, #tpu.memory_space<vmem>>) semaphore(%arg15 : memref<!tpu.dma_semaphore, #tpu.memory_space<semaphore_mem>>) {add = true}
      %dma_wait3A_292 = arith.constant 6 : i32
      %dma_wait3A_293 = arith.constant 0 : i32
      %dma_wait3A_294 = tpu.memref_slice %arg10[%dma_wait3A_292, %dma_wait3A_293] : memref<8x128xi32, #tpu.memory_space<vmem>> -> memref<1x128xi32, #tpu.memory_space<vmem>>
      %dma_wait3A_295 = tpu.memref_squeeze %dma_wait3A_294 : memref<1x128xi32, #tpu.memory_space<vmem>> -> memref<128xi32, #tpu.memory_space<vmem>>
      %dma_wait3A_296 = arith.constant 0 : i32
      %dma_wait3A_297 = arith.constant 0 : i32
      %dma_wait3A_298 = tpu.memref_slice %arg7[%dma_wait3A_296, %dma_wait3A_297] : memref<10240x64xf32, #tpu.memory_space<vmem_shared>> -> memref<10240x64xf32, #tpu.memory_space<vmem_shared>>
      tpu.wait_indirect_dma semaphore(%arg14 : memref<!tpu.dma_semaphore, #tpu.memory_space<semaphore_mem>>) src(%arg12 : memref<128x64xf32, #tpu.memory_space<vmem>>) dst(%dma_wait3A_298 : memref<10240x64xf32, #tpu.memory_space<vmem_shared>>)
      %dma_start3A_299 = arith.constant 6 : i32
      %dma_start3A_300 = arith.constant 0 : i32
      %dma_start3A_301 = tpu.memref_slice %arg8[%dma_start3A_299, %dma_start3A_300] : memref<8x128xi32, #tpu.memory_space<vmem>> -> memref<1x128xi32, #tpu.memory_space<vmem>>
      %dma_start3A_302 = tpu.memref_squeeze %dma_start3A_301 : memref<1x128xi32, #tpu.memory_space<vmem>> -> memref<128xi32, #tpu.memory_space<vmem>>
      %dma_start3A_303 = arith.constant 0 : i32
      %dma_start3A_304 = arith.constant 0 : i32
      %dma_start3A_305 = tpu.memref_slice %arg6[%dma_start3A_303, %dma_start3A_304] : memref<10240x64xf32, #tpu.memory_space<vmem_shared>> -> memref<10240x64xf32, #tpu.memory_space<vmem_shared>>
      tpu.enqueue_indirect_dma source(%dma_start3A_305 : memref<10240x64xf32, #tpu.memory_space<vmem_shared>>) target(%arg12 : memref<128x64xf32, #tpu.memory_space<vmem>>) offsets(%dma_start3A_302 : memref<128xi32, #tpu.memory_space<vmem>>) semaphore(%arg16 : memref<!tpu.dma_semaphore, #tpu.memory_space<semaphore_mem>>)
      %dma_wait3A_306 = arith.constant 6 : i32
      %dma_wait3A_307 = arith.constant 0 : i32
      %dma_wait3A_308 = tpu.memref_slice %arg8[%dma_wait3A_306, %dma_wait3A_307] : memref<8x128xi32, #tpu.memory_space<vmem>> -> memref<1x128xi32, #tpu.memory_space<vmem>>
      %dma_wait3A_309 = tpu.memref_squeeze %dma_wait3A_308 : memref<1x128xi32, #tpu.memory_space<vmem>> -> memref<128xi32, #tpu.memory_space<vmem>>
      %dma_wait3A_310 = arith.constant 0 : i32
      %dma_wait3A_311 = arith.constant 0 : i32
      %dma_wait3A_312 = tpu.memref_slice %arg6[%dma_wait3A_310, %dma_wait3A_311] : memref<10240x64xf32, #tpu.memory_space<vmem_shared>> -> memref<10240x64xf32, #tpu.memory_space<vmem_shared>>
      tpu.wait_indirect_dma semaphore(%arg16 : memref<!tpu.dma_semaphore, #tpu.memory_space<semaphore_mem>>) src(%dma_wait3A_312 : memref<10240x64xf32, #tpu.memory_space<vmem_shared>>) dst(%arg12 : memref<128x64xf32, #tpu.memory_space<vmem>>)
      %dma_start3A_313 = arith.constant 6 : i32
      %dma_start3A_314 = arith.constant 0 : i32
      %dma_start3A_315 = tpu.memref_slice %arg10[%dma_start3A_313, %dma_start3A_314] : memref<8x128xi32, #tpu.memory_space<vmem>> -> memref<1x128xi32, #tpu.memory_space<vmem>>
      %dma_start3A_316 = tpu.memref_squeeze %dma_start3A_315 : memref<1x128xi32, #tpu.memory_space<vmem>> -> memref<128xi32, #tpu.memory_space<vmem>>
      %dma_start3A_317 = arith.constant 0 : i32
      %dma_start3A_318 = arith.constant 0 : i32
      %dma_start3A_319 = tpu.memref_slice %arg7[%dma_start3A_317, %dma_start3A_318] : memref<10240x64xf32, #tpu.memory_space<vmem_shared>> -> memref<10240x64xf32, #tpu.memory_space<vmem_shared>>
      tpu.enqueue_indirect_dma source(%arg12 : memref<128x64xf32, #tpu.memory_space<vmem>>) target(%dma_start3A_319 : memref<10240x64xf32, #tpu.memory_space<vmem_shared>>) offsets(%dma_start3A_316 : memref<128xi32, #tpu.memory_space<vmem>>) semaphore(%arg14 : memref<!tpu.dma_semaphore, #tpu.memory_space<semaphore_mem>>) {add = true}
      %dma_wait3A_320 = arith.constant 7 : i32
      %dma_wait3A_321 = arith.constant 0 : i32
      %dma_wait3A_322 = tpu.memref_slice %arg10[%dma_wait3A_320, %dma_wait3A_321] : memref<8x128xi32, #tpu.memory_space<vmem>> -> memref<1x128xi32, #tpu.memory_space<vmem>>
      %dma_wait3A_323 = tpu.memref_squeeze %dma_wait3A_322 : memref<1x128xi32, #tpu.memory_space<vmem>> -> memref<128xi32, #tpu.memory_space<vmem>>
      %dma_wait3A_324 = arith.constant 0 : i32
      %dma_wait3A_325 = arith.constant 0 : i32
      %dma_wait3A_326 = tpu.memref_slice %arg7[%dma_wait3A_324, %dma_wait3A_325] : memref<10240x64xf32, #tpu.memory_space<vmem_shared>> -> memref<10240x64xf32, #tpu.memory_space<vmem_shared>>
      tpu.wait_indirect_dma semaphore(%arg15 : memref<!tpu.dma_semaphore, #tpu.memory_space<semaphore_mem>>) src(%arg13 : memref<128x64xf32, #tpu.memory_space<vmem>>) dst(%dma_wait3A_326 : memref<10240x64xf32, #tpu.memory_space<vmem_shared>>)
      %dma_start3A_327 = arith.constant 7 : i32
      %dma_start3A_328 = arith.constant 0 : i32
      %dma_start3A_329 = tpu.memref_slice %arg8[%dma_start3A_327, %dma_start3A_328] : memref<8x128xi32, #tpu.memory_space<vmem>> -> memref<1x128xi32, #tpu.memory_space<vmem>>
      %dma_start3A_330 = tpu.memref_squeeze %dma_start3A_329 : memref<1x128xi32, #tpu.memory_space<vmem>> -> memref<128xi32, #tpu.memory_space<vmem>>
      %dma_start3A_331 = arith.constant 0 : i32
      %dma_start3A_332 = arith.constant 0 : i32
      %dma_start3A_333 = tpu.memref_slice %arg6[%dma_start3A_331, %dma_start3A_332] : memref<10240x64xf32, #tpu.memory_space<vmem_shared>> -> memref<10240x64xf32, #tpu.memory_space<vmem_shared>>
      tpu.enqueue_indirect_dma source(%dma_start3A_333 : memref<10240x64xf32, #tpu.memory_space<vmem_shared>>) target(%arg13 : memref<128x64xf32, #tpu.memory_space<vmem>>) offsets(%dma_start3A_330 : memref<128xi32, #tpu.memory_space<vmem>>) semaphore(%arg16 : memref<!tpu.dma_semaphore, #tpu.memory_space<semaphore_mem>>)
      %dma_wait3A_334 = arith.constant 7 : i32
      %dma_wait3A_335 = arith.constant 0 : i32
      %dma_wait3A_336 = tpu.memref_slice %arg8[%dma_wait3A_334, %dma_wait3A_335] : memref<8x128xi32, #tpu.memory_space<vmem>> -> memref<1x128xi32, #tpu.memory_space<vmem>>
      %dma_wait3A_337 = tpu.memref_squeeze %dma_wait3A_336 : memref<1x128xi32, #tpu.memory_space<vmem>> -> memref<128xi32, #tpu.memory_space<vmem>>
      %dma_wait3A_338 = arith.constant 0 : i32
      %dma_wait3A_339 = arith.constant 0 : i32
      %dma_wait3A_340 = tpu.memref_slice %arg6[%dma_wait3A_338, %dma_wait3A_339] : memref<10240x64xf32, #tpu.memory_space<vmem_shared>> -> memref<10240x64xf32, #tpu.memory_space<vmem_shared>>
      tpu.wait_indirect_dma semaphore(%arg16 : memref<!tpu.dma_semaphore, #tpu.memory_space<semaphore_mem>>) src(%dma_wait3A_340 : memref<10240x64xf32, #tpu.memory_space<vmem_shared>>) dst(%arg13 : memref<128x64xf32, #tpu.memory_space<vmem>>)
      %dma_start3A_341 = arith.constant 7 : i32
      %dma_start3A_342 = arith.constant 0 : i32
      %dma_start3A_343 = tpu.memref_slice %arg10[%dma_start3A_341, %dma_start3A_342] : memref<8x128xi32, #tpu.memory_space<vmem>> -> memref<1x128xi32, #tpu.memory_space<vmem>>
      %dma_start3A_344 = tpu.memref_squeeze %dma_start3A_343 : memref<1x128xi32, #tpu.memory_space<vmem>> -> memref<128xi32, #tpu.memory_space<vmem>>
      %dma_start3A_345 = arith.constant 0 : i32
      %dma_start3A_346 = arith.constant 0 : i32
      %dma_start3A_347 = tpu.memref_slice %arg7[%dma_start3A_345, %dma_start3A_346] : memref<10240x64xf32, #tpu.memory_space<vmem_shared>> -> memref<10240x64xf32, #tpu.memory_space<vmem_shared>>
      tpu.enqueue_indirect_dma source(%arg13 : memref<128x64xf32, #tpu.memory_space<vmem>>) target(%dma_start3A_347 : memref<10240x64xf32, #tpu.memory_space<vmem_shared>>) offsets(%dma_start3A_344 : memref<128xi32, #tpu.memory_space<vmem>>) semaphore(%arg15 : memref<!tpu.dma_semaphore, #tpu.memory_space<semaphore_mem>>) {add = true}
      %mul3A_348 = arith.constant 2 : i32
      %mul3A_349 = arith.muli %mul3A_348, %scan3A_82 : i32
      %add3A_350 = arith.constant 1 : i32
      %add3A_351 = arith.addi %mul3A_349, %add3A_350 : i32
      %dma_wait3A_352 = arith.constant 0 : i32
      %dma_wait3A_353 = arith.constant 0 : i32
      %dma_wait3A_354 = tpu.memref_slice %arg3[%arg1, %dma_wait3A_352, %dma_wait3A_353] : memref<16x168x128xi32, #tpu.memory_space<hbm>> -> memref<1x8x128xi32, #tpu.memory_space<hbm>>
      %dma_wait3A_355 = tpu.memref_squeeze %dma_wait3A_354 : memref<1x8x128xi32, #tpu.memory_space<hbm>> -> memref<8x128xi32, #tpu.memory_space<hbm>>
      %dma_wait3A_356 = arith.constant 0 : i32
      %dma_wait3A_357 = arith.constant 0 : i32
      %dma_wait3A_358 = tpu.memref_slice %arg3[%arg1, %dma_wait3A_356, %dma_wait3A_357] : memref<16x168x128xi32, #tpu.memory_space<hbm>> -> memref<1x8x128xi32, #tpu.memory_space<hbm>>
      %dma_wait3A_359 = tpu.memref_squeeze %dma_wait3A_358 : memref<1x8x128xi32, #tpu.memory_space<hbm>> -> memref<8x128xi32, #tpu.memory_space<hbm>>
      tpu.wait_dma2 semaphore(%arg18 : memref<!tpu.dma_semaphore, #tpu.memory_space<semaphore_mem>>) src(%dma_wait3A_359 : memref<8x128xi32, #tpu.memory_space<hbm>>) dst(%arg9 : memref<8x128xi32, #tpu.memory_space<vmem>>)
      %dma_wait3A_360 = arith.constant 0 : i32
      %dma_wait3A_361 = arith.constant 0 : i32
      %dma_wait3A_362 = tpu.memref_slice %arg4[%arg1, %dma_wait3A_360, %dma_wait3A_361] : memref<16x168x128xi32, #tpu.memory_space<hbm>> -> memref<1x8x128xi32, #tpu.memory_space<hbm>>
      %dma_wait3A_363 = tpu.memref_squeeze %dma_wait3A_362 : memref<1x8x128xi32, #tpu.memory_space<hbm>> -> memref<8x128xi32, #tpu.memory_space<hbm>>
      %dma_wait3A_364 = arith.constant 0 : i32
      %dma_wait3A_365 = arith.constant 0 : i32
      %dma_wait3A_366 = tpu.memref_slice %arg4[%arg1, %dma_wait3A_364, %dma_wait3A_365] : memref<16x168x128xi32, #tpu.memory_space<hbm>> -> memref<1x8x128xi32, #tpu.memory_space<hbm>>
      %dma_wait3A_367 = tpu.memref_squeeze %dma_wait3A_366 : memref<1x8x128xi32, #tpu.memory_space<hbm>> -> memref<8x128xi32, #tpu.memory_space<hbm>>
      tpu.wait_dma2 semaphore(%arg18 : memref<!tpu.dma_semaphore, #tpu.memory_space<semaphore_mem>>) src(%dma_wait3A_367 : memref<8x128xi32, #tpu.memory_space<hbm>>) dst(%arg11 : memref<8x128xi32, #tpu.memory_space<vmem>>)
      %add3A_368 = arith.constant 1 : i32
      %add3A_369 = arith.addi %add3A_351, %add3A_368 : i32
      %mul3A_370 = arith.constant 8 : i32
      %mul3A_371 = arith.muli %add3A_369, %mul3A_370 : i32
      %dma_start3A_372 = arith.constant 0 : i32
      %dma_start3A_373 = tpu.memref_slice %arg3[%arg1, %mul3A_371, %dma_start3A_372] : memref<16x168x128xi32, #tpu.memory_space<hbm>> -> memref<1x8x128xi32, #tpu.memory_space<hbm>>
      %dma_start3A_374 = tpu.memref_squeeze %dma_start3A_373 : memref<1x8x128xi32, #tpu.memory_space<hbm>> -> memref<8x128xi32, #tpu.memory_space<hbm>>
      %dma_start3A_375 = arith.constant 0 : i32
      %dma_start3A_376 = tpu.memref_slice %arg3[%arg1, %mul3A_371, %dma_start3A_375] : memref<16x168x128xi32, #tpu.memory_space<hbm>> -> memref<1x8x128xi32, #tpu.memory_space<hbm>>
      %dma_start3A_377 = tpu.memref_squeeze %dma_start3A_376 : memref<1x8x128xi32, #tpu.memory_space<hbm>> -> memref<8x128xi32, #tpu.memory_space<hbm>>
      tpu.enqueue_dma source(%dma_start3A_377 : memref<8x128xi32, #tpu.memory_space<hbm>>) target(%arg8 : memref<8x128xi32, #tpu.memory_space<vmem>>) target_semaphore(%arg17 : memref<!tpu.dma_semaphore, #tpu.memory_space<semaphore_mem>>)
      %add3A_378 = arith.constant 1 : i32
      %add3A_379 = arith.addi %add3A_351, %add3A_378 : i32
      %mul3A_380 = arith.constant 8 : i32
      %mul3A_381 = arith.muli %add3A_379, %mul3A_380 : i32
      %dma_start3A_382 = arith.constant 0 : i32
      %dma_start3A_383 = tpu.memref_slice %arg4[%arg1, %mul3A_381, %dma_start3A_382] : memref<16x168x128xi32, #tpu.memory_space<hbm>> -> memref<1x8x128xi32, #tpu.memory_space<hbm>>
      %dma_start3A_384 = tpu.memref_squeeze %dma_start3A_383 : memref<1x8x128xi32, #tpu.memory_space<hbm>> -> memref<8x128xi32, #tpu.memory_space<hbm>>
      %dma_start3A_385 = arith.constant 0 : i32
      %dma_start3A_386 = tpu.memref_slice %arg4[%arg1, %mul3A_381, %dma_start3A_385] : memref<16x168x128xi32, #tpu.memory_space<hbm>> -> memref<1x8x128xi32, #tpu.memory_space<hbm>>
      %dma_start3A_387 = tpu.memref_squeeze %dma_start3A_386 : memref<1x8x128xi32, #tpu.memory_space<hbm>> -> memref<8x128xi32, #tpu.memory_space<hbm>>
      tpu.enqueue_dma source(%dma_start3A_387 : memref<8x128xi32, #tpu.memory_space<hbm>>) target(%arg10 : memref<8x128xi32, #tpu.memory_space<vmem>>) target_semaphore(%arg17 : memref<!tpu.dma_semaphore, #tpu.memory_space<semaphore_mem>>)
      %dma_wait3A_388 = arith.constant 0 : i32
      %dma_wait3A_389 = arith.constant 0 : i32
      %dma_wait3A_390 = tpu.memref_slice %arg11[%dma_wait3A_388, %dma_wait3A_389] : memref<8x128xi32, #tpu.memory_space<vmem>> -> memref<1x128xi32, #tpu.memory_space<vmem>>
      %dma_wait3A_391 = tpu.memref_squeeze %dma_wait3A_390 : memref<1x128xi32, #tpu.memory_space<vmem>> -> memref<128xi32, #tpu.memory_space<vmem>>
      %dma_wait3A_392 = arith.constant 0 : i32
      %dma_wait3A_393 = arith.constant 0 : i32
      %dma_wait3A_394 = tpu.memref_slice %arg7[%dma_wait3A_392, %dma_wait3A_393] : memref<10240x64xf32, #tpu.memory_space<vmem_shared>> -> memref<10240x64xf32, #tpu.memory_space<vmem_shared>>
      tpu.wait_indirect_dma semaphore(%arg14 : memref<!tpu.dma_semaphore, #tpu.memory_space<semaphore_mem>>) src(%arg12 : memref<128x64xf32, #tpu.memory_space<vmem>>) dst(%dma_wait3A_394 : memref<10240x64xf32, #tpu.memory_space<vmem_shared>>)
      %dma_start3A_395 = arith.constant 0 : i32
      %dma_start3A_396 = arith.constant 0 : i32
      %dma_start3A_397 = tpu.memref_slice %arg9[%dma_start3A_395, %dma_start3A_396] : memref<8x128xi32, #tpu.memory_space<vmem>> -> memref<1x128xi32, #tpu.memory_space<vmem>>
      %dma_start3A_398 = tpu.memref_squeeze %dma_start3A_397 : memref<1x128xi32, #tpu.memory_space<vmem>> -> memref<128xi32, #tpu.memory_space<vmem>>
      %dma_start3A_399 = arith.constant 0 : i32
      %dma_start3A_400 = arith.constant 0 : i32
      %dma_start3A_401 = tpu.memref_slice %arg6[%dma_start3A_399, %dma_start3A_400] : memref<10240x64xf32, #tpu.memory_space<vmem_shared>> -> memref<10240x64xf32, #tpu.memory_space<vmem_shared>>
      tpu.enqueue_indirect_dma source(%dma_start3A_401 : memref<10240x64xf32, #tpu.memory_space<vmem_shared>>) target(%arg12 : memref<128x64xf32, #tpu.memory_space<vmem>>) offsets(%dma_start3A_398 : memref<128xi32, #tpu.memory_space<vmem>>) semaphore(%arg16 : memref<!tpu.dma_semaphore, #tpu.memory_space<semaphore_mem>>)
      %dma_wait3A_402 = arith.constant 0 : i32
      %dma_wait3A_403 = arith.constant 0 : i32
      %dma_wait3A_404 = tpu.memref_slice %arg9[%dma_wait3A_402, %dma_wait3A_403] : memref<8x128xi32, #tpu.memory_space<vmem>> -> memref<1x128xi32, #tpu.memory_space<vmem>>
      %dma_wait3A_405 = tpu.memref_squeeze %dma_wait3A_404 : memref<1x128xi32, #tpu.memory_space<vmem>> -> memref<128xi32, #tpu.memory_space<vmem>>
      %dma_wait3A_406 = arith.constant 0 : i32
      %dma_wait3A_407 = arith.constant 0 : i32
      %dma_wait3A_408 = tpu.memref_slice %arg6[%dma_wait3A_406, %dma_wait3A_407] : memref<10240x64xf32, #tpu.memory_space<vmem_shared>> -> memref<10240x64xf32, #tpu.memory_space<vmem_shared>>
      tpu.wait_indirect_dma semaphore(%arg16 : memref<!tpu.dma_semaphore, #tpu.memory_space<semaphore_mem>>) src(%dma_wait3A_408 : memref<10240x64xf32, #tpu.memory_space<vmem_shared>>) dst(%arg12 : memref<128x64xf32, #tpu.memory_space<vmem>>)
      %dma_start3A_409 = arith.constant 0 : i32
      %dma_start3A_410 = arith.constant 0 : i32
      %dma_start3A_411 = tpu.memref_slice %arg11[%dma_start3A_409, %dma_start3A_410] : memref<8x128xi32, #tpu.memory_space<vmem>> -> memref<1x128xi32, #tpu.memory_space<vmem>>
      %dma_start3A_412 = tpu.memref_squeeze %dma_start3A_411 : memref<1x128xi32, #tpu.memory_space<vmem>> -> memref<128xi32, #tpu.memory_space<vmem>>
      %dma_start3A_413 = arith.constant 0 : i32
      %dma_start3A_414 = arith.constant 0 : i32
      %dma_start3A_415 = tpu.memref_slice %arg7[%dma_start3A_413, %dma_start3A_414] : memref<10240x64xf32, #tpu.memory_space<vmem_shared>> -> memref<10240x64xf32, #tpu.memory_space<vmem_shared>>
      tpu.enqueue_indirect_dma source(%arg12 : memref<128x64xf32, #tpu.memory_space<vmem>>) target(%dma_start3A_415 : memref<10240x64xf32, #tpu.memory_space<vmem_shared>>) offsets(%dma_start3A_412 : memref<128xi32, #tpu.memory_space<vmem>>) semaphore(%arg14 : memref<!tpu.dma_semaphore, #tpu.memory_space<semaphore_mem>>) {add = true}
      %dma_wait3A_416 = arith.constant 1 : i32
      %dma_wait3A_417 = arith.constant 0 : i32
      %dma_wait3A_418 = tpu.memref_slice %arg11[%dma_wait3A_416, %dma_wait3A_417] : memref<8x128xi32, #tpu.memory_space<vmem>> -> memref<1x128xi32, #tpu.memory_space<vmem>>
      %dma_wait3A_419 = tpu.memref_squeeze %dma_wait3A_418 : memref<1x128xi32, #tpu.memory_space<vmem>> -> memref<128xi32, #tpu.memory_space<vmem>>
      %dma_wait3A_420 = arith.constant 0 : i32
      %dma_wait3A_421 = arith.constant 0 : i32
      %dma_wait3A_422 = tpu.memref_slice %arg7[%dma_wait3A_420, %dma_wait3A_421] : memref<10240x64xf32, #tpu.memory_space<vmem_shared>> -> memref<10240x64xf32, #tpu.memory_space<vmem_shared>>
      tpu.wait_indirect_dma semaphore(%arg15 : memref<!tpu.dma_semaphore, #tpu.memory_space<semaphore_mem>>) src(%arg13 : memref<128x64xf32, #tpu.memory_space<vmem>>) dst(%dma_wait3A_422 : memref<10240x64xf32, #tpu.memory_space<vmem_shared>>)
      %dma_start3A_423 = arith.constant 1 : i32
      %dma_start3A_424 = arith.constant 0 : i32
      %dma_start3A_425 = tpu.memref_slice %arg9[%dma_start3A_423, %dma_start3A_424] : memref<8x128xi32, #tpu.memory_space<vmem>> -> memref<1x128xi32, #tpu.memory_space<vmem>>
      %dma_start3A_426 = tpu.memref_squeeze %dma_start3A_425 : memref<1x128xi32, #tpu.memory_space<vmem>> -> memref<128xi32, #tpu.memory_space<vmem>>
      %dma_start3A_427 = arith.constant 0 : i32
      %dma_start3A_428 = arith.constant 0 : i32
      %dma_start3A_429 = tpu.memref_slice %arg6[%dma_start3A_427, %dma_start3A_428] : memref<10240x64xf32, #tpu.memory_space<vmem_shared>> -> memref<10240x64xf32, #tpu.memory_space<vmem_shared>>
      tpu.enqueue_indirect_dma source(%dma_start3A_429 : memref<10240x64xf32, #tpu.memory_space<vmem_shared>>) target(%arg13 : memref<128x64xf32, #tpu.memory_space<vmem>>) offsets(%dma_start3A_426 : memref<128xi32, #tpu.memory_space<vmem>>) semaphore(%arg16 : memref<!tpu.dma_semaphore, #tpu.memory_space<semaphore_mem>>)
      %dma_wait3A_430 = arith.constant 1 : i32
      %dma_wait3A_431 = arith.constant 0 : i32
      %dma_wait3A_432 = tpu.memref_slice %arg9[%dma_wait3A_430, %dma_wait3A_431] : memref<8x128xi32, #tpu.memory_space<vmem>> -> memref<1x128xi32, #tpu.memory_space<vmem>>
      %dma_wait3A_433 = tpu.memref_squeeze %dma_wait3A_432 : memref<1x128xi32, #tpu.memory_space<vmem>> -> memref<128xi32, #tpu.memory_space<vmem>>
      %dma_wait3A_434 = arith.constant 0 : i32
      %dma_wait3A_435 = arith.constant 0 : i32
      %dma_wait3A_436 = tpu.memref_slice %arg6[%dma_wait3A_434, %dma_wait3A_435] : memref<10240x64xf32, #tpu.memory_space<vmem_shared>> -> memref<10240x64xf32, #tpu.memory_space<vmem_shared>>
      tpu.wait_indirect_dma semaphore(%arg16 : memref<!tpu.dma_semaphore, #tpu.memory_space<semaphore_mem>>) src(%dma_wait3A_436 : memref<10240x64xf32, #tpu.memory_space<vmem_shared>>) dst(%arg13 : memref<128x64xf32, #tpu.memory_space<vmem>>)
      %dma_start3A_437 = arith.constant 1 : i32
      %dma_start3A_438 = arith.constant 0 : i32
      %dma_start3A_439 = tpu.memref_slice %arg11[%dma_start3A_437, %dma_start3A_438] : memref<8x128xi32, #tpu.memory_space<vmem>> -> memref<1x128xi32, #tpu.memory_space<vmem>>
      %dma_start3A_440 = tpu.memref_squeeze %dma_start3A_439 : memref<1x128xi32, #tpu.memory_space<vmem>> -> memref<128xi32, #tpu.memory_space<vmem>>
      %dma_start3A_441 = arith.constant 0 : i32
      %dma_start3A_442 = arith.constant 0 : i32
      %dma_start3A_443 = tpu.memref_slice %arg7[%dma_start3A_441, %dma_start3A_442] : memref<10240x64xf32, #tpu.memory_space<vmem_shared>> -> memref<10240x64xf32, #tpu.memory_space<vmem_shared>>
      tpu.enqueue_indirect_dma source(%arg13 : memref<128x64xf32, #tpu.memory_space<vmem>>) target(%dma_start3A_443 : memref<10240x64xf32, #tpu.memory_space<vmem_shared>>) offsets(%dma_start3A_440 : memref<128xi32, #tpu.memory_space<vmem>>) semaphore(%arg15 : memref<!tpu.dma_semaphore, #tpu.memory_space<semaphore_mem>>) {add = true}
      %dma_wait3A_444 = arith.constant 2 : i32
      %dma_wait3A_445 = arith.constant 0 : i32
      %dma_wait3A_446 = tpu.memref_slice %arg11[%dma_wait3A_444, %dma_wait3A_445] : memref<8x128xi32, #tpu.memory_space<vmem>> -> memref<1x128xi32, #tpu.memory_space<vmem>>
      %dma_wait3A_447 = tpu.memref_squeeze %dma_wait3A_446 : memref<1x128xi32, #tpu.memory_space<vmem>> -> memref<128xi32, #tpu.memory_space<vmem>>
      %dma_wait3A_448 = arith.constant 0 : i32
      %dma_wait3A_449 = arith.constant 0 : i32
      %dma_wait3A_450 = tpu.memref_slice %arg7[%dma_wait3A_448, %dma_wait3A_449] : memref<10240x64xf32, #tpu.memory_space<vmem_shared>> -> memref<10240x64xf32, #tpu.memory_space<vmem_shared>>
      tpu.wait_indirect_dma semaphore(%arg14 : memref<!tpu.dma_semaphore, #tpu.memory_space<semaphore_mem>>) src(%arg12 : memref<128x64xf32, #tpu.memory_space<vmem>>) dst(%dma_wait3A_450 : memref<10240x64xf32, #tpu.memory_space<vmem_shared>>)
      %dma_start3A_451 = arith.constant 2 : i32
      %dma_start3A_452 = arith.constant 0 : i32
      %dma_start3A_453 = tpu.memref_slice %arg9[%dma_start3A_451, %dma_start3A_452] : memref<8x128xi32, #tpu.memory_space<vmem>> -> memref<1x128xi32, #tpu.memory_space<vmem>>
      %dma_start3A_454 = tpu.memref_squeeze %dma_start3A_453 : memref<1x128xi32, #tpu.memory_space<vmem>> -> memref<128xi32, #tpu.memory_space<vmem>>
      %dma_start3A_455 = arith.constant 0 : i32
      %dma_start3A_456 = arith.constant 0 : i32
      %dma_start3A_457 = tpu.memref_slice %arg6[%dma_start3A_455, %dma_start3A_456] : memref<10240x64xf32, #tpu.memory_space<vmem_shared>> -> memref<10240x64xf32, #tpu.memory_space<vmem_shared>>
      tpu.enqueue_indirect_dma source(%dma_start3A_457 : memref<10240x64xf32, #tpu.memory_space<vmem_shared>>) target(%arg12 : memref<128x64xf32, #tpu.memory_space<vmem>>) offsets(%dma_start3A_454 : memref<128xi32, #tpu.memory_space<vmem>>) semaphore(%arg16 : memref<!tpu.dma_semaphore, #tpu.memory_space<semaphore_mem>>)
      %dma_wait3A_458 = arith.constant 2 : i32
      %dma_wait3A_459 = arith.constant 0 : i32
      %dma_wait3A_460 = tpu.memref_slice %arg9[%dma_wait3A_458, %dma_wait3A_459] : memref<8x128xi32, #tpu.memory_space<vmem>> -> memref<1x128xi32, #tpu.memory_space<vmem>>
      %dma_wait3A_461 = tpu.memref_squeeze %dma_wait3A_460 : memref<1x128xi32, #tpu.memory_space<vmem>> -> memref<128xi32, #tpu.memory_space<vmem>>
      %dma_wait3A_462 = arith.constant 0 : i32
      %dma_wait3A_463 = arith.constant 0 : i32
      %dma_wait3A_464 = tpu.memref_slice %arg6[%dma_wait3A_462, %dma_wait3A_463] : memref<10240x64xf32, #tpu.memory_space<vmem_shared>> -> memref<10240x64xf32, #tpu.memory_space<vmem_shared>>
      tpu.wait_indirect_dma semaphore(%arg16 : memref<!tpu.dma_semaphore, #tpu.memory_space<semaphore_mem>>) src(%dma_wait3A_464 : memref<10240x64xf32, #tpu.memory_space<vmem_shared>>) dst(%arg12 : memref<128x64xf32, #tpu.memory_space<vmem>>)
      %dma_start3A_465 = arith.constant 2 : i32
      %dma_start3A_466 = arith.constant 0 : i32
      %dma_start3A_467 = tpu.memref_slice %arg11[%dma_start3A_465, %dma_start3A_466] : memref<8x128xi32, #tpu.memory_space<vmem>> -> memref<1x128xi32, #tpu.memory_space<vmem>>
      %dma_start3A_468 = tpu.memref_squeeze %dma_start3A_467 : memref<1x128xi32, #tpu.memory_space<vmem>> -> memref<128xi32, #tpu.memory_space<vmem>>
      %dma_start3A_469 = arith.constant 0 : i32
      %dma_start3A_470 = arith.constant 0 : i32
      %dma_start3A_471 = tpu.memref_slice %arg7[%dma_start3A_469, %dma_start3A_470] : memref<10240x64xf32, #tpu.memory_space<vmem_shared>> -> memref<10240x64xf32, #tpu.memory_space<vmem_shared>>
      tpu.enqueue_indirect_dma source(%arg12 : memref<128x64xf32, #tpu.memory_space<vmem>>) target(%dma_start3A_471 : memref<10240x64xf32, #tpu.memory_space<vmem_shared>>) offsets(%dma_start3A_468 : memref<128xi32, #tpu.memory_space<vmem>>) semaphore(%arg14 : memref<!tpu.dma_semaphore, #tpu.memory_space<semaphore_mem>>) {add = true}
      %dma_wait3A_472 = arith.constant 3 : i32
      %dma_wait3A_473 = arith.constant 0 : i32
      %dma_wait3A_474 = tpu.memref_slice %arg11[%dma_wait3A_472, %dma_wait3A_473] : memref<8x128xi32, #tpu.memory_space<vmem>> -> memref<1x128xi32, #tpu.memory_space<vmem>>
      %dma_wait3A_475 = tpu.memref_squeeze %dma_wait3A_474 : memref<1x128xi32, #tpu.memory_space<vmem>> -> memref<128xi32, #tpu.memory_space<vmem>>
      %dma_wait3A_476 = arith.constant 0 : i32
      %dma_wait3A_477 = arith.constant 0 : i32
      %dma_wait3A_478 = tpu.memref_slice %arg7[%dma_wait3A_476, %dma_wait3A_477] : memref<10240x64xf32, #tpu.memory_space<vmem_shared>> -> memref<10240x64xf32, #tpu.memory_space<vmem_shared>>
      tpu.wait_indirect_dma semaphore(%arg15 : memref<!tpu.dma_semaphore, #tpu.memory_space<semaphore_mem>>) src(%arg13 : memref<128x64xf32, #tpu.memory_space<vmem>>) dst(%dma_wait3A_478 : memref<10240x64xf32, #tpu.memory_space<vmem_shared>>)
      %dma_start3A_479 = arith.constant 3 : i32
      %dma_start3A_480 = arith.constant 0 : i32
      %dma_start3A_481 = tpu.memref_slice %arg9[%dma_start3A_479, %dma_start3A_480] : memref<8x128xi32, #tpu.memory_space<vmem>> -> memref<1x128xi32, #tpu.memory_space<vmem>>
      %dma_start3A_482 = tpu.memref_squeeze %dma_start3A_481 : memref<1x128xi32, #tpu.memory_space<vmem>> -> memref<128xi32, #tpu.memory_space<vmem>>
      %dma_start3A_483 = arith.constant 0 : i32
      %dma_start3A_484 = arith.constant 0 : i32
      %dma_start3A_485 = tpu.memref_slice %arg6[%dma_start3A_483, %dma_start3A_484] : memref<10240x64xf32, #tpu.memory_space<vmem_shared>> -> memref<10240x64xf32, #tpu.memory_space<vmem_shared>>
      tpu.enqueue_indirect_dma source(%dma_start3A_485 : memref<10240x64xf32, #tpu.memory_space<vmem_shared>>) target(%arg13 : memref<128x64xf32, #tpu.memory_space<vmem>>) offsets(%dma_start3A_482 : memref<128xi32, #tpu.memory_space<vmem>>) semaphore(%arg16 : memref<!tpu.dma_semaphore, #tpu.memory_space<semaphore_mem>>)
      %dma_wait3A_486 = arith.constant 3 : i32
      %dma_wait3A_487 = arith.constant 0 : i32
      %dma_wait3A_488 = tpu.memref_slice %arg9[%dma_wait3A_486, %dma_wait3A_487] : memref<8x128xi32, #tpu.memory_space<vmem>> -> memref<1x128xi32, #tpu.memory_space<vmem>>
      %dma_wait3A_489 = tpu.memref_squeeze %dma_wait3A_488 : memref<1x128xi32, #tpu.memory_space<vmem>> -> memref<128xi32, #tpu.memory_space<vmem>>
      %dma_wait3A_490 = arith.constant 0 : i32
      %dma_wait3A_491 = arith.constant 0 : i32
      %dma_wait3A_492 = tpu.memref_slice %arg6[%dma_wait3A_490, %dma_wait3A_491] : memref<10240x64xf32, #tpu.memory_space<vmem_shared>> -> memref<10240x64xf32, #tpu.memory_space<vmem_shared>>
      tpu.wait_indirect_dma semaphore(%arg16 : memref<!tpu.dma_semaphore, #tpu.memory_space<semaphore_mem>>) src(%dma_wait3A_492 : memref<10240x64xf32, #tpu.memory_space<vmem_shared>>) dst(%arg13 : memref<128x64xf32, #tpu.memory_space<vmem>>)
      %dma_start3A_493 = arith.constant 3 : i32
      %dma_start3A_494 = arith.constant 0 : i32
      %dma_start3A_495 = tpu.memref_slice %arg11[%dma_start3A_493, %dma_start3A_494] : memref<8x128xi32, #tpu.memory_space<vmem>> -> memref<1x128xi32, #tpu.memory_space<vmem>>
      %dma_start3A_496 = tpu.memref_squeeze %dma_start3A_495 : memref<1x128xi32, #tpu.memory_space<vmem>> -> memref<128xi32, #tpu.memory_space<vmem>>
      %dma_start3A_497 = arith.constant 0 : i32
      %dma_start3A_498 = arith.constant 0 : i32
      %dma_start3A_499 = tpu.memref_slice %arg7[%dma_start3A_497, %dma_start3A_498] : memref<10240x64xf32, #tpu.memory_space<vmem_shared>> -> memref<10240x64xf32, #tpu.memory_space<vmem_shared>>
      tpu.enqueue_indirect_dma source(%arg13 : memref<128x64xf32, #tpu.memory_space<vmem>>) target(%dma_start3A_499 : memref<10240x64xf32, #tpu.memory_space<vmem_shared>>) offsets(%dma_start3A_496 : memref<128xi32, #tpu.memory_space<vmem>>) semaphore(%arg15 : memref<!tpu.dma_semaphore, #tpu.memory_space<semaphore_mem>>) {add = true}
      %dma_wait3A_500 = arith.constant 4 : i32
      %dma_wait3A_501 = arith.constant 0 : i32
      %dma_wait3A_502 = tpu.memref_slice %arg11[%dma_wait3A_500, %dma_wait3A_501] : memref<8x128xi32, #tpu.memory_space<vmem>> -> memref<1x128xi32, #tpu.memory_space<vmem>>
      %dma_wait3A_503 = tpu.memref_squeeze %dma_wait3A_502 : memref<1x128xi32, #tpu.memory_space<vmem>> -> memref<128xi32, #tpu.memory_space<vmem>>
      %dma_wait3A_504 = arith.constant 0 : i32
      %dma_wait3A_505 = arith.constant 0 : i32
      %dma_wait3A_506 = tpu.memref_slice %arg7[%dma_wait3A_504, %dma_wait3A_505] : memref<10240x64xf32, #tpu.memory_space<vmem_shared>> -> memref<10240x64xf32, #tpu.memory_space<vmem_shared>>
      tpu.wait_indirect_dma semaphore(%arg14 : memref<!tpu.dma_semaphore, #tpu.memory_space<semaphore_mem>>) src(%arg12 : memref<128x64xf32, #tpu.memory_space<vmem>>) dst(%dma_wait3A_506 : memref<10240x64xf32, #tpu.memory_space<vmem_shared>>)
      %dma_start3A_507 = arith.constant 4 : i32
      %dma_start3A_508 = arith.constant 0 : i32
      %dma_start3A_509 = tpu.memref_slice %arg9[%dma_start3A_507, %dma_start3A_508] : memref<8x128xi32, #tpu.memory_space<vmem>> -> memref<1x128xi32, #tpu.memory_space<vmem>>
      %dma_start3A_510 = tpu.memref_squeeze %dma_start3A_509 : memref<1x128xi32, #tpu.memory_space<vmem>> -> memref<128xi32, #tpu.memory_space<vmem>>
      %dma_start3A_511 = arith.constant 0 : i32
      %dma_start3A_512 = arith.constant 0 : i32
      %dma_start3A_513 = tpu.memref_slice %arg6[%dma_start3A_511, %dma_start3A_512] : memref<10240x64xf32, #tpu.memory_space<vmem_shared>> -> memref<10240x64xf32, #tpu.memory_space<vmem_shared>>
      tpu.enqueue_indirect_dma source(%dma_start3A_513 : memref<10240x64xf32, #tpu.memory_space<vmem_shared>>) target(%arg12 : memref<128x64xf32, #tpu.memory_space<vmem>>) offsets(%dma_start3A_510 : memref<128xi32, #tpu.memory_space<vmem>>) semaphore(%arg16 : memref<!tpu.dma_semaphore, #tpu.memory_space<semaphore_mem>>)
      %dma_wait3A_514 = arith.constant 4 : i32
      %dma_wait3A_515 = arith.constant 0 : i32
      %dma_wait3A_516 = tpu.memref_slice %arg9[%dma_wait3A_514, %dma_wait3A_515] : memref<8x128xi32, #tpu.memory_space<vmem>> -> memref<1x128xi32, #tpu.memory_space<vmem>>
      %dma_wait3A_517 = tpu.memref_squeeze %dma_wait3A_516 : memref<1x128xi32, #tpu.memory_space<vmem>> -> memref<128xi32, #tpu.memory_space<vmem>>
      %dma_wait3A_518 = arith.constant 0 : i32
      %dma_wait3A_519 = arith.constant 0 : i32
      %dma_wait3A_520 = tpu.memref_slice %arg6[%dma_wait3A_518, %dma_wait3A_519] : memref<10240x64xf32, #tpu.memory_space<vmem_shared>> -> memref<10240x64xf32, #tpu.memory_space<vmem_shared>>
      tpu.wait_indirect_dma semaphore(%arg16 : memref<!tpu.dma_semaphore, #tpu.memory_space<semaphore_mem>>) src(%dma_wait3A_520 : memref<10240x64xf32, #tpu.memory_space<vmem_shared>>) dst(%arg12 : memref<128x64xf32, #tpu.memory_space<vmem>>)
      %dma_start3A_521 = arith.constant 4 : i32
      %dma_start3A_522 = arith.constant 0 : i32
      %dma_start3A_523 = tpu.memref_slice %arg11[%dma_start3A_521, %dma_start3A_522] : memref<8x128xi32, #tpu.memory_space<vmem>> -> memref<1x128xi32, #tpu.memory_space<vmem>>
      %dma_start3A_524 = tpu.memref_squeeze %dma_start3A_523 : memref<1x128xi32, #tpu.memory_space<vmem>> -> memref<128xi32, #tpu.memory_space<vmem>>
      %dma_start3A_525 = arith.constant 0 : i32
      %dma_start3A_526 = arith.constant 0 : i32
      %dma_start3A_527 = tpu.memref_slice %arg7[%dma_start3A_525, %dma_start3A_526] : memref<10240x64xf32, #tpu.memory_space<vmem_shared>> -> memref<10240x64xf32, #tpu.memory_space<vmem_shared>>
      tpu.enqueue_indirect_dma source(%arg12 : memref<128x64xf32, #tpu.memory_space<vmem>>) target(%dma_start3A_527 : memref<10240x64xf32, #tpu.memory_space<vmem_shared>>) offsets(%dma_start3A_524 : memref<128xi32, #tpu.memory_space<vmem>>) semaphore(%arg14 : memref<!tpu.dma_semaphore, #tpu.memory_space<semaphore_mem>>) {add = true}
      %dma_wait3A_528 = arith.constant 5 : i32
      %dma_wait3A_529 = arith.constant 0 : i32
      %dma_wait3A_530 = tpu.memref_slice %arg11[%dma_wait3A_528, %dma_wait3A_529] : memref<8x128xi32, #tpu.memory_space<vmem>> -> memref<1x128xi32, #tpu.memory_space<vmem>>
      %dma_wait3A_531 = tpu.memref_squeeze %dma_wait3A_530 : memref<1x128xi32, #tpu.memory_space<vmem>> -> memref<128xi32, #tpu.memory_space<vmem>>
      %dma_wait3A_532 = arith.constant 0 : i32
      %dma_wait3A_533 = arith.constant 0 : i32
      %dma_wait3A_534 = tpu.memref_slice %arg7[%dma_wait3A_532, %dma_wait3A_533] : memref<10240x64xf32, #tpu.memory_space<vmem_shared>> -> memref<10240x64xf32, #tpu.memory_space<vmem_shared>>
      tpu.wait_indirect_dma semaphore(%arg15 : memref<!tpu.dma_semaphore, #tpu.memory_space<semaphore_mem>>) src(%arg13 : memref<128x64xf32, #tpu.memory_space<vmem>>) dst(%dma_wait3A_534 : memref<10240x64xf32, #tpu.memory_space<vmem_shared>>)
      %dma_start3A_535 = arith.constant 5 : i32
      %dma_start3A_536 = arith.constant 0 : i32
      %dma_start3A_537 = tpu.memref_slice %arg9[%dma_start3A_535, %dma_start3A_536] : memref<8x128xi32, #tpu.memory_space<vmem>> -> memref<1x128xi32, #tpu.memory_space<vmem>>
      %dma_start3A_538 = tpu.memref_squeeze %dma_start3A_537 : memref<1x128xi32, #tpu.memory_space<vmem>> -> memref<128xi32, #tpu.memory_space<vmem>>
      %dma_start3A_539 = arith.constant 0 : i32
      %dma_start3A_540 = arith.constant 0 : i32
      %dma_start3A_541 = tpu.memref_slice %arg6[%dma_start3A_539, %dma_start3A_540] : memref<10240x64xf32, #tpu.memory_space<vmem_shared>> -> memref<10240x64xf32, #tpu.memory_space<vmem_shared>>
      tpu.enqueue_indirect_dma source(%dma_start3A_541 : memref<10240x64xf32, #tpu.memory_space<vmem_shared>>) target(%arg13 : memref<128x64xf32, #tpu.memory_space<vmem>>) offsets(%dma_start3A_538 : memref<128xi32, #tpu.memory_space<vmem>>) semaphore(%arg16 : memref<!tpu.dma_semaphore, #tpu.memory_space<semaphore_mem>>)
      %dma_wait3A_542 = arith.constant 5 : i32
      %dma_wait3A_543 = arith.constant 0 : i32
      %dma_wait3A_544 = tpu.memref_slice %arg9[%dma_wait3A_542, %dma_wait3A_543] : memref<8x128xi32, #tpu.memory_space<vmem>> -> memref<1x128xi32, #tpu.memory_space<vmem>>
      %dma_wait3A_545 = tpu.memref_squeeze %dma_wait3A_544 : memref<1x128xi32, #tpu.memory_space<vmem>> -> memref<128xi32, #tpu.memory_space<vmem>>
      %dma_wait3A_546 = arith.constant 0 : i32
      %dma_wait3A_547 = arith.constant 0 : i32
      %dma_wait3A_548 = tpu.memref_slice %arg6[%dma_wait3A_546, %dma_wait3A_547] : memref<10240x64xf32, #tpu.memory_space<vmem_shared>> -> memref<10240x64xf32, #tpu.memory_space<vmem_shared>>
      tpu.wait_indirect_dma semaphore(%arg16 : memref<!tpu.dma_semaphore, #tpu.memory_space<semaphore_mem>>) src(%dma_wait3A_548 : memref<10240x64xf32, #tpu.memory_space<vmem_shared>>) dst(%arg13 : memref<128x64xf32, #tpu.memory_space<vmem>>)
      %dma_start3A_549 = arith.constant 5 : i32
      %dma_start3A_550 = arith.constant 0 : i32
      %dma_start3A_551 = tpu.memref_slice %arg11[%dma_start3A_549, %dma_start3A_550] : memref<8x128xi32, #tpu.memory_space<vmem>> -> memref<1x128xi32, #tpu.memory_space<vmem>>
      %dma_start3A_552 = tpu.memref_squeeze %dma_start3A_551 : memref<1x128xi32, #tpu.memory_space<vmem>> -> memref<128xi32, #tpu.memory_space<vmem>>
      %dma_start3A_553 = arith.constant 0 : i32
      %dma_start3A_554 = arith.constant 0 : i32
      %dma_start3A_555 = tpu.memref_slice %arg7[%dma_start3A_553, %dma_start3A_554] : memref<10240x64xf32, #tpu.memory_space<vmem_shared>> -> memref<10240x64xf32, #tpu.memory_space<vmem_shared>>
      tpu.enqueue_indirect_dma source(%arg13 : memref<128x64xf32, #tpu.memory_space<vmem>>) target(%dma_start3A_555 : memref<10240x64xf32, #tpu.memory_space<vmem_shared>>) offsets(%dma_start3A_552 : memref<128xi32, #tpu.memory_space<vmem>>) semaphore(%arg15 : memref<!tpu.dma_semaphore, #tpu.memory_space<semaphore_mem>>) {add = true}
      %dma_wait3A_556 = arith.constant 6 : i32
      %dma_wait3A_557 = arith.constant 0 : i32
      %dma_wait3A_558 = tpu.memref_slice %arg11[%dma_wait3A_556, %dma_wait3A_557] : memref<8x128xi32, #tpu.memory_space<vmem>> -> memref<1x128xi32, #tpu.memory_space<vmem>>
      %dma_wait3A_559 = tpu.memref_squeeze %dma_wait3A_558 : memref<1x128xi32, #tpu.memory_space<vmem>> -> memref<128xi32, #tpu.memory_space<vmem>>
      %dma_wait3A_560 = arith.constant 0 : i32
      %dma_wait3A_561 = arith.constant 0 : i32
      %dma_wait3A_562 = tpu.memref_slice %arg7[%dma_wait3A_560, %dma_wait3A_561] : memref<10240x64xf32, #tpu.memory_space<vmem_shared>> -> memref<10240x64xf32, #tpu.memory_space<vmem_shared>>
      tpu.wait_indirect_dma semaphore(%arg14 : memref<!tpu.dma_semaphore, #tpu.memory_space<semaphore_mem>>) src(%arg12 : memref<128x64xf32, #tpu.memory_space<vmem>>) dst(%dma_wait3A_562 : memref<10240x64xf32, #tpu.memory_space<vmem_shared>>)
      %dma_start3A_563 = arith.constant 6 : i32
      %dma_start3A_564 = arith.constant 0 : i32
      %dma_start3A_565 = tpu.memref_slice %arg9[%dma_start3A_563, %dma_start3A_564] : memref<8x128xi32, #tpu.memory_space<vmem>> -> memref<1x128xi32, #tpu.memory_space<vmem>>
      %dma_start3A_566 = tpu.memref_squeeze %dma_start3A_565 : memref<1x128xi32, #tpu.memory_space<vmem>> -> memref<128xi32, #tpu.memory_space<vmem>>
      %dma_start3A_567 = arith.constant 0 : i32
      %dma_start3A_568 = arith.constant 0 : i32
      %dma_start3A_569 = tpu.memref_slice %arg6[%dma_start3A_567, %dma_start3A_568] : memref<10240x64xf32, #tpu.memory_space<vmem_shared>> -> memref<10240x64xf32, #tpu.memory_space<vmem_shared>>
      tpu.enqueue_indirect_dma source(%dma_start3A_569 : memref<10240x64xf32, #tpu.memory_space<vmem_shared>>) target(%arg12 : memref<128x64xf32, #tpu.memory_space<vmem>>) offsets(%dma_start3A_566 : memref<128xi32, #tpu.memory_space<vmem>>) semaphore(%arg16 : memref<!tpu.dma_semaphore, #tpu.memory_space<semaphore_mem>>)
      %dma_wait3A_570 = arith.constant 6 : i32
      %dma_wait3A_571 = arith.constant 0 : i32
      %dma_wait3A_572 = tpu.memref_slice %arg9[%dma_wait3A_570, %dma_wait3A_571] : memref<8x128xi32, #tpu.memory_space<vmem>> -> memref<1x128xi32, #tpu.memory_space<vmem>>
      %dma_wait3A_573 = tpu.memref_squeeze %dma_wait3A_572 : memref<1x128xi32, #tpu.memory_space<vmem>> -> memref<128xi32, #tpu.memory_space<vmem>>
      %dma_wait3A_574 = arith.constant 0 : i32
      %dma_wait3A_575 = arith.constant 0 : i32
      %dma_wait3A_576 = tpu.memref_slice %arg6[%dma_wait3A_574, %dma_wait3A_575] : memref<10240x64xf32, #tpu.memory_space<vmem_shared>> -> memref<10240x64xf32, #tpu.memory_space<vmem_shared>>
      tpu.wait_indirect_dma semaphore(%arg16 : memref<!tpu.dma_semaphore, #tpu.memory_space<semaphore_mem>>) src(%dma_wait3A_576 : memref<10240x64xf32, #tpu.memory_space<vmem_shared>>) dst(%arg12 : memref<128x64xf32, #tpu.memory_space<vmem>>)
      %dma_start3A_577 = arith.constant 6 : i32
      %dma_start3A_578 = arith.constant 0 : i32
      %dma_start3A_579 = tpu.memref_slice %arg11[%dma_start3A_577, %dma_start3A_578] : memref<8x128xi32, #tpu.memory_space<vmem>> -> memref<1x128xi32, #tpu.memory_space<vmem>>
      %dma_start3A_580 = tpu.memref_squeeze %dma_start3A_579 : memref<1x128xi32, #tpu.memory_space<vmem>> -> memref<128xi32, #tpu.memory_space<vmem>>
      %dma_start3A_581 = arith.constant 0 : i32
      %dma_start3A_582 = arith.constant 0 : i32
      %dma_start3A_583 = tpu.memref_slice %arg7[%dma_start3A_581, %dma_start3A_582] : memref<10240x64xf32, #tpu.memory_space<vmem_shared>> -> memref<10240x64xf32, #tpu.memory_space<vmem_shared>>
      tpu.enqueue_indirect_dma source(%arg12 : memref<128x64xf32, #tpu.memory_space<vmem>>) target(%dma_start3A_583 : memref<10240x64xf32, #tpu.memory_space<vmem_shared>>) offsets(%dma_start3A_580 : memref<128xi32, #tpu.memory_space<vmem>>) semaphore(%arg14 : memref<!tpu.dma_semaphore, #tpu.memory_space<semaphore_mem>>) {add = true}
      %dma_wait3A_584 = arith.constant 7 : i32
      %dma_wait3A_585 = arith.constant 0 : i32
      %dma_wait3A_586 = tpu.memref_slice %arg11[%dma_wait3A_584, %dma_wait3A_585] : memref<8x128xi32, #tpu.memory_space<vmem>> -> memref<1x128xi32, #tpu.memory_space<vmem>>
      %dma_wait3A_587 = tpu.memref_squeeze %dma_wait3A_586 : memref<1x128xi32, #tpu.memory_space<vmem>> -> memref<128xi32, #tpu.memory_space<vmem>>
      %dma_wait3A_588 = arith.constant 0 : i32
      %dma_wait3A_589 = arith.constant 0 : i32
      %dma_wait3A_590 = tpu.memref_slice %arg7[%dma_wait3A_588, %dma_wait3A_589] : memref<10240x64xf32, #tpu.memory_space<vmem_shared>> -> memref<10240x64xf32, #tpu.memory_space<vmem_shared>>
      tpu.wait_indirect_dma semaphore(%arg15 : memref<!tpu.dma_semaphore, #tpu.memory_space<semaphore_mem>>) src(%arg13 : memref<128x64xf32, #tpu.memory_space<vmem>>) dst(%dma_wait3A_590 : memref<10240x64xf32, #tpu.memory_space<vmem_shared>>)
      %dma_start3A_591 = arith.constant 7 : i32
      %dma_start3A_592 = arith.constant 0 : i32
      %dma_start3A_593 = tpu.memref_slice %arg9[%dma_start3A_591, %dma_start3A_592] : memref<8x128xi32, #tpu.memory_space<vmem>> -> memref<1x128xi32, #tpu.memory_space<vmem>>
      %dma_start3A_594 = tpu.memref_squeeze %dma_start3A_593 : memref<1x128xi32, #tpu.memory_space<vmem>> -> memref<128xi32, #tpu.memory_space<vmem>>
      %dma_start3A_595 = arith.constant 0 : i32
      %dma_start3A_596 = arith.constant 0 : i32
      %dma_start3A_597 = tpu.memref_slice %arg6[%dma_start3A_595, %dma_start3A_596] : memref<10240x64xf32, #tpu.memory_space<vmem_shared>> -> memref<10240x64xf32, #tpu.memory_space<vmem_shared>>
      tpu.enqueue_indirect_dma source(%dma_start3A_597 : memref<10240x64xf32, #tpu.memory_space<vmem_shared>>) target(%arg13 : memref<128x64xf32, #tpu.memory_space<vmem>>) offsets(%dma_start3A_594 : memref<128xi32, #tpu.memory_space<vmem>>) semaphore(%arg16 : memref<!tpu.dma_semaphore, #tpu.memory_space<semaphore_mem>>)
      %dma_wait3A_598 = arith.constant 7 : i32
      %dma_wait3A_599 = arith.constant 0 : i32
      %dma_wait3A_600 = tpu.memref_slice %arg9[%dma_wait3A_598, %dma_wait3A_599] : memref<8x128xi32, #tpu.memory_space<vmem>> -> memref<1x128xi32, #tpu.memory_space<vmem>>
      %dma_wait3A_601 = tpu.memref_squeeze %dma_wait3A_600 : memref<1x128xi32, #tpu.memory_space<vmem>> -> memref<128xi32, #tpu.memory_space<vmem>>
      %dma_wait3A_602 = arith.constant 0 : i32
      %dma_wait3A_603 = arith.constant 0 : i32
      %dma_wait3A_604 = tpu.memref_slice %arg6[%dma_wait3A_602, %dma_wait3A_603] : memref<10240x64xf32, #tpu.memory_space<vmem_shared>> -> memref<10240x64xf32, #tpu.memory_space<vmem_shared>>
      tpu.wait_indirect_dma semaphore(%arg16 : memref<!tpu.dma_semaphore, #tpu.memory_space<semaphore_mem>>) src(%dma_wait3A_604 : memref<10240x64xf32, #tpu.memory_space<vmem_shared>>) dst(%arg13 : memref<128x64xf32, #tpu.memory_space<vmem>>)
      %dma_start3A_605 = arith.constant 7 : i32
      %dma_start3A_606 = arith.constant 0 : i32
      %dma_start3A_607 = tpu.memref_slice %arg11[%dma_start3A_605, %dma_start3A_606] : memref<8x128xi32, #tpu.memory_space<vmem>> -> memref<1x128xi32, #tpu.memory_space<vmem>>
      %dma_start3A_608 = tpu.memref_squeeze %dma_start3A_607 : memref<1x128xi32, #tpu.memory_space<vmem>> -> memref<128xi32, #tpu.memory_space<vmem>>
      %dma_start3A_609 = arith.constant 0 : i32
      %dma_start3A_610 = arith.constant 0 : i32
      %dma_start3A_611 = tpu.memref_slice %arg7[%dma_start3A_609, %dma_start3A_610] : memref<10240x64xf32, #tpu.memory_space<vmem_shared>> -> memref<10240x64xf32, #tpu.memory_space<vmem_shared>>
      tpu.enqueue_indirect_dma source(%arg13 : memref<128x64xf32, #tpu.memory_space<vmem>>) target(%dma_start3A_611 : memref<10240x64xf32, #tpu.memory_space<vmem_shared>>) offsets(%dma_start3A_608 : memref<128xi32, #tpu.memory_space<vmem>>) semaphore(%arg15 : memref<!tpu.dma_semaphore, #tpu.memory_space<semaphore_mem>>) {add = true}
      %scan3A_612 = arith.constant 0 : i32
      scf.yield %scan3A_612 : i32
    }
    %scan3A_48 = arith.constant 10 : i32
    %dma_wait3A = arith.constant 0 : i32
    %dma_wait3A_49 = arith.constant 0 : i32
    %dma_wait3A_50 = tpu.memref_slice %arg10[%dma_wait3A, %dma_wait3A_49] : memref<8x128xi32, #tpu.memory_space<vmem>> -> memref<1x128xi32, #tpu.memory_space<vmem>>
    %dma_wait3A_51 = tpu.memref_squeeze %dma_wait3A_50 : memref<1x128xi32, #tpu.memory_space<vmem>> -> memref<128xi32, #tpu.memory_space<vmem>>
    %dma_wait3A_52 = arith.constant 0 : i32
    %dma_wait3A_53 = arith.constant 0 : i32
    %dma_wait3A_54 = tpu.memref_slice %arg7[%dma_wait3A_52, %dma_wait3A_53] : memref<10240x64xf32, #tpu.memory_space<vmem_shared>> -> memref<10240x64xf32, #tpu.memory_space<vmem_shared>>
    tpu.wait_indirect_dma semaphore(%arg14 : memref<!tpu.dma_semaphore, #tpu.memory_space<semaphore_mem>>) src(%arg12 : memref<128x64xf32, #tpu.memory_space<vmem>>) dst(%dma_wait3A_54 : memref<10240x64xf32, #tpu.memory_space<vmem_shared>>)
    %dma_wait3A_55 = arith.constant 0 : i32
    %dma_wait3A_56 = arith.constant 0 : i32
    %dma_wait3A_57 = tpu.memref_slice %arg10[%dma_wait3A_55, %dma_wait3A_56] : memref<8x128xi32, #tpu.memory_space<vmem>> -> memref<1x128xi32, #tpu.memory_space<vmem>>
    %dma_wait3A_58 = tpu.memref_squeeze %dma_wait3A_57 : memref<1x128xi32, #tpu.memory_space<vmem>> -> memref<128xi32, #tpu.memory_space<vmem>>
    %dma_wait3A_59 = arith.constant 0 : i32
    %dma_wait3A_60 = arith.constant 0 : i32
    %dma_wait3A_61 = tpu.memref_slice %arg7[%dma_wait3A_59, %dma_wait3A_60] : memref<10240x64xf32, #tpu.memory_space<vmem_shared>> -> memref<10240x64xf32, #tpu.memory_space<vmem_shared>>
    tpu.wait_indirect_dma semaphore(%arg15 : memref<!tpu.dma_semaphore, #tpu.memory_space<semaphore_mem>>) src(%arg13 : memref<128x64xf32, #tpu.memory_space<vmem>>) dst(%dma_wait3A_61 : memref<10240x64xf32, #tpu.memory_space<vmem_shared>>)
    %dma_wait3A_62 = arith.constant 0 : i32
    %dma_wait3A_63 = arith.constant 0 : i32
    %dma_wait3A_64 = tpu.memref_slice %arg3[%arg1, %dma_wait3A_62, %dma_wait3A_63] : memref<16x168x128xi32, #tpu.memory_space<hbm>> -> memref<1x8x128xi32, #tpu.memory_space<hbm>>
    %dma_wait3A_65 = tpu.memref_squeeze %dma_wait3A_64 : memref<1x8x128xi32, #tpu.memory_space<hbm>> -> memref<8x128xi32, #tpu.memory_space<hbm>>
    %dma_wait3A_66 = arith.constant 0 : i32
    %dma_wait3A_67 = arith.constant 0 : i32
    %dma_wait3A_68 = tpu.memref_slice %arg3[%arg1, %dma_wait3A_66, %dma_wait3A_67] : memref<16x168x128xi32, #tpu.memory_space<hbm>> -> memref<1x8x128xi32, #tpu.memory_space<hbm>>
    %dma_wait3A_69 = tpu.memref_squeeze %dma_wait3A_68 : memref<1x8x128xi32, #tpu.memory_space<hbm>> -> memref<8x128xi32, #tpu.memory_space<hbm>>
    tpu.wait_dma2 semaphore(%arg17 : memref<!tpu.dma_semaphore, #tpu.memory_space<semaphore_mem>>) src(%dma_wait3A_69 : memref<8x128xi32, #tpu.memory_space<hbm>>) dst(%arg8 : memref<8x128xi32, #tpu.memory_space<vmem>>)
    %dma_wait3A_70 = arith.constant 0 : i32
    %dma_wait3A_71 = arith.constant 0 : i32
    %dma_wait3A_72 = tpu.memref_slice %arg4[%arg1, %dma_wait3A_70, %dma_wait3A_71] : memref<16x168x128xi32, #tpu.memory_space<hbm>> -> memref<1x8x128xi32, #tpu.memory_space<hbm>>
    %dma_wait3A_73 = tpu.memref_squeeze %dma_wait3A_72 : memref<1x8x128xi32, #tpu.memory_space<hbm>> -> memref<8x128xi32, #tpu.memory_space<hbm>>
    %dma_wait3A_74 = arith.constant 0 : i32
    %dma_wait3A_75 = arith.constant 0 : i32
    %dma_wait3A_76 = tpu.memref_slice %arg4[%arg1, %dma_wait3A_74, %dma_wait3A_75] : memref<16x168x128xi32, #tpu.memory_space<hbm>> -> memref<1x8x128xi32, #tpu.memory_space<hbm>>
    %dma_wait3A_77 = tpu.memref_squeeze %dma_wait3A_76 : memref<1x8x128xi32, #tpu.memory_space<hbm>> -> memref<8x128xi32, #tpu.memory_space<hbm>>
    tpu.wait_dma2 semaphore(%arg17 : memref<!tpu.dma_semaphore, #tpu.memory_space<semaphore_mem>>) src(%dma_wait3A_77 : memref<8x128xi32, #tpu.memory_space<hbm>>) dst(%arg10 : memref<8x128xi32, #tpu.memory_space<vmem>>)
    %barrier3A_78 = arith.constant 0 : index
    tpu.barrier barrier_id(%barrier3A_78)
    %mul3A_79 = arith.constant 10240 : i32
    %mul3A_80 = arith.muli %arg0, %mul3A_79 : i32
    %add3A_81 = arith.addi %mul3A_80, %mul3A_0 : i32
    "tpu.region"() ({
      %run_scoped3A = tpu.sem_alloc : memref<!tpu.dma_semaphore, #tpu.memory_space<semaphore_mem>>
      %dma_start3A_82 = arith.constant 0 : i32
      %dma_start3A_83 = tpu.memref_slice %arg5[%add3A_81, %dma_start3A_82] : memref<20480x64xf32, #tpu.memory_space<hbm>> -> memref<640x64xf32, #tpu.memory_space<hbm>>
      %dma_start3A_84 = arith.constant 0 : i32
      %dma_start3A_85 = tpu.memref_slice %arg7[%mul3A_0, %dma_start3A_84] : memref<10240x64xf32, #tpu.memory_space<vmem_shared>> -> memref<640x64xf32, #tpu.memory_space<vmem_shared>>
      tpu.enqueue_dma source(%dma_start3A_85 : memref<640x64xf32, #tpu.memory_space<vmem_shared>>) target(%dma_start3A_83 : memref<640x64xf32, #tpu.memory_space<hbm>>) target_semaphore(%run_scoped3A : memref<!tpu.dma_semaphore, #tpu.memory_space<semaphore_mem>>)
      %dma_wait3A_86 = arith.constant 0 : i32
      %dma_wait3A_87 = tpu.memref_slice %arg5[%add3A_81, %dma_wait3A_86] : memref<20480x64xf32, #tpu.memory_space<hbm>> -> memref<640x64xf32, #tpu.memory_space<hbm>>
      %dma_wait3A_88 = arith.constant 0 : i32
      %dma_wait3A_89 = tpu.memref_slice %arg7[%mul3A_0, %dma_wait3A_88] : memref<10240x64xf32, #tpu.memory_space<vmem_shared>> -> memref<640x64xf32, #tpu.memory_space<vmem_shared>>
      tpu.wait_dma2 semaphore(%run_scoped3A : memref<!tpu.dma_semaphore, #tpu.memory_space<semaphore_mem>>) src(%dma_wait3A_89 : memref<640x64xf32, #tpu.memory_space<vmem_shared>>) dst(%dma_wait3A_87 : memref<640x64xf32, #tpu.memory_space<hbm>>)
      tpu.yield
    }) : () -> ()
    return
  }
}

module attributes {stable_mosaic.version = 14 : i64} {
  func.func @body(%arg0: i32, %arg1: memref<256x128xf32, #tpu.memory_space<vmem>>, %arg2: memref<128x128xf32, #tpu.memory_space<vmem>>, %arg3: memref<128x160xf32, #tpu.memory_space<vmem>>, %arg4: memref<1x128xf32, #tpu.memory_space<vmem>>, %arg5: memref<1x160xf32, #tpu.memory_space<vmem>>, %arg6: memref<256x128xf32, #tpu.memory_space<vmem>>, %arg7: memref<2x256x80xf32, #tpu.memory_space<vmem>>) attributes {dimension_semantics = [#tpu.dimension_semantics<arbitrary>], iteration_bounds = array<i64: 40>, scalar_prefetch = 0 : i64, scratch_operands = 0 : i64, tpu.core_type = #tpu.core_type<tc>, window_params = [{transform_indices = @transform_0, window_bounds = array<i64: 256, 128>}, {pipeline_mode = #tpu.pipeline_mode<synchronous>, transform_indices = @transform_1, window_bounds = array<i64: 128, 128>}, {pipeline_mode = #tpu.pipeline_mode<synchronous>, transform_indices = @transform_2, window_bounds = array<i64: 128, 160>}, {pipeline_mode = #tpu.pipeline_mode<synchronous>, transform_indices = @transform_3, window_bounds = array<i64: 1, 128>}, {pipeline_mode = #tpu.pipeline_mode<synchronous>, transform_indices = @transform_4, window_bounds = array<i64: 1, 160>}, {transform_indices = @transform_5, window_bounds = array<i64: 256, 128>}, {transform_indices = @transform_6, window_bounds = array<i64: 2, 256, 80>}]} {
    %get3A = arith.constant 0 : index
    %get3A_0 = arith.constant 0 : index
    %get3A_1 = vector.load %arg1[%get3A, %get3A_0] : memref<256x128xf32, #tpu.memory_space<vmem>>, vector<256x128xf32>
    %get3A_2 = arith.constant 0 : index
    %get3A_3 = arith.constant 0 : index
    %get3A_4 = vector.load %arg2[%get3A_2, %get3A_3] : memref<128x128xf32, #tpu.memory_space<vmem>>, vector<128x128xf32>
    %dot_general3A = arith.constant dense<0.000000e+00> : vector<256x128xf32>
    %dot_general3A_5 = tpu.matmul %get3A_1, %get3A_4, %dot_general3A {dimension_numbers = #tpu.dot_dimension_numbers<[1], [0], [0], [1], [0, 0, 1, 1], [], []>, precision = #tpu.contract_precision<fp32>, transpose_lhs_hint = false} : vector<256x128xf32>, vector<128x128xf32>, vector<256x128xf32> -> vector<256x128xf32>
    %get3A_6 = arith.constant 0 : index
    %get3A_7 = arith.constant 0 : index
    %get3A_8 = vector.load %arg4[%get3A_6, %get3A_7] : memref<1x128xf32, #tpu.memory_space<vmem>>, vector<1x128xf32>
    %add3A = vector.broadcast %get3A_8 : vector<1x128xf32> to vector<256x128xf32>
    %add3A_9 = arith.addf %dot_general3A_5, %add3A : vector<256x128xf32>
    %swap3A = arith.constant 0 : index
    %swap3A_10 = arith.constant 0 : index
    %swap3A_11 = vector.load %arg6[%swap3A, %swap3A_10] : memref<256x128xf32, #tpu.memory_space<vmem>>, vector<256x128xf32>
    tpu.vector_store %arg6[%swap3A, %swap3A_10], %add3A_9 {strides = array<i32>} : memref<256x128xf32, #tpu.memory_space<vmem>>, vector<256x128xf32>,
    %get3A_12 = arith.constant 0 : index
    %get3A_13 = arith.constant 0 : index
    %get3A_14 = vector.load %arg3[%get3A_12, %get3A_13] : memref<128x160xf32, #tpu.memory_space<vmem>>, vector<128x160xf32>
    %dot_general3A_15 = arith.constant dense<0.000000e+00> : vector<256x160xf32>
    %dot_general3A_16 = tpu.matmul %get3A_1, %get3A_14, %dot_general3A_15 {dimension_numbers = #tpu.dot_dimension_numbers<[1], [0], [0], [1], [0, 0, 1, 1], [], []>, precision = #tpu.contract_precision<fp32>, transpose_lhs_hint = false} : vector<256x128xf32>, vector<128x160xf32>, vector<256x160xf32> -> vector<256x160xf32>
    %get3A_17 = arith.constant 0 : index
    %get3A_18 = arith.constant 0 : index
    %get3A_19 = vector.load %arg5[%get3A_17, %get3A_18] : memref<1x160xf32, #tpu.memory_space<vmem>>, vector<1x160xf32>
    %add3A_20 = vector.broadcast %get3A_19 : vector<1x160xf32> to vector<256x160xf32>
    %add3A_21 = arith.addf %dot_general3A_16, %add3A_20 : vector<256x160xf32>
    %slice3A = vector.extract_strided_slice %add3A_21 {offsets = [0, 0], sizes = [256, 80], strides = [1, 1]} : vector<256x160xf32> to vector<256x80xf32>
    %swap3A_22 = arith.constant 0 : index
    %swap3A_23 = arith.constant 0 : index
    %swap3A_24 = arith.constant 0 : index
    %swap3A_25 = vector.load %arg7[%swap3A_22, %swap3A_23, %swap3A_24] : memref<2x256x80xf32, #tpu.memory_space<vmem>>, vector<1x256x80xf32>
    %swap3A_26 = vector.shape_cast %swap3A_25 : vector<1x256x80xf32> to vector<256x80xf32>
    %swap3A_27 = vector.shape_cast %slice3A : vector<256x80xf32> to vector<1x256x80xf32>
    tpu.vector_store %arg7[%swap3A_22, %swap3A_23, %swap3A_24], %swap3A_27 {strides = array<i32>} : memref<2x256x80xf32, #tpu.memory_space<vmem>>, vector<1x256x80xf32>,
    %slice3A_28 = vector.extract_strided_slice %add3A_21 {offsets = [0, 80], sizes = [256, 80], strides = [1, 1]} : vector<256x160xf32> to vector<256x80xf32>
    %swap3A_29 = arith.constant 1 : index
    %swap3A_30 = arith.constant 0 : index
    %swap3A_31 = arith.constant 0 : index
    %swap3A_32 = vector.load %arg7[%swap3A_29, %swap3A_30, %swap3A_31] : memref<2x256x80xf32, #tpu.memory_space<vmem>>, vector<1x256x80xf32>
    %swap3A_33 = vector.shape_cast %swap3A_32 : vector<1x256x80xf32> to vector<256x80xf32>
    %swap3A_34 = vector.shape_cast %slice3A_28 : vector<256x80xf32> to vector<1x256x80xf32>
    tpu.vector_store %arg7[%swap3A_29, %swap3A_30, %swap3A_31], %swap3A_34 {strides = array<i32>} : memref<2x256x80xf32, #tpu.memory_space<vmem>>, vector<1x256x80xf32>,
    return
  }
  func.func @transform_0(%arg0: i32) -> (i32, i32) {
    %c0_i32 = arith.constant 0 : i32
    %c0_i32_0 = arith.constant 0 : i32
    return %arg0, %c0_i32 : i32, i32
  }
  func.func @transform_1(%arg0: i32) -> (i32, i32) {
    %c0_i32 = arith.constant 0 : i32
    %c0_i32_0 = arith.constant 0 : i32
    %c0_i32_1 = arith.constant 0 : i32
    return %c0_i32, %c0_i32_0 : i32, i32
  }
  func.func @transform_2(%arg0: i32) -> (i32, i32) {
    %c0_i32 = arith.constant 0 : i32
    %c0_i32_0 = arith.constant 0 : i32
    %c0_i32_1 = arith.constant 0 : i32
    return %c0_i32, %c0_i32_0 : i32, i32
  }
  func.func @transform_3(%arg0: i32) -> (i32, i32) {
    %c0_i32 = arith.constant 0 : i32
    %c0_i32_0 = arith.constant 0 : i32
    %c0_i32_1 = arith.constant 0 : i32
    return %c0_i32, %c0_i32_0 : i32, i32
  }
  func.func @transform_4(%arg0: i32) -> (i32, i32) {
    %c0_i32 = arith.constant 0 : i32
    %c0_i32_0 = arith.constant 0 : i32
    %c0_i32_1 = arith.constant 0 : i32
    return %c0_i32, %c0_i32_0 : i32, i32
  }
  func.func @transform_5(%arg0: i32) -> (i32, i32) {
    %c0_i32 = arith.constant 0 : i32
    %c0_i32_0 = arith.constant 0 : i32
    return %arg0, %c0_i32 : i32, i32
  }
  func.func @transform_6(%arg0: i32) -> (i32, i32, i32) {
    %c0_i32 = arith.constant 0 : i32
    %c0_i32_0 = arith.constant 0 : i32
    %c0_i32_1 = arith.constant 0 : i32
    return %c0_i32, %arg0, %c0_i32_0 : i32, i32, i32
  }
}

module attributes {stable_mosaic.version = 14 : i64} {
  func.func @body(%arg0: i32, %arg1: memref<256x128xf32, #tpu.memory_space<vmem>>, %arg2: memref<2x256x80xf32, #tpu.memory_space<vmem>>, %arg3: memref<128x128xf32, #tpu.memory_space<vmem>>, %arg4: memref<128x128xf32, #tpu.memory_space<vmem>>, %arg5: memref<1x128xf32, #tpu.memory_space<vmem>>, %arg6: memref<256x128xf32, #tpu.memory_space<vmem>>, %arg7: memref<2x256x64xf32, #tpu.memory_space<vmem>>) attributes {dimension_semantics = [#tpu.dimension_semantics<arbitrary>], iteration_bounds = array<i64: 40>, scalar_prefetch = 0 : i64, scratch_operands = 0 : i64, tpu.core_type = #tpu.core_type<tc>, window_params = [{transform_indices = @transform_0, window_bounds = array<i64: 256, 128>}, {transform_indices = @transform_1, window_bounds = array<i64: 2, 256, 80>}, {pipeline_mode = #tpu.pipeline_mode<synchronous>, transform_indices = @transform_2, window_bounds = array<i64: 128, 128>}, {pipeline_mode = #tpu.pipeline_mode<synchronous>, transform_indices = @transform_3, window_bounds = array<i64: 128, 128>}, {pipeline_mode = #tpu.pipeline_mode<synchronous>, transform_indices = @transform_4, window_bounds = array<i64: 1, 128>}, {transform_indices = @transform_5, window_bounds = array<i64: 256, 128>}, {transform_indices = @transform_6, window_bounds = array<i64: 2, 256, 64>}]} {
    %get3A = arith.constant 0 : index
    %get3A_0 = arith.constant 0 : index
    %get3A_1 = arith.constant 0 : index
    %get3A_2 = vector.load %arg2[%get3A, %get3A_0, %get3A_1] : memref<2x256x80xf32, #tpu.memory_space<vmem>>, vector<2x256x80xf32>
    %slice3A = vector.extract_strided_slice %get3A_2 {offsets = [0, 0, 64], sizes = [1, 256, 1], strides = [1, 1, 1]} : vector<2x256x80xf32> to vector<1x256x1xf32>
    %squeeze3A = vector.shape_cast %slice3A : vector<1x256x1xf32> to vector<256x1xf32>
    %max3A = arith.constant 1.000000e+00 : f32
    %max3A_3 = vector.broadcast %max3A : f32 to vector<256x1xf32>
    %max3A_4 = arith.maximumf %squeeze3A, %max3A_3 : vector<256x1xf32>
    %div3A = arith.constant 1.000000e+00 : f32
    %div3A_5 = vector.broadcast %div3A : f32 to vector<256x1xf32>
    %div3A_6 = arith.divf %div3A_5, %max3A_4 : vector<256x1xf32>
    %slice3A_7 = vector.extract_strided_slice %get3A_2 {offsets = [0, 0, 0], sizes = [1, 256, 64], strides = [1, 1, 1]} : vector<2x256x80xf32> to vector<1x256x64xf32>
    %squeeze3A_8 = vector.shape_cast %slice3A_7 : vector<1x256x64xf32> to vector<256x64xf32>
    %slice3A_9 = vector.extract_strided_slice %get3A_2 {offsets = [1, 0, 0], sizes = [1, 256, 64], strides = [1, 1, 1]} : vector<2x256x80xf32> to vector<1x256x64xf32>
    %squeeze3A_10 = vector.shape_cast %slice3A_9 : vector<1x256x64xf32> to vector<256x64xf32>
    %concatenate3A = tpu.concatenate %squeeze3A_8, %squeeze3A_10 in 1 : vector<256x64xf32>, vector<256x64xf32> -> vector<256x128xf32>
    %get3A_11 = arith.constant 0 : index
    %get3A_12 = arith.constant 0 : index
    %get3A_13 = vector.load %arg1[%get3A_11, %get3A_12] : memref<256x128xf32, #tpu.memory_space<vmem>>, vector<256x128xf32>
    %mul3A = vector.broadcast %div3A_6 : vector<256x1xf32> to vector<256x128xf32>
    %mul3A_14 = arith.mulf %concatenate3A, %mul3A : vector<256x128xf32>
    %add3A = arith.addf %get3A_13, %mul3A_14 : vector<256x128xf32>
    %max3A_15 = arith.constant 0.000000e+00 : f32
    %max3A_16 = vector.broadcast %max3A_15 : f32 to vector<256x128xf32>
    %max3A_17 = arith.maximumf %add3A, %max3A_16 : vector<256x128xf32>
    %get3A_18 = arith.constant 0 : index
    %get3A_19 = arith.constant 0 : index
    %get3A_20 = vector.load %arg3[%get3A_18, %get3A_19] : memref<128x128xf32, #tpu.memory_space<vmem>>, vector<128x128xf32>
    %dot_general3A = arith.constant dense<0.000000e+00> : vector<256x128xf32>
    %dot_general3A_21 = tpu.matmul %max3A_17, %get3A_20, %dot_general3A {dimension_numbers = #tpu.dot_dimension_numbers<[1], [0], [0], [1], [0, 0, 1, 1], [], []>, precision = #tpu.contract_precision<fp32>, transpose_lhs_hint = false} : vector<256x128xf32>, vector<128x128xf32>, vector<256x128xf32> -> vector<256x128xf32>
    %get3A_22 = arith.constant 0 : index
    %get3A_23 = arith.constant 0 : index
    %get3A_24 = vector.load %arg5[%get3A_22, %get3A_23] : memref<1x128xf32, #tpu.memory_space<vmem>>, vector<1x128xf32>
    %add3A_25 = vector.broadcast %get3A_24 : vector<1x128xf32> to vector<256x128xf32>
    %add3A_26 = arith.addf %dot_general3A_21, %add3A_25 : vector<256x128xf32>
    %swap3A = arith.constant 0 : index
    %swap3A_27 = arith.constant 0 : index
    %swap3A_28 = vector.load %arg6[%swap3A, %swap3A_27] : memref<256x128xf32, #tpu.memory_space<vmem>>, vector<256x128xf32>
    tpu.vector_store %arg6[%swap3A, %swap3A_27], %add3A_26 {strides = array<i32>} : memref<256x128xf32, #tpu.memory_space<vmem>>, vector<256x128xf32>,
    %get3A_29 = arith.constant 0 : index
    %get3A_30 = arith.constant 0 : index
    %get3A_31 = vector.load %arg4[%get3A_29, %get3A_30] : memref<128x128xf32, #tpu.memory_space<vmem>>, vector<128x128xf32>
    %dot_general3A_32 = arith.constant dense<0.000000e+00> : vector<256x128xf32>
    %dot_general3A_33 = tpu.matmul %max3A_17, %get3A_31, %dot_general3A_32 {dimension_numbers = #tpu.dot_dimension_numbers<[1], [0], [0], [1], [0, 0, 1, 1], [], []>, precision = #tpu.contract_precision<fp32>, transpose_lhs_hint = false} : vector<256x128xf32>, vector<128x128xf32>, vector<256x128xf32> -> vector<256x128xf32>
    %slice3A_34 = vector.extract_strided_slice %dot_general3A_33 {offsets = [0, 0], sizes = [256, 64], strides = [1, 1]} : vector<256x128xf32> to vector<256x64xf32>
    %swap3A_35 = arith.constant 0 : index
    %swap3A_36 = arith.constant 0 : index
    %swap3A_37 = arith.constant 0 : index
    %swap3A_38 = vector.load %arg7[%swap3A_35, %swap3A_36, %swap3A_37] : memref<2x256x64xf32, #tpu.memory_space<vmem>>, vector<1x256x64xf32>
    %swap3A_39 = vector.shape_cast %swap3A_38 : vector<1x256x64xf32> to vector<256x64xf32>
    %swap3A_40 = vector.shape_cast %slice3A_34 : vector<256x64xf32> to vector<1x256x64xf32>
    tpu.vector_store %arg7[%swap3A_35, %swap3A_36, %swap3A_37], %swap3A_40 {strides = array<i32>} : memref<2x256x64xf32, #tpu.memory_space<vmem>>, vector<1x256x64xf32>,
    %slice3A_41 = vector.extract_strided_slice %dot_general3A_33 {offsets = [0, 64], sizes = [256, 64], strides = [1, 1]} : vector<256x128xf32> to vector<256x64xf32>
    %swap3A_42 = arith.constant 1 : index
    %swap3A_43 = arith.constant 0 : index
    %swap3A_44 = arith.constant 0 : index
    %swap3A_45 = vector.load %arg7[%swap3A_42, %swap3A_43, %swap3A_44] : memref<2x256x64xf32, #tpu.memory_space<vmem>>, vector<1x256x64xf32>
    %swap3A_46 = vector.shape_cast %swap3A_45 : vector<1x256x64xf32> to vector<256x64xf32>
    %swap3A_47 = vector.shape_cast %slice3A_41 : vector<256x64xf32> to vector<1x256x64xf32>
    tpu.vector_store %arg7[%swap3A_42, %swap3A_43, %swap3A_44], %swap3A_47 {strides = array<i32>} : memref<2x256x64xf32, #tpu.memory_space<vmem>>, vector<1x256x64xf32>,
    return
  }
  func.func @transform_0(%arg0: i32) -> (i32, i32) {
    %c0_i32 = arith.constant 0 : i32
    %c0_i32_0 = arith.constant 0 : i32
    return %arg0, %c0_i32 : i32, i32
  }
  func.func @transform_1(%arg0: i32) -> (i32, i32, i32) {
    %c0_i32 = arith.constant 0 : i32
    %c0_i32_0 = arith.constant 0 : i32
    %c0_i32_1 = arith.constant 0 : i32
    return %c0_i32, %arg0, %c0_i32_0 : i32, i32, i32
  }
  func.func @transform_2(%arg0: i32) -> (i32, i32) {
    %c0_i32 = arith.constant 0 : i32
    %c0_i32_0 = arith.constant 0 : i32
    %c0_i32_1 = arith.constant 0 : i32
    return %c0_i32, %c0_i32_0 : i32, i32
  }
  func.func @transform_3(%arg0: i32) -> (i32, i32) {
    %c0_i32 = arith.constant 0 : i32
    %c0_i32_0 = arith.constant 0 : i32
    %c0_i32_1 = arith.constant 0 : i32
    return %c0_i32, %c0_i32_0 : i32, i32
  }
  func.func @transform_4(%arg0: i32) -> (i32, i32) {
    %c0_i32 = arith.constant 0 : i32
    %c0_i32_0 = arith.constant 0 : i32
    %c0_i32_1 = arith.constant 0 : i32
    return %c0_i32, %c0_i32_0 : i32, i32
  }
  func.func @transform_5(%arg0: i32) -> (i32, i32) {
    %c0_i32 = arith.constant 0 : i32
    %c0_i32_0 = arith.constant 0 : i32
    return %arg0, %c0_i32 : i32, i32
  }
  func.func @transform_6(%arg0: i32) -> (i32, i32, i32) {
    %c0_i32 = arith.constant 0 : i32
    %c0_i32_0 = arith.constant 0 : i32
    %c0_i32_1 = arith.constant 0 : i32
    return %c0_i32, %arg0, %c0_i32_0 : i32, i32, i32
  }
}

module attributes {stable_mosaic.version = 14 : i64} {
  func.func @body(%arg0: i32, %arg1: memref<256x128xf32, #tpu.memory_space<vmem>>, %arg2: memref<2x256x64xf32, #tpu.memory_space<vmem>>, %arg3: memref<256x1xf32, #tpu.memory_space<vmem>>, %arg4: memref<128x64xf32, #tpu.memory_space<vmem>>, %arg5: memref<128x64xf32, #tpu.memory_space<vmem>>, %arg6: memref<1x64xf32, #tpu.memory_space<vmem>>, %arg7: memref<256x64xf32, #tpu.memory_space<vmem>>, %arg8: memref<2x256x32xf32, #tpu.memory_space<vmem>>) attributes {dimension_semantics = [#tpu.dimension_semantics<arbitrary>], iteration_bounds = array<i64: 40>, scalar_prefetch = 0 : i64, scratch_operands = 0 : i64, tpu.core_type = #tpu.core_type<tc>, window_params = [{transform_indices = @transform_0, window_bounds = array<i64: 256, 128>}, {transform_indices = @transform_1, window_bounds = array<i64: 2, 256, 64>}, {transform_indices = @transform_2, window_bounds = array<i64: 256, 1>}, {pipeline_mode = #tpu.pipeline_mode<synchronous>, transform_indices = @transform_3, window_bounds = array<i64: 128, 64>}, {pipeline_mode = #tpu.pipeline_mode<synchronous>, transform_indices = @transform_4, window_bounds = array<i64: 128, 64>}, {pipeline_mode = #tpu.pipeline_mode<synchronous>, transform_indices = @transform_5, window_bounds = array<i64: 1, 64>}, {transform_indices = @transform_6, window_bounds = array<i64: 256, 64>}, {transform_indices = @transform_7, window_bounds = array<i64: 2, 256, 32>}]} {
    %get3A = arith.constant 0 : index
    %get3A_0 = arith.constant 0 : index
    %get3A_1 = arith.constant 0 : index
    %get3A_2 = vector.load %arg2[%get3A, %get3A_0, %get3A_1] : memref<2x256x64xf32, #tpu.memory_space<vmem>>, vector<2x256x64xf32>
    %get3A_3 = arith.constant 0 : index
    %get3A_4 = arith.constant 0 : index
    %get3A_5 = vector.load %arg3[%get3A_3, %get3A_4] : memref<256x1xf32, #tpu.memory_space<vmem>>, vector<256x1xf32>
    %max3A = arith.constant 1.000000e+00 : f32
    %max3A_6 = vector.broadcast %max3A : f32 to vector<256x1xf32>
    %max3A_7 = arith.maximumf %get3A_5, %max3A_6 : vector<256x1xf32>
    %div3A = arith.constant 1.000000e+00 : f32
    %div3A_8 = vector.broadcast %div3A : f32 to vector<256x1xf32>
    %div3A_9 = arith.divf %div3A_8, %max3A_7 : vector<256x1xf32>
    %slice3A = vector.extract_strided_slice %get3A_2 {offsets = [0, 0, 0], sizes = [1, 256, 64], strides = [1, 1, 1]} : vector<2x256x64xf32> to vector<1x256x64xf32>
    %squeeze3A = vector.shape_cast %slice3A : vector<1x256x64xf32> to vector<256x64xf32>
    %slice3A_10 = vector.extract_strided_slice %get3A_2 {offsets = [1, 0, 0], sizes = [1, 256, 64], strides = [1, 1, 1]} : vector<2x256x64xf32> to vector<1x256x64xf32>
    %squeeze3A_11 = vector.shape_cast %slice3A_10 : vector<1x256x64xf32> to vector<256x64xf32>
    %concatenate3A = tpu.concatenate %squeeze3A, %squeeze3A_11 in 1 : vector<256x64xf32>, vector<256x64xf32> -> vector<256x128xf32>
    %get3A_12 = arith.constant 0 : index
    %get3A_13 = arith.constant 0 : index
    %get3A_14 = vector.load %arg1[%get3A_12, %get3A_13] : memref<256x128xf32, #tpu.memory_space<vmem>>, vector<256x128xf32>
    %mul3A = vector.broadcast %div3A_9 : vector<256x1xf32> to vector<256x128xf32>
    %mul3A_15 = arith.mulf %concatenate3A, %mul3A : vector<256x128xf32>
    %add3A = arith.addf %get3A_14, %mul3A_15 : vector<256x128xf32>
    %max3A_16 = arith.constant 0.000000e+00 : f32
    %max3A_17 = vector.broadcast %max3A_16 : f32 to vector<256x128xf32>
    %max3A_18 = arith.maximumf %add3A, %max3A_17 : vector<256x128xf32>
    %get3A_19 = arith.constant 0 : index
    %get3A_20 = arith.constant 0 : index
    %get3A_21 = vector.load %arg4[%get3A_19, %get3A_20] : memref<128x64xf32, #tpu.memory_space<vmem>>, vector<128x64xf32>
    %dot_general3A = arith.constant dense<0.000000e+00> : vector<256x64xf32>
    %dot_general3A_22 = tpu.matmul %max3A_18, %get3A_21, %dot_general3A {dimension_numbers = #tpu.dot_dimension_numbers<[1], [0], [0], [1], [0, 0, 1, 1], [], []>, precision = #tpu.contract_precision<fp32>, transpose_lhs_hint = false} : vector<256x128xf32>, vector<128x64xf32>, vector<256x64xf32> -> vector<256x64xf32>
    %get3A_23 = arith.constant 0 : index
    %get3A_24 = arith.constant 0 : index
    %get3A_25 = vector.load %arg6[%get3A_23, %get3A_24] : memref<1x64xf32, #tpu.memory_space<vmem>>, vector<1x64xf32>
    %add3A_26 = vector.broadcast %get3A_25 : vector<1x64xf32> to vector<256x64xf32>
    %add3A_27 = arith.addf %dot_general3A_22, %add3A_26 : vector<256x64xf32>
    %swap3A = arith.constant 0 : index
    %swap3A_28 = arith.constant 0 : index
    %swap3A_29 = vector.load %arg7[%swap3A, %swap3A_28] : memref<256x64xf32, #tpu.memory_space<vmem>>, vector<256x64xf32>
    tpu.vector_store %arg7[%swap3A, %swap3A_28], %add3A_27 {strides = array<i32>} : memref<256x64xf32, #tpu.memory_space<vmem>>, vector<256x64xf32>,
    %get3A_30 = arith.constant 0 : index
    %get3A_31 = arith.constant 0 : index
    %get3A_32 = vector.load %arg5[%get3A_30, %get3A_31] : memref<128x64xf32, #tpu.memory_space<vmem>>, vector<128x64xf32>
    %dot_general3A_33 = arith.constant dense<0.000000e+00> : vector<256x64xf32>
    %dot_general3A_34 = tpu.matmul %max3A_18, %get3A_32, %dot_general3A_33 {dimension_numbers = #tpu.dot_dimension_numbers<[1], [0], [0], [1], [0, 0, 1, 1], [], []>, precision = #tpu.contract_precision<fp32>, transpose_lhs_hint = false} : vector<256x128xf32>, vector<128x64xf32>, vector<256x64xf32> -> vector<256x64xf32>
    %slice3A_35 = vector.extract_strided_slice %dot_general3A_34 {offsets = [0, 0], sizes = [256, 32], strides = [1, 1]} : vector<256x64xf32> to vector<256x32xf32>
    %swap3A_36 = arith.constant 0 : index
    %swap3A_37 = arith.constant 0 : index
    %swap3A_38 = arith.constant 0 : index
    %swap3A_39 = vector.load %arg8[%swap3A_36, %swap3A_37, %swap3A_38] : memref<2x256x32xf32, #tpu.memory_space<vmem>>, vector<1x256x32xf32>
    %swap3A_40 = vector.shape_cast %swap3A_39 : vector<1x256x32xf32> to vector<256x32xf32>
    %swap3A_41 = vector.shape_cast %slice3A_35 : vector<256x32xf32> to vector<1x256x32xf32>
    tpu.vector_store %arg8[%swap3A_36, %swap3A_37, %swap3A_38], %swap3A_41 {strides = array<i32>} : memref<2x256x32xf32, #tpu.memory_space<vmem>>, vector<1x256x32xf32>,
    %slice3A_42 = vector.extract_strided_slice %dot_general3A_34 {offsets = [0, 32], sizes = [256, 32], strides = [1, 1]} : vector<256x64xf32> to vector<256x32xf32>
    %swap3A_43 = arith.constant 1 : index
    %swap3A_44 = arith.constant 0 : index
    %swap3A_45 = arith.constant 0 : index
    %swap3A_46 = vector.load %arg8[%swap3A_43, %swap3A_44, %swap3A_45] : memref<2x256x32xf32, #tpu.memory_space<vmem>>, vector<1x256x32xf32>
    %swap3A_47 = vector.shape_cast %swap3A_46 : vector<1x256x32xf32> to vector<256x32xf32>
    %swap3A_48 = vector.shape_cast %slice3A_42 : vector<256x32xf32> to vector<1x256x32xf32>
    tpu.vector_store %arg8[%swap3A_43, %swap3A_44, %swap3A_45], %swap3A_48 {strides = array<i32>} : memref<2x256x32xf32, #tpu.memory_space<vmem>>, vector<1x256x32xf32>,
    return
  }
  func.func @transform_0(%arg0: i32) -> (i32, i32) {
    %c0_i32 = arith.constant 0 : i32
    %c0_i32_0 = arith.constant 0 : i32
    return %arg0, %c0_i32 : i32, i32
  }
  func.func @transform_1(%arg0: i32) -> (i32, i32, i32) {
    %c0_i32 = arith.constant 0 : i32
    %c0_i32_0 = arith.constant 0 : i32
    %c0_i32_1 = arith.constant 0 : i32
    return %c0_i32, %arg0, %c0_i32_0 : i32, i32, i32
  }
  func.func @transform_2(%arg0: i32) -> (i32, i32) {
    %c0_i32 = arith.constant 0 : i32
    %c0_i32_0 = arith.constant 0 : i32
    return %arg0, %c0_i32 : i32, i32
  }
  func.func @transform_3(%arg0: i32) -> (i32, i32) {
    %c0_i32 = arith.constant 0 : i32
    %c0_i32_0 = arith.constant 0 : i32
    %c0_i32_1 = arith.constant 0 : i32
    return %c0_i32, %c0_i32_0 : i32, i32
  }
  func.func @transform_4(%arg0: i32) -> (i32, i32) {
    %c0_i32 = arith.constant 0 : i32
    %c0_i32_0 = arith.constant 0 : i32
    %c0_i32_1 = arith.constant 0 : i32
    return %c0_i32, %c0_i32_0 : i32, i32
  }
  func.func @transform_5(%arg0: i32) -> (i32, i32) {
    %c0_i32 = arith.constant 0 : i32
    %c0_i32_0 = arith.constant 0 : i32
    %c0_i32_1 = arith.constant 0 : i32
    return %c0_i32, %c0_i32_0 : i32, i32
  }
  func.func @transform_6(%arg0: i32) -> (i32, i32) {
    %c0_i32 = arith.constant 0 : i32
    %c0_i32_0 = arith.constant 0 : i32
    return %arg0, %c0_i32 : i32, i32
  }
  func.func @transform_7(%arg0: i32) -> (i32, i32, i32) {
    %c0_i32 = arith.constant 0 : i32
    %c0_i32_0 = arith.constant 0 : i32
    %c0_i32_1 = arith.constant 0 : i32
    return %c0_i32, %arg0, %c0_i32_0 : i32, i32, i32
  }
}

module attributes {stable_mosaic.version = 14 : i64} {
  func.func @body(%arg0: i32, %arg1: memref<256x64xf32, #tpu.memory_space<vmem>>, %arg2: memref<2x256x32xf32, #tpu.memory_space<vmem>>, %arg3: memref<256x1xf32, #tpu.memory_space<vmem>>, %arg4: memref<256x64xf32, #tpu.memory_space<vmem>>) attributes {dimension_semantics = [#tpu.dimension_semantics<arbitrary>], iteration_bounds = array<i64: 40>, scalar_prefetch = 0 : i64, scratch_operands = 0 : i64, tpu.core_type = #tpu.core_type<tc>, window_params = [{transform_indices = @transform_0, window_bounds = array<i64: 256, 64>}, {transform_indices = @transform_1, window_bounds = array<i64: 2, 256, 32>}, {transform_indices = @transform_2, window_bounds = array<i64: 256, 1>}, {transform_indices = @transform_3, window_bounds = array<i64: 256, 64>}]} {
    %get3A = arith.constant 0 : index
    %get3A_0 = arith.constant 0 : index
    %get3A_1 = arith.constant 0 : index
    %get3A_2 = vector.load %arg2[%get3A, %get3A_0, %get3A_1] : memref<2x256x32xf32, #tpu.memory_space<vmem>>, vector<2x256x32xf32>
    %get3A_3 = arith.constant 0 : index
    %get3A_4 = arith.constant 0 : index
    %get3A_5 = vector.load %arg3[%get3A_3, %get3A_4] : memref<256x1xf32, #tpu.memory_space<vmem>>, vector<256x1xf32>
    %max3A = arith.constant 1.000000e+00 : f32
    %max3A_6 = vector.broadcast %max3A : f32 to vector<256x1xf32>
    %max3A_7 = arith.maximumf %get3A_5, %max3A_6 : vector<256x1xf32>
    %div3A = arith.constant 1.000000e+00 : f32
    %div3A_8 = vector.broadcast %div3A : f32 to vector<256x1xf32>
    %div3A_9 = arith.divf %div3A_8, %max3A_7 : vector<256x1xf32>
    %slice3A = vector.extract_strided_slice %get3A_2 {offsets = [0, 0, 0], sizes = [1, 256, 32], strides = [1, 1, 1]} : vector<2x256x32xf32> to vector<1x256x32xf32>
    %squeeze3A = vector.shape_cast %slice3A : vector<1x256x32xf32> to vector<256x32xf32>
    %slice3A_10 = vector.extract_strided_slice %get3A_2 {offsets = [1, 0, 0], sizes = [1, 256, 32], strides = [1, 1, 1]} : vector<2x256x32xf32> to vector<1x256x32xf32>
    %squeeze3A_11 = vector.shape_cast %slice3A_10 : vector<1x256x32xf32> to vector<256x32xf32>
    %concatenate3A = tpu.concatenate %squeeze3A, %squeeze3A_11 in 1 : vector<256x32xf32>, vector<256x32xf32> -> vector<256x64xf32>
    %get3A_12 = arith.constant 0 : index
    %get3A_13 = arith.constant 0 : index
    %get3A_14 = vector.load %arg1[%get3A_12, %get3A_13] : memref<256x64xf32, #tpu.memory_space<vmem>>, vector<256x64xf32>
    %mul3A = vector.broadcast %div3A_9 : vector<256x1xf32> to vector<256x64xf32>
    %mul3A_15 = arith.mulf %concatenate3A, %mul3A : vector<256x64xf32>
    %add3A = arith.addf %get3A_14, %mul3A_15 : vector<256x64xf32>
    %swap3A = arith.constant 0 : index
    %swap3A_16 = arith.constant 0 : index
    %swap3A_17 = vector.load %arg4[%swap3A, %swap3A_16] : memref<256x64xf32, #tpu.memory_space<vmem>>, vector<256x64xf32>
    tpu.vector_store %arg4[%swap3A, %swap3A_16], %add3A {strides = array<i32>} : memref<256x64xf32, #tpu.memory_space<vmem>>, vector<256x64xf32>,
    return
  }
  func.func @transform_0(%arg0: i32) -> (i32, i32) {
    %c0_i32 = arith.constant 0 : i32
    %c0_i32_0 = arith.constant 0 : i32
    return %arg0, %c0_i32 : i32, i32
  }
  func.func @transform_1(%arg0: i32) -> (i32, i32, i32) {
    %c0_i32 = arith.constant 0 : i32
    %c0_i32_0 = arith.constant 0 : i32
    %c0_i32_1 = arith.constant 0 : i32
    return %c0_i32, %arg0, %c0_i32_0 : i32, i32, i32
  }
  func.func @transform_2(%arg0: i32) -> (i32, i32) {
    %c0_i32 = arith.constant 0 : i32
    %c0_i32_0 = arith.constant 0 : i32
    return %arg0, %c0_i32 : i32, i32
  }
  func.func @transform_3(%arg0: i32) -> (i32, i32) {
    %c0_i32 = arith.constant 0 : i32
    %c0_i32_0 = arith.constant 0 : i32
    return %arg0, %c0_i32 : i32, i32
  }
}

</mosaic_0001>

<sc_bundles>
// kernel: _run.12.cloned.1.call-start
scs
__scs_entry_jumppad:
0x0: {  	(pc) =	sbr.rel $0x88, $3  }
0x1: {  	(tag) =	ssettag $0x0;
	lr =	simm.s32 $0x1  }
0x2: {  	[smem:$0x3F96] =	sst lr;
	_ =	strace $0xD0000000  }
0x3: {  	_ = 	snop  }
0x4: {  	_ = 	snop  }
0x5: {  	_ = 	snop  }
0x6: {  	_ = 	snop  }
0x7: {  	_ = 	snop  }
__scs_overlays_trampoline_lowered:
0x8: {  	[smem:$0x3FA5] =	sst s0  }
0x9: {  	[smem:$0x3FA6] =	sst s1  }
0xa: {  	[smem:$0x3FA7] =	sst s2  }
0xb: {  	[smem:$0x3FA8] =	sst s3  }
0xc: {  	[smem:$0x3FA9] =	sst s4  }
0xd: {  	[smem:$0x3FAA] =	sst s5  }
0xe: {  	[smem:$0x3FAB] =	sst s6  }
0xf: {  	[smem:$0x3FAC] =	sst s7  }
0x10: {  	[smem:$0x3FAD] =	sst s8  }
0x11: {  	[smem:$0x3FAE] =	sst s9;
	s0 =	simm.s32 @!p0 $0x0  }
0x12: {  	s1 =	sld [smem:$0x3F94];
	s0 =	simm.s32 @p0 $0x1  }
0x13: {  	[smem:$0x3FAF] =	sst s0;
	s0 =	simm.s32 @!p1 $0x0  }
0x14: {  	s2 =	sld [smem:$0x3F93];
	s0 =	simm.s32 @p1 $0x1  }
0x15: {  	[smem:$0x3FB0] =	sst s0;
	s0 =	simm.s32 @!p2 $0x0  }
0x16: {  	s3 =	sld [smem:$0x3FDB];
	s0 =	simm.s32 @p2 $0x1  }
0x17: {  	s4 =	simm.s32 $0x1BF5;
	[smem:$0x3FB2] =	sst s0  }
0x18: {  	s0 =	sld [smem:$0x3F95];
	_ =	swait.ge [sflag:s4], $0x0  }
0x19: {  	s7 =	sld [smem:$0x3F96]  }
0x1a: {  	s8 =	sadd.s32 $0xFFFFE003, lr  }
0x1b: {  	s9 =	sadd.s32 $0xFFFFFEF7, lr;
	s5 =	simm.s32 $0xFFFFFFFF;
	p2 =	slt.u32 s8, $0xFFFFF086  }
0x1c: {  	p1 =	slt.u32 s9, $0xF7A;
	s5 =	simm.s32 @!p2 $0x0  }
0x1d: {  	s5 =	simm.s32 @p1 $0x1;
	p0 =	seq.s32 s7, s2  }
0x1e: {  	s7 =	smul.u32 @!p0 $0xF7A, s2;
	p2 =	seq.s32 @!p0 s5, $0x0  }
0x1f: {  	s9 =	smul.u32 $0xF7A, s1;
	s8 =	simm.s32 @!p0 $0x1BF5;
	p2 =	por !p2, p0  }
0x20: {  	[sflag:s8] =	ssyncset.s32 @!p0 $0xFFFFF086;
	s6 =	sadd.s32 @!p0 s3, s7;
	s7 =	simm.s32 @!p0 $0x108  }
0x21: {  	s3 =	sadd.s32 s3, s9;
	s6 =	sadd.s32 @!p0 $0x88, s6;
	s7 =	simm.s32 @p2 $0x1082  }
0x22: {  	[simem:s7], [sflag:s8] =	dma.local @!p0 [hbm:s6], $0xF7A  }
0x23: {  	s9 =	sor.u32 $0xD0000000, s2;
	s6 =	simm.s32 $0x108;
	_ =	swait.ge @!p0 [sflag:s8], $0x0  }
0x24: {  	s3 =	sadd.s32 $0x88, s3;
	s6 =	simm.s32 @!p1 $0x1082;
	[sflag:s4] =	ssyncset.s32 $0xFFFFF086  }
0x25: {  	[simem:s6], [sflag:s4] =	dma.local [hbm:s3], $0xF7A  }
0x26: {  	[smem:$0x3F96] =	sst s1;
	(tag) =	ssettag s2;
	_ =	strace s9  }
0x27: {  	s1 =	sld [smem:$0x3FA6]  }
0x28: {  	s2 =	sld [smem:$0x3FA7]  }
0x29: {  	s4 =	sld [smem:$0x3FA9]  }
0x2a: {  	p0 =	seq.s32 s5, $0x0;
	s5 =	sld [smem:$0x3FAA]  }
0x2b: {  	s6 =	sld [smem:$0x3FAB]  }
0x2c: {  	s7 =	sld [smem:$0x3FAC]  }
0x2d: {  	s3 =	simm.s32 $0x108;
	s8 =	sld [smem:$0x3FAD]  }
0x2e: {  	s3 =	simm.s32 @!p0 $0x1082;
	s9 =	sld [smem:$0x3FAE]  }
0x2f: {  	lr =	sadd.s32 s0, s3;
	s0 =	sld [smem:$0x3FA5]  }
0x30: {  	s3 =	sld [smem:$0x3FA8]  }
0x31: {  	[smem:$0x3FB1] =	sst s10  }
0x32: {  	s10 =	sld [smem:$0x3FAF];
	_ =	sdelay $0x3  }
0x33: {  	p0 =	seq.s32 s10, $0x1;
	s10 =	sld [smem:$0x3FB1];
	_ =	sdelay $0x3  }
0x34: {  	[smem:$0x3FB1] =	sst s10  }
0x35: {  	s10 =	sld [smem:$0x3FB0];
	_ =	sdelay $0x3  }
0x36: {  	p1 =	seq.s32 s10, $0x1;
	s10 =	sld [smem:$0x3FB1];
	_ =	sdelay $0x3  }
0x37: {  	[smem:$0x3FB1] =	sst s10  }
0x38: {  	s10 =	sld [smem:$0x3FB2]  }
0x39: {  	_ = 	snop;
	(pc) =	sbr.ind lr, $3  }
0x3a: {  	_ = 	snop  }
0x3b: {  	_ = 	snop  }
0x3c: {  	p2 =	seq.s32 s10, $0x1;
	s10 =	sld [smem:$0x3FB1]  }
0x3d: {  	_ =	shalt  }
0x3e: {  	_ =	shalt  }
0x3f: {  	_ =	shalt  }
0x40: {  	_ =	shalt  }
0x41: {  	_ =	shalt  }
0x42: {  	_ =	shalt  }
0x43: {  	_ =	shalt  }
0x44: {  	_ =	shalt  }
0x45: {  	_ =	shalt  }
0x46: {  	_ =	shalt  }
0x47: {  	_ =	shalt  }
0x48: {  	_ =	shalt  }
0x49: {  	_ =	shalt  }
0x4a: {  	_ =	shalt  }
0x4b: {  	_ =	shalt  }
0x4c: {  	_ =	shalt  }
0x4d: {  	_ =	shalt  }
0x4e: {  	_ =	shalt  }
0x4f: {  	_ =	shalt  }
0x50: {  	_ =	shalt  }
0x51: {  	_ =	shalt  }
0x52: {  	_ =	shalt  }
0x53: {  	_ =	shalt  }
0x54: {  	_ =	shalt  }
0x55: {  	_ =	shalt  }
0x56: {  	_ =	shalt  }
0x57: {  	_ =	shalt  }
0x58: {  	_ =	shalt  }
0x59: {  	_ =	shalt  }
0x5a: {  	_ =	shalt  }
0x5b: {  	_ =	shalt  }
0x5c: {  	_ =	shalt  }
0x5d: {  	_ =	shalt  }
0x5e: {  	_ =	shalt  }
0x5f: {  	_ =	shalt  }
0x60: {  	_ =	shalt  }
0x61: {  	_ =	shalt  }
0x62: {  	_ =	shalt  }
0x63: {  	_ =	shalt  }
0x64: {  	_ =	shalt  }
0x65: {  	_ =	shalt  }
0x66: {  	_ =	shalt  }
0x67: {  	_ =	shalt  }
0x68: {  	_ =	shalt  }
0x69: {  	_ =	shalt  }
0x6a: {  	_ =	shalt  }
0x6b: {  	_ =	shalt  }
0x6c: {  	_ =	shalt  }
0x6d: {  	_ =	shalt  }
0x6e: {  	_ =	shalt  }
0x6f: {  	_ =	shalt  }
0x70: {  	_ =	shalt  }
0x71: {  	_ =	shalt  }
0x72: {  	_ =	shalt  }
0x73: {  	_ =	shalt  }
0x74: {  	_ =	shalt  }
0x75: {  	_ =	shalt  }
0x76: {  	_ =	shalt  }
0x77: {  	_ =	shalt  }
0x78: {  	_ =	shalt  }
0x79: {  	_ =	shalt  }
0x7a: {  	_ =	shalt  }
0x7b: {  	_ =	shalt  }
0x7c: {  	_ =	shalt  }
0x7d: {  	_ =	shalt  }
0x7e: {  	_ =	shalt  }
0x7f: {  	_ =	shalt  }
0x80: {  	_ =	shalt  }
0x81: {  	_ =	shalt  }
0x82: {  	_ =	shalt  }
0x83: {  	_ =	shalt  }
0x84: {  	_ =	shalt  }
0x85: {  	_ =	shalt  }
0x86: {  	_ =	shalt  }
0x87: {  	_ =	shalt  }
.Lfunc_end0:
.L_simem_size_0:
called_computation.1_lowered:
.L_overlay_start_0:
0x88: {  	s2 =	sld [smem:$0x3FD9]  }
0x89: {  	s3 =	sld [smem:$0x3FFE];
	_ =	sdelay $0x1  }
0x8a: {  	s1 =	srdreg.scid  }
0x8b: {  	s0 =	sand.u32 $0x1, s1  }
0x8c: {  	s17 =	sshll.u32 s0, $0xA;
	s2 =	sadd.s32 s3, s2  }
0x8d: {  	s2 =	sadd.s32 s2, s17  }
0x8e: {  	[smem:$0x3FBD] =	sst s2  }
0x8f: {  	_ = 	snop  }
0x90: {  	s2 =	sld [smem:$0x3FD0];
	(tm) =	ssettm $0x1  }
0x91: {  	s18 =	sld [smem:$0x3FFB];
	_ =	sdelay $0x3  }
0x92: {  	_ =	strace s18  }
0x93: {  	s3 =	sld [smem:$0x3FFC];
	_ =	sdelay $0x3  }
0x94: {  	_ =	strace s3  }
0x95: {  	s3 =	sld [smem:$0x3FFD];
	_ =	sdelay $0x3  }
0x96: {  	_ =	strace s3  }
0x97: {  	_ =	strace $0x8FFFFFFF  }
0x98: {  	s19 =	sld [smem:$0x3FDB];
	_ =	sdelay $0x1  }
0x99: {  	s4 =	simm.s32 $_scs_section_size  }
0x9a: {  	s5 =	simm.s32 $_size__tile_overlayer_lowered;
	s6 =	simm.s32 $_tile_overlayer_lowered  }
0x9b: {  	s22 =	simm.s32 $0x1BFF;
	s21 =	sshll.u32 s6, $0x1;
	s3 =	sadd.s32 s4, s19  }
0x9c: {  	s7 =	simm.s32 $0x0;
	s20 =	sshll.u32 s5, $0x1;
	s5 =	sadd.s32 s21, s3  }
0x9d: {  	[timem:s7], [sflag:s22] =	dma.local [hbm:s5], s20  }
0x9e: {  	_ =	swait.ge [sflag:s22], s20  }
0x9f: {  	s4 =	ssub.s32 $0x0, s20;
	[sflag:s22] =	ssyncset.done $0x0  }
0xa0: {  	[sflag:s22] =	ssyncadd.s32 s4;
	_ =	sdelay $0x1  }
0xa1: {  	s23 =	simm.s32 $0x1B8B  }
0xa2: {  	_ =	swait.ge [sflag:s23], $0x1  }
0xa3: {  	[sflag:s23] =	ssyncset.done $0x0  }
0xa4: {  	s25 =	simm.s32 $0x1B8E;
	s24 =	sld [smem:$0x3FFE];
	[sflag:s23] =	ssyncadd.s32 $0xFFFFFFFF  }
0xa5: {  	s26 =	simm.s32 $execute0_lowered;
	[smem:$0x3FD2] =	sst s25  }
0xa6: {  	s5 =	sshll.u32 s26, $0x1;
	_ =	strace $0x80000049;
	[dreg:$0x1] =	wrdreg $0xFFFFFFFF  }
0xa7: {  	s28 =	simm.s32 $_size_execute0_lowered;
	s3 =	sadd.s32 s3, s5;
	[dreg:$0x0] =	wrdreg $0x0  }
0xa8: {  	s5 =	sshll.u32 s28, $0x1;
	[dreg:$0x2] =	wrdreg s3  }
0xa9: {  	[dreg:$0x3] =	wrdreg s5  }
0xaa: {  	[dreg:$0x4] =	wrdreg $0xC0  }
0xab: {  	_ =	task [dreg:s7], $0x5FFFF  }
0xac: {  	[dreg:$0x1] =	wrdreg $0xFFFFFFFF  }
0xad: {  	[dreg:$0x0] =	wrdreg $0x60  }
0xae: {  	[dreg:$0x2] =	wrdreg s24  }
0xaf: {  	[dreg:$0x3] =	wrdreg s2  }
0xb0: {  	[dreg:$0x4] =	wrdreg $0xA0000  }
0xb1: {  	[dreg:$0x5] =	wrdreg $0x0  }
0xb2: {  	[dreg:$0x6] =	wrdreg $0x9  }
0xb3: {  	_ =	task.clear_ibuf [dreg:s7], $0x7FFFF;
	_ =	strace $0x90000049  }
0xb4: {  	s29 =	simm.s32 $0x9;
	_ =	strace $0x8000004B  }
0xb5: {  	_ =	swait.ge [sflag:s29], $0x1  }
0xb6: {  	[sflag:s29] =	ssyncadd.s32 $0xFFFFFFFF  }
0xb7: {  	_ =	strace $0x9000004B  }
0xb8: {  	_ =	sfence  }
0xb9: {  	s30 =	sld [smem:$0x0];
	_ =	sdelay $0x2  }
0xba: {  	s31 =	sshll.u32 s1, $0xD;
	s1 =	sshrl.u32 s1, $0x2  }
0xbb: {  	s3 =	sand.u32 $0x4000, s31;
	s1 =	sadd.s32 s1, s30  }
0xbc: {  	s0 =	sor.u32 s3, s0;
	s1 =	sshll.u32 s1, $0x11  }
0xbd: {  	s0 =	sor.u32 s1, s0  }
0xbe: {  	s0 =	sadd.s32 $0x8F2B, s0  }
0xbf: {  	[sflag:s0] =	ssyncadd.remote.s32 $0x1  }
0xc0: {  	_ =	sfence.sel $0xFFFF  }
0xc1: {  	[dreg:$0x0] =	wrdreg $0xFFFFFFFF;
	(pc) =	sbr.abs _section_cstart, $3  }
0xc2: {  	[dreg:$0x1] =	wrdreg $0xFFFFFFFF  }
0xc3: {  	_ =	task.clear_ibuf [dreg:s7], $0x2FFFF;
	_ =	strace $0x9FFFFFFF  }
0xc4: {  	(tm) =	ssettm $0x7FFFFFFF  }
0xc5: {  	_ =	shalt  }
tec
execute0_lowered:
.L_overlay_start_1:
0x0: {  	(tag) =	ssettag $0x1  }
0x1: {  	s0 =	rddreg [dreg:$0x0]  }
0x2: {  	s1 =	rddreg [dreg:$0x1]  }
0x3: {  	s2 =	rddreg [dreg:$0x2]  }
0x4: {  	s3 =	rddreg [dreg:$0x3];
	s5 =	srdreg.scid  }
0x5: {  	s12 =	stileid.u32;
	s4 =	simm.s32 $0x0;
	s20 =	simm.s32 $0x14080  }
0x6: {  	s21 =	simm.s32 $0x14880;
	s23 =	simm.s32 $0x14100;
	s25 =	simm.s32 $0x14900  }
0x7: {  	s14 =	simm.s32 $0x14A00;
	s28 =	simm.s32 $0x2;
	s29 =	simm.s32 $0x5  }
0x8: {  	s30 =	simm.s32 $0x14D80;
	s6 =	smul.u32 $0x280, s12;
	[smem:$0x7FF] =	sst s4  }
0x9: {  	s15 =	smul.u32 $0x28000, s12;
	_ =	strace $0x8000004A;
	[dreg:$0x7] =	wrdreg s20  }
0xa: {  	s31 =	simm.s32 $0x14600;
	s9 =	smul.u32 $0xA000, s12;
	[dreg:$0x8] =	wrdreg s21  }
0xb: {  	s5 =	sand.u32 $0x1, s5;
	s11 =	smul.u32 $0xA80, s12;
	[dreg:$0x9] =	wrdreg s23  }
0xc: {  	s24 =	smul.u32 $0x5400, s12;
	s12 =	simm.s32 $0x14200;
	[dreg:$0xa] =	wrdreg s25  }
0xd: {  	s8 =	sadd.s32 $0x1A00, s0;
	s7 =	smul.u32 $0x2800, s5;
	[dreg:$0xd] =	wrdreg s12  }
0xe: {  	s5 =	ssub.s32 $0x2, s5;
	[dreg:$0xe] =	wrdreg s14;
	s20 =	simm.s32 $0x14380  }
0xf: {  	s21 =	simm.s32 $0x14B80;
	s23 =	simm.s32 $0x14C80;
	[dreg:$0x13] =	wrdreg s20  }
0x10: {  	s25 =	simm.s32 $0x14D00;
	s12 =	simm.s32 $0x0;
	[dreg:$0x14] =	wrdreg s21  }
0x11: {  	s10 =	sshrl.u32 s5, $0x1;
	s17 =	sadd.s32 s11, s8;
	[dreg:$0x16] =	wrdreg s23  }
0x12: {  	s18 =	sadd.s32 s11, s1;
	s22 =	sadd.s32 s9, s3;
	[dreg:$0x18] =	wrdreg s25  }
0x13: {  	s11 =	simm.s32 $0x14980;
	s20 =	simm.s32 $0x14800;
	[dreg:$0x5] =	wrdreg s17  }
0x14: {  	s21 =	simm.s32 $0x4;
	s23 =	simm.s32 $0x14C00;
	[dreg:$0x6] =	wrdreg s18  }
0x15: {  	s6 =	sadd.s32 s6, s7;
	s5 =	ssub.s32 s5, s10;
	[dreg:$0x1f] =	wrdreg s22  }
0x16: {  	s10 =	sadd.s32 s9, s2;
	s9 =	simm.s32 $0x14180;
	[dreg:$0xc] =	wrdreg s11  }
0x17: {  	s7 =	sshrl.u32 s15, $0x2;
	s15 =	simm.s32 $0x14280;
	[dreg:$0xb] =	wrdreg s9  }
0x18: {  	s25 =	simm.s32 $0x80;
	s17 =	simm.s32 $0x14A80;
	[dreg:$0xf] =	wrdreg s15  }
0x19: {  	s18 =	simm.s32 $0x14300;
	s22 =	simm.s32 $0x14480;
	[dreg:$0x10] =	wrdreg s17  }
0x1a: {  	s11 =	simm.s32 $0x14F80;
	s6 =	sshll.u32 s6, $0x3;
	[dreg:$0x11] =	wrdreg s18  }
0x1b: {  	s16 =	sadd.s32 s7, s2;
	s17 =	simm.s32 $0x6;
	[dreg:$0x15] =	wrdreg s22  }
0x1c: {  	s18 =	simm.s32 $0x17000;
	[dreg:$0x1a] =	wrdreg s10;
	s7 =	sadd.s32 $0x2000, s16  }
0x1d: {  	s22 =	simm.s32 $0x14400;
	s13 =	sadd.s32 $0x4000, s16;
	[dreg:$0x1b] =	wrdreg s7  }
0x1e: {  	s9 =	simm.s32 $0x14780;
	s19 =	sadd.s32 $0x6000, s16;
	[dreg:$0x1c] =	wrdreg s13  }
0x1f: {  	s0 =	sadd.s32 s6, s0;
	s6 =	sadd.s32 $0x8000, s16;
	[dreg:$0x1d] =	wrdreg s19  }
0x20: {  	s16 =	smax.u32 s5, $0x1;
	[dreg:$0x1e] =	wrdreg s6;
	s26 =	sadd.s32 $0xC200, s0  }
0x21: {  	s7 =	sshrl.u32 s24, $0x3;
	s0 =	sadd.s32 $0x34200, s0;
	[smem:$0x7FD] =	sst s16  }
0x22: {  	s16 =	simm.s32 $0x15000;
	s19 =	simm.s32 $0x14B00;
	[smem:$0x7F9] =	sst s26  }
0x23: {  	s24 =	simm.s32 $0x14500;
	s6 =	simm.s32 $0x14E80;
	[smem:$0x7FC] =	sst s0  }
0x24: {  	s1 =	sadd.s32 s1, s7;
	s13 =	sadd.s32 s8, s7;
	[dreg:$0x12] =	wrdreg s19  }
0x25: {  	s19 =	simm.s32 $0x14000;
	[dreg:$0x17] =	wrdreg s24;
	s24 =	simm.s32 $0x1  }
0x26: {  	s26 =	simm.s32 $0x14580;
	s0 =	simm.s32 $0x14E00;
	[smem:$0x7FA] =	sst s1  }
0x27: {  	s7 =	simm.s32 $0x14700;
	s8 =	simm.s32 $0x14F00;
	[smem:$0x7FB] =	sst s13  }
0x28: {  	v0 =	vimm.f32 $0.0e+00;
	[dreg:$0x19] =	wrdreg s26;
	s26 =	simm.s32 $0x3;
	s1 =	simm.s32 $0x14680  }
.LBB2_1:
0x29: {  	s13 =	simm.s32 $0x100;
	s5 =	simm.s32 $0x0  }
.LBB2_2:
0x2a: {  	p0 =	sne.s32 s13, $0x7F00;
	[tilespmem:s5+$0x15030] =	vst v0;
	s14 =	smov.u32 s13;
	s13 =	sadd.s32 $0x100, s13  }
.Ltmp0:
0x2b: {  	[tilespmem:s5+$0x15020] =	vst v0;
	(pc) =	sbr.rel @p0 .LBB2_2-.Ltmp0, $3  }
0x2c: {  	[tilespmem:s5+$0x15000] =	vst v0  }
0x2d: {  	[tilespmem:s5+$0x15010] =	vst v0;
	_ =	sdelay $0x1  }
0x2e: {  	s5 =	sshra.s32 s14, $0x2  }
0x2f: {  	[tilespmem:s5+$0x15030] =	vst v0  }
0x30: {  	[tilespmem:s5+$0x15020] =	vst v0  }
0x31: {  	[tilespmem:s5+$0x15000] =	vst v0  }
0x32: {  	[tilespmem:s5+$0x15010] =	vst v0  }
0x33: {  	[spmem:s10] =	stream.linear.scatter [tilespmem:s16], [sflag:$0x6], $0x2000, $0x38;
	[tilespmem:$0x19000] =	vst v63  }
0x34: {  	_ =	swait.ge [sflag:s17], $0x2000  }
0x35: {  	[sflag:s17] =	ssyncset.done $0x0  }
0x36: {  	s14 =	rddreg [dreg:$0x1b];
	[sflag:s17] =	ssyncadd.s32 $0xFFFFE000  }
0x37: {  	[spmem:s14] =	stream.linear.scatter [tilespmem:s16], [sflag:$0x6], $0x2000, $0x38;
	[tilespmem:$0x19000] =	vst v63  }
0x38: {  	_ =	swait.ge [sflag:s17], $0x2000  }
0x39: {  	[sflag:s17] =	ssyncset.done $0x0  }
0x3a: {  	s15 =	rddreg [dreg:$0x1c];
	[sflag:s17] =	ssyncadd.s32 $0xFFFFE000  }
0x3b: {  	[spmem:s15] =	stream.linear.scatter [tilespmem:s16], [sflag:$0x6], $0x2000, $0x38;
	[tilespmem:$0x19000] =	vst v63  }
0x3c: {  	_ =	swait.ge [sflag:s17], $0x2000  }
0x3d: {  	[sflag:s17] =	ssyncset.done $0x0  }
0x3e: {  	s10 =	rddreg [dreg:$0x1d];
	[sflag:s17] =	ssyncadd.s32 $0xFFFFE000  }
0x3f: {  	[spmem:s10] =	stream.linear.scatter [tilespmem:s16], [sflag:$0x6], $0x2000, $0x38;
	[tilespmem:$0x19000] =	vst v63  }
0x40: {  	_ =	swait.ge [sflag:s17], $0x2000  }
0x41: {  	[sflag:s17] =	ssyncset.done $0x0  }
0x42: {  	s13 =	rddreg [dreg:$0x1e];
	[sflag:s17] =	ssyncadd.s32 $0xFFFFE000  }
0x43: {  	[spmem:s13] =	stream.linear.scatter [tilespmem:s16], [sflag:$0x6], $0x2000, $0x38;
	[tilespmem:$0x19000] =	vst v63  }
0x44: {  	s14 =	stileid.u32;
	_ =	swait.ge [sflag:s17], $0x2000  }
0x45: {  	s5 =	sshll.u32 s14, $0x6;
	s13 =	sld [smem:$0x7F9]  }
0x46: {  	s14 =	sor.u32 $0x1C06, s5;
	[sflag:s17] =	ssyncset.done $0x0;
	s10 =	rddreg [dreg:$0x1f]  }
0x47: {  	[smem:$0x7F8] =	sst s14;
	[sflag:s17] =	ssyncadd.s32 $0xFFFFE000;
	s15 =	sshrl.u32 s10, $0x3  }
0x48: {  	[spmem:s15], [sflag:s14] =	dma.local [hbm:s13], $0x1400  }
0x49: {  	_ =	swait.ge [sflag:s17], $0x1400  }
0x4a: {  	[sflag:s17] =	ssyncset.done $0x0  }
0x4b: {  	[sflag:s17] =	ssyncadd.s32 $0xFFFFEC00  }
0x4c: {  	[bflag:$0x0] =	sbarrier.arrive $0xFFFF  }
0x4d: {  	[tilespmem:s16], [sflag:$0x1] =	stream.linear.gather [spmem:s10], $0x2000, $0x38;
	[tilespmem:$0x19000] =	vst v63  }
0x4e: {  	s13 =	sld [smem:$0x7FA]  }
0x4f: {  	[tilespmem:s18], [sflag:$0x2] =	stream.linear.gather [spmem:s10], $0x2000, $0x38;
	[tilespmem:$0x19000] =	vst v63  }
0x50: {  	s14 =	sld [smem:$0x7FB]  }
0x51: {  	[tilespmem:s19], [sflag:$0x4] =	stream.linear.gather [hbm4b:s13+s4], $0x400, $0x38;
	[tilespmem:$0x19000] =	vst v63  }
0x52: {  	_ = 	snop  }
0x53: {  	[tilespmem:s20], [sflag:$0x4] =	stream.linear.gather [hbm4b:s14+s4], $0x400, $0x38;
	[tilespmem:$0x19000] =	vst v63  }
0x54: {  	_ =	swait.ge [sflag:s21], $0x400  }
0x55: {  	[sflag:s21] =	ssyncset.done $0x0  }
0x56: {  	[sflag:s21] =	ssyncadd.s32 $0xFFFFFC00  }
0x57: {  	_ =	swait.ge [sflag:s21], $0x400  }
0x58: {  	s15 =	rddreg [dreg:$0x6]  }
0x59: {  	s10 =	rddreg [dreg:$0x5];
	[sflag:s21] =	ssyncset.done $0x0;
	s5 =	sadd.s32 $0xFFFFF600, s15  }
0x5a: {  	[sflag:s21] =	ssyncadd.s32 $0xFFFFFC00;
	s14 =	sadd.s32 $0xFFFFF600, s10;
	s15 =	sadd.s32 $0xA80, s5  }
0x5b: {  	[tilespmem:s22], [sflag:$0x5] =	stream.linear.gather [hbm4b:s15+s4], $0x400, $0x38;
	[tilespmem:$0x19000] =	vst v63  }
0x5c: {  	s13 =	sadd.s32 $0xA80, s14  }
0x5d: {  	[tilespmem:s23], [sflag:$0x5] =	stream.linear.gather [hbm4b:s13+s4], $0x400, $0x38;
	[tilespmem:$0x19000] =	vst v63  }
0x5e: {  	_ =	swait.ge [sflag:s24], $0x2000  }
0x5f: {  	[sflag:s24] =	ssyncset.done $0x0  }
0x60: {  	[sflag:s24] =	ssyncadd.s32 $0xFFFFE000  }
0x61: {  	[tilespmem:s16], [sflag:$0x3] =	stream.indirect.gather [spmem:s3], $0x40, s19, s25, $0xb8;
	[tilespmem:$0x19000] =	vst v63  }
0x62: {  	_ =	swait.ge [sflag:s26], $0x2000  }
0x63: {  	[sflag:s26] =	ssyncset.done $0x0  }
0x64: {  	[sflag:s26] =	ssyncadd.s32 $0xFFFFE000  }
0x65: {  	[spmem:s2] =	stream.indirect.scatter.add.f32 [tilespmem:s16], [sflag:$0x1], $0x40, s20, s25, $0xb8;
	[tilespmem:$0x19000] =	vst v63  }
0x66: {  	_ =	swait.ge [sflag:s28], $0x2000  }
0x67: {  	[sflag:s28] =	ssyncset.done $0x0  }
0x68: {  	s10 =	rddreg [dreg:$0x7];
	[sflag:s28] =	ssyncadd.s32 $0xFFFFE000  }
0x69: {  	[tilespmem:s18], [sflag:$0x3] =	stream.indirect.gather [spmem:s3], $0x40, s10, s25, $0xb8;
	[tilespmem:$0x19000] =	vst v63  }
0x6a: {  	_ =	swait.ge [sflag:s26], $0x2000  }
0x6b: {  	[sflag:s26] =	ssyncset.done $0x0  }
0x6c: {  	s13 =	rddreg [dreg:$0x8];
	[sflag:s26] =	ssyncadd.s32 $0xFFFFE000  }
0x6d: {  	[spmem:s2] =	stream.indirect.scatter.add.f32 [tilespmem:s18], [sflag:$0x2], $0x40, s13, s25, $0xb8;
	[tilespmem:$0x19000] =	vst v63  }
0x6e: {  	_ =	swait.ge [sflag:s24], $0x2000  }
0x6f: {  	[sflag:s24] =	ssyncset.done $0x0  }
0x70: {  	s10 =	rddreg [dreg:$0x9];
	[sflag:s24] =	ssyncadd.s32 $0xFFFFE000  }
0x71: {  	[tilespmem:s16], [sflag:$0x3] =	stream.indirect.gather [spmem:s3], $0x40, s10, s25, $0xb8;
	[tilespmem:$0x19000] =	vst v63  }
0x72: {  	_ =	swait.ge [sflag:s26], $0x2000  }
0x73: {  	[sflag:s26] =	ssyncset.done $0x0  }
0x74: {  	s13 =	rddreg [dreg:$0xa];
	[sflag:s26] =	ssyncadd.s32 $0xFFFFE000  }
0x75: {  	[spmem:s2] =	stream.indirect.scatter.add.f32 [tilespmem:s16], [sflag:$0x1], $0x40, s13, s25, $0xb8;
	[tilespmem:$0x19000] =	vst v63  }
0x76: {  	_ =	swait.ge [sflag:s28], $0x2000  }
0x77: {  	[sflag:s28] =	ssyncset.done $0x0  }
0x78: {  	s10 =	rddreg [dreg:$0xb];
	[sflag:s28] =	ssyncadd.s32 $0xFFFFE000  }
0x79: {  	[tilespmem:s18], [sflag:$0x3] =	stream.indirect.gather [spmem:s3], $0x40, s10, s25, $0xb8;
	[tilespmem:$0x19000] =	vst v63  }
0x7a: {  	_ =	swait.ge [sflag:s26], $0x2000  }
0x7b: {  	[sflag:s26] =	ssyncset.done $0x0  }
0x7c: {  	s13 =	rddreg [dreg:$0xc];
	[sflag:s26] =	ssyncadd.s32 $0xFFFFE000  }
0x7d: {  	[spmem:s2] =	stream.indirect.scatter.add.f32 [tilespmem:s18], [sflag:$0x2], $0x40, s13, s25, $0xb8;
	[tilespmem:$0x19000] =	vst v63  }
0x7e: {  	_ =	swait.ge [sflag:s24], $0x2000  }
0x7f: {  	[sflag:s24] =	ssyncset.done $0x0  }
0x80: {  	s10 =	rddreg [dreg:$0xd];
	[sflag:s24] =	ssyncadd.s32 $0xFFFFE000  }
0x81: {  	[tilespmem:s16], [sflag:$0x3] =	stream.indirect.gather [spmem:s3], $0x40, s10, s25, $0xb8;
	[tilespmem:$0x19000] =	vst v63  }
0x82: {  	_ =	swait.ge [sflag:s26], $0x2000  }
0x83: {  	[sflag:s26] =	ssyncset.done $0x0  }
0x84: {  	s13 =	rddreg [dreg:$0xe];
	[sflag:s26] =	ssyncadd.s32 $0xFFFFE000  }
0x85: {  	[spmem:s2] =	stream.indirect.scatter.add.f32 [tilespmem:s16], [sflag:$0x1], $0x40, s13, s25, $0xb8;
	[tilespmem:$0x19000] =	vst v63  }
0x86: {  	_ =	swait.ge [sflag:s28], $0x2000  }
0x87: {  	[sflag:s28] =	ssyncset.done $0x0  }
0x88: {  	s10 =	rddreg [dreg:$0xf];
	[sflag:s28] =	ssyncadd.s32 $0xFFFFE000  }
0x89: {  	[tilespmem:s18], [sflag:$0x3] =	stream.indirect.gather [spmem:s3], $0x40, s10, s25, $0xb8;
	[tilespmem:$0x19000] =	vst v63  }
0x8a: {  	_ =	swait.ge [sflag:s26], $0x2000  }
0x8b: {  	[sflag:s26] =	ssyncset.done $0x0  }
0x8c: {  	s13 =	rddreg [dreg:$0x10];
	[sflag:s26] =	ssyncadd.s32 $0xFFFFE000  }
0x8d: {  	[spmem:s2] =	stream.indirect.scatter.add.f32 [tilespmem:s18], [sflag:$0x2], $0x40, s13, s25, $0xb8;
	[tilespmem:$0x19000] =	vst v63  }
0x8e: {  	_ =	swait.ge [sflag:s24], $0x2000  }
0x8f: {  	[sflag:s24] =	ssyncset.done $0x0  }
0x90: {  	s10 =	rddreg [dreg:$0x11];
	[sflag:s24] =	ssyncadd.s32 $0xFFFFE000  }
0x91: {  	[tilespmem:s16], [sflag:$0x3] =	stream.indirect.gather [spmem:s3], $0x40, s10, s25, $0xb8;
	[tilespmem:$0x19000] =	vst v63  }
0x92: {  	_ =	swait.ge [sflag:s26], $0x2000  }
0x93: {  	[sflag:s26] =	ssyncset.done $0x0  }
0x94: {  	s13 =	rddreg [dreg:$0x12];
	[sflag:s26] =	ssyncadd.s32 $0xFFFFE000  }
0x95: {  	[spmem:s2] =	stream.indirect.scatter.add.f32 [tilespmem:s16], [sflag:$0x1], $0x40, s13, s25, $0xb8;
	[tilespmem:$0x19000] =	vst v63  }
0x96: {  	_ =	swait.ge [sflag:s28], $0x2000  }
0x97: {  	[sflag:s28] =	ssyncset.done $0x0  }
0x98: {  	s10 =	rddreg [dreg:$0x13];
	[sflag:s28] =	ssyncadd.s32 $0xFFFFE000  }
0x99: {  	[tilespmem:s18], [sflag:$0x3] =	stream.indirect.gather [spmem:s3], $0x40, s10, s25, $0xb8;
	[tilespmem:$0x19000] =	vst v63  }
0x9a: {  	_ =	swait.ge [sflag:s26], $0x2000  }
0x9b: {  	[sflag:s26] =	ssyncset.done $0x0  }
0x9c: {  	s13 =	rddreg [dreg:$0x14];
	[sflag:s26] =	ssyncadd.s32 $0xFFFFE000  }
0x9d: {  	[spmem:s2] =	stream.indirect.scatter.add.f32 [tilespmem:s18], [sflag:$0x2], $0x40, s13, s25, $0xb8;
	[tilespmem:$0x19000] =	vst v63  }
0x9e: {  	_ =	swait.ge [sflag:s29], $0x400  }
0x9f: {  	[sflag:s29] =	ssyncset.done $0x0  }
0xa0: {  	[sflag:s29] =	ssyncadd.s32 $0xFFFFFC00  }
0xa1: {  	_ =	swait.ge [sflag:s29], $0x400  }
0xa2: {  	[sflag:s29] =	ssyncset.done $0x0  }
0xa3: {  	s5 =	sadd.s32 $0xB00, s5;
	[sflag:s29] =	ssyncadd.s32 $0xFFFFFC00  }
0xa4: {  	[tilespmem:s19], [sflag:$0x4] =	stream.linear.gather [hbm4b:s5+s4], $0x400, $0x38;
	[tilespmem:$0x19000] =	vst v63  }
0xa5: {  	s14 =	sadd.s32 $0xB00, s14  }
0xa6: {  	[tilespmem:s20], [sflag:$0x4] =	stream.linear.gather [hbm4b:s14+s4], $0x400, $0x38;
	[tilespmem:$0x19000] =	vst v63  }
0xa7: {  	_ =	swait.ge [sflag:s24], $0x2000  }
0xa8: {  	[sflag:s24] =	ssyncset.done $0x0  }
0xa9: {  	[sflag:s24] =	ssyncadd.s32 $0xFFFFE000  }
0xaa: {  	[tilespmem:s16], [sflag:$0x3] =	stream.indirect.gather [spmem:s3], $0x40, s22, s25, $0xb8;
	[tilespmem:$0x19000] =	vst v63  }
0xab: {  	_ =	swait.ge [sflag:s26], $0x2000  }
0xac: {  	[sflag:s26] =	ssyncset.done $0x0  }
0xad: {  	[sflag:s26] =	ssyncadd.s32 $0xFFFFE000  }
0xae: {  	[spmem:s2] =	stream.indirect.scatter.add.f32 [tilespmem:s16], [sflag:$0x1], $0x40, s23, s25, $0xb8;
	[tilespmem:$0x19000] =	vst v63  }
0xaf: {  	_ =	swait.ge [sflag:s28], $0x2000  }
0xb0: {  	[sflag:s28] =	ssyncset.done $0x0  }
0xb1: {  	s15 =	rddreg [dreg:$0x15];
	[sflag:s28] =	ssyncadd.s32 $0xFFFFE000  }
0xb2: {  	[tilespmem:s18], [sflag:$0x3] =	stream.indirect.gather [spmem:s3], $0x40, s15, s25, $0xb8;
	[tilespmem:$0x19000] =	vst v63  }
0xb3: {  	_ =	swait.ge [sflag:s26], $0x2000  }
0xb4: {  	[sflag:s26] =	ssyncset.done $0x0  }
0xb5: {  	s10 =	rddreg [dreg:$0x16];
	[sflag:s26] =	ssyncadd.s32 $0xFFFFE000  }
0xb6: {  	[spmem:s2] =	stream.indirect.scatter.add.f32 [tilespmem:s18], [sflag:$0x2], $0x40, s10, s25, $0xb8;
	[tilespmem:$0x19000] =	vst v63  }
0xb7: {  	_ =	swait.ge [sflag:s24], $0x2000  }
0xb8: {  	[sflag:s24] =	ssyncset.done $0x0  }
0xb9: {  	s13 =	rddreg [dreg:$0x17];
	[sflag:s24] =	ssyncadd.s32 $0xFFFFE000  }
0xba: {  	[tilespmem:s16], [sflag:$0x3] =	stream.indirect.gather [spmem:s3], $0x40, s13, s25, $0xb8;
	[tilespmem:$0x19000] =	vst v63  }
0xbb: {  	_ =	swait.ge [sflag:s26], $0x2000  }
0xbc: {  	[sflag:s26] =	ssyncset.done $0x0  }
0xbd: {  	s14 =	rddreg [dreg:$0x18];
	[sflag:s26] =	ssyncadd.s32 $0xFFFFE000  }
0xbe: {  	[spmem:s2] =	stream.indirect.scatter.add.f32 [tilespmem:s16], [sflag:$0x1], $0x40, s14, s25, $0xb8;
	[tilespmem:$0x19000] =	vst v63  }
0xbf: {  	_ =	swait.ge [sflag:s28], $0x2000  }
0xc0: {  	[sflag:s28] =	ssyncset.done $0x0  }
0xc1: {  	s15 =	rddreg [dreg:$0x19];
	[sflag:s28] =	ssyncadd.s32 $0xFFFFE000  }
0xc2: {  	[tilespmem:s18], [sflag:$0x3] =	stream.indirect.gather [spmem:s3], $0x40, s15, s25, $0xb8;
	[tilespmem:$0x19000] =	vst v63  }
0xc3: {  	_ =	swait.ge [sflag:s26], $0x2000  }
0xc4: {  	[sflag:s26] =	ssyncset.done $0x0  }
0xc5: {  	[sflag:s26] =	ssyncadd.s32 $0xFFFFE000  }
0xc6: {  	[spmem:s2] =	stream.indirect.scatter.add.f32 [tilespmem:s18], [sflag:$0x2], $0x40, s30, s25, $0xb8;
	[tilespmem:$0x19000] =	vst v63  }
0xc7: {  	_ =	swait.ge [sflag:s24], $0x2000  }
0xc8: {  	[sflag:s24] =	ssyncset.done $0x0  }
0xc9: {  	[sflag:s24] =	ssyncadd.s32 $0xFFFFE000  }
0xca: {  	[tilespmem:s16], [sflag:$0x3] =	stream.indirect.gather [spmem:s3], $0x40, s31, s25, $0xb8;
	[tilespmem:$0x19000] =	vst v63  }
0xcb: {  	_ =	swait.ge [sflag:s26], $0x2000  }
0xcc: {  	[sflag:s26] =	ssyncset.done $0x0  }
0xcd: {  	[sflag:s26] =	ssyncadd.s32 $0xFFFFE000  }
0xce: {  	[spmem:s2] =	stream.indirect.scatter.add.f32 [tilespmem:s16], [sflag:$0x1], $0x40, s0, s25, $0xb8;
	[tilespmem:$0x19000] =	vst v63  }
0xcf: {  	_ =	swait.ge [sflag:s28], $0x2000  }
0xd0: {  	[sflag:s28] =	ssyncset.done $0x0  }
0xd1: {  	[sflag:s28] =	ssyncadd.s32 $0xFFFFE000  }
0xd2: {  	[tilespmem:s18], [sflag:$0x3] =	stream.indirect.gather [spmem:s3], $0x40, s1, s25, $0xb8;
	[tilespmem:$0x19000] =	vst v63  }
0xd3: {  	_ =	swait.ge [sflag:s26], $0x2000  }
0xd4: {  	[sflag:s26] =	ssyncset.done $0x0  }
0xd5: {  	[sflag:s26] =	ssyncadd.s32 $0xFFFFE000  }
0xd6: {  	[spmem:s2] =	stream.indirect.scatter.add.f32 [tilespmem:s18], [sflag:$0x2], $0x40, s6, s25, $0xb8;
	[tilespmem:$0x19000] =	vst v63  }
0xd7: {  	_ =	swait.ge [sflag:s24], $0x2000  }
0xd8: {  	[sflag:s24] =	ssyncset.done $0x0  }
0xd9: {  	[sflag:s24] =	ssyncadd.s32 $0xFFFFE000  }
0xda: {  	[tilespmem:s16], [sflag:$0x3] =	stream.indirect.gather [spmem:s3], $0x40, s7, s25, $0xb8;
	[tilespmem:$0x19000] =	vst v63  }
0xdb: {  	_ =	swait.ge [sflag:s26], $0x2000  }
0xdc: {  	[sflag:s26] =	ssyncset.done $0x0  }
0xdd: {  	[sflag:s26] =	ssyncadd.s32 $0xFFFFE000  }
0xde: {  	[spmem:s2] =	stream.indirect.scatter.add.f32 [tilespmem:s16], [sflag:$0x1], $0x40, s8, s25, $0xb8;
	[tilespmem:$0x19000] =	vst v63  }
0xdf: {  	_ =	swait.ge [sflag:s28], $0x2000  }
0xe0: {  	[sflag:s28] =	ssyncset.done $0x0  }
0xe1: {  	[sflag:s28] =	ssyncadd.s32 $0xFFFFE000  }
0xe2: {  	[tilespmem:s18], [sflag:$0x3] =	stream.indirect.gather [spmem:s3], $0x40, s9, s25, $0xb8;
	[tilespmem:$0x19000] =	vst v63  }
0xe3: {  	_ =	swait.ge [sflag:s26], $0x2000  }
0xe4: {  	s14 =	simm.s32 $0xFFFFF700;
	[sflag:s26] =	ssyncset.done $0x0  }
.LBB2_4:
0xe5: {  	[sflag:s26] =	ssyncadd.s32 $0xFFFFE000  }
0xe6: {  	[spmem:s2] =	stream.indirect.scatter.add.f32 [tilespmem:s18], [sflag:$0x2], $0x40, s11, s25, $0xb8;
	[tilespmem:$0x19000] =	vst v63  }
0xe7: {  	_ =	swait.ge [sflag:s21], $0x400  }
0xe8: {  	[sflag:s21] =	ssyncset.done $0x0  }
0xe9: {  	[sflag:s21] =	ssyncadd.s32 $0xFFFFFC00  }
0xea: {  	_ =	swait.ge [sflag:s21], $0x400  }
0xeb: {  	s5 =	smov.u32 s14;
	s15 =	rddreg [dreg:$0x6]  }
0xec: {  	s10 =	rddreg [dreg:$0x5];
	[sflag:s21] =	ssyncset.done $0x0;
	s15 =	sadd.s32 s5, s15  }
0xed: {  	[sflag:s21] =	ssyncadd.s32 $0xFFFFFC00;
	s5 =	sadd.s32 s5, s10;
	s13 =	sadd.s32 $0xA80, s15  }
0xee: {  	[tilespmem:s22], [sflag:$0x5] =	stream.linear.gather [hbm4b:s13+s4], $0x400, $0x38;
	[tilespmem:$0x19000] =	vst v63  }
0xef: {  	s10 =	sadd.s32 $0xA80, s5  }
0xf0: {  	[tilespmem:s23], [sflag:$0x5] =	stream.linear.gather [hbm4b:s10+s4], $0x400, $0x38;
	[tilespmem:$0x19000] =	vst v63  }
0xf1: {  	_ =	swait.ge [sflag:s24], $0x2000  }
0xf2: {  	[sflag:s24] =	ssyncset.done $0x0  }
0xf3: {  	[sflag:s24] =	ssyncadd.s32 $0xFFFFE000  }
0xf4: {  	[tilespmem:s16], [sflag:$0x3] =	stream.indirect.gather [spmem:s3], $0x40, s19, s25, $0xb8;
	[tilespmem:$0x19000] =	vst v63  }
0xf5: {  	_ =	swait.ge [sflag:s26], $0x2000  }
0xf6: {  	[sflag:s26] =	ssyncset.done $0x0  }
0xf7: {  	[sflag:s26] =	ssyncadd.s32 $0xFFFFE000  }
0xf8: {  	[spmem:s2] =	stream.indirect.scatter.add.f32 [tilespmem:s16], [sflag:$0x1], $0x40, s20, s25, $0xb8;
	[tilespmem:$0x19000] =	vst v63  }
0xf9: {  	_ =	swait.ge [sflag:s28], $0x2000  }
0xfa: {  	[sflag:s28] =	ssyncset.done $0x0  }
0xfb: {  	s13 =	rddreg [dreg:$0x7];
	[sflag:s28] =	ssyncadd.s32 $0xFFFFE000  }
0xfc: {  	[tilespmem:s18], [sflag:$0x3] =	stream.indirect.gather [spmem:s3], $0x40, s13, s25, $0xb8;
	[tilespmem:$0x19000] =	vst v63  }
0xfd: {  	_ =	swait.ge [sflag:s26], $0x2000  }
0xfe: {  	[sflag:s26] =	ssyncset.done $0x0  }
0xff: {  	s13 =	rddreg [dreg:$0x8];
	[sflag:s26] =	ssyncadd.s32 $0xFFFFE000  }
0x100: {  	[spmem:s2] =	stream.indirect.scatter.add.f32 [tilespmem:s18], [sflag:$0x2], $0x40, s13, s25, $0xb8;
	[tilespmem:$0x19000] =	vst v63  }
0x101: {  	_ =	swait.ge [sflag:s24], $0x2000  }
0x102: {  	[sflag:s24] =	ssyncset.done $0x0  }
0x103: {  	s13 =	rddreg [dreg:$0x9];
	[sflag:s24] =	ssyncadd.s32 $0xFFFFE000  }
0x104: {  	[tilespmem:s16], [sflag:$0x3] =	stream.indirect.gather [spmem:s3], $0x40, s13, s25, $0xb8;
	[tilespmem:$0x19000] =	vst v63  }
0x105: {  	_ =	swait.ge [sflag:s26], $0x2000  }
0x106: {  	[sflag:s26] =	ssyncset.done $0x0  }
0x107: {  	s13 =	rddreg [dreg:$0xa];
	[sflag:s26] =	ssyncadd.s32 $0xFFFFE000  }
0x108: {  	[spmem:s2] =	stream.indirect.scatter.add.f32 [tilespmem:s16], [sflag:$0x1], $0x40, s13, s25, $0xb8;
	[tilespmem:$0x19000] =	vst v63  }
0x109: {  	_ =	swait.ge [sflag:s28], $0x2000  }
0x10a: {  	[sflag:s28] =	ssyncset.done $0x0  }
0x10b: {  	s13 =	rddreg [dreg:$0xb];
	[sflag:s28] =	ssyncadd.s32 $0xFFFFE000  }
0x10c: {  	[tilespmem:s18], [sflag:$0x3] =	stream.indirect.gather [spmem:s3], $0x40, s13, s25, $0xb8;
	[tilespmem:$0x19000] =	vst v63  }
0x10d: {  	_ =	swait.ge [sflag:s26], $0x2000  }
0x10e: {  	[sflag:s26] =	ssyncset.done $0x0  }
0x10f: {  	s13 =	rddreg [dreg:$0xc];
	[sflag:s26] =	ssyncadd.s32 $0xFFFFE000  }
0x110: {  	[spmem:s2] =	stream.indirect.scatter.add.f32 [tilespmem:s18], [sflag:$0x2], $0x40, s13, s25, $0xb8;
	[tilespmem:$0x19000] =	vst v63  }
0x111: {  	_ =	swait.ge [sflag:s24], $0x2000  }
0x112: {  	[sflag:s24] =	ssyncset.done $0x0  }
0x113: {  	s13 =	rddreg [dreg:$0xd];
	[sflag:s24] =	ssyncadd.s32 $0xFFFFE000  }
0x114: {  	[tilespmem:s16], [sflag:$0x3] =	stream.indirect.gather [spmem:s3], $0x40, s13, s25, $0xb8;
	[tilespmem:$0x19000] =	vst v63  }
0x115: {  	_ =	swait.ge [sflag:s26], $0x2000  }
0x116: {  	[sflag:s26] =	ssyncset.done $0x0  }
0x117: {  	s13 =	rddreg [dreg:$0xe];
	[sflag:s26] =	ssyncadd.s32 $0xFFFFE000  }
0x118: {  	[spmem:s2] =	stream.indirect.scatter.add.f32 [tilespmem:s16], [sflag:$0x1], $0x40, s13, s25, $0xb8;
	[tilespmem:$0x19000] =	vst v63  }
0x119: {  	_ =	swait.ge [sflag:s28], $0x2000  }
0x11a: {  	[sflag:s28] =	ssyncset.done $0x0  }
0x11b: {  	s13 =	rddreg [dreg:$0xf];
	[sflag:s28] =	ssyncadd.s32 $0xFFFFE000  }
0x11c: {  	[tilespmem:s18], [sflag:$0x3] =	stream.indirect.gather [spmem:s3], $0x40, s13, s25, $0xb8;
	[tilespmem:$0x19000] =	vst v63  }
0x11d: {  	_ =	swait.ge [sflag:s26], $0x2000  }
0x11e: {  	[sflag:s26] =	ssyncset.done $0x0  }
0x11f: {  	s13 =	rddreg [dreg:$0x10];
	[sflag:s26] =	ssyncadd.s32 $0xFFFFE000  }
0x120: {  	[spmem:s2] =	stream.indirect.scatter.add.f32 [tilespmem:s18], [sflag:$0x2], $0x40, s13, s25, $0xb8;
	[tilespmem:$0x19000] =	vst v63  }
0x121: {  	_ =	swait.ge [sflag:s24], $0x2000  }
0x122: {  	[sflag:s24] =	ssyncset.done $0x0  }
0x123: {  	s13 =	rddreg [dreg:$0x11];
	[sflag:s24] =	ssyncadd.s32 $0xFFFFE000  }
0x124: {  	[tilespmem:s16], [sflag:$0x3] =	stream.indirect.gather [spmem:s3], $0x40, s13, s25, $0xb8;
	[tilespmem:$0x19000] =	vst v63  }
0x125: {  	_ =	swait.ge [sflag:s26], $0x2000  }
0x126: {  	[sflag:s26] =	ssyncset.done $0x0  }
0x127: {  	s13 =	rddreg [dreg:$0x12];
	[sflag:s26] =	ssyncadd.s32 $0xFFFFE000  }
0x128: {  	[spmem:s2] =	stream.indirect.scatter.add.f32 [tilespmem:s16], [sflag:$0x1], $0x40, s13, s25, $0xb8;
	[tilespmem:$0x19000] =	vst v63  }
0x129: {  	_ =	swait.ge [sflag:s28], $0x2000  }
0x12a: {  	[sflag:s28] =	ssyncset.done $0x0  }
0x12b: {  	s13 =	rddreg [dreg:$0x13];
	[sflag:s28] =	ssyncadd.s32 $0xFFFFE000  }
0x12c: {  	[tilespmem:s18], [sflag:$0x3] =	stream.indirect.gather [spmem:s3], $0x40, s13, s25, $0xb8;
	[tilespmem:$0x19000] =	vst v63  }
0x12d: {  	_ =	swait.ge [sflag:s26], $0x2000  }
0x12e: {  	[sflag:s26] =	ssyncset.done $0x0  }
0x12f: {  	s13 =	rddreg [dreg:$0x14];
	[sflag:s26] =	ssyncadd.s32 $0xFFFFE000  }
0x130: {  	[spmem:s2] =	stream.indirect.scatter.add.f32 [tilespmem:s18], [sflag:$0x2], $0x40, s13, s25, $0xb8;
	[tilespmem:$0x19000] =	vst v63  }
0x131: {  	_ =	swait.ge [sflag:s29], $0x400  }
0x132: {  	[sflag:s29] =	ssyncset.done $0x0  }
0x133: {  	[sflag:s29] =	ssyncadd.s32 $0xFFFFFC00  }
0x134: {  	_ =	swait.ge [sflag:s29], $0x400  }
0x135: {  	[sflag:s29] =	ssyncset.done $0x0  }
0x136: {  	s15 =	sadd.s32 $0xB00, s15;
	[sflag:s29] =	ssyncadd.s32 $0xFFFFFC00  }
0x137: {  	[tilespmem:s19], [sflag:$0x4] =	stream.linear.gather [hbm4b:s15+s4], $0x400, $0x38;
	[tilespmem:$0x19000] =	vst v63  }
0x138: {  	s5 =	sadd.s32 $0xB00, s5  }
0x139: {  	[tilespmem:s20], [sflag:$0x4] =	stream.linear.gather [hbm4b:s5+s4], $0x400, $0x38;
	[tilespmem:$0x19000] =	vst v63  }
0x13a: {  	_ =	swait.ge [sflag:s24], $0x2000  }
0x13b: {  	[sflag:s24] =	ssyncset.done $0x0  }
0x13c: {  	[sflag:s24] =	ssyncadd.s32 $0xFFFFE000  }
0x13d: {  	[tilespmem:s16], [sflag:$0x3] =	stream.indirect.gather [spmem:s3], $0x40, s22, s25, $0xb8;
	[tilespmem:$0x19000] =	vst v63  }
0x13e: {  	_ =	swait.ge [sflag:s26], $0x2000  }
0x13f: {  	[sflag:s26] =	ssyncset.done $0x0  }
0x140: {  	[sflag:s26] =	ssyncadd.s32 $0xFFFFE000  }
0x141: {  	[spmem:s2] =	stream.indirect.scatter.add.f32 [tilespmem:s16], [sflag:$0x1], $0x40, s23, s25, $0xb8;
	[tilespmem:$0x19000] =	vst v63  }
0x142: {  	_ =	swait.ge [sflag:s28], $0x2000  }
0x143: {  	[sflag:s28] =	ssyncset.done $0x0  }
0x144: {  	s13 =	rddreg [dreg:$0x15];
	[sflag:s28] =	ssyncadd.s32 $0xFFFFE000  }
0x145: {  	[tilespmem:s18], [sflag:$0x3] =	stream.indirect.gather [spmem:s3], $0x40, s13, s25, $0xb8;
	[tilespmem:$0x19000] =	vst v63  }
0x146: {  	_ =	swait.ge [sflag:s26], $0x2000  }
0x147: {  	[sflag:s26] =	ssyncset.done $0x0  }
0x148: {  	s15 =	rddreg [dreg:$0x16];
	[sflag:s26] =	ssyncadd.s32 $0xFFFFE000  }
0x149: {  	[spmem:s2] =	stream.indirect.scatter.add.f32 [tilespmem:s18], [sflag:$0x2], $0x40, s15, s25, $0xb8;
	[tilespmem:$0x19000] =	vst v63  }
0x14a: {  	_ =	swait.ge [sflag:s24], $0x2000  }
0x14b: {  	[sflag:s24] =	ssyncset.done $0x0  }
0x14c: {  	s10 =	rddreg [dreg:$0x17];
	[sflag:s24] =	ssyncadd.s32 $0xFFFFE000  }
0x14d: {  	[tilespmem:s16], [sflag:$0x3] =	stream.indirect.gather [spmem:s3], $0x40, s10, s25, $0xb8;
	[tilespmem:$0x19000] =	vst v63  }
0x14e: {  	_ =	swait.ge [sflag:s26], $0x2000  }
0x14f: {  	[sflag:s26] =	ssyncset.done $0x0  }
0x150: {  	s13 =	rddreg [dreg:$0x18];
	[sflag:s26] =	ssyncadd.s32 $0xFFFFE000  }
0x151: {  	[spmem:s2] =	stream.indirect.scatter.add.f32 [tilespmem:s16], [sflag:$0x1], $0x40, s13, s25, $0xb8;
	[tilespmem:$0x19000] =	vst v63  }
0x152: {  	_ =	swait.ge [sflag:s28], $0x2000  }
0x153: {  	[sflag:s28] =	ssyncset.done $0x0  }
0x154: {  	s15 =	rddreg [dreg:$0x19];
	[sflag:s28] =	ssyncadd.s32 $0xFFFFE000  }
0x155: {  	[tilespmem:s18], [sflag:$0x3] =	stream.indirect.gather [spmem:s3], $0x40, s15, s25, $0xb8;
	[tilespmem:$0x19000] =	vst v63  }
0x156: {  	_ =	swait.ge [sflag:s26], $0x2000  }
0x157: {  	[sflag:s26] =	ssyncset.done $0x0  }
0x158: {  	[sflag:s26] =	ssyncadd.s32 $0xFFFFE000  }
0x159: {  	[spmem:s2] =	stream.indirect.scatter.add.f32 [tilespmem:s18], [sflag:$0x2], $0x40, s30, s25, $0xb8;
	[tilespmem:$0x19000] =	vst v63  }
0x15a: {  	_ =	swait.ge [sflag:s24], $0x2000  }
0x15b: {  	[sflag:s24] =	ssyncset.done $0x0  }
0x15c: {  	[sflag:s24] =	ssyncadd.s32 $0xFFFFE000  }
0x15d: {  	[tilespmem:s16], [sflag:$0x3] =	stream.indirect.gather [spmem:s3], $0x40, s31, s25, $0xb8;
	[tilespmem:$0x19000] =	vst v63  }
0x15e: {  	_ =	swait.ge [sflag:s26], $0x2000  }
0x15f: {  	[sflag:s26] =	ssyncset.done $0x0  }
0x160: {  	[sflag:s26] =	ssyncadd.s32 $0xFFFFE000  }
0x161: {  	[spmem:s2] =	stream.indirect.scatter.add.f32 [tilespmem:s16], [sflag:$0x1], $0x40, s0, s25, $0xb8;
	[tilespmem:$0x19000] =	vst v63  }
0x162: {  	_ =	swait.ge [sflag:s28], $0x2000  }
0x163: {  	[sflag:s28] =	ssyncset.done $0x0  }
0x164: {  	[sflag:s28] =	ssyncadd.s32 $0xFFFFE000  }
0x165: {  	[tilespmem:s18], [sflag:$0x3] =	stream.indirect.gather [spmem:s3], $0x40, s1, s25, $0xb8;
	[tilespmem:$0x19000] =	vst v63  }
0x166: {  	_ =	swait.ge [sflag:s26], $0x2000  }
0x167: {  	[sflag:s26] =	ssyncset.done $0x0  }
0x168: {  	[sflag:s26] =	ssyncadd.s32 $0xFFFFE000  }
0x169: {  	[spmem:s2] =	stream.indirect.scatter.add.f32 [tilespmem:s18], [sflag:$0x2], $0x40, s6, s25, $0xb8;
	[tilespmem:$0x19000] =	vst v63  }
0x16a: {  	_ =	swait.ge [sflag:s24], $0x2000  }
0x16b: {  	[sflag:s24] =	ssyncset.done $0x0  }
0x16c: {  	[sflag:s24] =	ssyncadd.s32 $0xFFFFE000  }
0x16d: {  	[tilespmem:s16], [sflag:$0x3] =	stream.indirect.gather [spmem:s3], $0x40, s7, s25, $0xb8;
	[tilespmem:$0x19000] =	vst v63  }
0x16e: {  	_ =	swait.ge [sflag:s26], $0x2000  }
0x16f: {  	[sflag:s26] =	ssyncset.done $0x0  }
0x170: {  	[sflag:s26] =	ssyncadd.s32 $0xFFFFE000  }
0x171: {  	[spmem:s2] =	stream.indirect.scatter.add.f32 [tilespmem:s16], [sflag:$0x1], $0x40, s8, s25, $0xb8;
	[tilespmem:$0x19000] =	vst v63  }
0x172: {  	p0 =	sne.s32 s14, $0xFFFFFF00;
	_ =	swait.ge [sflag:s28], $0x2000  }
.Ltmp1:
0x173: {  	[sflag:s28] =	ssyncset.done $0x0;
	(pc) =	sbr.rel @p0 .LBB2_4-.Ltmp1, $4  }
0x174: {  	[sflag:s28] =	ssyncadd.s32 $0xFFFFE000  }
0x175: {  	[tilespmem:s18], [sflag:$0x3] =	stream.indirect.gather [spmem:s3], $0x40, s9, s25, $0xb8;
	[tilespmem:$0x19000] =	vst v63  }
0x176: {  	_ =	swait.ge [sflag:s26], $0x2000  }
0x177: {  	s14 =	sadd.s32 $0x100, s14;
	[sflag:s26] =	ssyncset.done $0x0  }
0x178: {  	[sflag:s26] =	ssyncadd.s32 $0xFFFFE000  }
0x179: {  	[spmem:s2] =	stream.indirect.scatter.add.f32 [tilespmem:s18], [sflag:$0x2], $0x40, s11, s25, $0xb8;
	[tilespmem:$0x19000] =	vst v63  }
0x17a: {  	_ =	swait.ge [sflag:s24], $0x2000  }
0x17b: {  	[sflag:s24] =	ssyncset.done $0x0  }
0x17c: {  	[sflag:s24] =	ssyncadd.s32 $0xFFFFE000  }
0x17d: {  	_ =	swait.ge [sflag:s28], $0x2000  }
0x17e: {  	[sflag:s28] =	ssyncset.done $0x0  }
0x17f: {  	[sflag:s28] =	ssyncadd.s32 $0xFFFFE000  }
0x180: {  	_ =	swait.ge [sflag:s21], $0x400  }
0x181: {  	[sflag:s21] =	ssyncset.done $0x0  }
0x182: {  	[sflag:s21] =	ssyncadd.s32 $0xFFFFFC00  }
0x183: {  	_ =	swait.ge [sflag:s21], $0x400  }
0x184: {  	[sflag:s21] =	ssyncset.done $0x0  }
0x185: {  	[sflag:s21] =	ssyncadd.s32 $0xFFFFFC00  }
0x186: {  	[bflag:$0x0] =	sbarrier.arrive $0xFFFF  }
0x187: {  	s13 =	sld [smem:$0x7FC]  }
0x188: {  	s14 =	sld [smem:$0x7F8]  }
0x189: {  	s10 =	rddreg [dreg:$0x1a]  }
0x18a: {  	s5 =	sshrl.u32 s10, $0x3  }
0x18b: {  	[hbm:s13], [sflag:s14] =	dma.local [spmem:s5], $0x1400  }
0x18c: {  	_ =	swait.ge [sflag:s17], $0x1400  }
0x18d: {  	s15 =	sld [smem:$0x7FD];
	_ =	sdelay $0x1  }
0x18e: {  	s12 =	sadd.s32 $0x1, s12  }
0x18f: {  	p0 =	sne.s32 s12, s15  }
.Ltmp2:
0x190: {  	_ = 	snop;
	(pc) =	sbr.rel @p0 .LBB2_1-.Ltmp2, $3  }
0x191: {  	_ =	sdelay $0x1  }
0x192: {  	[sflag:s17] =	ssyncset.done $0x0  }
0x193: {  	[sflag:s17] =	ssyncadd.s32 $0xFFFFEC00  }
0x194: {  	_ =	sfence.sel $0x180000  }
0x195: {  	[bflag:$0x0] =	sbarrier.arrive $0xFFFF  }
0x196: {  	_ =	strace $0x9000004A  }
0x197: {  	s0 =	stileid.u32;
	[bflag:$0x2] =	sbarrier.arrive $0xFFFF  }
0x198: {  	p0 =	sne.s32 s0, $0x0;
	s0 =	rddreg [dreg:$0x4]  }
0x199: {  	s0 =	sadd.s32 @!p0 $0x100000, s0  }
0x19a: {  	[sflag:s0] =	ssyncadd.tile.s32 @!p0 $0x1;
	_ =	shalt  }
.Lfunc_end2:
_tile_overlayer_lowered:
.L_overlay_start_2:
0x19b: {  	(tag) =	ssettag $0x2  }
0x19c: {  	s0 =	rddreg [dreg:$0x0];
	s2 =	stileid.u32  }
0x19d: {  	s1 =	rddreg [dreg:$0x1];
	p0 =	sne.s32 s2, $0x0  }
0x19e: {  	s3 =	rddreg [dreg:$0x2];
	[bflag:$0x3] =	sbarrier.arrive $0xFFFF;
	s2 =	simm.s32 @!p0 $0x1C06  }
0x19f: {  	[timem:s3], [sflag:s2] =	dma.local @!p0 [hbm:s0], s1  }
0x1a0: {  	s0 =	simm.s32 @!p0 $0x6  }
0x1a1: {  	_ =	swait.ge @!p0 [sflag:s0], s1  }
0x1a2: {  	s1 =	ssub.s32 @!p0 $0x0, s1;
	[sflag:s0] =	ssyncset.done @!p0 $0x0  }
0x1a3: {  	[sflag:s0] =	ssyncadd.s32 @!p0 s1  }
0x1a4: {  	[bflag:$0x3] =	sbarrier.arrive $0xFFFF  }
0x1a5: {  	_ =	shalt  }

// kernel: _run.15.cloned.1.call-start
scs
__scs_entry_jumppad:
0x0: {  	(pc) =	sbr.rel $0x88, $3  }
0x1: {  	(tag) =	ssettag $0x0;
	lr =	simm.s32 $0x1  }
0x2: {  	[smem:$0x3F96] =	sst lr;
	_ =	strace $0xD0000000  }
0x3: {  	_ = 	snop  }
0x4: {  	_ = 	snop  }
0x5: {  	_ = 	snop  }
0x6: {  	_ = 	snop  }
0x7: {  	_ = 	snop  }
__scs_overlays_trampoline_lowered:
0x8: {  	[smem:$0x3FA5] =	sst s0  }
0x9: {  	[smem:$0x3FA6] =	sst s1  }
0xa: {  	[smem:$0x3FA7] =	sst s2  }
0xb: {  	[smem:$0x3FA8] =	sst s3  }
0xc: {  	[smem:$0x3FA9] =	sst s4  }
0xd: {  	[smem:$0x3FAA] =	sst s5  }
0xe: {  	[smem:$0x3FAB] =	sst s6  }
0xf: {  	[smem:$0x3FAC] =	sst s7  }
0x10: {  	[smem:$0x3FAD] =	sst s8  }
0x11: {  	[smem:$0x3FAE] =	sst s9;
	s0 =	simm.s32 @!p0 $0x0  }
0x12: {  	s1 =	sld [smem:$0x3F94];
	s0 =	simm.s32 @p0 $0x1  }
0x13: {  	[smem:$0x3FAF] =	sst s0;
	s0 =	simm.s32 @!p1 $0x0  }
0x14: {  	s2 =	sld [smem:$0x3F93];
	s0 =	simm.s32 @p1 $0x1  }
0x15: {  	[smem:$0x3FB0] =	sst s0;
	s0 =	simm.s32 @!p2 $0x0  }
0x16: {  	s3 =	sld [smem:$0x3FDB];
	s0 =	simm.s32 @p2 $0x1  }
0x17: {  	s4 =	simm.s32 $0x1BF5;
	[smem:$0x3FB2] =	sst s0  }
0x18: {  	s0 =	sld [smem:$0x3F95];
	_ =	swait.ge [sflag:s4], $0x0  }
0x19: {  	s7 =	sld [smem:$0x3F96]  }
0x1a: {  	s8 =	sadd.s32 $0xFFFFE003, lr  }
0x1b: {  	s9 =	sadd.s32 $0xFFFFFEF7, lr;
	s5 =	simm.s32 $0xFFFFFFFF;
	p2 =	slt.u32 s8, $0xFFFFF086  }
0x1c: {  	p1 =	slt.u32 s9, $0xF7A;
	s5 =	simm.s32 @!p2 $0x0  }
0x1d: {  	s5 =	simm.s32 @p1 $0x1;
	p0 =	seq.s32 s7, s2  }
0x1e: {  	s7 =	smul.u32 @!p0 $0xF7A, s2;
	p2 =	seq.s32 @!p0 s5, $0x0  }
0x1f: {  	s9 =	smul.u32 $0xF7A, s1;
	s8 =	simm.s32 @!p0 $0x1BF5;
	p2 =	por !p2, p0  }
0x20: {  	[sflag:s8] =	ssyncset.s32 @!p0 $0xFFFFF086;
	s6 =	sadd.s32 @!p0 s3, s7;
	s7 =	simm.s32 @!p0 $0x108  }
0x21: {  	s3 =	sadd.s32 s3, s9;
	s6 =	sadd.s32 @!p0 $0x88, s6;
	s7 =	simm.s32 @p2 $0x1082  }
0x22: {  	[simem:s7], [sflag:s8] =	dma.local @!p0 [hbm:s6], $0xF7A  }
0x23: {  	s9 =	sor.u32 $0xD0000000, s2;
	s6 =	simm.s32 $0x108;
	_ =	swait.ge @!p0 [sflag:s8], $0x0  }
0x24: {  	s3 =	sadd.s32 $0x88, s3;
	s6 =	simm.s32 @!p1 $0x1082;
	[sflag:s4] =	ssyncset.s32 $0xFFFFF086  }
0x25: {  	[simem:s6], [sflag:s4] =	dma.local [hbm:s3], $0xF7A  }
0x26: {  	[smem:$0x3F96] =	sst s1;
	(tag) =	ssettag s2;
	_ =	strace s9  }
0x27: {  	s1 =	sld [smem:$0x3FA6]  }
0x28: {  	s2 =	sld [smem:$0x3FA7]  }
0x29: {  	s4 =	sld [smem:$0x3FA9]  }
0x2a: {  	p0 =	seq.s32 s5, $0x0;
	s5 =	sld [smem:$0x3FAA]  }
0x2b: {  	s6 =	sld [smem:$0x3FAB]  }
0x2c: {  	s7 =	sld [smem:$0x3FAC]  }
0x2d: {  	s3 =	simm.s32 $0x108;
	s8 =	sld [smem:$0x3FAD]  }
0x2e: {  	s3 =	simm.s32 @!p0 $0x1082;
	s9 =	sld [smem:$0x3FAE]  }
0x2f: {  	lr =	sadd.s32 s0, s3;
	s0 =	sld [smem:$0x3FA5]  }
0x30: {  	s3 =	sld [smem:$0x3FA8]  }
0x31: {  	[smem:$0x3FB1] =	sst s10  }
0x32: {  	s10 =	sld [smem:$0x3FAF];
	_ =	sdelay $0x3  }
0x33: {  	p0 =	seq.s32 s10, $0x1;
	s10 =	sld [smem:$0x3FB1];
	_ =	sdelay $0x3  }
0x34: {  	[smem:$0x3FB1] =	sst s10  }
0x35: {  	s10 =	sld [smem:$0x3FB0];
	_ =	sdelay $0x3  }
0x36: {  	p1 =	seq.s32 s10, $0x1;
	s10 =	sld [smem:$0x3FB1];
	_ =	sdelay $0x3  }
0x37: {  	[smem:$0x3FB1] =	sst s10  }
0x38: {  	s10 =	sld [smem:$0x3FB2]  }
0x39: {  	_ = 	snop;
	(pc) =	sbr.ind lr, $3  }
0x3a: {  	_ = 	snop  }
0x3b: {  	_ = 	snop  }
0x3c: {  	p2 =	seq.s32 s10, $0x1;
	s10 =	sld [smem:$0x3FB1]  }
0x3d: {  	_ =	shalt  }
0x3e: {  	_ =	shalt  }
0x3f: {  	_ =	shalt  }
0x40: {  	_ =	shalt  }
0x41: {  	_ =	shalt  }
0x42: {  	_ =	shalt  }
0x43: {  	_ =	shalt  }
0x44: {  	_ =	shalt  }
0x45: {  	_ =	shalt  }
0x46: {  	_ =	shalt  }
0x47: {  	_ =	shalt  }
0x48: {  	_ =	shalt  }
0x49: {  	_ =	shalt  }
0x4a: {  	_ =	shalt  }
0x4b: {  	_ =	shalt  }
0x4c: {  	_ =	shalt  }
0x4d: {  	_ =	shalt  }
0x4e: {  	_ =	shalt  }
0x4f: {  	_ =	shalt  }
0x50: {  	_ =	shalt  }
0x51: {  	_ =	shalt  }
0x52: {  	_ =	shalt  }
0x53: {  	_ =	shalt  }
0x54: {  	_ =	shalt  }
0x55: {  	_ =	shalt  }
0x56: {  	_ =	shalt  }
0x57: {  	_ =	shalt  }
0x58: {  	_ =	shalt  }
0x59: {  	_ =	shalt  }
0x5a: {  	_ =	shalt  }
0x5b: {  	_ =	shalt  }
0x5c: {  	_ =	shalt  }
0x5d: {  	_ =	shalt  }
0x5e: {  	_ =	shalt  }
0x5f: {  	_ =	shalt  }
0x60: {  	_ =	shalt  }
0x61: {  	_ =	shalt  }
0x62: {  	_ =	shalt  }
0x63: {  	_ =	shalt  }
0x64: {  	_ =	shalt  }
0x65: {  	_ =	shalt  }
0x66: {  	_ =	shalt  }
0x67: {  	_ =	shalt  }
0x68: {  	_ =	shalt  }
0x69: {  	_ =	shalt  }
0x6a: {  	_ =	shalt  }
0x6b: {  	_ =	shalt  }
0x6c: {  	_ =	shalt  }
0x6d: {  	_ =	shalt  }
0x6e: {  	_ =	shalt  }
0x6f: {  	_ =	shalt  }
0x70: {  	_ =	shalt  }
0x71: {  	_ =	shalt  }
0x72: {  	_ =	shalt  }
0x73: {  	_ =	shalt  }
0x74: {  	_ =	shalt  }
0x75: {  	_ =	shalt  }
0x76: {  	_ =	shalt  }
0x77: {  	_ =	shalt  }
0x78: {  	_ =	shalt  }
0x79: {  	_ =	shalt  }
0x7a: {  	_ =	shalt  }
0x7b: {  	_ =	shalt  }
0x7c: {  	_ =	shalt  }
0x7d: {  	_ =	shalt  }
0x7e: {  	_ =	shalt  }
0x7f: {  	_ =	shalt  }
0x80: {  	_ =	shalt  }
0x81: {  	_ =	shalt  }
0x82: {  	_ =	shalt  }
0x83: {  	_ =	shalt  }
0x84: {  	_ =	shalt  }
0x85: {  	_ =	shalt  }
0x86: {  	_ =	shalt  }
0x87: {  	_ =	shalt  }
.Lfunc_end0:
.L_simem_size_0:
called_computation.2_lowered:
.L_overlay_start_0:
0x88: {  	s2 =	sld [smem:$0x3FD9]  }
0x89: {  	s3 =	sld [smem:$0x3FFE];
	_ =	sdelay $0x1  }
0x8a: {  	s1 =	srdreg.scid  }
0x8b: {  	s0 =	sand.u32 $0x1, s1  }
0x8c: {  	s17 =	sshll.u32 s0, $0xA;
	s2 =	sadd.s32 s3, s2  }
0x8d: {  	s2 =	sadd.s32 s2, s17  }
0x8e: {  	[smem:$0x3FBD] =	sst s2  }
0x8f: {  	_ = 	snop  }
0x90: {  	s2 =	sld [smem:$0x3FD0];
	(tm) =	ssettm $0x1  }
0x91: {  	s18 =	sld [smem:$0x3FFB];
	_ =	sdelay $0x3  }
0x92: {  	_ =	strace s18  }
0x93: {  	s3 =	sld [smem:$0x3FFC];
	_ =	sdelay $0x3  }
0x94: {  	_ =	strace s3  }
0x95: {  	s3 =	sld [smem:$0x3FFD];
	_ =	sdelay $0x3  }
0x96: {  	_ =	strace s3  }
0x97: {  	_ =	strace $0x8FFFFFFF  }
0x98: {  	s19 =	sld [smem:$0x3FDB];
	_ =	sdelay $0x1  }
0x99: {  	s4 =	simm.s32 $_scs_section_size  }
0x9a: {  	s5 =	simm.s32 $_size__tile_overlayer_lowered;
	s6 =	simm.s32 $_tile_overlayer_lowered  }
0x9b: {  	s22 =	simm.s32 $0x1BFF;
	s21 =	sshll.u32 s6, $0x1;
	s3 =	sadd.s32 s4, s19  }
0x9c: {  	s7 =	simm.s32 $0x0;
	s20 =	sshll.u32 s5, $0x1;
	s5 =	sadd.s32 s21, s3  }
0x9d: {  	[timem:s7], [sflag:s22] =	dma.local [hbm:s5], s20  }
0x9e: {  	_ =	swait.ge [sflag:s22], s20  }
0x9f: {  	s4 =	ssub.s32 $0x0, s20;
	[sflag:s22] =	ssyncset.done $0x0  }
0xa0: {  	[sflag:s22] =	ssyncadd.s32 s4;
	_ =	sdelay $0x1  }
0xa1: {  	s23 =	simm.s32 $0x1B8B  }
0xa2: {  	_ =	swait.ge [sflag:s23], $0x1  }
0xa3: {  	[sflag:s23] =	ssyncset.done $0x0  }
0xa4: {  	s25 =	simm.s32 $0x1B8E;
	s24 =	sld [smem:$0x3FFE];
	[sflag:s23] =	ssyncadd.s32 $0xFFFFFFFF  }
0xa5: {  	s26 =	simm.s32 $execute0_lowered;
	[smem:$0x3FD2] =	sst s25  }
0xa6: {  	s5 =	sshll.u32 s26, $0x1;
	_ =	strace $0x8000004C;
	[dreg:$0x1] =	wrdreg $0xFFFFFFFF  }
0xa7: {  	s28 =	simm.s32 $_size_execute0_lowered;
	s3 =	sadd.s32 s3, s5;
	[dreg:$0x0] =	wrdreg $0x0  }
0xa8: {  	s5 =	sshll.u32 s28, $0x1;
	[dreg:$0x2] =	wrdreg s3  }
0xa9: {  	[dreg:$0x3] =	wrdreg s5  }
0xaa: {  	[dreg:$0x4] =	wrdreg $0xC0  }
0xab: {  	_ =	task [dreg:s7], $0x5FFFF  }
0xac: {  	[dreg:$0x1] =	wrdreg $0xFFFFFFFF  }
0xad: {  	[dreg:$0x0] =	wrdreg $0x60  }
0xae: {  	[dreg:$0x2] =	wrdreg s24  }
0xaf: {  	[dreg:$0x3] =	wrdreg s2  }
0xb0: {  	[dreg:$0x4] =	wrdreg $0x50000  }
0xb1: {  	[dreg:$0x5] =	wrdreg $0x0  }
0xb2: {  	[dreg:$0x6] =	wrdreg $0x9  }
0xb3: {  	_ =	task.clear_ibuf [dreg:s7], $0x7FFFF;
	_ =	strace $0x9000004C  }
0xb4: {  	s29 =	simm.s32 $0x9;
	_ =	strace $0x8000004E  }
0xb5: {  	_ =	swait.ge [sflag:s29], $0x1  }
0xb6: {  	[sflag:s29] =	ssyncadd.s32 $0xFFFFFFFF  }
0xb7: {  	_ =	strace $0x9000004E  }
0xb8: {  	_ =	sfence  }
0xb9: {  	s30 =	sld [smem:$0x0];
	_ =	sdelay $0x2  }
0xba: {  	s31 =	sshll.u32 s1, $0xD;
	s1 =	sshrl.u32 s1, $0x2  }
0xbb: {  	s3 =	sand.u32 $0x4000, s31;
	s1 =	sadd.s32 s1, s30  }
0xbc: {  	s0 =	sor.u32 s3, s0;
	s1 =	sshll.u32 s1, $0x11  }
0xbd: {  	s0 =	sor.u32 s1, s0  }
0xbe: {  	s0 =	sadd.s32 $0x8F2B, s0  }
0xbf: {  	[sflag:s0] =	ssyncadd.remote.s32 $0x1  }
0xc0: {  	_ =	sfence.sel $0xFFFF  }
0xc1: {  	[dreg:$0x0] =	wrdreg $0xFFFFFFFF;
	(pc) =	sbr.abs _section_cstart, $3  }
0xc2: {  	[dreg:$0x1] =	wrdreg $0xFFFFFFFF  }
0xc3: {  	_ =	task.clear_ibuf [dreg:s7], $0x2FFFF;
	_ =	strace $0x9FFFFFFF  }
0xc4: {  	(tm) =	ssettm $0x7FFFFFFF  }
0xc5: {  	_ =	shalt  }
tec
execute0_lowered:
.L_overlay_start_1:
0x0: {  	(tag) =	ssettag $0x1  }
0x1: {  	s0 =	rddreg [dreg:$0x0]  }
0x2: {  	s1 =	rddreg [dreg:$0x1]  }
0x3: {  	s2 =	rddreg [dreg:$0x2]  }
0x4: {  	s3 =	rddreg [dreg:$0x3];
	s5 =	srdreg.scid  }
0x5: {  	s12 =	stileid.u32;
	s4 =	simm.s32 $0x0;
	s20 =	simm.s32 $0xA080  }
0x6: {  	s21 =	simm.s32 $0xA880;
	s23 =	simm.s32 $0xA100;
	s25 =	simm.s32 $0xA900  }
0x7: {  	s14 =	simm.s32 $0xAA00;
	s28 =	simm.s32 $0x2;
	s29 =	simm.s32 $0x5  }
0x8: {  	s30 =	simm.s32 $0xAD80;
	s6 =	smul.u32 $0x280, s12;
	[smem:$0x7FF] =	sst s4  }
0x9: {  	s15 =	smul.u32 $0x14000, s12;
	_ =	strace $0x8000004D;
	[dreg:$0x7] =	wrdreg s20  }
0xa: {  	s31 =	simm.s32 $0xA600;
	s9 =	smul.u32 $0x5000, s12;
	[dreg:$0x8] =	wrdreg s21  }
0xb: {  	s5 =	sand.u32 $0x1, s5;
	s11 =	smul.u32 $0xA80, s12;
	[dreg:$0x9] =	wrdreg s23  }
0xc: {  	s24 =	smul.u32 $0x5400, s12;
	s12 =	simm.s32 $0xA200;
	[dreg:$0xa] =	wrdreg s25  }
0xd: {  	s8 =	sadd.s32 $0x1A00, s0;
	s7 =	smul.u32 $0x2800, s5;
	[dreg:$0xd] =	wrdreg s12  }
0xe: {  	s5 =	ssub.s32 $0x2, s5;
	[dreg:$0xe] =	wrdreg s14;
	s20 =	simm.s32 $0xA380  }
0xf: {  	s21 =	simm.s32 $0xAB80;
	s23 =	simm.s32 $0xAC80;
	[dreg:$0x13] =	wrdreg s20  }
0x10: {  	s25 =	simm.s32 $0xAD00;
	s12 =	simm.s32 $0x0;
	[dreg:$0x14] =	wrdreg s21  }
0x11: {  	s10 =	sshrl.u32 s5, $0x1;
	s17 =	sadd.s32 s11, s8;
	[dreg:$0x16] =	wrdreg s23  }
0x12: {  	s18 =	sadd.s32 s11, s1;
	s22 =	sadd.s32 s9, s3;
	[dreg:$0x18] =	wrdreg s25  }
0x13: {  	s11 =	simm.s32 $0xA980;
	s20 =	simm.s32 $0xA800;
	[dreg:$0x5] =	wrdreg s17  }
0x14: {  	s21 =	simm.s32 $0x4;
	s23 =	simm.s32 $0xAC00;
	[dreg:$0x6] =	wrdreg s18  }
0x15: {  	s6 =	sadd.s32 s6, s7;
	s5 =	ssub.s32 s5, s10;
	[dreg:$0x1f] =	wrdreg s22  }
0x16: {  	s10 =	sadd.s32 s9, s2;
	s9 =	simm.s32 $0xA180;
	[dreg:$0xc] =	wrdreg s11  }
0x17: {  	s7 =	sshrl.u32 s15, $0x2;
	s15 =	simm.s32 $0xA280;
	[dreg:$0xb] =	wrdreg s9  }
0x18: {  	s25 =	simm.s32 $0x80;
	s17 =	simm.s32 $0xAA80;
	[dreg:$0xf] =	wrdreg s15  }
0x19: {  	s18 =	simm.s32 $0xA300;
	s22 =	simm.s32 $0xA480;
	[dreg:$0x10] =	wrdreg s17  }
0x1a: {  	s11 =	simm.s32 $0xAF80;
	s6 =	sshll.u32 s6, $0x2;
	[dreg:$0x11] =	wrdreg s18  }
0x1b: {  	s16 =	sadd.s32 s7, s2;
	s17 =	simm.s32 $0x6;
	[dreg:$0x15] =	wrdreg s22  }
0x1c: {  	s18 =	simm.s32 $0xC000;
	[dreg:$0x1a] =	wrdreg s10;
	s7 =	sadd.s32 $0x1000, s16  }
0x1d: {  	s22 =	simm.s32 $0xA400;
	s13 =	sadd.s32 $0x2000, s16;
	[dreg:$0x1b] =	wrdreg s7  }
0x1e: {  	s9 =	simm.s32 $0xA780;
	s19 =	sadd.s32 $0x3000, s16;
	[dreg:$0x1c] =	wrdreg s13  }
0x1f: {  	s0 =	sadd.s32 s6, s0;
	s6 =	sadd.s32 $0x4000, s16;
	[dreg:$0x1d] =	wrdreg s19  }
0x20: {  	s16 =	smax.u32 s5, $0x1;
	[dreg:$0x1e] =	wrdreg s6;
	s26 =	sadd.s32 $0x5C200, s0  }
0x21: {  	s7 =	sshrl.u32 s24, $0x3;
	s0 =	sadd.s32 $0xC200, s0;
	[smem:$0x7FD] =	sst s16  }
0x22: {  	s16 =	simm.s32 $0xB000;
	s19 =	simm.s32 $0xAB00;
	[smem:$0x7F9] =	sst s26  }
0x23: {  	s24 =	simm.s32 $0xA500;
	s6 =	simm.s32 $0xAE80;
	[smem:$0x7FC] =	sst s0  }
0x24: {  	s1 =	sadd.s32 s1, s7;
	s13 =	sadd.s32 s8, s7;
	[dreg:$0x12] =	wrdreg s19  }
0x25: {  	s19 =	simm.s32 $0xA000;
	[dreg:$0x17] =	wrdreg s24;
	s24 =	simm.s32 $0x1  }
0x26: {  	s26 =	simm.s32 $0xA580;
	s0 =	simm.s32 $0xAE00;
	[smem:$0x7FA] =	sst s1  }
0x27: {  	s7 =	simm.s32 $0xA700;
	s8 =	simm.s32 $0xAF00;
	[smem:$0x7FB] =	sst s13  }
0x28: {  	v0 =	vimm.f32 $0.0e+00;
	[dreg:$0x19] =	wrdreg s26;
	s26 =	simm.s32 $0x3;
	s1 =	simm.s32 $0xA680  }
.LBB2_1:
0x29: {  	s5 =	simm.s32 $0x80;
	s13 =	simm.s32 $0x0  }
.LBB2_2:
0x2a: {  	p0 =	sne.s32 s5, $0x3F80;
	[tilespmem:s13+$0xB000] =	vst v0;
	s14 =	smov.u32 s5;
	s5 =	sadd.s32 $0x80, s5  }
.Ltmp0:
0x2b: {  	[tilespmem:s13+$0xB010] =	vst v0;
	(pc) =	sbr.rel @p0 .LBB2_2-.Ltmp0, $2  }
0x2c: {  	_ =	sdelay $0x2  }
0x2d: {  	s13 =	sshra.s32 s14, $0x2  }
0x2e: {  	[tilespmem:s13+$0xB000] =	vst v0  }
0x2f: {  	[tilespmem:s13+$0xB010] =	vst v0  }
0x30: {  	[spmem:s10] =	stream.linear.scatter [tilespmem:s16], [sflag:$0x6], $0x1000, $0x38;
	[tilespmem:$0xD000] =	vst v63  }
0x31: {  	_ =	swait.ge [sflag:s17], $0x1000  }
0x32: {  	[sflag:s17] =	ssyncset.done $0x0  }
0x33: {  	s5 =	rddreg [dreg:$0x1b];
	[sflag:s17] =	ssyncadd.s32 $0xFFFFF000  }
0x34: {  	[spmem:s5] =	stream.linear.scatter [tilespmem:s16], [sflag:$0x6], $0x1000, $0x38;
	[tilespmem:$0xD000] =	vst v63  }
0x35: {  	_ =	swait.ge [sflag:s17], $0x1000  }
0x36: {  	[sflag:s17] =	ssyncset.done $0x0  }
0x37: {  	s13 =	rddreg [dreg:$0x1c];
	[sflag:s17] =	ssyncadd.s32 $0xFFFFF000  }
0x38: {  	[spmem:s13] =	stream.linear.scatter [tilespmem:s16], [sflag:$0x6], $0x1000, $0x38;
	[tilespmem:$0xD000] =	vst v63  }
0x39: {  	_ =	swait.ge [sflag:s17], $0x1000  }
0x3a: {  	[sflag:s17] =	ssyncset.done $0x0  }
0x3b: {  	s14 =	rddreg [dreg:$0x1d];
	[sflag:s17] =	ssyncadd.s32 $0xFFFFF000  }
0x3c: {  	[spmem:s14] =	stream.linear.scatter [tilespmem:s16], [sflag:$0x6], $0x1000, $0x38;
	[tilespmem:$0xD000] =	vst v63  }
0x3d: {  	_ =	swait.ge [sflag:s17], $0x1000  }
0x3e: {  	[sflag:s17] =	ssyncset.done $0x0  }
0x3f: {  	s15 =	rddreg [dreg:$0x1e];
	[sflag:s17] =	ssyncadd.s32 $0xFFFFF000  }
0x40: {  	[spmem:s15] =	stream.linear.scatter [tilespmem:s16], [sflag:$0x6], $0x1000, $0x38;
	[tilespmem:$0xD000] =	vst v63  }
0x41: {  	s10 =	stileid.u32;
	_ =	swait.ge [sflag:s17], $0x1000  }
0x42: {  	s5 =	sshll.u32 s10, $0x6;
	s15 =	sld [smem:$0x7F9]  }
0x43: {  	s14 =	sor.u32 $0x1C06, s5;
	[sflag:s17] =	ssyncset.done $0x0;
	s10 =	rddreg [dreg:$0x1f]  }
0x44: {  	[smem:$0x7F8] =	sst s14;
	[sflag:s17] =	ssyncadd.s32 $0xFFFFF000;
	s13 =	sshrl.u32 s10, $0x3  }
0x45: {  	[spmem:s13], [sflag:s14] =	dma.local [hbm:s15], $0xA00  }
0x46: {  	_ =	swait.ge [sflag:s17], $0xA00  }
0x47: {  	[sflag:s17] =	ssyncset.done $0x0  }
0x48: {  	[sflag:s17] =	ssyncadd.s32 $0xFFFFF600  }
0x49: {  	[bflag:$0x0] =	sbarrier.arrive $0xFFFF  }
0x4a: {  	[tilespmem:s16], [sflag:$0x1] =	stream.linear.gather [spmem:s10], $0x1000, $0x38;
	[tilespmem:$0xD000] =	vst v63  }
0x4b: {  	s13 =	sld [smem:$0x7FA]  }
0x4c: {  	[tilespmem:s18], [sflag:$0x2] =	stream.linear.gather [spmem:s10], $0x1000, $0x38;
	[tilespmem:$0xD000] =	vst v63  }
0x4d: {  	s14 =	sld [smem:$0x7FB]  }
0x4e: {  	[tilespmem:s19], [sflag:$0x4] =	stream.linear.gather [hbm4b:s13+s4], $0x400, $0x38;
	[tilespmem:$0xD000] =	vst v63  }
0x4f: {  	_ = 	snop  }
0x50: {  	[tilespmem:s20], [sflag:$0x4] =	stream.linear.gather [hbm4b:s14+s4], $0x400, $0x38;
	[tilespmem:$0xD000] =	vst v63  }
0x51: {  	_ =	swait.ge [sflag:s21], $0x400  }
0x52: {  	[sflag:s21] =	ssyncset.done $0x0  }
0x53: {  	[sflag:s21] =	ssyncadd.s32 $0xFFFFFC00  }
0x54: {  	_ =	swait.ge [sflag:s21], $0x400  }
0x55: {  	s15 =	rddreg [dreg:$0x6]  }
0x56: {  	s10 =	rddreg [dreg:$0x5];
	[sflag:s21] =	ssyncset.done $0x0;
	s5 =	sadd.s32 $0xFFFFF600, s15  }
0x57: {  	[sflag:s21] =	ssyncadd.s32 $0xFFFFFC00;
	s14 =	sadd.s32 $0xFFFFF600, s10;
	s15 =	sadd.s32 $0xA80, s5  }
0x58: {  	[tilespmem:s22], [sflag:$0x5] =	stream.linear.gather [hbm4b:s15+s4], $0x400, $0x38;
	[tilespmem:$0xD000] =	vst v63  }
0x59: {  	s13 =	sadd.s32 $0xA80, s14  }
0x5a: {  	[tilespmem:s23], [sflag:$0x5] =	stream.linear.gather [hbm4b:s13+s4], $0x400, $0x38;
	[tilespmem:$0xD000] =	vst v63  }
0x5b: {  	_ =	swait.ge [sflag:s24], $0x1000  }
0x5c: {  	[sflag:s24] =	ssyncset.done $0x0  }
0x5d: {  	[sflag:s24] =	ssyncadd.s32 $0xFFFFF000  }
0x5e: {  	[tilespmem:s16], [sflag:$0x3] =	stream.indirect.gather [spmem:s3], $0x20, s19, s25, $0xb8;
	[tilespmem:$0xD000] =	vst v63  }
0x5f: {  	_ =	swait.ge [sflag:s26], $0x1000  }
0x60: {  	[sflag:s26] =	ssyncset.done $0x0  }
0x61: {  	[sflag:s26] =	ssyncadd.s32 $0xFFFFF000  }
0x62: {  	[spmem:s2] =	stream.indirect.scatter.add.f32 [tilespmem:s16], [sflag:$0x1], $0x20, s20, s25, $0xb8;
	[tilespmem:$0xD000] =	vst v63  }
0x63: {  	_ =	swait.ge [sflag:s28], $0x1000  }
0x64: {  	[sflag:s28] =	ssyncset.done $0x0  }
0x65: {  	s10 =	rddreg [dreg:$0x7];
	[sflag:s28] =	ssyncadd.s32 $0xFFFFF000  }
0x66: {  	[tilespmem:s18], [sflag:$0x3] =	stream.indirect.gather [spmem:s3], $0x20, s10, s25, $0xb8;
	[tilespmem:$0xD000] =	vst v63  }
0x67: {  	_ =	swait.ge [sflag:s26], $0x1000  }
0x68: {  	[sflag:s26] =	ssyncset.done $0x0  }
0x69: {  	s13 =	rddreg [dreg:$0x8];
	[sflag:s26] =	ssyncadd.s32 $0xFFFFF000  }
0x6a: {  	[spmem:s2] =	stream.indirect.scatter.add.f32 [tilespmem:s18], [sflag:$0x2], $0x20, s13, s25, $0xb8;
	[tilespmem:$0xD000] =	vst v63  }
0x6b: {  	_ =	swait.ge [sflag:s24], $0x1000  }
0x6c: {  	[sflag:s24] =	ssyncset.done $0x0  }
0x6d: {  	s10 =	rddreg [dreg:$0x9];
	[sflag:s24] =	ssyncadd.s32 $0xFFFFF000  }
0x6e: {  	[tilespmem:s16], [sflag:$0x3] =	stream.indirect.gather [spmem:s3], $0x20, s10, s25, $0xb8;
	[tilespmem:$0xD000] =	vst v63  }
0x6f: {  	_ =	swait.ge [sflag:s26], $0x1000  }
0x70: {  	[sflag:s26] =	ssyncset.done $0x0  }
0x71: {  	s13 =	rddreg [dreg:$0xa];
	[sflag:s26] =	ssyncadd.s32 $0xFFFFF000  }
0x72: {  	[spmem:s2] =	stream.indirect.scatter.add.f32 [tilespmem:s16], [sflag:$0x1], $0x20, s13, s25, $0xb8;
	[tilespmem:$0xD000] =	vst v63  }
0x73: {  	_ =	swait.ge [sflag:s28], $0x1000  }
0x74: {  	[sflag:s28] =	ssyncset.done $0x0  }
0x75: {  	s10 =	rddreg [dreg:$0xb];
	[sflag:s28] =	ssyncadd.s32 $0xFFFFF000  }
0x76: {  	[tilespmem:s18], [sflag:$0x3] =	stream.indirect.gather [spmem:s3], $0x20, s10, s25, $0xb8;
	[tilespmem:$0xD000] =	vst v63  }
0x77: {  	_ =	swait.ge [sflag:s26], $0x1000  }
0x78: {  	[sflag:s26] =	ssyncset.done $0x0  }
0x79: {  	s13 =	rddreg [dreg:$0xc];
	[sflag:s26] =	ssyncadd.s32 $0xFFFFF000  }
0x7a: {  	[spmem:s2] =	stream.indirect.scatter.add.f32 [tilespmem:s18], [sflag:$0x2], $0x20, s13, s25, $0xb8;
	[tilespmem:$0xD000] =	vst v63  }
0x7b: {  	_ =	swait.ge [sflag:s24], $0x1000  }
0x7c: {  	[sflag:s24] =	ssyncset.done $0x0  }
0x7d: {  	s10 =	rddreg [dreg:$0xd];
	[sflag:s24] =	ssyncadd.s32 $0xFFFFF000  }
0x7e: {  	[tilespmem:s16], [sflag:$0x3] =	stream.indirect.gather [spmem:s3], $0x20, s10, s25, $0xb8;
	[tilespmem:$0xD000] =	vst v63  }
0x7f: {  	_ =	swait.ge [sflag:s26], $0x1000  }
0x80: {  	[sflag:s26] =	ssyncset.done $0x0  }
0x81: {  	s13 =	rddreg [dreg:$0xe];
	[sflag:s26] =	ssyncadd.s32 $0xFFFFF000  }
0x82: {  	[spmem:s2] =	stream.indirect.scatter.add.f32 [tilespmem:s16], [sflag:$0x1], $0x20, s13, s25, $0xb8;
	[tilespmem:$0xD000] =	vst v63  }
0x83: {  	_ =	swait.ge [sflag:s28], $0x1000  }
0x84: {  	[sflag:s28] =	ssyncset.done $0x0  }
0x85: {  	s10 =	rddreg [dreg:$0xf];
	[sflag:s28] =	ssyncadd.s32 $0xFFFFF000  }
0x86: {  	[tilespmem:s18], [sflag:$0x3] =	stream.indirect.gather [spmem:s3], $0x20, s10, s25, $0xb8;
	[tilespmem:$0xD000] =	vst v63  }
0x87: {  	_ =	swait.ge [sflag:s26], $0x1000  }
0x88: {  	[sflag:s26] =	ssyncset.done $0x0  }
0x89: {  	s13 =	rddreg [dreg:$0x10];
	[sflag:s26] =	ssyncadd.s32 $0xFFFFF000  }
0x8a: {  	[spmem:s2] =	stream.indirect.scatter.add.f32 [tilespmem:s18], [sflag:$0x2], $0x20, s13, s25, $0xb8;
	[tilespmem:$0xD000] =	vst v63  }
0x8b: {  	_ =	swait.ge [sflag:s24], $0x1000  }
0x8c: {  	[sflag:s24] =	ssyncset.done $0x0  }
0x8d: {  	s10 =	rddreg [dreg:$0x11];
	[sflag:s24] =	ssyncadd.s32 $0xFFFFF000  }
0x8e: {  	[tilespmem:s16], [sflag:$0x3] =	stream.indirect.gather [spmem:s3], $0x20, s10, s25, $0xb8;
	[tilespmem:$0xD000] =	vst v63  }
0x8f: {  	_ =	swait.ge [sflag:s26], $0x1000  }
0x90: {  	[sflag:s26] =	ssyncset.done $0x0  }
0x91: {  	s13 =	rddreg [dreg:$0x12];
	[sflag:s26] =	ssyncadd.s32 $0xFFFFF000  }
0x92: {  	[spmem:s2] =	stream.indirect.scatter.add.f32 [tilespmem:s16], [sflag:$0x1], $0x20, s13, s25, $0xb8;
	[tilespmem:$0xD000] =	vst v63  }
0x93: {  	_ =	swait.ge [sflag:s28], $0x1000  }
0x94: {  	[sflag:s28] =	ssyncset.done $0x0  }
0x95: {  	s10 =	rddreg [dreg:$0x13];
	[sflag:s28] =	ssyncadd.s32 $0xFFFFF000  }
0x96: {  	[tilespmem:s18], [sflag:$0x3] =	stream.indirect.gather [spmem:s3], $0x20, s10, s25, $0xb8;
	[tilespmem:$0xD000] =	vst v63  }
0x97: {  	_ =	swait.ge [sflag:s26], $0x1000  }
0x98: {  	[sflag:s26] =	ssyncset.done $0x0  }
0x99: {  	s13 =	rddreg [dreg:$0x14];
	[sflag:s26] =	ssyncadd.s32 $0xFFFFF000  }
0x9a: {  	[spmem:s2] =	stream.indirect.scatter.add.f32 [tilespmem:s18], [sflag:$0x2], $0x20, s13, s25, $0xb8;
	[tilespmem:$0xD000] =	vst v63  }
0x9b: {  	_ =	swait.ge [sflag:s29], $0x400  }
0x9c: {  	[sflag:s29] =	ssyncset.done $0x0  }
0x9d: {  	[sflag:s29] =	ssyncadd.s32 $0xFFFFFC00  }
0x9e: {  	_ =	swait.ge [sflag:s29], $0x400  }
0x9f: {  	[sflag:s29] =	ssyncset.done $0x0  }
0xa0: {  	s5 =	sadd.s32 $0xB00, s5;
	[sflag:s29] =	ssyncadd.s32 $0xFFFFFC00  }
0xa1: {  	[tilespmem:s19], [sflag:$0x4] =	stream.linear.gather [hbm4b:s5+s4], $0x400, $0x38;
	[tilespmem:$0xD000] =	vst v63  }
0xa2: {  	s14 =	sadd.s32 $0xB00, s14  }
0xa3: {  	[tilespmem:s20], [sflag:$0x4] =	stream.linear.gather [hbm4b:s14+s4], $0x400, $0x38;
	[tilespmem:$0xD000] =	vst v63  }
0xa4: {  	_ =	swait.ge [sflag:s24], $0x1000  }
0xa5: {  	[sflag:s24] =	ssyncset.done $0x0  }
0xa6: {  	[sflag:s24] =	ssyncadd.s32 $0xFFFFF000  }
0xa7: {  	[tilespmem:s16], [sflag:$0x3] =	stream.indirect.gather [spmem:s3], $0x20, s22, s25, $0xb8;
	[tilespmem:$0xD000] =	vst v63  }
0xa8: {  	_ =	swait.ge [sflag:s26], $0x1000  }
0xa9: {  	[sflag:s26] =	ssyncset.done $0x0  }
0xaa: {  	[sflag:s26] =	ssyncadd.s32 $0xFFFFF000  }
0xab: {  	[spmem:s2] =	stream.indirect.scatter.add.f32 [tilespmem:s16], [sflag:$0x1], $0x20, s23, s25, $0xb8;
	[tilespmem:$0xD000] =	vst v63  }
0xac: {  	_ =	swait.ge [sflag:s28], $0x1000  }
0xad: {  	[sflag:s28] =	ssyncset.done $0x0  }
0xae: {  	s15 =	rddreg [dreg:$0x15];
	[sflag:s28] =	ssyncadd.s32 $0xFFFFF000  }
0xaf: {  	[tilespmem:s18], [sflag:$0x3] =	stream.indirect.gather [spmem:s3], $0x20, s15, s25, $0xb8;
	[tilespmem:$0xD000] =	vst v63  }
0xb0: {  	_ =	swait.ge [sflag:s26], $0x1000  }
0xb1: {  	[sflag:s26] =	ssyncset.done $0x0  }
0xb2: {  	s10 =	rddreg [dreg:$0x16];
	[sflag:s26] =	ssyncadd.s32 $0xFFFFF000  }
0xb3: {  	[spmem:s2] =	stream.indirect.scatter.add.f32 [tilespmem:s18], [sflag:$0x2], $0x20, s10, s25, $0xb8;
	[tilespmem:$0xD000] =	vst v63  }
0xb4: {  	_ =	swait.ge [sflag:s24], $0x1000  }
0xb5: {  	[sflag:s24] =	ssyncset.done $0x0  }
0xb6: {  	s13 =	rddreg [dreg:$0x17];
	[sflag:s24] =	ssyncadd.s32 $0xFFFFF000  }
0xb7: {  	[tilespmem:s16], [sflag:$0x3] =	stream.indirect.gather [spmem:s3], $0x20, s13, s25, $0xb8;
	[tilespmem:$0xD000] =	vst v63  }
0xb8: {  	_ =	swait.ge [sflag:s26], $0x1000  }
0xb9: {  	[sflag:s26] =	ssyncset.done $0x0  }
0xba: {  	s14 =	rddreg [dreg:$0x18];
	[sflag:s26] =	ssyncadd.s32 $0xFFFFF000  }
0xbb: {  	[spmem:s2] =	stream.indirect.scatter.add.f32 [tilespmem:s16], [sflag:$0x1], $0x20, s14, s25, $0xb8;
	[tilespmem:$0xD000] =	vst v63  }
0xbc: {  	_ =	swait.ge [sflag:s28], $0x1000  }
0xbd: {  	[sflag:s28] =	ssyncset.done $0x0  }
0xbe: {  	s15 =	rddreg [dreg:$0x19];
	[sflag:s28] =	ssyncadd.s32 $0xFFFFF000  }
0xbf: {  	[tilespmem:s18], [sflag:$0x3] =	stream.indirect.gather [spmem:s3], $0x20, s15, s25, $0xb8;
	[tilespmem:$0xD000] =	vst v63  }
0xc0: {  	_ =	swait.ge [sflag:s26], $0x1000  }
0xc1: {  	[sflag:s26] =	ssyncset.done $0x0  }
0xc2: {  	[sflag:s26] =	ssyncadd.s32 $0xFFFFF000  }
0xc3: {  	[spmem:s2] =	stream.indirect.scatter.add.f32 [tilespmem:s18], [sflag:$0x2], $0x20, s30, s25, $0xb8;
	[tilespmem:$0xD000] =	vst v63  }
0xc4: {  	_ =	swait.ge [sflag:s24], $0x1000  }
0xc5: {  	[sflag:s24] =	ssyncset.done $0x0  }
0xc6: {  	[sflag:s24] =	ssyncadd.s32 $0xFFFFF000  }
0xc7: {  	[tilespmem:s16], [sflag:$0x3] =	stream.indirect.gather [spmem:s3], $0x20, s31, s25, $0xb8;
	[tilespmem:$0xD000] =	vst v63  }
0xc8: {  	_ =	swait.ge [sflag:s26], $0x1000  }
0xc9: {  	[sflag:s26] =	ssyncset.done $0x0  }
0xca: {  	[sflag:s26] =	ssyncadd.s32 $0xFFFFF000  }
0xcb: {  	[spmem:s2] =	stream.indirect.scatter.add.f32 [tilespmem:s16], [sflag:$0x1], $0x20, s0, s25, $0xb8;
	[tilespmem:$0xD000] =	vst v63  }
0xcc: {  	_ =	swait.ge [sflag:s28], $0x1000  }
0xcd: {  	[sflag:s28] =	ssyncset.done $0x0  }
0xce: {  	[sflag:s28] =	ssyncadd.s32 $0xFFFFF000  }
0xcf: {  	[tilespmem:s18], [sflag:$0x3] =	stream.indirect.gather [spmem:s3], $0x20, s1, s25, $0xb8;
	[tilespmem:$0xD000] =	vst v63  }
0xd0: {  	_ =	swait.ge [sflag:s26], $0x1000  }
0xd1: {  	[sflag:s26] =	ssyncset.done $0x0  }
0xd2: {  	[sflag:s26] =	ssyncadd.s32 $0xFFFFF000  }
0xd3: {  	[spmem:s2] =	stream.indirect.scatter.add.f32 [tilespmem:s18], [sflag:$0x2], $0x20, s6, s25, $0xb8;
	[tilespmem:$0xD000] =	vst v63  }
0xd4: {  	_ =	swait.ge [sflag:s24], $0x1000  }
0xd5: {  	[sflag:s24] =	ssyncset.done $0x0  }
0xd6: {  	[sflag:s24] =	ssyncadd.s32 $0xFFFFF000  }
0xd7: {  	[tilespmem:s16], [sflag:$0x3] =	stream.indirect.gather [spmem:s3], $0x20, s7, s25, $0xb8;
	[tilespmem:$0xD000] =	vst v63  }
0xd8: {  	_ =	swait.ge [sflag:s26], $0x1000  }
0xd9: {  	[sflag:s26] =	ssyncset.done $0x0  }
0xda: {  	[sflag:s26] =	ssyncadd.s32 $0xFFFFF000  }
0xdb: {  	[spmem:s2] =	stream.indirect.scatter.add.f32 [tilespmem:s16], [sflag:$0x1], $0x20, s8, s25, $0xb8;
	[tilespmem:$0xD000] =	vst v63  }
0xdc: {  	_ =	swait.ge [sflag:s28], $0x1000  }
0xdd: {  	[sflag:s28] =	ssyncset.done $0x0  }
0xde: {  	[sflag:s28] =	ssyncadd.s32 $0xFFFFF000  }
0xdf: {  	[tilespmem:s18], [sflag:$0x3] =	stream.indirect.gather [spmem:s3], $0x20, s9, s25, $0xb8;
	[tilespmem:$0xD000] =	vst v63  }
0xe0: {  	_ =	swait.ge [sflag:s26], $0x1000  }
0xe1: {  	s14 =	simm.s32 $0xFFFFF700;
	[sflag:s26] =	ssyncset.done $0x0  }
.LBB2_4:
0xe2: {  	[sflag:s26] =	ssyncadd.s32 $0xFFFFF000  }
0xe3: {  	[spmem:s2] =	stream.indirect.scatter.add.f32 [tilespmem:s18], [sflag:$0x2], $0x20, s11, s25, $0xb8;
	[tilespmem:$0xD000] =	vst v63  }
0xe4: {  	_ =	swait.ge [sflag:s21], $0x400  }
0xe5: {  	[sflag:s21] =	ssyncset.done $0x0  }
0xe6: {  	[sflag:s21] =	ssyncadd.s32 $0xFFFFFC00  }
0xe7: {  	_ =	swait.ge [sflag:s21], $0x400  }
0xe8: {  	s5 =	smov.u32 s14;
	s15 =	rddreg [dreg:$0x6]  }
0xe9: {  	s10 =	rddreg [dreg:$0x5];
	[sflag:s21] =	ssyncset.done $0x0;
	s15 =	sadd.s32 s5, s15  }
0xea: {  	[sflag:s21] =	ssyncadd.s32 $0xFFFFFC00;
	s5 =	sadd.s32 s5, s10;
	s13 =	sadd.s32 $0xA80, s15  }
0xeb: {  	[tilespmem:s22], [sflag:$0x5] =	stream.linear.gather [hbm4b:s13+s4], $0x400, $0x38;
	[tilespmem:$0xD000] =	vst v63  }
0xec: {  	s10 =	sadd.s32 $0xA80, s5  }
0xed: {  	[tilespmem:s23], [sflag:$0x5] =	stream.linear.gather [hbm4b:s10+s4], $0x400, $0x38;
	[tilespmem:$0xD000] =	vst v63  }
0xee: {  	_ =	swait.ge [sflag:s24], $0x1000  }
0xef: {  	[sflag:s24] =	ssyncset.done $0x0  }
0xf0: {  	[sflag:s24] =	ssyncadd.s32 $0xFFFFF000  }
0xf1: {  	[tilespmem:s16], [sflag:$0x3] =	stream.indirect.gather [spmem:s3], $0x20, s19, s25, $0xb8;
	[tilespmem:$0xD000] =	vst v63  }
0xf2: {  	_ =	swait.ge [sflag:s26], $0x1000  }
0xf3: {  	[sflag:s26] =	ssyncset.done $0x0  }
0xf4: {  	[sflag:s26] =	ssyncadd.s32 $0xFFFFF000  }
0xf5: {  	[spmem:s2] =	stream.indirect.scatter.add.f32 [tilespmem:s16], [sflag:$0x1], $0x20, s20, s25, $0xb8;
	[tilespmem:$0xD000] =	vst v63  }
0xf6: {  	_ =	swait.ge [sflag:s28], $0x1000  }
0xf7: {  	[sflag:s28] =	ssyncset.done $0x0  }
0xf8: {  	s13 =	rddreg [dreg:$0x7];
	[sflag:s28] =	ssyncadd.s32 $0xFFFFF000  }
0xf9: {  	[tilespmem:s18], [sflag:$0x3] =	stream.indirect.gather [spmem:s3], $0x20, s13, s25, $0xb8;
	[tilespmem:$0xD000] =	vst v63  }
0xfa: {  	_ =	swait.ge [sflag:s26], $0x1000  }
0xfb: {  	[sflag:s26] =	ssyncset.done $0x0  }
0xfc: {  	s13 =	rddreg [dreg:$0x8];
	[sflag:s26] =	ssyncadd.s32 $0xFFFFF000  }
0xfd: {  	[spmem:s2] =	stream.indirect.scatter.add.f32 [tilespmem:s18], [sflag:$0x2], $0x20, s13, s25, $0xb8;
	[tilespmem:$0xD000] =	vst v63  }
0xfe: {  	_ =	swait.ge [sflag:s24], $0x1000  }
0xff: {  	[sflag:s24] =	ssyncset.done $0x0  }
0x100: {  	s13 =	rddreg [dreg:$0x9];
	[sflag:s24] =	ssyncadd.s32 $0xFFFFF000  }
0x101: {  	[tilespmem:s16], [sflag:$0x3] =	stream.indirect.gather [spmem:s3], $0x20, s13, s25, $0xb8;
	[tilespmem:$0xD000] =	vst v63  }
0x102: {  	_ =	swait.ge [sflag:s26], $0x1000  }
0x103: {  	[sflag:s26] =	ssyncset.done $0x0  }
0x104: {  	s13 =	rddreg [dreg:$0xa];
	[sflag:s26] =	ssyncadd.s32 $0xFFFFF000  }
0x105: {  	[spmem:s2] =	stream.indirect.scatter.add.f32 [tilespmem:s16], [sflag:$0x1], $0x20, s13, s25, $0xb8;
	[tilespmem:$0xD000] =	vst v63  }
0x106: {  	_ =	swait.ge [sflag:s28], $0x1000  }
0x107: {  	[sflag:s28] =	ssyncset.done $0x0  }
0x108: {  	s13 =	rddreg [dreg:$0xb];
	[sflag:s28] =	ssyncadd.s32 $0xFFFFF000  }
0x109: {  	[tilespmem:s18], [sflag:$0x3] =	stream.indirect.gather [spmem:s3], $0x20, s13, s25, $0xb8;
	[tilespmem:$0xD000] =	vst v63  }
0x10a: {  	_ =	swait.ge [sflag:s26], $0x1000  }
0x10b: {  	[sflag:s26] =	ssyncset.done $0x0  }
0x10c: {  	s13 =	rddreg [dreg:$0xc];
	[sflag:s26] =	ssyncadd.s32 $0xFFFFF000  }
0x10d: {  	[spmem:s2] =	stream.indirect.scatter.add.f32 [tilespmem:s18], [sflag:$0x2], $0x20, s13, s25, $0xb8;
	[tilespmem:$0xD000] =	vst v63  }
0x10e: {  	_ =	swait.ge [sflag:s24], $0x1000  }
0x10f: {  	[sflag:s24] =	ssyncset.done $0x0  }
0x110: {  	s13 =	rddreg [dreg:$0xd];
	[sflag:s24] =	ssyncadd.s32 $0xFFFFF000  }
0x111: {  	[tilespmem:s16], [sflag:$0x3] =	stream.indirect.gather [spmem:s3], $0x20, s13, s25, $0xb8;
	[tilespmem:$0xD000] =	vst v63  }
0x112: {  	_ =	swait.ge [sflag:s26], $0x1000  }
0x113: {  	[sflag:s26] =	ssyncset.done $0x0  }
0x114: {  	s13 =	rddreg [dreg:$0xe];
	[sflag:s26] =	ssyncadd.s32 $0xFFFFF000  }
0x115: {  	[spmem:s2] =	stream.indirect.scatter.add.f32 [tilespmem:s16], [sflag:$0x1], $0x20, s13, s25, $0xb8;
	[tilespmem:$0xD000] =	vst v63  }
0x116: {  	_ =	swait.ge [sflag:s28], $0x1000  }
0x117: {  	[sflag:s28] =	ssyncset.done $0x0  }
0x118: {  	s13 =	rddreg [dreg:$0xf];
	[sflag:s28] =	ssyncadd.s32 $0xFFFFF000  }
0x119: {  	[tilespmem:s18], [sflag:$0x3] =	stream.indirect.gather [spmem:s3], $0x20, s13, s25, $0xb8;
	[tilespmem:$0xD000] =	vst v63  }
0x11a: {  	_ =	swait.ge [sflag:s26], $0x1000  }
0x11b: {  	[sflag:s26] =	ssyncset.done $0x0  }
0x11c: {  	s13 =	rddreg [dreg:$0x10];
	[sflag:s26] =	ssyncadd.s32 $0xFFFFF000  }
0x11d: {  	[spmem:s2] =	stream.indirect.scatter.add.f32 [tilespmem:s18], [sflag:$0x2], $0x20, s13, s25, $0xb8;
	[tilespmem:$0xD000] =	vst v63  }
0x11e: {  	_ =	swait.ge [sflag:s24], $0x1000  }
0x11f: {  	[sflag:s24] =	ssyncset.done $0x0  }
0x120: {  	s13 =	rddreg [dreg:$0x11];
	[sflag:s24] =	ssyncadd.s32 $0xFFFFF000  }
0x121: {  	[tilespmem:s16], [sflag:$0x3] =	stream.indirect.gather [spmem:s3], $0x20, s13, s25, $0xb8;
	[tilespmem:$0xD000] =	vst v63  }
0x122: {  	_ =	swait.ge [sflag:s26], $0x1000  }
0x123: {  	[sflag:s26] =	ssyncset.done $0x0  }
0x124: {  	s13 =	rddreg [dreg:$0x12];
	[sflag:s26] =	ssyncadd.s32 $0xFFFFF000  }
0x125: {  	[spmem:s2] =	stream.indirect.scatter.add.f32 [tilespmem:s16], [sflag:$0x1], $0x20, s13, s25, $0xb8;
	[tilespmem:$0xD000] =	vst v63  }
0x126: {  	_ =	swait.ge [sflag:s28], $0x1000  }
0x127: {  	[sflag:s28] =	ssyncset.done $0x0  }
0x128: {  	s13 =	rddreg [dreg:$0x13];
	[sflag:s28] =	ssyncadd.s32 $0xFFFFF000  }
0x129: {  	[tilespmem:s18], [sflag:$0x3] =	stream.indirect.gather [spmem:s3], $0x20, s13, s25, $0xb8;
	[tilespmem:$0xD000] =	vst v63  }
0x12a: {  	_ =	swait.ge [sflag:s26], $0x1000  }
0x12b: {  	[sflag:s26] =	ssyncset.done $0x0  }
0x12c: {  	s13 =	rddreg [dreg:$0x14];
	[sflag:s26] =	ssyncadd.s32 $0xFFFFF000  }
0x12d: {  	[spmem:s2] =	stream.indirect.scatter.add.f32 [tilespmem:s18], [sflag:$0x2], $0x20, s13, s25, $0xb8;
	[tilespmem:$0xD000] =	vst v63  }
0x12e: {  	_ =	swait.ge [sflag:s29], $0x400  }
0x12f: {  	[sflag:s29] =	ssyncset.done $0x0  }
0x130: {  	[sflag:s29] =	ssyncadd.s32 $0xFFFFFC00  }
0x131: {  	_ =	swait.ge [sflag:s29], $0x400  }
0x132: {  	[sflag:s29] =	ssyncset.done $0x0  }
0x133: {  	s15 =	sadd.s32 $0xB00, s15;
	[sflag:s29] =	ssyncadd.s32 $0xFFFFFC00  }
0x134: {  	[tilespmem:s19], [sflag:$0x4] =	stream.linear.gather [hbm4b:s15+s4], $0x400, $0x38;
	[tilespmem:$0xD000] =	vst v63  }
0x135: {  	s5 =	sadd.s32 $0xB00, s5  }
0x136: {  	[tilespmem:s20], [sflag:$0x4] =	stream.linear.gather [hbm4b:s5+s4], $0x400, $0x38;
	[tilespmem:$0xD000] =	vst v63  }
0x137: {  	_ =	swait.ge [sflag:s24], $0x1000  }
0x138: {  	[sflag:s24] =	ssyncset.done $0x0  }
0x139: {  	[sflag:s24] =	ssyncadd.s32 $0xFFFFF000  }
0x13a: {  	[tilespmem:s16], [sflag:$0x3] =	stream.indirect.gather [spmem:s3], $0x20, s22, s25, $0xb8;
	[tilespmem:$0xD000] =	vst v63  }
0x13b: {  	_ =	swait.ge [sflag:s26], $0x1000  }
0x13c: {  	[sflag:s26] =	ssyncset.done $0x0  }
0x13d: {  	[sflag:s26] =	ssyncadd.s32 $0xFFFFF000  }
0x13e: {  	[spmem:s2] =	stream.indirect.scatter.add.f32 [tilespmem:s16], [sflag:$0x1], $0x20, s23, s25, $0xb8;
	[tilespmem:$0xD000] =	vst v63  }
0x13f: {  	_ =	swait.ge [sflag:s28], $0x1000  }
0x140: {  	[sflag:s28] =	ssyncset.done $0x0  }
0x141: {  	s13 =	rddreg [dreg:$0x15];
	[sflag:s28] =	ssyncadd.s32 $0xFFFFF000  }
0x142: {  	[tilespmem:s18], [sflag:$0x3] =	stream.indirect.gather [spmem:s3], $0x20, s13, s25, $0xb8;
	[tilespmem:$0xD000] =	vst v63  }
0x143: {  	_ =	swait.ge [sflag:s26], $0x1000  }
0x144: {  	[sflag:s26] =	ssyncset.done $0x0  }
0x145: {  	s15 =	rddreg [dreg:$0x16];
	[sflag:s26] =	ssyncadd.s32 $0xFFFFF000  }
0x146: {  	[spmem:s2] =	stream.indirect.scatter.add.f32 [tilespmem:s18], [sflag:$0x2], $0x20, s15, s25, $0xb8;
	[tilespmem:$0xD000] =	vst v63  }
0x147: {  	_ =	swait.ge [sflag:s24], $0x1000  }
0x148: {  	[sflag:s24] =	ssyncset.done $0x0  }
0x149: {  	s10 =	rddreg [dreg:$0x17];
	[sflag:s24] =	ssyncadd.s32 $0xFFFFF000  }
0x14a: {  	[tilespmem:s16], [sflag:$0x3] =	stream.indirect.gather [spmem:s3], $0x20, s10, s25, $0xb8;
	[tilespmem:$0xD000] =	vst v63  }
0x14b: {  	_ =	swait.ge [sflag:s26], $0x1000  }
0x14c: {  	[sflag:s26] =	ssyncset.done $0x0  }
0x14d: {  	s13 =	rddreg [dreg:$0x18];
	[sflag:s26] =	ssyncadd.s32 $0xFFFFF000  }
0x14e: {  	[spmem:s2] =	stream.indirect.scatter.add.f32 [tilespmem:s16], [sflag:$0x1], $0x20, s13, s25, $0xb8;
	[tilespmem:$0xD000] =	vst v63  }
0x14f: {  	_ =	swait.ge [sflag:s28], $0x1000  }
0x150: {  	[sflag:s28] =	ssyncset.done $0x0  }
0x151: {  	s15 =	rddreg [dreg:$0x19];
	[sflag:s28] =	ssyncadd.s32 $0xFFFFF000  }
0x152: {  	[tilespmem:s18], [sflag:$0x3] =	stream.indirect.gather [spmem:s3], $0x20, s15, s25, $0xb8;
	[tilespmem:$0xD000] =	vst v63  }
0x153: {  	_ =	swait.ge [sflag:s26], $0x1000  }
0x154: {  	[sflag:s26] =	ssyncset.done $0x0  }
0x155: {  	[sflag:s26] =	ssyncadd.s32 $0xFFFFF000  }
0x156: {  	[spmem:s2] =	stream.indirect.scatter.add.f32 [tilespmem:s18], [sflag:$0x2], $0x20, s30, s25, $0xb8;
	[tilespmem:$0xD000] =	vst v63  }
0x157: {  	_ =	swait.ge [sflag:s24], $0x1000  }
0x158: {  	[sflag:s24] =	ssyncset.done $0x0  }
0x159: {  	[sflag:s24] =	ssyncadd.s32 $0xFFFFF000  }
0x15a: {  	[tilespmem:s16], [sflag:$0x3] =	stream.indirect.gather [spmem:s3], $0x20, s31, s25, $0xb8;
	[tilespmem:$0xD000] =	vst v63  }
0x15b: {  	_ =	swait.ge [sflag:s26], $0x1000  }
0x15c: {  	[sflag:s26] =	ssyncset.done $0x0  }
0x15d: {  	[sflag:s26] =	ssyncadd.s32 $0xFFFFF000  }
0x15e: {  	[spmem:s2] =	stream.indirect.scatter.add.f32 [tilespmem:s16], [sflag:$0x1], $0x20, s0, s25, $0xb8;
	[tilespmem:$0xD000] =	vst v63  }
0x15f: {  	_ =	swait.ge [sflag:s28], $0x1000  }
0x160: {  	[sflag:s28] =	ssyncset.done $0x0  }
0x161: {  	[sflag:s28] =	ssyncadd.s32 $0xFFFFF000  }
0x162: {  	[tilespmem:s18], [sflag:$0x3] =	stream.indirect.gather [spmem:s3], $0x20, s1, s25, $0xb8;
	[tilespmem:$0xD000] =	vst v63  }
0x163: {  	_ =	swait.ge [sflag:s26], $0x1000  }
0x164: {  	[sflag:s26] =	ssyncset.done $0x0  }
0x165: {  	[sflag:s26] =	ssyncadd.s32 $0xFFFFF000  }
0x166: {  	[spmem:s2] =	stream.indirect.scatter.add.f32 [tilespmem:s18], [sflag:$0x2], $0x20, s6, s25, $0xb8;
	[tilespmem:$0xD000] =	vst v63  }
0x167: {  	_ =	swait.ge [sflag:s24], $0x1000  }
0x168: {  	[sflag:s24] =	ssyncset.done $0x0  }
0x169: {  	[sflag:s24] =	ssyncadd.s32 $0xFFFFF000  }
0x16a: {  	[tilespmem:s16], [sflag:$0x3] =	stream.indirect.gather [spmem:s3], $0x20, s7, s25, $0xb8;
	[tilespmem:$0xD000] =	vst v63  }
0x16b: {  	_ =	swait.ge [sflag:s26], $0x1000  }
0x16c: {  	[sflag:s26] =	ssyncset.done $0x0  }
0x16d: {  	[sflag:s26] =	ssyncadd.s32 $0xFFFFF000  }
0x16e: {  	[spmem:s2] =	stream.indirect.scatter.add.f32 [tilespmem:s16], [sflag:$0x1], $0x20, s8, s25, $0xb8;
	[tilespmem:$0xD000] =	vst v63  }
0x16f: {  	p0 =	sne.s32 s14, $0xFFFFFF00;
	_ =	swait.ge [sflag:s28], $0x1000  }
.Ltmp1:
0x170: {  	[sflag:s28] =	ssyncset.done $0x0;
	(pc) =	sbr.rel @p0 .LBB2_4-.Ltmp1, $4  }
0x171: {  	[sflag:s28] =	ssyncadd.s32 $0xFFFFF000  }
0x172: {  	[tilespmem:s18], [sflag:$0x3] =	stream.indirect.gather [spmem:s3], $0x20, s9, s25, $0xb8;
	[tilespmem:$0xD000] =	vst v63  }
0x173: {  	_ =	swait.ge [sflag:s26], $0x1000  }
0x174: {  	s14 =	sadd.s32 $0x100, s14;
	[sflag:s26] =	ssyncset.done $0x0  }
0x175: {  	[sflag:s26] =	ssyncadd.s32 $0xFFFFF000  }
0x176: {  	[spmem:s2] =	stream.indirect.scatter.add.f32 [tilespmem:s18], [sflag:$0x2], $0x20, s11, s25, $0xb8;
	[tilespmem:$0xD000] =	vst v63  }
0x177: {  	_ =	swait.ge [sflag:s24], $0x1000  }
0x178: {  	[sflag:s24] =	ssyncset.done $0x0  }
0x179: {  	[sflag:s24] =	ssyncadd.s32 $0xFFFFF000  }
0x17a: {  	_ =	swait.ge [sflag:s28], $0x1000  }
0x17b: {  	[sflag:s28] =	ssyncset.done $0x0  }
0x17c: {  	[sflag:s28] =	ssyncadd.s32 $0xFFFFF000  }
0x17d: {  	_ =	swait.ge [sflag:s21], $0x400  }
0x17e: {  	[sflag:s21] =	ssyncset.done $0x0  }
0x17f: {  	[sflag:s21] =	ssyncadd.s32 $0xFFFFFC00  }
0x180: {  	_ =	swait.ge [sflag:s21], $0x400  }
0x181: {  	[sflag:s21] =	ssyncset.done $0x0  }
0x182: {  	[sflag:s21] =	ssyncadd.s32 $0xFFFFFC00  }
0x183: {  	[bflag:$0x0] =	sbarrier.arrive $0xFFFF  }
0x184: {  	s13 =	sld [smem:$0x7FC]  }
0x185: {  	s14 =	sld [smem:$0x7F8]  }
0x186: {  	s10 =	rddreg [dreg:$0x1a]  }
0x187: {  	s5 =	sshrl.u32 s10, $0x3  }
0x188: {  	[hbm:s13], [sflag:s14] =	dma.local [spmem:s5], $0xA00  }
0x189: {  	_ =	swait.ge [sflag:s17], $0xA00  }
0x18a: {  	s15 =	sld [smem:$0x7FD];
	_ =	sdelay $0x1  }
0x18b: {  	s12 =	sadd.s32 $0x1, s12  }
0x18c: {  	p0 =	sne.s32 s12, s15  }
.Ltmp2:
0x18d: {  	_ = 	snop;
	(pc) =	sbr.rel @p0 .LBB2_1-.Ltmp2, $3  }
0x18e: {  	_ =	sdelay $0x1  }
0x18f: {  	[sflag:s17] =	ssyncset.done $0x0  }
0x190: {  	[sflag:s17] =	ssyncadd.s32 $0xFFFFF600  }
0x191: {  	_ =	sfence.sel $0x180000  }
0x192: {  	[bflag:$0x0] =	sbarrier.arrive $0xFFFF  }
0x193: {  	_ =	strace $0x9000004D  }
0x194: {  	s0 =	stileid.u32;
	[bflag:$0x2] =	sbarrier.arrive $0xFFFF  }
0x195: {  	p0 =	sne.s32 s0, $0x0;
	s0 =	rddreg [dreg:$0x4]  }
0x196: {  	s0 =	sadd.s32 @!p0 $0x100000, s0  }
0x197: {  	[sflag:s0] =	ssyncadd.tile.s32 @!p0 $0x1;
	_ =	shalt  }
.Lfunc_end2:
_tile_overlayer_lowered:
.L_overlay_start_2:
0x198: {  	(tag) =	ssettag $0x2  }
0x199: {  	s0 =	rddreg [dreg:$0x0];
	s2 =	stileid.u32  }
0x19a: {  	s1 =	rddreg [dreg:$0x1];
	p0 =	sne.s32 s2, $0x0  }
0x19b: {  	s3 =	rddreg [dreg:$0x2];
	[bflag:$0x3] =	sbarrier.arrive $0xFFFF;
	s2 =	simm.s32 @!p0 $0x1C06  }
0x19c: {  	[timem:s3], [sflag:s2] =	dma.local @!p0 [hbm:s0], s1  }
0x19d: {  	s0 =	simm.s32 @!p0 $0x6  }
0x19e: {  	_ =	swait.ge @!p0 [sflag:s0], s1  }
0x19f: {  	s1 =	ssub.s32 @!p0 $0x0, s1;
	[sflag:s0] =	ssyncset.done @!p0 $0x0  }
0x1a0: {  	[sflag:s0] =	ssyncadd.s32 @!p0 s1  }
0x1a1: {  	[bflag:$0x3] =	sbarrier.arrive $0xFFFF  }
0x1a2: {  	_ =	shalt  }

// kernel: _run.9.cloned.1.call-start
scs
__scs_entry_jumppad:
0x0: {  	(pc) =	sbr.rel $0x88, $3  }
0x1: {  	(tag) =	ssettag $0x0;
	lr =	simm.s32 $0x1  }
0x2: {  	[smem:$0x3F96] =	sst lr;
	_ =	strace $0xD0000000  }
0x3: {  	_ = 	snop  }
0x4: {  	_ = 	snop  }
0x5: {  	_ = 	snop  }
0x6: {  	_ = 	snop  }
0x7: {  	_ = 	snop  }
__scs_overlays_trampoline_lowered:
0x8: {  	[smem:$0x3FA5] =	sst s0  }
0x9: {  	[smem:$0x3FA6] =	sst s1  }
0xa: {  	[smem:$0x3FA7] =	sst s2  }
0xb: {  	[smem:$0x3FA8] =	sst s3  }
0xc: {  	[smem:$0x3FA9] =	sst s4  }
0xd: {  	[smem:$0x3FAA] =	sst s5  }
0xe: {  	[smem:$0x3FAB] =	sst s6  }
0xf: {  	[smem:$0x3FAC] =	sst s7  }
0x10: {  	[smem:$0x3FAD] =	sst s8  }
0x11: {  	[smem:$0x3FAE] =	sst s9;
	s0 =	simm.s32 @!p0 $0x0  }
0x12: {  	s1 =	sld [smem:$0x3F94];
	s0 =	simm.s32 @p0 $0x1  }
0x13: {  	[smem:$0x3FAF] =	sst s0;
	s0 =	simm.s32 @!p1 $0x0  }
0x14: {  	s2 =	sld [smem:$0x3F93];
	s0 =	simm.s32 @p1 $0x1  }
0x15: {  	[smem:$0x3FB0] =	sst s0;
	s0 =	simm.s32 @!p2 $0x0  }
0x16: {  	s3 =	sld [smem:$0x3FDB];
	s0 =	simm.s32 @p2 $0x1  }
0x17: {  	s4 =	simm.s32 $0x1BF5;
	[smem:$0x3FB2] =	sst s0  }
0x18: {  	s0 =	sld [smem:$0x3F95];
	_ =	swait.ge [sflag:s4], $0x0  }
0x19: {  	s7 =	sld [smem:$0x3F96]  }
0x1a: {  	s8 =	sadd.s32 $0xFFFFE003, lr  }
0x1b: {  	s9 =	sadd.s32 $0xFFFFFEF7, lr;
	s5 =	simm.s32 $0xFFFFFFFF;
	p2 =	slt.u32 s8, $0xFFFFF086  }
0x1c: {  	p1 =	slt.u32 s9, $0xF7A;
	s5 =	simm.s32 @!p2 $0x0  }
0x1d: {  	s5 =	simm.s32 @p1 $0x1;
	p0 =	seq.s32 s7, s2  }
0x1e: {  	s7 =	smul.u32 @!p0 $0xF7A, s2;
	p2 =	seq.s32 @!p0 s5, $0x0  }
0x1f: {  	s9 =	smul.u32 $0xF7A, s1;
	s8 =	simm.s32 @!p0 $0x1BF5;
	p2 =	por !p2, p0  }
0x20: {  	[sflag:s8] =	ssyncset.s32 @!p0 $0xFFFFF086;
	s6 =	sadd.s32 @!p0 s3, s7;
	s7 =	simm.s32 @!p0 $0x108  }
0x21: {  	s3 =	sadd.s32 s3, s9;
	s6 =	sadd.s32 @!p0 $0x88, s6;
	s7 =	simm.s32 @p2 $0x1082  }
0x22: {  	[simem:s7], [sflag:s8] =	dma.local @!p0 [hbm:s6], $0xF7A  }
0x23: {  	s9 =	sor.u32 $0xD0000000, s2;
	s6 =	simm.s32 $0x108;
	_ =	swait.ge @!p0 [sflag:s8], $0x0  }
0x24: {  	s3 =	sadd.s32 $0x88, s3;
	s6 =	simm.s32 @!p1 $0x1082;
	[sflag:s4] =	ssyncset.s32 $0xFFFFF086  }
0x25: {  	[simem:s6], [sflag:s4] =	dma.local [hbm:s3], $0xF7A  }
0x26: {  	[smem:$0x3F96] =	sst s1;
	(tag) =	ssettag s2;
	_ =	strace s9  }
0x27: {  	s1 =	sld [smem:$0x3FA6]  }
0x28: {  	s2 =	sld [smem:$0x3FA7]  }
0x29: {  	s4 =	sld [smem:$0x3FA9]  }
0x2a: {  	p0 =	seq.s32 s5, $0x0;
	s5 =	sld [smem:$0x3FAA]  }
0x2b: {  	s6 =	sld [smem:$0x3FAB]  }
0x2c: {  	s7 =	sld [smem:$0x3FAC]  }
0x2d: {  	s3 =	simm.s32 $0x108;
	s8 =	sld [smem:$0x3FAD]  }
0x2e: {  	s3 =	simm.s32 @!p0 $0x1082;
	s9 =	sld [smem:$0x3FAE]  }
0x2f: {  	lr =	sadd.s32 s0, s3;
	s0 =	sld [smem:$0x3FA5]  }
0x30: {  	s3 =	sld [smem:$0x3FA8]  }
0x31: {  	[smem:$0x3FB1] =	sst s10  }
0x32: {  	s10 =	sld [smem:$0x3FAF];
	_ =	sdelay $0x3  }
0x33: {  	p0 =	seq.s32 s10, $0x1;
	s10 =	sld [smem:$0x3FB1];
	_ =	sdelay $0x3  }
0x34: {  	[smem:$0x3FB1] =	sst s10  }
0x35: {  	s10 =	sld [smem:$0x3FB0];
	_ =	sdelay $0x3  }
0x36: {  	p1 =	seq.s32 s10, $0x1;
	s10 =	sld [smem:$0x3FB1];
	_ =	sdelay $0x3  }
0x37: {  	[smem:$0x3FB1] =	sst s10  }
0x38: {  	s10 =	sld [smem:$0x3FB2]  }
0x39: {  	_ = 	snop;
	(pc) =	sbr.ind lr, $3  }
0x3a: {  	_ = 	snop  }
0x3b: {  	_ = 	snop  }
0x3c: {  	p2 =	seq.s32 s10, $0x1;
	s10 =	sld [smem:$0x3FB1]  }
0x3d: {  	_ =	shalt  }
0x3e: {  	_ =	shalt  }
0x3f: {  	_ =	shalt  }
0x40: {  	_ =	shalt  }
0x41: {  	_ =	shalt  }
0x42: {  	_ =	shalt  }
0x43: {  	_ =	shalt  }
0x44: {  	_ =	shalt  }
0x45: {  	_ =	shalt  }
0x46: {  	_ =	shalt  }
0x47: {  	_ =	shalt  }
0x48: {  	_ =	shalt  }
0x49: {  	_ =	shalt  }
0x4a: {  	_ =	shalt  }
0x4b: {  	_ =	shalt  }
0x4c: {  	_ =	shalt  }
0x4d: {  	_ =	shalt  }
0x4e: {  	_ =	shalt  }
0x4f: {  	_ =	shalt  }
0x50: {  	_ =	shalt  }
0x51: {  	_ =	shalt  }
0x52: {  	_ =	shalt  }
0x53: {  	_ =	shalt  }
0x54: {  	_ =	shalt  }
0x55: {  	_ =	shalt  }
0x56: {  	_ =	shalt  }
0x57: {  	_ =	shalt  }
0x58: {  	_ =	shalt  }
0x59: {  	_ =	shalt  }
0x5a: {  	_ =	shalt  }
0x5b: {  	_ =	shalt  }
0x5c: {  	_ =	shalt  }
0x5d: {  	_ =	shalt  }
0x5e: {  	_ =	shalt  }
0x5f: {  	_ =	shalt  }
0x60: {  	_ =	shalt  }
0x61: {  	_ =	shalt  }
0x62: {  	_ =	shalt  }
0x63: {  	_ =	shalt  }
0x64: {  	_ =	shalt  }
0x65: {  	_ =	shalt  }
0x66: {  	_ =	shalt  }
0x67: {  	_ =	shalt  }
0x68: {  	_ =	shalt  }
0x69: {  	_ =	shalt  }
0x6a: {  	_ =	shalt  }
0x6b: {  	_ =	shalt  }
0x6c: {  	_ =	shalt  }
0x6d: {  	_ =	shalt  }
0x6e: {  	_ =	shalt  }
0x6f: {  	_ =	shalt  }
0x70: {  	_ =	shalt  }
0x71: {  	_ =	shalt  }
0x72: {  	_ =	shalt  }
0x73: {  	_ =	shalt  }
0x74: {  	_ =	shalt  }
0x75: {  	_ =	shalt  }
0x76: {  	_ =	shalt  }
0x77: {  	_ =	shalt  }
0x78: {  	_ =	shalt  }
0x79: {  	_ =	shalt  }
0x7a: {  	_ =	shalt  }
0x7b: {  	_ =	shalt  }
0x7c: {  	_ =	shalt  }
0x7d: {  	_ =	shalt  }
0x7e: {  	_ =	shalt  }
0x7f: {  	_ =	shalt  }
0x80: {  	_ =	shalt  }
0x81: {  	_ =	shalt  }
0x82: {  	_ =	shalt  }
0x83: {  	_ =	shalt  }
0x84: {  	_ =	shalt  }
0x85: {  	_ =	shalt  }
0x86: {  	_ =	shalt  }
0x87: {  	_ =	shalt  }
.Lfunc_end0:
.L_simem_size_0:
called_computation_lowered:
.L_overlay_start_0:
0x88: {  	s2 =	sld [smem:$0x3FD9]  }
0x89: {  	s3 =	sld [smem:$0x3FFE];
	_ =	sdelay $0x1  }
0x8a: {  	s1 =	srdreg.scid  }
0x8b: {  	s0 =	sand.u32 $0x1, s1  }
0x8c: {  	s17 =	sshll.u32 s0, $0xA;
	s2 =	sadd.s32 s3, s2  }
0x8d: {  	s2 =	sadd.s32 s2, s17  }
0x8e: {  	[smem:$0x3FBD] =	sst s2  }
0x8f: {  	_ = 	snop  }
0x90: {  	s2 =	sld [smem:$0x3FD0];
	(tm) =	ssettm $0x1  }
0x91: {  	s18 =	sld [smem:$0x3FFB];
	_ =	sdelay $0x3  }
0x92: {  	_ =	strace s18  }
0x93: {  	s3 =	sld [smem:$0x3FFC];
	_ =	sdelay $0x3  }
0x94: {  	_ =	strace s3  }
0x95: {  	s3 =	sld [smem:$0x3FFD];
	_ =	sdelay $0x3  }
0x96: {  	_ =	strace s3  }
0x97: {  	_ =	strace $0x8FFFFFFF  }
0x98: {  	s19 =	sld [smem:$0x3FDB];
	_ =	sdelay $0x1  }
0x99: {  	s4 =	simm.s32 $_scs_section_size  }
0x9a: {  	s5 =	simm.s32 $_size__tile_overlayer_lowered;
	s6 =	simm.s32 $_tile_overlayer_lowered  }
0x9b: {  	s22 =	simm.s32 $0x1BFF;
	s21 =	sshll.u32 s6, $0x1;
	s3 =	sadd.s32 s4, s19  }
0x9c: {  	s7 =	simm.s32 $0x0;
	s20 =	sshll.u32 s5, $0x1;
	s5 =	sadd.s32 s21, s3  }
0x9d: {  	[timem:s7], [sflag:s22] =	dma.local [hbm:s5], s20  }
0x9e: {  	_ =	swait.ge [sflag:s22], s20  }
0x9f: {  	s4 =	ssub.s32 $0x0, s20;
	[sflag:s22] =	ssyncset.done $0x0  }
0xa0: {  	[sflag:s22] =	ssyncadd.s32 s4;
	_ =	sdelay $0x1  }
0xa1: {  	s23 =	simm.s32 $0x1B8B  }
0xa2: {  	_ =	swait.ge [sflag:s23], $0x1  }
0xa3: {  	[sflag:s23] =	ssyncset.done $0x0  }
0xa4: {  	s25 =	simm.s32 $0x1B8E;
	s24 =	sld [smem:$0x3FFE];
	[sflag:s23] =	ssyncadd.s32 $0xFFFFFFFF  }
0xa5: {  	s26 =	simm.s32 $execute0_lowered;
	[smem:$0x3FD2] =	sst s25  }
0xa6: {  	s5 =	sshll.u32 s26, $0x1;
	_ =	strace $0x80000046;
	[dreg:$0x1] =	wrdreg $0xFFFFFFFF  }
0xa7: {  	s28 =	simm.s32 $_size_execute0_lowered;
	s3 =	sadd.s32 s3, s5;
	[dreg:$0x0] =	wrdreg $0x0  }
0xa8: {  	s5 =	sshll.u32 s28, $0x1;
	[dreg:$0x2] =	wrdreg s3  }
0xa9: {  	[dreg:$0x3] =	wrdreg s5  }
0xaa: {  	[dreg:$0x4] =	wrdreg $0xC0  }
0xab: {  	_ =	task [dreg:s7], $0x5FFFF  }
0xac: {  	[dreg:$0x1] =	wrdreg $0xFFFFFFFF  }
0xad: {  	[dreg:$0x0] =	wrdreg $0x60  }
0xae: {  	[dreg:$0x2] =	wrdreg s24  }
0xaf: {  	[dreg:$0x3] =	wrdreg s2  }
0xb0: {  	[dreg:$0x4] =	wrdreg $0xC8000  }
0xb1: {  	[dreg:$0x5] =	wrdreg $0x0  }
0xb2: {  	[dreg:$0x6] =	wrdreg $0x9  }
0xb3: {  	_ =	task.clear_ibuf [dreg:s7], $0x7FFFF;
	_ =	strace $0x90000046  }
0xb4: {  	s29 =	simm.s32 $0x9;
	_ =	strace $0x80000048  }
0xb5: {  	_ =	swait.ge [sflag:s29], $0x1  }
0xb6: {  	[sflag:s29] =	ssyncadd.s32 $0xFFFFFFFF  }
0xb7: {  	_ =	strace $0x90000048  }
0xb8: {  	_ =	sfence  }
0xb9: {  	s30 =	sld [smem:$0x0];
	_ =	sdelay $0x2  }
0xba: {  	s31 =	sshll.u32 s1, $0xD;
	s1 =	sshrl.u32 s1, $0x2  }
0xbb: {  	s3 =	sand.u32 $0x4000, s31;
	s1 =	sadd.s32 s1, s30  }
0xbc: {  	s0 =	sor.u32 s3, s0;
	s1 =	sshll.u32 s1, $0x11  }
0xbd: {  	s0 =	sor.u32 s1, s0  }
0xbe: {  	s0 =	sadd.s32 $0x8F2B, s0  }
0xbf: {  	[sflag:s0] =	ssyncadd.remote.s32 $0x1  }
0xc0: {  	_ =	sfence.sel $0xFFFF  }
0xc1: {  	[dreg:$0x0] =	wrdreg $0xFFFFFFFF;
	(pc) =	sbr.abs _section_cstart, $3  }
0xc2: {  	[dreg:$0x1] =	wrdreg $0xFFFFFFFF  }
0xc3: {  	_ =	task.clear_ibuf [dreg:s7], $0x2FFFF;
	_ =	strace $0x9FFFFFFF  }
0xc4: {  	(tm) =	ssettm $0x7FFFFFFF  }
0xc5: {  	_ =	shalt  }
tec
execute0_lowered:
.L_overlay_start_1:
0x0: {  	(tag) =	ssettag $0x1  }
0x1: {  	s0 =	rddreg [dreg:$0x0]  }
0x2: {  	s1 =	rddreg [dreg:$0x1]  }
0x3: {  	s2 =	rddreg [dreg:$0x2]  }
0x4: {  	s3 =	rddreg [dreg:$0x3]  }
0x5: {  	s5 =	srdreg.scid;
	s12 =	stileid.u32;
	s4 =	simm.s32 $0x0  }
0x6: {  	s21 =	simm.s32 $0x19080;
	s22 =	simm.s32 $0x19880;
	s23 =	simm.s32 $0x19100  }
0x7: {  	s25 =	simm.s32 $0x19900;
	s6 =	smul.u32 $0x1900, s12;
	[smem:$0x7FF] =	sst s4  }
0x8: {  	s9 =	smul.u32 $0x32000, s12;
	_ =	strace $0x80000047;
	[dreg:$0x7] =	wrdreg s21  }
0x9: {  	s14 =	simm.s32 $0x19A00;
	s16 =	smul.u32 $0xC800, s12;
	[dreg:$0x8] =	wrdreg s22  }
0xa: {  	s15 =	simm.s32 $0x19280;
	s11 =	smul.u32 $0xA80, s12;
	[dreg:$0x9] =	wrdreg s23  }
0xb: {  	s24 =	smul.u32 $0x5400, s12;
	s12 =	simm.s32 $0x19200;
	[dreg:$0xa] =	wrdreg s25  }
0xc: {  	s28 =	simm.s32 $0x2;
	s29 =	simm.s32 $0x5;
	[dreg:$0xd] =	wrdreg s12  }
0xd: {  	s30 =	simm.s32 $0x19D80;
	s31 =	simm.s32 $0x19600;
	[dreg:$0xe] =	wrdreg s14  }
0xe: {  	s5 =	sand.u32 $0x1, s5;
	[dreg:$0xf] =	wrdreg s15;
	s21 =	simm.s32 $0x19B80  }
0xf: {  	s8 =	sadd.s32 $0x1A00, s0;
	s22 =	simm.s32 $0x19480;
	[dreg:$0x14] =	wrdreg s21  }
0x10: {  	s7 =	smul.u32 $0x19000, s5;
	s23 =	simm.s32 $0x19C80;
	[dreg:$0x15] =	wrdreg s22  }
0x11: {  	s5 =	ssub.s32 $0x2, s5;
	s25 =	simm.s32 $0x19D00;
	[dreg:$0x16] =	wrdreg s23  }
0x12: {  	s12 =	simm.s32 $0x0;
	s18 =	sadd.s32 s11, s8;
	[dreg:$0x18] =	wrdreg s25  }
0x13: {  	s10 =	sshrl.u32 s5, $0x1;
	s19 =	sadd.s32 s11, s1;
	[dreg:$0x5] =	wrdreg s18  }
0x14: {  	s9 =	sshrl.u32 s9, $0x2;
	s11 =	simm.s32 $0x19980;
	[dreg:$0x6] =	wrdreg s19  }
0x15: {  	s6 =	sadd.s32 s6, s7;
	s7 =	sadd.s32 s16, s3;
	[dreg:$0xc] =	wrdreg s11  }
0x16: {  	s21 =	simm.s32 $0x4;
	s18 =	simm.s32 $0x19300;
	[dreg:$0x1f] =	wrdreg s7  }
0x17: {  	s5 =	ssub.s32 s5, s10;
	s19 =	simm.s32 $0x19B00;
	[dreg:$0x11] =	wrdreg s18  }
0x18: {  	s17 =	sadd.s32 s9, s2;
	s10 =	sadd.s32 s16, s2;
	[dreg:$0x12] =	wrdreg s19  }
0x19: {  	s22 =	simm.s32 $0x19400;
	s9 =	sadd.s32 $0x2800, s17;
	[dreg:$0x1a] =	wrdreg s10  }
0x1a: {  	s23 =	simm.s32 $0x19C00;
	s13 =	sadd.s32 $0x5000, s17;
	[dreg:$0x1b] =	wrdreg s9  }
0x1b: {  	s25 =	simm.s32 $0x80;
	s20 =	sadd.s32 $0x7800, s17;
	[dreg:$0x1c] =	wrdreg s13  }
0x1c: {  	s0 =	sadd.s32 s6, s0;
	s6 =	sadd.s32 $0xA000, s17;
	[dreg:$0x1d] =	wrdreg s20  }
0x1d: {  	s11 =	simm.s32 $0x19F80;
	s16 =	smax.u32 s5, $0x1;
	[dreg:$0x1e] =	wrdreg s6  }
0x1e: {  	s7 =	sshrl.u32 s24, $0x3;
	s17 =	simm.s32 $0x19A80;
	[smem:$0x7FD] =	sst s16  }
0x1f: {  	s18 =	simm.s32 $0x1C800;
	s24 =	simm.s32 $0x19500;
	[dreg:$0x10] =	wrdreg s17  }
0x20: {  	s19 =	simm.s32 $0x19000;
	s26 =	sadd.s32 $0xC200, s0;
	[dreg:$0x17] =	wrdreg s24  }
0x21: {  	s9 =	simm.s32 $0x19180;
	s1 =	sadd.s32 s1, s7;
	[smem:$0x7F9] =	sst s26  }
0x22: {  	s13 =	sadd.s32 s8, s7;
	s0 =	sadd.s32 $0x3E200, s0;
	[dreg:$0xb] =	wrdreg s9  }
0x23: {  	s16 =	simm.s32 $0x1A000;
	s17 =	simm.s32 $0x6;
	[smem:$0x7FA] =	sst s1  }
0x24: {  	s20 =	simm.s32 $0x19380;
	s24 =	simm.s32 $0x1;
	[smem:$0x7FB] =	sst s13  }
0x25: {  	s6 =	simm.s32 $0x19E80;
	s7 =	simm.s32 $0x19700;
	[smem:$0x7FC] =	sst s0  }
0x26: {  	s8 =	simm.s32 $0x19F00;
	[dreg:$0x13] =	wrdreg s20;
	s20 =	simm.s32 $0x19800  }
0x27: {  	s26 =	simm.s32 $0x19580;
	s0 =	simm.s32 $0x19E00;
	s1 =	simm.s32 $0x19680  }
0x28: {  	v0 =	vimm.f32 $0.0e+00;
	s9 =	simm.s32 $0x19780;
	[dreg:$0x19] =	wrdreg s26;
	s26 =	simm.s32 $0x3  }
.LBB2_1:
0x29: {  	s13 =	simm.s32 $0x240;
	s5 =	simm.s32 $0x40  }
.LBB2_2:
0x2a: {  	p0 =	sne.s32 s13, $0x9FC0;
	[tilespmem:s5+$0x1A000] =	vst v0;
	s14 =	smov.u32 s13;
	s13 =	sadd.s32 $0x140, s13  }
.Ltmp0:
0x2b: {  	[tilespmem:s5+$0x19FF0] =	vst v0;
	(pc) =	sbr.rel @p0 .LBB2_2-.Ltmp0, $4  }
0x2c: {  	[tilespmem:s5+$0x19FE0] =	vst v0  }
0x2d: {  	[tilespmem:s5+$0x19FC0] =	vst v0  }
0x2e: {  	[tilespmem:s5+$0x19FD0] =	vst v0  }
0x2f: {  	s5 =	sshra.s32 s14, $0x2  }
0x30: {  	[tilespmem:s5+$0x1A000] =	vst v0  }
0x31: {  	[tilespmem:s5+$0x19FF0] =	vst v0  }
0x32: {  	[tilespmem:s5+$0x19FE0] =	vst v0  }
0x33: {  	[tilespmem:s5+$0x19FC0] =	vst v0  }
0x34: {  	[tilespmem:s5+$0x19FD0] =	vst v0  }
0x35: {  	[spmem:s10] =	stream.linear.scatter [tilespmem:s16], [sflag:$0x6], $0x2800, $0x38;
	[tilespmem:$0x1F000] =	vst v63  }
0x36: {  	_ =	swait.ge [sflag:s17], $0x2800  }
0x37: {  	[sflag:s17] =	ssyncset.done $0x0  }
0x38: {  	s14 =	rddreg [dreg:$0x1b];
	[sflag:s17] =	ssyncadd.s32 $0xFFFFD800  }
0x39: {  	[spmem:s14] =	stream.linear.scatter [tilespmem:s16], [sflag:$0x6], $0x2800, $0x38;
	[tilespmem:$0x1F000] =	vst v63  }
0x3a: {  	_ =	swait.ge [sflag:s17], $0x2800  }
0x3b: {  	[sflag:s17] =	ssyncset.done $0x0  }
0x3c: {  	s15 =	rddreg [dreg:$0x1c];
	[sflag:s17] =	ssyncadd.s32 $0xFFFFD800  }
0x3d: {  	[spmem:s15] =	stream.linear.scatter [tilespmem:s16], [sflag:$0x6], $0x2800, $0x38;
	[tilespmem:$0x1F000] =	vst v63  }
0x3e: {  	_ =	swait.ge [sflag:s17], $0x2800  }
0x3f: {  	[sflag:s17] =	ssyncset.done $0x0  }
0x40: {  	s10 =	rddreg [dreg:$0x1d];
	[sflag:s17] =	ssyncadd.s32 $0xFFFFD800  }
0x41: {  	[spmem:s10] =	stream.linear.scatter [tilespmem:s16], [sflag:$0x6], $0x2800, $0x38;
	[tilespmem:$0x1F000] =	vst v63  }
0x42: {  	_ =	swait.ge [sflag:s17], $0x2800  }
0x43: {  	[sflag:s17] =	ssyncset.done $0x0  }
0x44: {  	s13 =	rddreg [dreg:$0x1e];
	[sflag:s17] =	ssyncadd.s32 $0xFFFFD800  }
0x45: {  	[spmem:s13] =	stream.linear.scatter [tilespmem:s16], [sflag:$0x6], $0x2800, $0x38;
	[tilespmem:$0x1F000] =	vst v63  }
0x46: {  	s14 =	stileid.u32;
	_ =	swait.ge [sflag:s17], $0x2800  }
0x47: {  	s5 =	sshll.u32 s14, $0x6;
	s13 =	sld [smem:$0x7F9]  }
0x48: {  	s14 =	sor.u32 $0x1C06, s5;
	[sflag:s17] =	ssyncset.done $0x0;
	s10 =	rddreg [dreg:$0x1f]  }
0x49: {  	[smem:$0x7F8] =	sst s14;
	[sflag:s17] =	ssyncadd.s32 $0xFFFFD800;
	s15 =	sshrl.u32 s10, $0x3  }
0x4a: {  	[spmem:s15], [sflag:s14] =	dma.local [hbm:s13], $0x1900  }
0x4b: {  	_ =	swait.ge [sflag:s17], $0x1900  }
0x4c: {  	[sflag:s17] =	ssyncset.done $0x0  }
0x4d: {  	[sflag:s17] =	ssyncadd.s32 $0xFFFFE700  }
0x4e: {  	[bflag:$0x0] =	sbarrier.arrive $0xFFFF  }
0x4f: {  	[tilespmem:s16], [sflag:$0x1] =	stream.linear.gather [spmem:s10], $0x2800, $0x38;
	[tilespmem:$0x1F000] =	vst v63  }
0x50: {  	s13 =	sld [smem:$0x7FA]  }
0x51: {  	[tilespmem:s18], [sflag:$0x2] =	stream.linear.gather [spmem:s10], $0x2800, $0x38;
	[tilespmem:$0x1F000] =	vst v63  }
0x52: {  	s14 =	sld [smem:$0x7FB]  }
0x53: {  	[tilespmem:s19], [sflag:$0x4] =	stream.linear.gather [hbm4b:s13+s4], $0x400, $0x38;
	[tilespmem:$0x1F000] =	vst v63  }
0x54: {  	_ = 	snop  }
0x55: {  	[tilespmem:s20], [sflag:$0x4] =	stream.linear.gather [hbm4b:s14+s4], $0x400, $0x38;
	[tilespmem:$0x1F000] =	vst v63  }
0x56: {  	_ =	swait.ge [sflag:s21], $0x400  }
0x57: {  	[sflag:s21] =	ssyncset.done $0x0  }
0x58: {  	[sflag:s21] =	ssyncadd.s32 $0xFFFFFC00  }
0x59: {  	_ =	swait.ge [sflag:s21], $0x400  }
0x5a: {  	s15 =	rddreg [dreg:$0x6]  }
0x5b: {  	s10 =	rddreg [dreg:$0x5];
	[sflag:s21] =	ssyncset.done $0x0;
	s5 =	sadd.s32 $0xFFFFF600, s15  }
0x5c: {  	[sflag:s21] =	ssyncadd.s32 $0xFFFFFC00;
	s14 =	sadd.s32 $0xFFFFF600, s10;
	s15 =	sadd.s32 $0xA80, s5  }
0x5d: {  	[tilespmem:s22], [sflag:$0x5] =	stream.linear.gather [hbm4b:s15+s4], $0x400, $0x38;
	[tilespmem:$0x1F000] =	vst v63  }
0x5e: {  	s13 =	sadd.s32 $0xA80, s14  }
0x5f: {  	[tilespmem:s23], [sflag:$0x5] =	stream.linear.gather [hbm4b:s13+s4], $0x400, $0x38;
	[tilespmem:$0x1F000] =	vst v63  }
0x60: {  	_ =	swait.ge [sflag:s24], $0x2800  }
0x61: {  	[sflag:s24] =	ssyncset.done $0x0  }
0x62: {  	[sflag:s24] =	ssyncadd.s32 $0xFFFFD800  }
0x63: {  	[tilespmem:s16], [sflag:$0x3] =	stream.indirect.gather [spmem:s3], $0x50, s19, s25, $0xb8;
	[tilespmem:$0x1F000] =	vst v63  }
0x64: {  	_ =	swait.ge [sflag:s26], $0x2800  }
0x65: {  	[sflag:s26] =	ssyncset.done $0x0  }
0x66: {  	[sflag:s26] =	ssyncadd.s32 $0xFFFFD800  }
0x67: {  	[spmem:s2] =	stream.indirect.scatter.add.f32 [tilespmem:s16], [sflag:$0x1], $0x50, s20, s25, $0xb8;
	[tilespmem:$0x1F000] =	vst v63  }
0x68: {  	_ =	swait.ge [sflag:s28], $0x2800  }
0x69: {  	[sflag:s28] =	ssyncset.done $0x0  }
0x6a: {  	s10 =	rddreg [dreg:$0x7];
	[sflag:s28] =	ssyncadd.s32 $0xFFFFD800  }
0x6b: {  	[tilespmem:s18], [sflag:$0x3] =	stream.indirect.gather [spmem:s3], $0x50, s10, s25, $0xb8;
	[tilespmem:$0x1F000] =	vst v63  }
0x6c: {  	_ =	swait.ge [sflag:s26], $0x2800  }
0x6d: {  	[sflag:s26] =	ssyncset.done $0x0  }
0x6e: {  	s13 =	rddreg [dreg:$0x8];
	[sflag:s26] =	ssyncadd.s32 $0xFFFFD800  }
0x6f: {  	[spmem:s2] =	stream.indirect.scatter.add.f32 [tilespmem:s18], [sflag:$0x2], $0x50, s13, s25, $0xb8;
	[tilespmem:$0x1F000] =	vst v63  }
0x70: {  	_ =	swait.ge [sflag:s24], $0x2800  }
0x71: {  	[sflag:s24] =	ssyncset.done $0x0  }
0x72: {  	s10 =	rddreg [dreg:$0x9];
	[sflag:s24] =	ssyncadd.s32 $0xFFFFD800  }
0x73: {  	[tilespmem:s16], [sflag:$0x3] =	stream.indirect.gather [spmem:s3], $0x50, s10, s25, $0xb8;
	[tilespmem:$0x1F000] =	vst v63  }
0x74: {  	_ =	swait.ge [sflag:s26], $0x2800  }
0x75: {  	[sflag:s26] =	ssyncset.done $0x0  }
0x76: {  	s13 =	rddreg [dreg:$0xa];
	[sflag:s26] =	ssyncadd.s32 $0xFFFFD800  }
0x77: {  	[spmem:s2] =	stream.indirect.scatter.add.f32 [tilespmem:s16], [sflag:$0x1], $0x50, s13, s25, $0xb8;
	[tilespmem:$0x1F000] =	vst v63  }
0x78: {  	_ =	swait.ge [sflag:s28], $0x2800  }
0x79: {  	[sflag:s28] =	ssyncset.done $0x0  }
0x7a: {  	s10 =	rddreg [dreg:$0xb];
	[sflag:s28] =	ssyncadd.s32 $0xFFFFD800  }
0x7b: {  	[tilespmem:s18], [sflag:$0x3] =	stream.indirect.gather [spmem:s3], $0x50, s10, s25, $0xb8;
	[tilespmem:$0x1F000] =	vst v63  }
0x7c: {  	_ =	swait.ge [sflag:s26], $0x2800  }
0x7d: {  	[sflag:s26] =	ssyncset.done $0x0  }
0x7e: {  	s13 =	rddreg [dreg:$0xc];
	[sflag:s26] =	ssyncadd.s32 $0xFFFFD800  }
0x7f: {  	[spmem:s2] =	stream.indirect.scatter.add.f32 [tilespmem:s18], [sflag:$0x2], $0x50, s13, s25, $0xb8;
	[tilespmem:$0x1F000] =	vst v63  }
0x80: {  	_ =	swait.ge [sflag:s24], $0x2800  }
0x81: {  	[sflag:s24] =	ssyncset.done $0x0  }
0x82: {  	s10 =	rddreg [dreg:$0xd];
	[sflag:s24] =	ssyncadd.s32 $0xFFFFD800  }
0x83: {  	[tilespmem:s16], [sflag:$0x3] =	stream.indirect.gather [spmem:s3], $0x50, s10, s25, $0xb8;
	[tilespmem:$0x1F000] =	vst v63  }
0x84: {  	_ =	swait.ge [sflag:s26], $0x2800  }
0x85: {  	[sflag:s26] =	ssyncset.done $0x0  }
0x86: {  	s13 =	rddreg [dreg:$0xe];
	[sflag:s26] =	ssyncadd.s32 $0xFFFFD800  }
0x87: {  	[spmem:s2] =	stream.indirect.scatter.add.f32 [tilespmem:s16], [sflag:$0x1], $0x50, s13, s25, $0xb8;
	[tilespmem:$0x1F000] =	vst v63  }
0x88: {  	_ =	swait.ge [sflag:s28], $0x2800  }
0x89: {  	[sflag:s28] =	ssyncset.done $0x0  }
0x8a: {  	s10 =	rddreg [dreg:$0xf];
	[sflag:s28] =	ssyncadd.s32 $0xFFFFD800  }
0x8b: {  	[tilespmem:s18], [sflag:$0x3] =	stream.indirect.gather [spmem:s3], $0x50, s10, s25, $0xb8;
	[tilespmem:$0x1F000] =	vst v63  }
0x8c: {  	_ =	swait.ge [sflag:s26], $0x2800  }
0x8d: {  	[sflag:s26] =	ssyncset.done $0x0  }
0x8e: {  	s13 =	rddreg [dreg:$0x10];
	[sflag:s26] =	ssyncadd.s32 $0xFFFFD800  }
0x8f: {  	[spmem:s2] =	stream.indirect.scatter.add.f32 [tilespmem:s18], [sflag:$0x2], $0x50, s13, s25, $0xb8;
	[tilespmem:$0x1F000] =	vst v63  }
0x90: {  	_ =	swait.ge [sflag:s24], $0x2800  }
0x91: {  	[sflag:s24] =	ssyncset.done $0x0  }
0x92: {  	s10 =	rddreg [dreg:$0x11];
	[sflag:s24] =	ssyncadd.s32 $0xFFFFD800  }
0x93: {  	[tilespmem:s16], [sflag:$0x3] =	stream.indirect.gather [spmem:s3], $0x50, s10, s25, $0xb8;
	[tilespmem:$0x1F000] =	vst v63  }
0x94: {  	_ =	swait.ge [sflag:s26], $0x2800  }
0x95: {  	[sflag:s26] =	ssyncset.done $0x0  }
0x96: {  	s13 =	rddreg [dreg:$0x12];
	[sflag:s26] =	ssyncadd.s32 $0xFFFFD800  }
0x97: {  	[spmem:s2] =	stream.indirect.scatter.add.f32 [tilespmem:s16], [sflag:$0x1], $0x50, s13, s25, $0xb8;
	[tilespmem:$0x1F000] =	vst v63  }
0x98: {  	_ =	swait.ge [sflag:s28], $0x2800  }
0x99: {  	[sflag:s28] =	ssyncset.done $0x0  }
0x9a: {  	s10 =	rddreg [dreg:$0x13];
	[sflag:s28] =	ssyncadd.s32 $0xFFFFD800  }
0x9b: {  	[tilespmem:s18], [sflag:$0x3] =	stream.indirect.gather [spmem:s3], $0x50, s10, s25, $0xb8;
	[tilespmem:$0x1F000] =	vst v63  }
0x9c: {  	_ =	swait.ge [sflag:s26], $0x2800  }
0x9d: {  	[sflag:s26] =	ssyncset.done $0x0  }
0x9e: {  	s13 =	rddreg [dreg:$0x14];
	[sflag:s26] =	ssyncadd.s32 $0xFFFFD800  }
0x9f: {  	[spmem:s2] =	stream.indirect.scatter.add.f32 [tilespmem:s18], [sflag:$0x2], $0x50, s13, s25, $0xb8;
	[tilespmem:$0x1F000] =	vst v63  }
0xa0: {  	_ =	swait.ge [sflag:s29], $0x400  }
0xa1: {  	[sflag:s29] =	ssyncset.done $0x0  }
0xa2: {  	[sflag:s29] =	ssyncadd.s32 $0xFFFFFC00  }
0xa3: {  	_ =	swait.ge [sflag:s29], $0x400  }
0xa4: {  	[sflag:s29] =	ssyncset.done $0x0  }
0xa5: {  	s5 =	sadd.s32 $0xB00, s5;
	[sflag:s29] =	ssyncadd.s32 $0xFFFFFC00  }
0xa6: {  	[tilespmem:s19], [sflag:$0x4] =	stream.linear.gather [hbm4b:s5+s4], $0x400, $0x38;
	[tilespmem:$0x1F000] =	vst v63  }
0xa7: {  	s14 =	sadd.s32 $0xB00, s14  }
0xa8: {  	[tilespmem:s20], [sflag:$0x4] =	stream.linear.gather [hbm4b:s14+s4], $0x400, $0x38;
	[tilespmem:$0x1F000] =	vst v63  }
0xa9: {  	_ =	swait.ge [sflag:s24], $0x2800  }
0xaa: {  	[sflag:s24] =	ssyncset.done $0x0  }
0xab: {  	[sflag:s24] =	ssyncadd.s32 $0xFFFFD800  }
0xac: {  	[tilespmem:s16], [sflag:$0x3] =	stream.indirect.gather [spmem:s3], $0x50, s22, s25, $0xb8;
	[tilespmem:$0x1F000] =	vst v63  }
0xad: {  	_ =	swait.ge [sflag:s26], $0x2800  }
0xae: {  	[sflag:s26] =	ssyncset.done $0x0  }
0xaf: {  	[sflag:s26] =	ssyncadd.s32 $0xFFFFD800  }
0xb0: {  	[spmem:s2] =	stream.indirect.scatter.add.f32 [tilespmem:s16], [sflag:$0x1], $0x50, s23, s25, $0xb8;
	[tilespmem:$0x1F000] =	vst v63  }
0xb1: {  	_ =	swait.ge [sflag:s28], $0x2800  }
0xb2: {  	[sflag:s28] =	ssyncset.done $0x0  }
0xb3: {  	s15 =	rddreg [dreg:$0x15];
	[sflag:s28] =	ssyncadd.s32 $0xFFFFD800  }
0xb4: {  	[tilespmem:s18], [sflag:$0x3] =	stream.indirect.gather [spmem:s3], $0x50, s15, s25, $0xb8;
	[tilespmem:$0x1F000] =	vst v63  }
0xb5: {  	_ =	swait.ge [sflag:s26], $0x2800  }
0xb6: {  	[sflag:s26] =	ssyncset.done $0x0  }
0xb7: {  	s10 =	rddreg [dreg:$0x16];
	[sflag:s26] =	ssyncadd.s32 $0xFFFFD800  }
0xb8: {  	[spmem:s2] =	stream.indirect.scatter.add.f32 [tilespmem:s18], [sflag:$0x2], $0x50, s10, s25, $0xb8;
	[tilespmem:$0x1F000] =	vst v63  }
0xb9: {  	_ =	swait.ge [sflag:s24], $0x2800  }
0xba: {  	[sflag:s24] =	ssyncset.done $0x0  }
0xbb: {  	s13 =	rddreg [dreg:$0x17];
	[sflag:s24] =	ssyncadd.s32 $0xFFFFD800  }
0xbc: {  	[tilespmem:s16], [sflag:$0x3] =	stream.indirect.gather [spmem:s3], $0x50, s13, s25, $0xb8;
	[tilespmem:$0x1F000] =	vst v63  }
0xbd: {  	_ =	swait.ge [sflag:s26], $0x2800  }
0xbe: {  	[sflag:s26] =	ssyncset.done $0x0  }
0xbf: {  	s14 =	rddreg [dreg:$0x18];
	[sflag:s26] =	ssyncadd.s32 $0xFFFFD800  }
0xc0: {  	[spmem:s2] =	stream.indirect.scatter.add.f32 [tilespmem:s16], [sflag:$0x1], $0x50, s14, s25, $0xb8;
	[tilespmem:$0x1F000] =	vst v63  }
0xc1: {  	_ =	swait.ge [sflag:s28], $0x2800  }
0xc2: {  	[sflag:s28] =	ssyncset.done $0x0  }
0xc3: {  	s15 =	rddreg [dreg:$0x19];
	[sflag:s28] =	ssyncadd.s32 $0xFFFFD800  }
0xc4: {  	[tilespmem:s18], [sflag:$0x3] =	stream.indirect.gather [spmem:s3], $0x50, s15, s25, $0xb8;
	[tilespmem:$0x1F000] =	vst v63  }
0xc5: {  	_ =	swait.ge [sflag:s26], $0x2800  }
0xc6: {  	[sflag:s26] =	ssyncset.done $0x0  }
0xc7: {  	[sflag:s26] =	ssyncadd.s32 $0xFFFFD800  }
0xc8: {  	[spmem:s2] =	stream.indirect.scatter.add.f32 [tilespmem:s18], [sflag:$0x2], $0x50, s30, s25, $0xb8;
	[tilespmem:$0x1F000] =	vst v63  }
0xc9: {  	_ =	swait.ge [sflag:s24], $0x2800  }
0xca: {  	[sflag:s24] =	ssyncset.done $0x0  }
0xcb: {  	[sflag:s24] =	ssyncadd.s32 $0xFFFFD800  }
0xcc: {  	[tilespmem:s16], [sflag:$0x3] =	stream.indirect.gather [spmem:s3], $0x50, s31, s25, $0xb8;
	[tilespmem:$0x1F000] =	vst v63  }
0xcd: {  	_ =	swait.ge [sflag:s26], $0x2800  }
0xce: {  	[sflag:s26] =	ssyncset.done $0x0  }
0xcf: {  	[sflag:s26] =	ssyncadd.s32 $0xFFFFD800  }
0xd0: {  	[spmem:s2] =	stream.indirect.scatter.add.f32 [tilespmem:s16], [sflag:$0x1], $0x50, s0, s25, $0xb8;
	[tilespmem:$0x1F000] =	vst v63  }
0xd1: {  	_ =	swait.ge [sflag:s28], $0x2800  }
0xd2: {  	[sflag:s28] =	ssyncset.done $0x0  }
0xd3: {  	[sflag:s28] =	ssyncadd.s32 $0xFFFFD800  }
0xd4: {  	[tilespmem:s18], [sflag:$0x3] =	stream.indirect.gather [spmem:s3], $0x50, s1, s25, $0xb8;
	[tilespmem:$0x1F000] =	vst v63  }
0xd5: {  	_ =	swait.ge [sflag:s26], $0x2800  }
0xd6: {  	[sflag:s26] =	ssyncset.done $0x0  }
0xd7: {  	[sflag:s26] =	ssyncadd.s32 $0xFFFFD800  }
0xd8: {  	[spmem:s2] =	stream.indirect.scatter.add.f32 [tilespmem:s18], [sflag:$0x2], $0x50, s6, s25, $0xb8;
	[tilespmem:$0x1F000] =	vst v63  }
0xd9: {  	_ =	swait.ge [sflag:s24], $0x2800  }
0xda: {  	[sflag:s24] =	ssyncset.done $0x0  }
0xdb: {  	[sflag:s24] =	ssyncadd.s32 $0xFFFFD800  }
0xdc: {  	[tilespmem:s16], [sflag:$0x3] =	stream.indirect.gather [spmem:s3], $0x50, s7, s25, $0xb8;
	[tilespmem:$0x1F000] =	vst v63  }
0xdd: {  	_ =	swait.ge [sflag:s26], $0x2800  }
0xde: {  	[sflag:s26] =	ssyncset.done $0x0  }
0xdf: {  	[sflag:s26] =	ssyncadd.s32 $0xFFFFD800  }
0xe0: {  	[spmem:s2] =	stream.indirect.scatter.add.f32 [tilespmem:s16], [sflag:$0x1], $0x50, s8, s25, $0xb8;
	[tilespmem:$0x1F000] =	vst v63  }
0xe1: {  	_ =	swait.ge [sflag:s28], $0x2800  }
0xe2: {  	[sflag:s28] =	ssyncset.done $0x0  }
0xe3: {  	[sflag:s28] =	ssyncadd.s32 $0xFFFFD800  }
0xe4: {  	[tilespmem:s18], [sflag:$0x3] =	stream.indirect.gather [spmem:s3], $0x50, s9, s25, $0xb8;
	[tilespmem:$0x1F000] =	vst v63  }
0xe5: {  	_ =	swait.ge [sflag:s26], $0x2800  }
0xe6: {  	s14 =	simm.s32 $0xFFFFF700;
	[sflag:s26] =	ssyncset.done $0x0  }
.LBB2_4:
0xe7: {  	[sflag:s26] =	ssyncadd.s32 $0xFFFFD800  }
0xe8: {  	[spmem:s2] =	stream.indirect.scatter.add.f32 [tilespmem:s18], [sflag:$0x2], $0x50, s11, s25, $0xb8;
	[tilespmem:$0x1F000] =	vst v63  }
0xe9: {  	_ =	swait.ge [sflag:s21], $0x400  }
0xea: {  	[sflag:s21] =	ssyncset.done $0x0  }
0xeb: {  	[sflag:s21] =	ssyncadd.s32 $0xFFFFFC00  }
0xec: {  	_ =	swait.ge [sflag:s21], $0x400  }
0xed: {  	s5 =	smov.u32 s14;
	s15 =	rddreg [dreg:$0x6]  }
0xee: {  	s10 =	rddreg [dreg:$0x5];
	[sflag:s21] =	ssyncset.done $0x0;
	s15 =	sadd.s32 s5, s15  }
0xef: {  	[sflag:s21] =	ssyncadd.s32 $0xFFFFFC00;
	s5 =	sadd.s32 s5, s10;
	s13 =	sadd.s32 $0xA80, s15  }
0xf0: {  	[tilespmem:s22], [sflag:$0x5] =	stream.linear.gather [hbm4b:s13+s4], $0x400, $0x38;
	[tilespmem:$0x1F000] =	vst v63  }
0xf1: {  	s10 =	sadd.s32 $0xA80, s5  }
0xf2: {  	[tilespmem:s23], [sflag:$0x5] =	stream.linear.gather [hbm4b:s10+s4], $0x400, $0x38;
	[tilespmem:$0x1F000] =	vst v63  }
0xf3: {  	_ =	swait.ge [sflag:s24], $0x2800  }
0xf4: {  	[sflag:s24] =	ssyncset.done $0x0  }
0xf5: {  	[sflag:s24] =	ssyncadd.s32 $0xFFFFD800  }
0xf6: {  	[tilespmem:s16], [sflag:$0x3] =	stream.indirect.gather [spmem:s3], $0x50, s19, s25, $0xb8;
	[tilespmem:$0x1F000] =	vst v63  }
0xf7: {  	_ =	swait.ge [sflag:s26], $0x2800  }
0xf8: {  	[sflag:s26] =	ssyncset.done $0x0  }
0xf9: {  	[sflag:s26] =	ssyncadd.s32 $0xFFFFD800  }
0xfa: {  	[spmem:s2] =	stream.indirect.scatter.add.f32 [tilespmem:s16], [sflag:$0x1], $0x50, s20, s25, $0xb8;
	[tilespmem:$0x1F000] =	vst v63  }
0xfb: {  	_ =	swait.ge [sflag:s28], $0x2800  }
0xfc: {  	[sflag:s28] =	ssyncset.done $0x0  }
0xfd: {  	s13 =	rddreg [dreg:$0x7];
	[sflag:s28] =	ssyncadd.s32 $0xFFFFD800  }
0xfe: {  	[tilespmem:s18], [sflag:$0x3] =	stream.indirect.gather [spmem:s3], $0x50, s13, s25, $0xb8;
	[tilespmem:$0x1F000] =	vst v63  }
0xff: {  	_ =	swait.ge [sflag:s26], $0x2800  }
0x100: {  	[sflag:s26] =	ssyncset.done $0x0  }
0x101: {  	s13 =	rddreg [dreg:$0x8];
	[sflag:s26] =	ssyncadd.s32 $0xFFFFD800  }
0x102: {  	[spmem:s2] =	stream.indirect.scatter.add.f32 [tilespmem:s18], [sflag:$0x2], $0x50, s13, s25, $0xb8;
	[tilespmem:$0x1F000] =	vst v63  }
0x103: {  	_ =	swait.ge [sflag:s24], $0x2800  }
0x104: {  	[sflag:s24] =	ssyncset.done $0x0  }
0x105: {  	s13 =	rddreg [dreg:$0x9];
	[sflag:s24] =	ssyncadd.s32 $0xFFFFD800  }
0x106: {  	[tilespmem:s16], [sflag:$0x3] =	stream.indirect.gather [spmem:s3], $0x50, s13, s25, $0xb8;
	[tilespmem:$0x1F000] =	vst v63  }
0x107: {  	_ =	swait.ge [sflag:s26], $0x2800  }
0x108: {  	[sflag:s26] =	ssyncset.done $0x0  }
0x109: {  	s13 =	rddreg [dreg:$0xa];
	[sflag:s26] =	ssyncadd.s32 $0xFFFFD800  }
0x10a: {  	[spmem:s2] =	stream.indirect.scatter.add.f32 [tilespmem:s16], [sflag:$0x1], $0x50, s13, s25, $0xb8;
	[tilespmem:$0x1F000] =	vst v63  }
0x10b: {  	_ =	swait.ge [sflag:s28], $0x2800  }
0x10c: {  	[sflag:s28] =	ssyncset.done $0x0  }
0x10d: {  	s13 =	rddreg [dreg:$0xb];
	[sflag:s28] =	ssyncadd.s32 $0xFFFFD800  }
0x10e: {  	[tilespmem:s18], [sflag:$0x3] =	stream.indirect.gather [spmem:s3], $0x50, s13, s25, $0xb8;
	[tilespmem:$0x1F000] =	vst v63  }
0x10f: {  	_ =	swait.ge [sflag:s26], $0x2800  }
0x110: {  	[sflag:s26] =	ssyncset.done $0x0  }
0x111: {  	s13 =	rddreg [dreg:$0xc];
	[sflag:s26] =	ssyncadd.s32 $0xFFFFD800  }
0x112: {  	[spmem:s2] =	stream.indirect.scatter.add.f32 [tilespmem:s18], [sflag:$0x2], $0x50, s13, s25, $0xb8;
	[tilespmem:$0x1F000] =	vst v63  }
0x113: {  	_ =	swait.ge [sflag:s24], $0x2800  }
0x114: {  	[sflag:s24] =	ssyncset.done $0x0  }
0x115: {  	s13 =	rddreg [dreg:$0xd];
	[sflag:s24] =	ssyncadd.s32 $0xFFFFD800  }
0x116: {  	[tilespmem:s16], [sflag:$0x3] =	stream.indirect.gather [spmem:s3], $0x50, s13, s25, $0xb8;
	[tilespmem:$0x1F000] =	vst v63  }
0x117: {  	_ =	swait.ge [sflag:s26], $0x2800  }
0x118: {  	[sflag:s26] =	ssyncset.done $0x0  }
0x119: {  	s13 =	rddreg [dreg:$0xe];
	[sflag:s26] =	ssyncadd.s32 $0xFFFFD800  }
0x11a: {  	[spmem:s2] =	stream.indirect.scatter.add.f32 [tilespmem:s16], [sflag:$0x1], $0x50, s13, s25, $0xb8;
	[tilespmem:$0x1F000] =	vst v63  }
0x11b: {  	_ =	swait.ge [sflag:s28], $0x2800  }
0x11c: {  	[sflag:s28] =	ssyncset.done $0x0  }
0x11d: {  	s13 =	rddreg [dreg:$0xf];
	[sflag:s28] =	ssyncadd.s32 $0xFFFFD800  }
0x11e: {  	[tilespmem:s18], [sflag:$0x3] =	stream.indirect.gather [spmem:s3], $0x50, s13, s25, $0xb8;
	[tilespmem:$0x1F000] =	vst v63  }
0x11f: {  	_ =	swait.ge [sflag:s26], $0x2800  }
0x120: {  	[sflag:s26] =	ssyncset.done $0x0  }
0x121: {  	s13 =	rddreg [dreg:$0x10];
	[sflag:s26] =	ssyncadd.s32 $0xFFFFD800  }
0x122: {  	[spmem:s2] =	stream.indirect.scatter.add.f32 [tilespmem:s18], [sflag:$0x2], $0x50, s13, s25, $0xb8;
	[tilespmem:$0x1F000] =	vst v63  }
0x123: {  	_ =	swait.ge [sflag:s24], $0x2800  }
0x124: {  	[sflag:s24] =	ssyncset.done $0x0  }
0x125: {  	s13 =	rddreg [dreg:$0x11];
	[sflag:s24] =	ssyncadd.s32 $0xFFFFD800  }
0x126: {  	[tilespmem:s16], [sflag:$0x3] =	stream.indirect.gather [spmem:s3], $0x50, s13, s25, $0xb8;
	[tilespmem:$0x1F000] =	vst v63  }
0x127: {  	_ =	swait.ge [sflag:s26], $0x2800  }
0x128: {  	[sflag:s26] =	ssyncset.done $0x0  }
0x129: {  	s13 =	rddreg [dreg:$0x12];
	[sflag:s26] =	ssyncadd.s32 $0xFFFFD800  }
0x12a: {  	[spmem:s2] =	stream.indirect.scatter.add.f32 [tilespmem:s16], [sflag:$0x1], $0x50, s13, s25, $0xb8;
	[tilespmem:$0x1F000] =	vst v63  }
0x12b: {  	_ =	swait.ge [sflag:s28], $0x2800  }
0x12c: {  	[sflag:s28] =	ssyncset.done $0x0  }
0x12d: {  	s13 =	rddreg [dreg:$0x13];
	[sflag:s28] =	ssyncadd.s32 $0xFFFFD800  }
0x12e: {  	[tilespmem:s18], [sflag:$0x3] =	stream.indirect.gather [spmem:s3], $0x50, s13, s25, $0xb8;
	[tilespmem:$0x1F000] =	vst v63  }
0x12f: {  	_ =	swait.ge [sflag:s26], $0x2800  }
0x130: {  	[sflag:s26] =	ssyncset.done $0x0  }
0x131: {  	s13 =	rddreg [dreg:$0x14];
	[sflag:s26] =	ssyncadd.s32 $0xFFFFD800  }
0x132: {  	[spmem:s2] =	stream.indirect.scatter.add.f32 [tilespmem:s18], [sflag:$0x2], $0x50, s13, s25, $0xb8;
	[tilespmem:$0x1F000] =	vst v63  }
0x133: {  	_ =	swait.ge [sflag:s29], $0x400  }
0x134: {  	[sflag:s29] =	ssyncset.done $0x0  }
0x135: {  	[sflag:s29] =	ssyncadd.s32 $0xFFFFFC00  }
0x136: {  	_ =	swait.ge [sflag:s29], $0x400  }
0x137: {  	[sflag:s29] =	ssyncset.done $0x0  }
0x138: {  	s15 =	sadd.s32 $0xB00, s15;
	[sflag:s29] =	ssyncadd.s32 $0xFFFFFC00  }
0x139: {  	[tilespmem:s19], [sflag:$0x4] =	stream.linear.gather [hbm4b:s15+s4], $0x400, $0x38;
	[tilespmem:$0x1F000] =	vst v63  }
0x13a: {  	s5 =	sadd.s32 $0xB00, s5  }
0x13b: {  	[tilespmem:s20], [sflag:$0x4] =	stream.linear.gather [hbm4b:s5+s4], $0x400, $0x38;
	[tilespmem:$0x1F000] =	vst v63  }
0x13c: {  	_ =	swait.ge [sflag:s24], $0x2800  }
0x13d: {  	[sflag:s24] =	ssyncset.done $0x0  }
0x13e: {  	[sflag:s24] =	ssyncadd.s32 $0xFFFFD800  }
0x13f: {  	[tilespmem:s16], [sflag:$0x3] =	stream.indirect.gather [spmem:s3], $0x50, s22, s25, $0xb8;
	[tilespmem:$0x1F000] =	vst v63  }
0x140: {  	_ =	swait.ge [sflag:s26], $0x2800  }
0x141: {  	[sflag:s26] =	ssyncset.done $0x0  }
0x142: {  	[sflag:s26] =	ssyncadd.s32 $0xFFFFD800  }
0x143: {  	[spmem:s2] =	stream.indirect.scatter.add.f32 [tilespmem:s16], [sflag:$0x1], $0x50, s23, s25, $0xb8;
	[tilespmem:$0x1F000] =	vst v63  }
0x144: {  	_ =	swait.ge [sflag:s28], $0x2800  }
0x145: {  	[sflag:s28] =	ssyncset.done $0x0  }
0x146: {  	s13 =	rddreg [dreg:$0x15];
	[sflag:s28] =	ssyncadd.s32 $0xFFFFD800  }
0x147: {  	[tilespmem:s18], [sflag:$0x3] =	stream.indirect.gather [spmem:s3], $0x50, s13, s25, $0xb8;
	[tilespmem:$0x1F000] =	vst v63  }
0x148: {  	_ =	swait.ge [sflag:s26], $0x2800  }
0x149: {  	[sflag:s26] =	ssyncset.done $0x0  }
0x14a: {  	s15 =	rddreg [dreg:$0x16];
	[sflag:s26] =	ssyncadd.s32 $0xFFFFD800  }
0x14b: {  	[spmem:s2] =	stream.indirect.scatter.add.f32 [tilespmem:s18], [sflag:$0x2], $0x50, s15, s25, $0xb8;
	[tilespmem:$0x1F000] =	vst v63  }
0x14c: {  	_ =	swait.ge [sflag:s24], $0x2800  }
0x14d: {  	[sflag:s24] =	ssyncset.done $0x0  }
0x14e: {  	s10 =	rddreg [dreg:$0x17];
	[sflag:s24] =	ssyncadd.s32 $0xFFFFD800  }
0x14f: {  	[tilespmem:s16], [sflag:$0x3] =	stream.indirect.gather [spmem:s3], $0x50, s10, s25, $0xb8;
	[tilespmem:$0x1F000] =	vst v63  }
0x150: {  	_ =	swait.ge [sflag:s26], $0x2800  }
0x151: {  	[sflag:s26] =	ssyncset.done $0x0  }
0x152: {  	s13 =	rddreg [dreg:$0x18];
	[sflag:s26] =	ssyncadd.s32 $0xFFFFD800  }
0x153: {  	[spmem:s2] =	stream.indirect.scatter.add.f32 [tilespmem:s16], [sflag:$0x1], $0x50, s13, s25, $0xb8;
	[tilespmem:$0x1F000] =	vst v63  }
0x154: {  	_ =	swait.ge [sflag:s28], $0x2800  }
0x155: {  	[sflag:s28] =	ssyncset.done $0x0  }
0x156: {  	s15 =	rddreg [dreg:$0x19];
	[sflag:s28] =	ssyncadd.s32 $0xFFFFD800  }
0x157: {  	[tilespmem:s18], [sflag:$0x3] =	stream.indirect.gather [spmem:s3], $0x50, s15, s25, $0xb8;
	[tilespmem:$0x1F000] =	vst v63  }
0x158: {  	_ =	swait.ge [sflag:s26], $0x2800  }
0x159: {  	[sflag:s26] =	ssyncset.done $0x0  }
0x15a: {  	[sflag:s26] =	ssyncadd.s32 $0xFFFFD800  }
0x15b: {  	[spmem:s2] =	stream.indirect.scatter.add.f32 [tilespmem:s18], [sflag:$0x2], $0x50, s30, s25, $0xb8;
	[tilespmem:$0x1F000] =	vst v63  }
0x15c: {  	_ =	swait.ge [sflag:s24], $0x2800  }
0x15d: {  	[sflag:s24] =	ssyncset.done $0x0  }
0x15e: {  	[sflag:s24] =	ssyncadd.s32 $0xFFFFD800  }
0x15f: {  	[tilespmem:s16], [sflag:$0x3] =	stream.indirect.gather [spmem:s3], $0x50, s31, s25, $0xb8;
	[tilespmem:$0x1F000] =	vst v63  }
0x160: {  	_ =	swait.ge [sflag:s26], $0x2800  }
0x161: {  	[sflag:s26] =	ssyncset.done $0x0  }
0x162: {  	[sflag:s26] =	ssyncadd.s32 $0xFFFFD800  }
0x163: {  	[spmem:s2] =	stream.indirect.scatter.add.f32 [tilespmem:s16], [sflag:$0x1], $0x50, s0, s25, $0xb8;
	[tilespmem:$0x1F000] =	vst v63  }
0x164: {  	_ =	swait.ge [sflag:s28], $0x2800  }
0x165: {  	[sflag:s28] =	ssyncset.done $0x0  }
0x166: {  	[sflag:s28] =	ssyncadd.s32 $0xFFFFD800  }
0x167: {  	[tilespmem:s18], [sflag:$0x3] =	stream.indirect.gather [spmem:s3], $0x50, s1, s25, $0xb8;
	[tilespmem:$0x1F000] =	vst v63  }
0x168: {  	_ =	swait.ge [sflag:s26], $0x2800  }
0x169: {  	[sflag:s26] =	ssyncset.done $0x0  }
0x16a: {  	[sflag:s26] =	ssyncadd.s32 $0xFFFFD800  }
0x16b: {  	[spmem:s2] =	stream.indirect.scatter.add.f32 [tilespmem:s18], [sflag:$0x2], $0x50, s6, s25, $0xb8;
	[tilespmem:$0x1F000] =	vst v63  }
0x16c: {  	_ =	swait.ge [sflag:s24], $0x2800  }
0x16d: {  	[sflag:s24] =	ssyncset.done $0x0  }
0x16e: {  	[sflag:s24] =	ssyncadd.s32 $0xFFFFD800  }
0x16f: {  	[tilespmem:s16], [sflag:$0x3] =	stream.indirect.gather [spmem:s3], $0x50, s7, s25, $0xb8;
	[tilespmem:$0x1F000] =	vst v63  }
0x170: {  	_ =	swait.ge [sflag:s26], $0x2800  }
0x171: {  	[sflag:s26] =	ssyncset.done $0x0  }
0x172: {  	[sflag:s26] =	ssyncadd.s32 $0xFFFFD800  }
0x173: {  	[spmem:s2] =	stream.indirect.scatter.add.f32 [tilespmem:s16], [sflag:$0x1], $0x50, s8, s25, $0xb8;
	[tilespmem:$0x1F000] =	vst v63  }
0x174: {  	p0 =	sne.s32 s14, $0xFFFFFF00;
	_ =	swait.ge [sflag:s28], $0x2800  }
.Ltmp1:
0x175: {  	[sflag:s28] =	ssyncset.done $0x0;
	(pc) =	sbr.rel @p0 .LBB2_4-.Ltmp1, $4  }
0x176: {  	[sflag:s28] =	ssyncadd.s32 $0xFFFFD800  }
0x177: {  	[tilespmem:s18], [sflag:$0x3] =	stream.indirect.gather [spmem:s3], $0x50, s9, s25, $0xb8;
	[tilespmem:$0x1F000] =	vst v63  }
0x178: {  	_ =	swait.ge [sflag:s26], $0x2800  }
0x179: {  	s14 =	sadd.s32 $0x100, s14;
	[sflag:s26] =	ssyncset.done $0x0  }
0x17a: {  	[sflag:s26] =	ssyncadd.s32 $0xFFFFD800  }
0x17b: {  	[spmem:s2] =	stream.indirect.scatter.add.f32 [tilespmem:s18], [sflag:$0x2], $0x50, s11, s25, $0xb8;
	[tilespmem:$0x1F000] =	vst v63  }
0x17c: {  	_ =	swait.ge [sflag:s24], $0x2800  }
0x17d: {  	[sflag:s24] =	ssyncset.done $0x0  }
0x17e: {  	[sflag:s24] =	ssyncadd.s32 $0xFFFFD800  }
0x17f: {  	_ =	swait.ge [sflag:s28], $0x2800  }
0x180: {  	[sflag:s28] =	ssyncset.done $0x0  }
0x181: {  	[sflag:s28] =	ssyncadd.s32 $0xFFFFD800  }
0x182: {  	_ =	swait.ge [sflag:s21], $0x400  }
0x183: {  	[sflag:s21] =	ssyncset.done $0x0  }
0x184: {  	[sflag:s21] =	ssyncadd.s32 $0xFFFFFC00  }
0x185: {  	_ =	swait.ge [sflag:s21], $0x400  }
0x186: {  	[sflag:s21] =	ssyncset.done $0x0  }
0x187: {  	[sflag:s21] =	ssyncadd.s32 $0xFFFFFC00  }
0x188: {  	[bflag:$0x0] =	sbarrier.arrive $0xFFFF  }
0x189: {  	s13 =	sld [smem:$0x7FC]  }
0x18a: {  	s14 =	sld [smem:$0x7F8]  }
0x18b: {  	s10 =	rddreg [dreg:$0x1a]  }
0x18c: {  	s5 =	sshrl.u32 s10, $0x3  }
0x18d: {  	[hbm:s13], [sflag:s14] =	dma.local [spmem:s5], $0x1900  }
0x18e: {  	_ =	swait.ge [sflag:s17], $0x1900  }
0x18f: {  	s15 =	sld [smem:$0x7FD];
	_ =	sdelay $0x1  }
0x190: {  	s12 =	sadd.s32 $0x1, s12  }
0x191: {  	p0 =	sne.s32 s12, s15  }
.Ltmp2:
0x192: {  	_ = 	snop;
	(pc) =	sbr.rel @p0 .LBB2_1-.Ltmp2, $3  }
0x193: {  	_ =	sdelay $0x1  }
0x194: {  	[sflag:s17] =	ssyncset.done $0x0  }
0x195: {  	[sflag:s17] =	ssyncadd.s32 $0xFFFFE700  }
0x196: {  	_ =	sfence.sel $0x180000  }
0x197: {  	[bflag:$0x0] =	sbarrier.arrive $0xFFFF  }
0x198: {  	_ =	strace $0x90000047  }
0x199: {  	s0 =	stileid.u32;
	[bflag:$0x2] =	sbarrier.arrive $0xFFFF  }
0x19a: {  	p0 =	sne.s32 s0, $0x0;
	s0 =	rddreg [dreg:$0x4]  }
0x19b: {  	s0 =	sadd.s32 @!p0 $0x100000, s0  }
0x19c: {  	[sflag:s0] =	ssyncadd.tile.s32 @!p0 $0x1;
	_ =	shalt  }
.Lfunc_end2:
_tile_overlayer_lowered:
.L_overlay_start_2:
0x19d: {  	(tag) =	ssettag $0x2  }
0x19e: {  	s0 =	rddreg [dreg:$0x0];
	s2 =	stileid.u32  }
0x19f: {  	s1 =	rddreg [dreg:$0x1];
	p0 =	sne.s32 s2, $0x0  }
0x1a0: {  	s3 =	rddreg [dreg:$0x2];
	[bflag:$0x3] =	sbarrier.arrive $0xFFFF;
	s2 =	simm.s32 @!p0 $0x1C06  }
0x1a1: {  	[timem:s3], [sflag:s2] =	dma.local @!p0 [hbm:s0], s1  }
0x1a2: {  	s0 =	simm.s32 @!p0 $0x6  }
0x1a3: {  	_ =	swait.ge @!p0 [sflag:s0], s1  }
0x1a4: {  	s1 =	ssub.s32 @!p0 $0x0, s1;
	[sflag:s0] =	ssyncset.done @!p0 $0x0  }
0x1a5: {  	[sflag:s0] =	ssyncadd.s32 @!p0 s1  }
0x1a6: {  	[bflag:$0x3] =	sbarrier.arrive $0xFFFF  }
0x1a7: {  	_ =	shalt  }

</sc_bundles>
